<compile_context>
chip_gen: v7x
topology: tpu7x:2x2x1
jax: 0.10.2.dev20260603
libtpu: 0.0.44.dev20260713+nightly
codegen_flags: <defaults>
</compile_context>

<pallas_src>
import functools

import jax
import jax.numpy as jnp
from jax import lax
from jax.experimental import pallas as pl
from jax.experimental.pallas import tpu as pltpu
from jax.experimental.pallas import tpu_sc as plsc

N = 10000
NS = 10016
E = 320000
D = 128
NW = 32
EW = 10240
EP = EW * NW
CH = 64
NCH = EW // CH
NPAIR = NCH // 2
NP = 10240
RPT = NP // 16
GRID = 10
BR = N // GRID



def _mm_first(x_ref, w_ref, a2_ref, h_ref, s8_ref):
    h = jnp.dot(x_ref[...], w_ref[...], preferred_element_type=jnp.float32)
    h_ref[...] = h
    s8_ref[...] = jnp.dot(h, a2_ref[...], preferred_element_type=jnp.float32)


def _mm_combine(hp_ref, rs_ref, w_ref, a2_ref, h_ref, s8_ref):
    hin = (hp_ref[0] + hp_ref[1]) / (rs_ref[0] + rs_ref[1])
    h = jnp.dot(hin, w_ref[...], preferred_element_type=jnp.float32)
    h_ref[...] = h
    s8_ref[...] = jnp.dot(h, a2_ref[...], preferred_element_type=jnp.float32)


def _final(hp_ref, rs_ref, o_ref):
    o_ref[...] = jnp.maximum((hp_ref[0] + hp_ref[1]) / (rs_ref[0] + rs_ref[1]), 0.0)


_W_SPEC = pl.BlockSpec((D, D), lambda i: (0, 0))
_A2_SPEC = pl.BlockSpec((D, 8), lambda i: (0, 0))
_H_SPEC = pl.BlockSpec((BR, D), lambda i: (i, 0))
_S8_SPEC = pl.BlockSpec((BR, 8), lambda i: (i, 0))
_HP_SPEC = pl.BlockSpec((2, BR, D), lambda i: (0, i, 0))
_RS_SPEC = pl.BlockSpec((2, BR, 1), lambda i: (0, i, 0))

_mm_first_call = pl.pallas_call(
    _mm_first,
    grid=(GRID,),
    in_specs=[_H_SPEC, _W_SPEC, _A2_SPEC],
    out_specs=[_H_SPEC, _S8_SPEC],
    out_shape=[jax.ShapeDtypeStruct((N, D), jnp.float32),
               jax.ShapeDtypeStruct((N, 8), jnp.float32)],
)

_mm_combine_call = pl.pallas_call(
    _mm_combine,
    grid=(GRID,),
    in_specs=[_HP_SPEC, _RS_SPEC, _W_SPEC, _A2_SPEC],
    out_specs=[_H_SPEC, _S8_SPEC],
    out_shape=[jax.ShapeDtypeStruct((N, D), jnp.float32),
               jax.ShapeDtypeStruct((N, 8), jnp.float32)],
)

_final_call = pl.pallas_call(
    _final,
    grid=(GRID,),
    in_specs=[_HP_SPEC, _RS_SPEC],
    out_specs=_H_SPEC,
    out_shape=jax.ShapeDtypeStruct((N, D), jnp.float32),
)



def _sc_gat(h_hbm, s12_hbm, pidx_hbm, z2_hbm, z1_hbm,
            hp_out, rs_out,
            s12_v, pidx_a, sidx0, didx0, sidx1, didx1, w0_v, w1_v,
            rows0_v, rows1_v, hp_sh, rs_sh, gs0, gs1, ss0, ss1):
    cid = lax.axis_index("c")
    sid = lax.axis_index("s")
    wid = cid * 16 + sid

    pltpu.sync_copy(s12_hbm, s12_v)
    pltpu.sync_copy(pidx_hbm.at[wid], pidx_a)
    pltpu.sync_copy(z2_hbm, hp_sh.at[pl.ds(sid * RPT, RPT)])
    pltpu.sync_copy(z1_hbm, rs_sh.at[pl.ds(sid * RPT, RPT)])
    plsc.subcore_barrier()

    def unpack(row, half, sbuf, dbuf):
        for i in range(CH // 16):
            v = pidx_a[row, pl.ds(half * CH + i * 16, 16)]
            sbuf[pl.ds(i * 16, 16)] = v >> 16
            dbuf[pl.ds(i * 16, 16)] = v & jnp.int32(0xFFFF)

    def gather_start(dbuf, rows, sem):
        pltpu.make_async_copy(h_hbm.at[dbuf], rows, sem).start()

    def gather_wait(dbuf, rows, sem):
        pltpu.make_async_copy(h_hbm.at[dbuf], rows, sem).wait()

    def scatter_start(sbuf, rows, wv, sem):
        pltpu.make_async_copy(rows, hp_sh.at[sbuf], sem).start(add=True)
        pltpu.make_async_copy(wv, rs_sh.at[sbuf], sem).start(add=True)

    def scatter_wait(sbuf, rows, wv, sem):
        pltpu.make_async_copy(rows, hp_sh.at[sbuf], sem).wait()
        pltpu.make_async_copy(wv, rs_sh.at[sbuf], sem).wait()

    def compute(sbuf, dbuf, rows, wv):
        for i in range(CH // 16):
            si = sbuf[pl.ds(i * 16, 16)]
            di = dbuf[pl.ds(i * 16, 16)]
            vs = plsc.load_gather(s12_v, [si])
            vd = plsc.load_gather(s12_v, [di])
            s1f = plsc.bitcast(vs & jnp.int32(-65536), jnp.float32)
            s2f = plsc.bitcast(vd << 16, jnp.float32)
            t = s1f + s2f
            t = jnp.where(t >= 0, t, 0.01 * t)
            wv[pl.ds(i * 16, 16)] = jnp.exp(-t)

        @plsc.parallel_loop(0, CH, 1, unroll=8)
        def _(e):
            wbc = plsc.load_gather(wv, [jnp.full((16,), e, jnp.int32)])
            for g in range(D // 16):
                rows[e, pl.ds(g * 16, 16)] = rows[e, pl.ds(g * 16, 16)] * wbc

    unpack(0, 0, sidx0, didx0)
    gather_start(didx0, rows0_v, gs0)

    def pair(p, carry):
        c0 = 2 * p
        c1 = 2 * p + 1

        @pl.when(p > 0)
        def _():
            scatter_wait(sidx1, rows1_v, w1_v, ss1)
        unpack(p, 1, sidx1, didx1)
        gather_start(didx1, rows1_v, gs1)
        gather_wait(didx0, rows0_v, gs0)
        compute(sidx0, didx0, rows0_v, w0_v)
        scatter_start(sidx0, rows0_v, w0_v, ss0)
        gather_wait(didx1, rows1_v, gs1)
        compute(sidx1, didx1, rows1_v, w1_v)
        scatter_wait(sidx0, rows0_v, w0_v, ss0)

        @pl.when(p < NPAIR - 1)
        def _():
            unpack(p + 1, 0, sidx0, didx0)
            gather_start(didx0, rows0_v, gs0)
        scatter_start(sidx1, rows1_v, w1_v, ss1)
        return carry

    lax.fori_loop(0, NPAIR, pair, 0)
    scatter_wait(sidx1, rows1_v, w1_v, ss1)

    plsc.subcore_barrier()
    pltpu.sync_copy(hp_sh.at[pl.ds(sid * RPT, RPT)],
                    hp_out.at[cid, pl.ds(sid * RPT, RPT)])
    pltpu.sync_copy(rs_sh.at[pl.ds(sid * RPT, RPT)],
                    rs_out.at[cid, pl.ds(sid * RPT, RPT)])


_sc_call = functools.partial(
    pl.kernel,
    mesh=plsc.VectorSubcoreMesh(core_axis_name="c", subcore_axis_name="s"),
    compiler_params=pltpu.CompilerParams(needs_layout_passes=False),
    out_type=[jax.ShapeDtypeStruct((2, NP, D), jnp.float32),
              jax.ShapeDtypeStruct((2, NP), jnp.float32)],
    scratch_types=[
        pltpu.VMEM((NS,), jnp.int32),
        pltpu.VMEM((NPAIR, 2 * CH), jnp.int32),
        pltpu.VMEM((CH,), jnp.int32),
        pltpu.VMEM((CH,), jnp.int32),
        pltpu.VMEM((CH,), jnp.int32),
        pltpu.VMEM((CH,), jnp.int32),
        pltpu.VMEM((CH,), jnp.float32),
        pltpu.VMEM((CH,), jnp.float32),
        pltpu.VMEM((CH, D), jnp.float32),
        pltpu.VMEM((CH, D), jnp.float32),
        pltpu.VMEM_SHARED((NP, D), jnp.float32),
        pltpu.VMEM_SHARED((NP,), jnp.float32),
        pltpu.SemaphoreType.DMA,
        pltpu.SemaphoreType.DMA,
        pltpu.SemaphoreType.DMA,
        pltpu.SemaphoreType.DMA,
    ],
)(_sc_gat)


def _a2_of(a):
    a2 = jnp.zeros((D, 8), jnp.float32)
    a2 = a2.at[:, 0].set(a[0, :D])
    a2 = a2.at[:, 1].set(a[0, D:])
    return a2


def _pack_s(s8):
    hi = lax.bitcast_convert_type(s8[:, 0].astype(jnp.bfloat16), jnp.uint16)
    lo = lax.bitcast_convert_type(s8[:, 1].astype(jnp.bfloat16), jnp.uint16)
    packed = (hi.astype(jnp.uint32) << 16) | lo.astype(jnp.uint32)
    packed = lax.bitcast_convert_type(packed, jnp.int32)
    big = lax.bitcast_convert_type(jnp.full((NS - N,), 0x7F000000, jnp.uint32),
                                   jnp.int32)
    return jnp.concatenate([packed, big])


def kernel(x, edge_index, W0, a0, W1, a1):
    src = edge_index[0]
    dst = edge_index[1]
    padi = (jnp.arange(EP - E, dtype=jnp.int32) * 97) % N
    pads = jnp.full((EP - E,), N, jnp.int32)
    srcp = jnp.concatenate([src, pads]).astype(jnp.uint32)
    dstp = jnp.concatenate([dst, padi]).astype(jnp.uint32)
    pidx = lax.bitcast_convert_type((srcp << 16) | dstp, jnp.int32)
    pidx = pidx.reshape(NW, NPAIR, 2 * CH)
    z2 = jnp.zeros((RPT, D), jnp.float32)
    z1 = jnp.zeros((RPT,), jnp.float32)

    h, s8 = _mm_first_call(x, W0, _a2_of(a0))
    hp, rs = _sc_call(h, _pack_s(s8), pidx, z2, z1)
    h, s8 = _mm_combine_call(hp, rs.reshape(2, NP, 1), W1, _a2_of(a1))
    hp, rs = _sc_call(h, _pack_s(s8), pidx, z2, z1)
    return _final_call(hp, rs.reshape(2, NP, 1))

# --- scband reference (transcript-rebuilt; emitter-appended) ---
"""Pipeline reference for scband-sp-gat-69612829934216 (READ-ONLY COPY).

The authoritative reference and input builder live on the scoring server;
editing this copy changes nothing except your own understanding.
"""

import jax, jax.numpy as jnp
import numpy as np

N = 10000
E = 320000
D_IN = 128
D1 = 128
D2 = 128

def _xavier(key, shape, gain=1.414):
    fan_in, fan_out = shape[0], shape[1]
    std = gain * np.sqrt(2.0 / (fan_in + fan_out))
    return jax.random.normal(key, shape, dtype=jnp.float32) * std

def setup_inputs(seed: int = 0):
    key = jax.random.key(seed)
    ks = jax.random.split(key, 6)
    x = jax.random.normal(ks[0], (N, D_IN), dtype=jnp.float32)
    edge_index = jax.random.randint(ks[1], (2, E), 0, N, dtype=jnp.int32)
    W0 = _xavier(ks[2], (D_IN, D1))
    a0 = _xavier(ks[3], (1, 2 * D1))
    W1 = _xavier(ks[4], (D1, D2))
    a1 = _xavier(ks[5], (1, 2 * D1))
    return {"x": x, "edge_index": edge_index, "W0": W0, "a0": a0, "W1": W1, "a1": a1}

def reference(x, edge_index, W0, a0, W1, a1):
    # Faithful Sp_GAT forward: per layer, project nodes, compute per-edge
    # attention values e = exp(-leakyrelu(a @ [h_src || h_dst])), then
    # sparse matmul (scatter-add by edge row) for both the row-sum
    # normalizer and the aggregated features, followed by division.
    def leaky(v):
        return jnp.where(v >= 0, v, 0.01 * v)
    src = edge_index[0]
    dst = edge_index[1]
    h_in = x
    for W, a in ((W0, a0), (W1, a1)):
        h = h_in @ W
        edge_h = jnp.concatenate([h[src], h[dst]], axis=1)  # (E, 2d)
        edge_e = jnp.exp(-leaky(edge_h @ a[0]))             # (E,)
        e_rowsum = jax.ops.segment_sum(edge_e, src, num_segments=N)
        h_prime = jax.ops.segment_sum(edge_e[:, None] * h[dst], src, num_segments=N)
        h_in = h_prime / e_rowsum[:, None]
    return jax.nn.relu(h_in)

if __name__ == "__main__":
    import jax
    _d = setup_inputs()
    print(jax.jit(kernel)(*tuple(_d.values())))

</pallas_src>

<mosaic_0001>
#map = affine_map<(d0, d1) -> (0, 0)>
#map1 = affine_map<(d0, d1) -> (0)>
#map2 = affine_map<(d0, d1) -> (0, 0, 0)>
module attributes {stable_mosaic.version = 14 : i64} {
  func.func @_sc_gat(%arg0: i32, %arg1: i32, %arg2: memref<10000x128xf32, #tpu.memory_space<hbm>>, %arg3: memref<10016xi32, #tpu.memory_space<hbm>>, %arg4: memref<32x80x128xi32, #tpu.memory_space<hbm>>, %arg5: memref<640x128xf32, #tpu.memory_space<hbm>>, %arg6: memref<640xf32, #tpu.memory_space<hbm>>, %arg7: memref<2x10240x128xf32, #tpu.memory_space<hbm>>, %arg8: memref<2x10240xf32, #tpu.memory_space<hbm>>, %arg9: memref<10016xi32, #tpu.memory_space<vmem>>, %arg10: memref<80x128xi32, #tpu.memory_space<vmem>>, %arg11: memref<64xi32, #tpu.memory_space<vmem>>, %arg12: memref<64xi32, #tpu.memory_space<vmem>>, %arg13: memref<64xi32, #tpu.memory_space<vmem>>, %arg14: memref<64xi32, #tpu.memory_space<vmem>>, %arg15: memref<64xf32, #tpu.memory_space<vmem>>, %arg16: memref<64xf32, #tpu.memory_space<vmem>>, %arg17: memref<64x128xf32, #tpu.memory_space<vmem>>, %arg18: memref<64x128xf32, #tpu.memory_space<vmem>>, %arg19: memref<10240x128xf32, #tpu.memory_space<vmem_shared>>, %arg20: memref<10240xf32, #tpu.memory_space<vmem_shared>>, %arg21: memref<!tpu.dma_semaphore, #tpu.memory_space<semaphore_mem>>, %arg22: memref<!tpu.dma_semaphore, #tpu.memory_space<semaphore_mem>>, %arg23: memref<!tpu.dma_semaphore, #tpu.memory_space<semaphore_mem>>, %arg24: memref<!tpu.dma_semaphore, #tpu.memory_space<semaphore_mem>>) attributes {dimension_semantics = [#tpu.dimension_semantics<core_parallel>, #tpu.dimension_semantics<subcore_parallel>], iteration_bounds = array<i64: 2, 16>, scalar_prefetch = 0 : i64, scratch_operands = 16 : i64, tpu.core_type = #tpu.core_type<sc_vector_subcore>, window_params = [{transform_indices = #map}, {transform_indices = #map1}, {transform_indices = #map2}, {transform_indices = #map}, {transform_indices = #map1}, {transform_indices = #map2}, {transform_indices = #map}]} {
    %mul3A = arith.constant 16 : i32
    %mul3A_0 = arith.muli %arg0, %mul3A : i32
    %add3A = arith.addi %mul3A_0, %arg1 : i32
    "tpu.region"() ({
      %run_scoped3A = tpu.sem_alloc : memref<!tpu.dma_semaphore, #tpu.memory_space<semaphore_mem>>
      tpu.enqueue_dma source(%arg3 : memref<10016xi32, #tpu.memory_space<hbm>>) target(%arg9 : memref<10016xi32, #tpu.memory_space<vmem>>) target_semaphore(%run_scoped3A : memref<!tpu.dma_semaphore, #tpu.memory_space<semaphore_mem>>)
      tpu.wait_dma2 semaphore(%run_scoped3A : memref<!tpu.dma_semaphore, #tpu.memory_space<semaphore_mem>>) src(%arg3 : memref<10016xi32, #tpu.memory_space<hbm>>) dst(%arg9 : memref<10016xi32, #tpu.memory_space<vmem>>)
      tpu.yield
    }) : () -> ()
    "tpu.region"() ({
      %run_scoped3A = tpu.sem_alloc : memref<!tpu.dma_semaphore, #tpu.memory_space<semaphore_mem>>
      %dma_start3A_77 = arith.constant 0 : i32
      %dma_start3A_78 = arith.constant 0 : i32
      %dma_start3A_79 = tpu.memref_slice %arg4[%add3A, %dma_start3A_77, %dma_start3A_78] : memref<32x80x128xi32, #tpu.memory_space<hbm>> -> memref<1x80x128xi32, #tpu.memory_space<hbm>>
      %dma_start3A_80 = tpu.memref_squeeze %dma_start3A_79 : memref<1x80x128xi32, #tpu.memory_space<hbm>> -> memref<80x128xi32, #tpu.memory_space<hbm>>
      %dma_start3A_81 = arith.constant 0 : i32
      %dma_start3A_82 = arith.constant 0 : i32
      %dma_start3A_83 = tpu.memref_slice %arg4[%add3A, %dma_start3A_81, %dma_start3A_82] : memref<32x80x128xi32, #tpu.memory_space<hbm>> -> memref<1x80x128xi32, #tpu.memory_space<hbm>>
      %dma_start3A_84 = tpu.memref_squeeze %dma_start3A_83 : memref<1x80x128xi32, #tpu.memory_space<hbm>> -> memref<80x128xi32, #tpu.memory_space<hbm>>
      tpu.enqueue_dma source(%dma_start3A_84 : memref<80x128xi32, #tpu.memory_space<hbm>>) target(%arg10 : memref<80x128xi32, #tpu.memory_space<vmem>>) target_semaphore(%run_scoped3A : memref<!tpu.dma_semaphore, #tpu.memory_space<semaphore_mem>>)
      %dma_wait3A_85 = arith.constant 0 : i32
      %dma_wait3A_86 = arith.constant 0 : i32
      %dma_wait3A_87 = tpu.memref_slice %arg4[%add3A, %dma_wait3A_85, %dma_wait3A_86] : memref<32x80x128xi32, #tpu.memory_space<hbm>> -> memref<1x80x128xi32, #tpu.memory_space<hbm>>
      %dma_wait3A_88 = tpu.memref_squeeze %dma_wait3A_87 : memref<1x80x128xi32, #tpu.memory_space<hbm>> -> memref<80x128xi32, #tpu.memory_space<hbm>>
      %dma_wait3A_89 = arith.constant 0 : i32
      %dma_wait3A_90 = arith.constant 0 : i32
      %dma_wait3A_91 = tpu.memref_slice %arg4[%add3A, %dma_wait3A_89, %dma_wait3A_90] : memref<32x80x128xi32, #tpu.memory_space<hbm>> -> memref<1x80x128xi32, #tpu.memory_space<hbm>>
      %dma_wait3A_92 = tpu.memref_squeeze %dma_wait3A_91 : memref<1x80x128xi32, #tpu.memory_space<hbm>> -> memref<80x128xi32, #tpu.memory_space<hbm>>
      tpu.wait_dma2 semaphore(%run_scoped3A : memref<!tpu.dma_semaphore, #tpu.memory_space<semaphore_mem>>) src(%dma_wait3A_92 : memref<80x128xi32, #tpu.memory_space<hbm>>) dst(%arg10 : memref<80x128xi32, #tpu.memory_space<vmem>>)
      tpu.yield
    }) : () -> ()
    %mul3A_1 = arith.constant 640 : i32
    %mul3A_2 = arith.muli %arg1, %mul3A_1 : i32
    "tpu.region"() ({
      %run_scoped3A = tpu.sem_alloc : memref<!tpu.dma_semaphore, #tpu.memory_space<semaphore_mem>>
      %dma_start3A_77 = arith.constant 0 : i32
      %dma_start3A_78 = tpu.memref_slice %arg19[%mul3A_2, %dma_start3A_77] : memref<10240x128xf32, #tpu.memory_space<vmem_shared>> -> memref<640x128xf32, #tpu.memory_space<vmem_shared>>
      tpu.enqueue_dma source(%arg5 : memref<640x128xf32, #tpu.memory_space<hbm>>) target(%dma_start3A_78 : memref<640x128xf32, #tpu.memory_space<vmem_shared>>) target_semaphore(%run_scoped3A : memref<!tpu.dma_semaphore, #tpu.memory_space<semaphore_mem>>)
      %dma_wait3A_79 = arith.constant 0 : i32
      %dma_wait3A_80 = tpu.memref_slice %arg19[%mul3A_2, %dma_wait3A_79] : memref<10240x128xf32, #tpu.memory_space<vmem_shared>> -> memref<640x128xf32, #tpu.memory_space<vmem_shared>>
      tpu.wait_dma2 semaphore(%run_scoped3A : memref<!tpu.dma_semaphore, #tpu.memory_space<semaphore_mem>>) src(%arg5 : memref<640x128xf32, #tpu.memory_space<hbm>>) dst(%dma_wait3A_80 : memref<640x128xf32, #tpu.memory_space<vmem_shared>>)
      tpu.yield
    }) : () -> ()
    %mul3A_3 = arith.constant 640 : i32
    %mul3A_4 = arith.muli %arg1, %mul3A_3 : i32
    "tpu.region"() ({
      %run_scoped3A = tpu.sem_alloc : memref<!tpu.dma_semaphore, #tpu.memory_space<semaphore_mem>>
      %dma_start3A_77 = tpu.memref_slice %arg20[%mul3A_4] : memref<10240xf32, #tpu.memory_space<vmem_shared>> -> memref<640xf32, #tpu.memory_space<vmem_shared>>
      tpu.enqueue_dma source(%arg6 : memref<640xf32, #tpu.memory_space<hbm>>) target(%dma_start3A_77 : memref<640xf32, #tpu.memory_space<vmem_shared>>) target_semaphore(%run_scoped3A : memref<!tpu.dma_semaphore, #tpu.memory_space<semaphore_mem>>)
      %dma_wait3A_78 = tpu.memref_slice %arg20[%mul3A_4] : memref<10240xf32, #tpu.memory_space<vmem_shared>> -> memref<640xf32, #tpu.memory_space<vmem_shared>>
      tpu.wait_dma2 semaphore(%run_scoped3A : memref<!tpu.dma_semaphore, #tpu.memory_space<semaphore_mem>>) src(%arg6 : memref<640xf32, #tpu.memory_space<hbm>>) dst(%dma_wait3A_78 : memref<640xf32, #tpu.memory_space<vmem_shared>>)
      tpu.yield
    }) : () -> ()
    %barrier3A = arith.constant 0 : index
    tpu.barrier barrier_id(%barrier3A)
    %get3A = arith.constant 0 : i32
    %get3A_5 = arith.index_cast %get3A : i32 to index
    %get3A_6 = arith.constant 0 : index
    %get3A_7 = tpu.vector_load %arg10[%get3A_5, %get3A_6] {strides = array<i32>} : memref<80x128xi32, #tpu.memory_space<vmem>>, vector<16xi32>,
    %shift_right_arithmetic3A = arith.constant 16 : i32
    %shift_right_arithmetic3A_8 = vector.broadcast %shift_right_arithmetic3A : i32 to vector<16xi32>
    %shift_right_arithmetic3A_9 = arith.shrsi %get3A_7, %shift_right_arithmetic3A_8 : vector<16xi32>
    %swap3A = arith.constant 0 : index
    %swap3A_10 = tpu.vector_load %arg11[%swap3A] {strides = array<i32>} : memref<64xi32, #tpu.memory_space<vmem>>, vector<16xi32>,
    tpu.vector_store %arg11[%swap3A], %shift_right_arithmetic3A_9 {strides = array<i32>} : memref<64xi32, #tpu.memory_space<vmem>>, vector<16xi32>,
    %and3A = arith.constant 65535 : i32
    %and3A_11 = vector.broadcast %and3A : i32 to vector<16xi32>
    %and3A_12 = arith.andi %get3A_7, %and3A_11 : vector<16xi32>
    %swap3A_13 = arith.constant 0 : index
    %swap3A_14 = tpu.vector_load %arg12[%swap3A_13] {strides = array<i32>} : memref<64xi32, #tpu.memory_space<vmem>>, vector<16xi32>,
    tpu.vector_store %arg12[%swap3A_13], %and3A_12 {strides = array<i32>} : memref<64xi32, #tpu.memory_space<vmem>>, vector<16xi32>,
    %get3A_15 = arith.constant 0 : i32
    %get3A_16 = arith.index_cast %get3A_15 : i32 to index
    %get3A_17 = arith.constant 16 : index
    %get3A_18 = tpu.vector_load %arg10[%get3A_16, %get3A_17] {strides = array<i32>} : memref<80x128xi32, #tpu.memory_space<vmem>>, vector<16xi32>,
    %shift_right_arithmetic3A_19 = arith.constant 16 : i32
    %shift_right_arithmetic3A_20 = vector.broadcast %shift_right_arithmetic3A_19 : i32 to vector<16xi32>
    %shift_right_arithmetic3A_21 = arith.shrsi %get3A_18, %shift_right_arithmetic3A_20 : vector<16xi32>
    %swap3A_22 = arith.constant 16 : index
    %swap3A_23 = tpu.vector_load %arg11[%swap3A_22] {strides = array<i32>} : memref<64xi32, #tpu.memory_space<vmem>>, vector<16xi32>,
    tpu.vector_store %arg11[%swap3A_22], %shift_right_arithmetic3A_21 {strides = array<i32>} : memref<64xi32, #tpu.memory_space<vmem>>, vector<16xi32>,
    %and3A_24 = arith.constant 65535 : i32
    %and3A_25 = vector.broadcast %and3A_24 : i32 to vector<16xi32>
    %and3A_26 = arith.andi %get3A_18, %and3A_25 : vector<16xi32>
    %swap3A_27 = arith.constant 16 : index
    %swap3A_28 = tpu.vector_load %arg12[%swap3A_27] {strides = array<i32>} : memref<64xi32, #tpu.memory_space<vmem>>, vector<16xi32>,
    tpu.vector_store %arg12[%swap3A_27], %and3A_26 {strides = array<i32>} : memref<64xi32, #tpu.memory_space<vmem>>, vector<16xi32>,
    %get3A_29 = arith.constant 0 : i32
    %get3A_30 = arith.index_cast %get3A_29 : i32 to index
    %get3A_31 = arith.constant 32 : index
    %get3A_32 = tpu.vector_load %arg10[%get3A_30, %get3A_31] {strides = array<i32>} : memref<80x128xi32, #tpu.memory_space<vmem>>, vector<16xi32>,
    %shift_right_arithmetic3A_33 = arith.constant 16 : i32
    %shift_right_arithmetic3A_34 = vector.broadcast %shift_right_arithmetic3A_33 : i32 to vector<16xi32>
    %shift_right_arithmetic3A_35 = arith.shrsi %get3A_32, %shift_right_arithmetic3A_34 : vector<16xi32>
    %swap3A_36 = arith.constant 32 : index
    %swap3A_37 = tpu.vector_load %arg11[%swap3A_36] {strides = array<i32>} : memref<64xi32, #tpu.memory_space<vmem>>, vector<16xi32>,
    tpu.vector_store %arg11[%swap3A_36], %shift_right_arithmetic3A_35 {strides = array<i32>} : memref<64xi32, #tpu.memory_space<vmem>>, vector<16xi32>,
    %and3A_38 = arith.constant 65535 : i32
    %and3A_39 = vector.broadcast %and3A_38 : i32 to vector<16xi32>
    %and3A_40 = arith.andi %get3A_32, %and3A_39 : vector<16xi32>
    %swap3A_41 = arith.constant 32 : index
    %swap3A_42 = tpu.vector_load %arg12[%swap3A_41] {strides = array<i32>} : memref<64xi32, #tpu.memory_space<vmem>>, vector<16xi32>,
    tpu.vector_store %arg12[%swap3A_41], %and3A_40 {strides = array<i32>} : memref<64xi32, #tpu.memory_space<vmem>>, vector<16xi32>,
    %get3A_43 = arith.constant 0 : i32
    %get3A_44 = arith.index_cast %get3A_43 : i32 to index
    %get3A_45 = arith.constant 48 : index
    %get3A_46 = tpu.vector_load %arg10[%get3A_44, %get3A_45] {strides = array<i32>} : memref<80x128xi32, #tpu.memory_space<vmem>>, vector<16xi32>,
    %shift_right_arithmetic3A_47 = arith.constant 16 : i32
    %shift_right_arithmetic3A_48 = vector.broadcast %shift_right_arithmetic3A_47 : i32 to vector<16xi32>
    %shift_right_arithmetic3A_49 = arith.shrsi %get3A_46, %shift_right_arithmetic3A_48 : vector<16xi32>
    %swap3A_50 = arith.constant 48 : index
    %swap3A_51 = tpu.vector_load %arg11[%swap3A_50] {strides = array<i32>} : memref<64xi32, #tpu.memory_space<vmem>>, vector<16xi32>,
    tpu.vector_store %arg11[%swap3A_50], %shift_right_arithmetic3A_49 {strides = array<i32>} : memref<64xi32, #tpu.memory_space<vmem>>, vector<16xi32>,
    %and3A_52 = arith.constant 65535 : i32
    %and3A_53 = vector.broadcast %and3A_52 : i32 to vector<16xi32>
    %and3A_54 = arith.andi %get3A_46, %and3A_53 : vector<16xi32>
    %swap3A_55 = arith.constant 48 : index
    %swap3A_56 = tpu.vector_load %arg12[%swap3A_55] {strides = array<i32>} : memref<64xi32, #tpu.memory_space<vmem>>, vector<16xi32>,
    tpu.vector_store %arg12[%swap3A_55], %and3A_54 {strides = array<i32>} : memref<64xi32, #tpu.memory_space<vmem>>, vector<16xi32>,
    %dma_start3A = arith.constant 0 : i32
    %dma_start3A_57 = arith.constant 0 : i32
    %dma_start3A_58 = tpu.memref_slice %arg2[%dma_start3A, %dma_start3A_57] : memref<10000x128xf32, #tpu.memory_space<hbm>> -> memref<10000x128xf32, #tpu.memory_space<hbm>>
    tpu.enqueue_indirect_dma source(%dma_start3A_58 : memref<10000x128xf32, #tpu.memory_space<hbm>>) target(%arg17 : memref<64x128xf32, #tpu.memory_space<vmem>>) offsets(%arg12 : memref<64xi32, #tpu.memory_space<vmem>>) semaphore(%arg21 : memref<!tpu.dma_semaphore, #tpu.memory_space<semaphore_mem>>)
    %scan3A = arith.constant 0 : i32
    %scan3A_59 = arith.constant 0 : i32
    %scan3A_60 = arith.constant 80 : i32
    %scan3A_61 = arith.addi %scan3A_59, %scan3A_60 : i32
    %scan3A_62 = arith.constant 1 : i32
    scf.for %scan3A_77 = %scan3A_59 to %scan3A_61 step %scan3A_62  : i32 {
      %mul3A_78 = arith.constant 2 : i32
      %mul3A_79 = arith.muli %mul3A_78, %scan3A_77 : i32
      %mul3A_80 = arith.constant 2 : i32
      %mul3A_81 = arith.muli %mul3A_80, %scan3A_77 : i32
      %add3A_82 = arith.constant 1 : i32
      %add3A_83 = arith.addi %mul3A_81, %add3A_82 : i32
      %gt3A = arith.constant 0 : i32
      %gt3A_84 = arith.cmpi sgt, %scan3A_77, %gt3A : i32
      %convert_element_type3A = arith.extui %gt3A_84 : i1 to i32
      %cond3A = arith.constant 0 : i32
      %cond3A_85 = arith.cmpi ne, %convert_element_type3A, %cond3A : i32
      scf.if %cond3A_85 {
        %dma_wait3A_388 = arith.constant 0 : i32
        %dma_wait3A_389 = arith.constant 0 : i32
        %dma_wait3A_390 = tpu.memref_slice %arg19[%dma_wait3A_388, %dma_wait3A_389] : memref<10240x128xf32, #tpu.memory_space<vmem_shared>> -> memref<10240x128xf32, #tpu.memory_space<vmem_shared>>
        tpu.wait_indirect_dma semaphore(%arg24 : memref<!tpu.dma_semaphore, #tpu.memory_space<semaphore_mem>>) src(%arg18 : memref<64x128xf32, #tpu.memory_space<vmem>>) dst(%dma_wait3A_390 : memref<10240x128xf32, #tpu.memory_space<vmem_shared>>)
        %dma_wait3A_391 = arith.constant 0 : i32
        %dma_wait3A_392 = tpu.memref_slice %arg20[%dma_wait3A_391] : memref<10240xf32, #tpu.memory_space<vmem_shared>> -> memref<10240xf32, #tpu.memory_space<vmem_shared>>
        tpu.wait_indirect_dma semaphore(%arg24 : memref<!tpu.dma_semaphore, #tpu.memory_space<semaphore_mem>>) src(%arg16 : memref<64xf32, #tpu.memory_space<vmem>>) dst(%dma_wait3A_392 : memref<10240xf32, #tpu.memory_space<vmem_shared>>)
      } else {
      }
      %get3A_86 = arith.index_cast %scan3A_77 : i32 to index
      %get3A_87 = arith.constant 64 : index
      %get3A_88 = tpu.vector_load %arg10[%get3A_86, %get3A_87] {strides = array<i32>} : memref<80x128xi32, #tpu.memory_space<vmem>>, vector<16xi32>,
      %shift_right_arithmetic3A_89 = arith.constant 16 : i32
      %shift_right_arithmetic3A_90 = vector.broadcast %shift_right_arithmetic3A_89 : i32 to vector<16xi32>
      %shift_right_arithmetic3A_91 = arith.shrsi %get3A_88, %shift_right_arithmetic3A_90 : vector<16xi32>
      %swap3A_92 = arith.constant 0 : index
      %swap3A_93 = tpu.vector_load %arg13[%swap3A_92] {strides = array<i32>} : memref<64xi32, #tpu.memory_space<vmem>>, vector<16xi32>,
      tpu.vector_store %arg13[%swap3A_92], %shift_right_arithmetic3A_91 {strides = array<i32>} : memref<64xi32, #tpu.memory_space<vmem>>, vector<16xi32>,
      %and3A_94 = arith.constant 65535 : i32
      %and3A_95 = vector.broadcast %and3A_94 : i32 to vector<16xi32>
      %and3A_96 = arith.andi %get3A_88, %and3A_95 : vector<16xi32>
      %swap3A_97 = arith.constant 0 : index
      %swap3A_98 = tpu.vector_load %arg14[%swap3A_97] {strides = array<i32>} : memref<64xi32, #tpu.memory_space<vmem>>, vector<16xi32>,
      tpu.vector_store %arg14[%swap3A_97], %and3A_96 {strides = array<i32>} : memref<64xi32, #tpu.memory_space<vmem>>, vector<16xi32>,
      %get3A_99 = arith.index_cast %scan3A_77 : i32 to index
      %get3A_100 = arith.constant 80 : index
      %get3A_101 = tpu.vector_load %arg10[%get3A_99, %get3A_100] {strides = array<i32>} : memref<80x128xi32, #tpu.memory_space<vmem>>, vector<16xi32>,
      %shift_right_arithmetic3A_102 = arith.constant 16 : i32
      %shift_right_arithmetic3A_103 = vector.broadcast %shift_right_arithmetic3A_102 : i32 to vector<16xi32>
      %shift_right_arithmetic3A_104 = arith.shrsi %get3A_101, %shift_right_arithmetic3A_103 : vector<16xi32>
      %swap3A_105 = arith.constant 16 : index
      %swap3A_106 = tpu.vector_load %arg13[%swap3A_105] {strides = array<i32>} : memref<64xi32, #tpu.memory_space<vmem>>, vector<16xi32>,
      tpu.vector_store %arg13[%swap3A_105], %shift_right_arithmetic3A_104 {strides = array<i32>} : memref<64xi32, #tpu.memory_space<vmem>>, vector<16xi32>,
      %and3A_107 = arith.constant 65535 : i32
      %and3A_108 = vector.broadcast %and3A_107 : i32 to vector<16xi32>
      %and3A_109 = arith.andi %get3A_101, %and3A_108 : vector<16xi32>
      %swap3A_110 = arith.constant 16 : index
      %swap3A_111 = tpu.vector_load %arg14[%swap3A_110] {strides = array<i32>} : memref<64xi32, #tpu.memory_space<vmem>>, vector<16xi32>,
      tpu.vector_store %arg14[%swap3A_110], %and3A_109 {strides = array<i32>} : memref<64xi32, #tpu.memory_space<vmem>>, vector<16xi32>,
      %get3A_112 = arith.index_cast %scan3A_77 : i32 to index
      %get3A_113 = arith.constant 96 : index
      %get3A_114 = tpu.vector_load %arg10[%get3A_112, %get3A_113] {strides = array<i32>} : memref<80x128xi32, #tpu.memory_space<vmem>>, vector<16xi32>,
      %shift_right_arithmetic3A_115 = arith.constant 16 : i32
      %shift_right_arithmetic3A_116 = vector.broadcast %shift_right_arithmetic3A_115 : i32 to vector<16xi32>
      %shift_right_arithmetic3A_117 = arith.shrsi %get3A_114, %shift_right_arithmetic3A_116 : vector<16xi32>
      %swap3A_118 = arith.constant 32 : index
      %swap3A_119 = tpu.vector_load %arg13[%swap3A_118] {strides = array<i32>} : memref<64xi32, #tpu.memory_space<vmem>>, vector<16xi32>,
      tpu.vector_store %arg13[%swap3A_118], %shift_right_arithmetic3A_117 {strides = array<i32>} : memref<64xi32, #tpu.memory_space<vmem>>, vector<16xi32>,
      %and3A_120 = arith.constant 65535 : i32
      %and3A_121 = vector.broadcast %and3A_120 : i32 to vector<16xi32>
      %and3A_122 = arith.andi %get3A_114, %and3A_121 : vector<16xi32>
      %swap3A_123 = arith.constant 32 : index
      %swap3A_124 = tpu.vector_load %arg14[%swap3A_123] {strides = array<i32>} : memref<64xi32, #tpu.memory_space<vmem>>, vector<16xi32>,
      tpu.vector_store %arg14[%swap3A_123], %and3A_122 {strides = array<i32>} : memref<64xi32, #tpu.memory_space<vmem>>, vector<16xi32>,
      %get3A_125 = arith.index_cast %scan3A_77 : i32 to index
      %get3A_126 = arith.constant 112 : index
      %get3A_127 = tpu.vector_load %arg10[%get3A_125, %get3A_126] {strides = array<i32>} : memref<80x128xi32, #tpu.memory_space<vmem>>, vector<16xi32>,
      %shift_right_arithmetic3A_128 = arith.constant 16 : i32
      %shift_right_arithmetic3A_129 = vector.broadcast %shift_right_arithmetic3A_128 : i32 to vector<16xi32>
      %shift_right_arithmetic3A_130 = arith.shrsi %get3A_127, %shift_right_arithmetic3A_129 : vector<16xi32>
      %swap3A_131 = arith.constant 48 : index
      %swap3A_132 = tpu.vector_load %arg13[%swap3A_131] {strides = array<i32>} : memref<64xi32, #tpu.memory_space<vmem>>, vector<16xi32>,
      tpu.vector_store %arg13[%swap3A_131], %shift_right_arithmetic3A_130 {strides = array<i32>} : memref<64xi32, #tpu.memory_space<vmem>>, vector<16xi32>,
      %and3A_133 = arith.constant 65535 : i32
      %and3A_134 = vector.broadcast %and3A_133 : i32 to vector<16xi32>
      %and3A_135 = arith.andi %get3A_127, %and3A_134 : vector<16xi32>
      %swap3A_136 = arith.constant 48 : index
      %swap3A_137 = tpu.vector_load %arg14[%swap3A_136] {strides = array<i32>} : memref<64xi32, #tpu.memory_space<vmem>>, vector<16xi32>,
      tpu.vector_store %arg14[%swap3A_136], %and3A_135 {strides = array<i32>} : memref<64xi32, #tpu.memory_space<vmem>>, vector<16xi32>,
      %dma_start3A_138 = arith.constant 0 : i32
      %dma_start3A_139 = arith.constant 0 : i32
      %dma_start3A_140 = tpu.memref_slice %arg2[%dma_start3A_138, %dma_start3A_139] : memref<10000x128xf32, #tpu.memory_space<hbm>> -> memref<10000x128xf32, #tpu.memory_space<hbm>>
      tpu.enqueue_indirect_dma source(%dma_start3A_140 : memref<10000x128xf32, #tpu.memory_space<hbm>>) target(%arg18 : memref<64x128xf32, #tpu.memory_space<vmem>>) offsets(%arg14 : memref<64xi32, #tpu.memory_space<vmem>>) semaphore(%arg22 : memref<!tpu.dma_semaphore, #tpu.memory_space<semaphore_mem>>)
      %dma_wait3A_141 = arith.constant 0 : i32
      %dma_wait3A_142 = arith.constant 0 : i32
      %dma_wait3A_143 = tpu.memref_slice %arg2[%dma_wait3A_141, %dma_wait3A_142] : memref<10000x128xf32, #tpu.memory_space<hbm>> -> memref<10000x128xf32, #tpu.memory_space<hbm>>
      tpu.wait_indirect_dma semaphore(%arg21 : memref<!tpu.dma_semaphore, #tpu.memory_space<semaphore_mem>>) src(%dma_wait3A_143 : memref<10000x128xf32, #tpu.memory_space<hbm>>) dst(%arg17 : memref<64x128xf32, #tpu.memory_space<vmem>>)
      %get3A_144 = arith.constant 0 : index
      %get3A_145 = tpu.vector_load %arg11[%get3A_144] {strides = array<i32>} : memref<64xi32, #tpu.memory_space<vmem>>, vector<16xi32>,
      %get3A_146 = arith.constant 0 : index
      %get3A_147 = tpu.vector_load %arg12[%get3A_146] {strides = array<i32>} : memref<64xi32, #tpu.memory_space<vmem>>, vector<16xi32>,
      %gather3A = tpu.vector_load_idx %arg9[%get3A_145] : memref<10016xi32, #tpu.memory_space<vmem>>[vector<16xi32>], vector<16xi32>,
      %gather3A_148 = tpu.vector_load_idx %arg9[%get3A_147] : memref<10016xi32, #tpu.memory_space<vmem>>[vector<16xi32>], vector<16xi32>,
      %and3A_149 = arith.constant -65536 : i32
      %and3A_150 = vector.broadcast %and3A_149 : i32 to vector<16xi32>
      %and3A_151 = arith.andi %gather3A, %and3A_150 : vector<16xi32>
      %bitcast3A = vector.bitcast %and3A_151 : vector<16xi32> to vector<16xf32>
      %shift_left3A = arith.constant 16 : i32
      %shift_left3A_152 = vector.broadcast %shift_left3A : i32 to vector<16xi32>
      %shift_left3A_153 = arith.shli %gather3A_148, %shift_left3A_152 : vector<16xi32>
      %bitcast3A_154 = vector.bitcast %shift_left3A_153 : vector<16xi32> to vector<16xf32>
      %add3A_155 = arith.addf %bitcast3A, %bitcast3A_154 : vector<16xf32>
      %ge3A = arith.constant 0.000000e+00 : f32
      %ge3A_156 = vector.broadcast %ge3A : f32 to vector<16xf32>
      %ge3A_157 = arith.cmpf oge, %add3A_155, %ge3A_156 : vector<16xf32>
      %mul3A_158 = arith.constant 0.00999999977 : f32
      %mul3A_159 = vector.broadcast %mul3A_158 : f32 to vector<16xf32>
      %mul3A_160 = arith.mulf %mul3A_159, %add3A_155 : vector<16xf32>
      %select_n3A = arith.select %ge3A_157, %add3A_155, %mul3A_160 : vector<16xi1>, vector<16xf32>
      %neg3A = arith.constant 0.000000e+00 : f32
      %neg3A_161 = vector.broadcast %neg3A : f32 to vector<16xf32>
      %neg3A_162 = arith.subf %neg3A_161, %select_n3A : vector<16xf32>
      %exp3A = math.exp %neg3A_162 : vector<16xf32>
      %swap3A_163 = arith.constant 0 : index
      %swap3A_164 = tpu.vector_load %arg15[%swap3A_163] {strides = array<i32>} : memref<64xf32, #tpu.memory_space<vmem>>, vector<16xf32>,
      tpu.vector_store %arg15[%swap3A_163], %exp3A {strides = array<i32>} : memref<64xf32, #tpu.memory_space<vmem>>, vector<16xf32>,
      %get3A_165 = arith.constant 16 : index
      %get3A_166 = tpu.vector_load %arg11[%get3A_165] {strides = array<i32>} : memref<64xi32, #tpu.memory_space<vmem>>, vector<16xi32>,
      %get3A_167 = arith.constant 16 : index
      %get3A_168 = tpu.vector_load %arg12[%get3A_167] {strides = array<i32>} : memref<64xi32, #tpu.memory_space<vmem>>, vector<16xi32>,
      %gather3A_169 = tpu.vector_load_idx %arg9[%get3A_166] : memref<10016xi32, #tpu.memory_space<vmem>>[vector<16xi32>], vector<16xi32>,
      %gather3A_170 = tpu.vector_load_idx %arg9[%get3A_168] : memref<10016xi32, #tpu.memory_space<vmem>>[vector<16xi32>], vector<16xi32>,
      %and3A_171 = arith.constant -65536 : i32
      %and3A_172 = vector.broadcast %and3A_171 : i32 to vector<16xi32>
      %and3A_173 = arith.andi %gather3A_169, %and3A_172 : vector<16xi32>
      %bitcast3A_174 = vector.bitcast %and3A_173 : vector<16xi32> to vector<16xf32>
      %shift_left3A_175 = arith.constant 16 : i32
      %shift_left3A_176 = vector.broadcast %shift_left3A_175 : i32 to vector<16xi32>
      %shift_left3A_177 = arith.shli %gather3A_170, %shift_left3A_176 : vector<16xi32>
      %bitcast3A_178 = vector.bitcast %shift_left3A_177 : vector<16xi32> to vector<16xf32>
      %add3A_179 = arith.addf %bitcast3A_174, %bitcast3A_178 : vector<16xf32>
      %ge3A_180 = arith.constant 0.000000e+00 : f32
      %ge3A_181 = vector.broadcast %ge3A_180 : f32 to vector<16xf32>
      %ge3A_182 = arith.cmpf oge, %add3A_179, %ge3A_181 : vector<16xf32>
      %mul3A_183 = arith.constant 0.00999999977 : f32
      %mul3A_184 = vector.broadcast %mul3A_183 : f32 to vector<16xf32>
      %mul3A_185 = arith.mulf %mul3A_184, %add3A_179 : vector<16xf32>
      %select_n3A_186 = arith.select %ge3A_182, %add3A_179, %mul3A_185 : vector<16xi1>, vector<16xf32>
      %neg3A_187 = arith.constant 0.000000e+00 : f32
      %neg3A_188 = vector.broadcast %neg3A_187 : f32 to vector<16xf32>
      %neg3A_189 = arith.subf %neg3A_188, %select_n3A_186 : vector<16xf32>
      %exp3A_190 = math.exp %neg3A_189 : vector<16xf32>
      %swap3A_191 = arith.constant 16 : index
      %swap3A_192 = tpu.vector_load %arg15[%swap3A_191] {strides = array<i32>} : memref<64xf32, #tpu.memory_space<vmem>>, vector<16xf32>,
      tpu.vector_store %arg15[%swap3A_191], %exp3A_190 {strides = array<i32>} : memref<64xf32, #tpu.memory_space<vmem>>, vector<16xf32>,
      %get3A_193 = arith.constant 32 : index
      %get3A_194 = tpu.vector_load %arg11[%get3A_193] {strides = array<i32>} : memref<64xi32, #tpu.memory_space<vmem>>, vector<16xi32>,
      %get3A_195 = arith.constant 32 : index
      %get3A_196 = tpu.vector_load %arg12[%get3A_195] {strides = array<i32>} : memref<64xi32, #tpu.memory_space<vmem>>, vector<16xi32>,
      %gather3A_197 = tpu.vector_load_idx %arg9[%get3A_194] : memref<10016xi32, #tpu.memory_space<vmem>>[vector<16xi32>], vector<16xi32>,
      %gather3A_198 = tpu.vector_load_idx %arg9[%get3A_196] : memref<10016xi32, #tpu.memory_space<vmem>>[vector<16xi32>], vector<16xi32>,
      %and3A_199 = arith.constant -65536 : i32
      %and3A_200 = vector.broadcast %and3A_199 : i32 to vector<16xi32>
      %and3A_201 = arith.andi %gather3A_197, %and3A_200 : vector<16xi32>
      %bitcast3A_202 = vector.bitcast %and3A_201 : vector<16xi32> to vector<16xf32>
      %shift_left3A_203 = arith.constant 16 : i32
      %shift_left3A_204 = vector.broadcast %shift_left3A_203 : i32 to vector<16xi32>
      %shift_left3A_205 = arith.shli %gather3A_198, %shift_left3A_204 : vector<16xi32>
      %bitcast3A_206 = vector.bitcast %shift_left3A_205 : vector<16xi32> to vector<16xf32>
      %add3A_207 = arith.addf %bitcast3A_202, %bitcast3A_206 : vector<16xf32>
      %ge3A_208 = arith.constant 0.000000e+00 : f32
      %ge3A_209 = vector.broadcast %ge3A_208 : f32 to vector<16xf32>
      %ge3A_210 = arith.cmpf oge, %add3A_207, %ge3A_209 : vector<16xf32>
      %mul3A_211 = arith.constant 0.00999999977 : f32
      %mul3A_212 = vector.broadcast %mul3A_211 : f32 to vector<16xf32>
      %mul3A_213 = arith.mulf %mul3A_212, %add3A_207 : vector<16xf32>
      %select_n3A_214 = arith.select %ge3A_210, %add3A_207, %mul3A_213 : vector<16xi1>, vector<16xf32>
      %neg3A_215 = arith.constant 0.000000e+00 : f32
      %neg3A_216 = vector.broadcast %neg3A_215 : f32 to vector<16xf32>
      %neg3A_217 = arith.subf %neg3A_216, %select_n3A_214 : vector<16xf32>
      %exp3A_218 = math.exp %neg3A_217 : vector<16xf32>
      %swap3A_219 = arith.constant 32 : index
      %swap3A_220 = tpu.vector_load %arg15[%swap3A_219] {strides = array<i32>} : memref<64xf32, #tpu.memory_space<vmem>>, vector<16xf32>,
      tpu.vector_store %arg15[%swap3A_219], %exp3A_218 {strides = array<i32>} : memref<64xf32, #tpu.memory_space<vmem>>, vector<16xf32>,
      %get3A_221 = arith.constant 48 : index
      %get3A_222 = tpu.vector_load %arg11[%get3A_221] {strides = array<i32>} : memref<64xi32, #tpu.memory_space<vmem>>, vector<16xi32>,
      %get3A_223 = arith.constant 48 : index
      %get3A_224 = tpu.vector_load %arg12[%get3A_223] {strides = array<i32>} : memref<64xi32, #tpu.memory_space<vmem>>, vector<16xi32>,
      %gather3A_225 = tpu.vector_load_idx %arg9[%get3A_222] : memref<10016xi32, #tpu.memory_space<vmem>>[vector<16xi32>], vector<16xi32>,
      %gather3A_226 = tpu.vector_load_idx %arg9[%get3A_224] : memref<10016xi32, #tpu.memory_space<vmem>>[vector<16xi32>], vector<16xi32>,
      %and3A_227 = arith.constant -65536 : i32
      %and3A_228 = vector.broadcast %and3A_227 : i32 to vector<16xi32>
      %and3A_229 = arith.andi %gather3A_225, %and3A_228 : vector<16xi32>
      %bitcast3A_230 = vector.bitcast %and3A_229 : vector<16xi32> to vector<16xf32>
      %shift_left3A_231 = arith.constant 16 : i32
      %shift_left3A_232 = vector.broadcast %shift_left3A_231 : i32 to vector<16xi32>
      %shift_left3A_233 = arith.shli %gather3A_226, %shift_left3A_232 : vector<16xi32>
      %bitcast3A_234 = vector.bitcast %shift_left3A_233 : vector<16xi32> to vector<16xf32>
      %add3A_235 = arith.addf %bitcast3A_230, %bitcast3A_234 : vector<16xf32>
      %ge3A_236 = arith.constant 0.000000e+00 : f32
      %ge3A_237 = vector.broadcast %ge3A_236 : f32 to vector<16xf32>
      %ge3A_238 = arith.cmpf oge, %add3A_235, %ge3A_237 : vector<16xf32>
      %mul3A_239 = arith.constant 0.00999999977 : f32
      %mul3A_240 = vector.broadcast %mul3A_239 : f32 to vector<16xf32>
      %mul3A_241 = arith.mulf %mul3A_240, %add3A_235 : vector<16xf32>
      %select_n3A_242 = arith.select %ge3A_238, %add3A_235, %mul3A_241 : vector<16xi1>, vector<16xf32>
      %neg3A_243 = arith.constant 0.000000e+00 : f32
      %neg3A_244 = vector.broadcast %neg3A_243 : f32 to vector<16xf32>
      %neg3A_245 = arith.subf %neg3A_244, %select_n3A_242 : vector<16xf32>
      %exp3A_246 = math.exp %neg3A_245 : vector<16xf32>
      %swap3A_247 = arith.constant 48 : index
      %swap3A_248 = tpu.vector_load %arg15[%swap3A_247] {strides = array<i32>} : memref<64xf32, #tpu.memory_space<vmem>>, vector<16xf32>,
      tpu.vector_store %arg15[%swap3A_247], %exp3A_246 {strides = array<i32>} : memref<64xf32, #tpu.memory_space<vmem>>, vector<16xf32>,
      %parallel_loop3A = arith.constant 0 : i32
      %parallel_loop3A_249 = arith.constant 64 : i32
      %parallel_loop3A_250 = arith.constant 1 : i32
      scf.for %parallel_loop3A_388 = %parallel_loop3A to %parallel_loop3A_249 step %parallel_loop3A_250  : i32 {
        %parallel_loop3A_389 = vector.broadcast %parallel_loop3A_388 : i32 to vector<16xi32>
        %parallel_loop3A_390 = tpu.vector_load_idx %arg15[%parallel_loop3A_389] : memref<64xf32, #tpu.memory_space<vmem>>[vector<16xi32>], vector<16xf32>,
        %parallel_loop3A_391 = arith.index_cast %parallel_loop3A_388 : i32 to index
        %parallel_loop3A_392 = arith.constant 0 : index
        %parallel_loop3A_393 = tpu.vector_load %arg17[%parallel_loop3A_391, %parallel_loop3A_392] {strides = array<i32>} : memref<64x128xf32, #tpu.memory_space<vmem>>, vector<16xf32>,
        %parallel_loop3A_394 = arith.mulf %parallel_loop3A_393, %parallel_loop3A_390 : vector<16xf32>
        %parallel_loop3A_395 = arith.index_cast %parallel_loop3A_388 : i32 to index
        %parallel_loop3A_396 = arith.constant 0 : index
        %parallel_loop3A_397 = tpu.vector_load %arg17[%parallel_loop3A_395, %parallel_loop3A_396] {strides = array<i32>} : memref<64x128xf32, #tpu.memory_space<vmem>>, vector<16xf32>,
        tpu.vector_store %arg17[%parallel_loop3A_395, %parallel_loop3A_396], %parallel_loop3A_394 {strides = array<i32>} : memref<64x128xf32, #tpu.memory_space<vmem>>, vector<16xf32>,
        %parallel_loop3A_398 = arith.index_cast %parallel_loop3A_388 : i32 to index
        %parallel_loop3A_399 = arith.constant 16 : index
        %parallel_loop3A_400 = tpu.vector_load %arg17[%parallel_loop3A_398, %parallel_loop3A_399] {strides = array<i32>} : memref<64x128xf32, #tpu.memory_space<vmem>>, vector<16xf32>,
        %parallel_loop3A_401 = arith.mulf %parallel_loop3A_400, %parallel_loop3A_390 : vector<16xf32>
        %parallel_loop3A_402 = arith.index_cast %parallel_loop3A_388 : i32 to index
        %parallel_loop3A_403 = arith.constant 16 : index
        %parallel_loop3A_404 = tpu.vector_load %arg17[%parallel_loop3A_402, %parallel_loop3A_403] {strides = array<i32>} : memref<64x128xf32, #tpu.memory_space<vmem>>, vector<16xf32>,
        tpu.vector_store %arg17[%parallel_loop3A_402, %parallel_loop3A_403], %parallel_loop3A_401 {strides = array<i32>} : memref<64x128xf32, #tpu.memory_space<vmem>>, vector<16xf32>,
        %parallel_loop3A_405 = arith.index_cast %parallel_loop3A_388 : i32 to index
        %parallel_loop3A_406 = arith.constant 32 : index
        %parallel_loop3A_407 = tpu.vector_load %arg17[%parallel_loop3A_405, %parallel_loop3A_406] {strides = array<i32>} : memref<64x128xf32, #tpu.memory_space<vmem>>, vector<16xf32>,
        %parallel_loop3A_408 = arith.mulf %parallel_loop3A_407, %parallel_loop3A_390 : vector<16xf32>
        %parallel_loop3A_409 = arith.index_cast %parallel_loop3A_388 : i32 to index
        %parallel_loop3A_410 = arith.constant 32 : index
        %parallel_loop3A_411 = tpu.vector_load %arg17[%parallel_loop3A_409, %parallel_loop3A_410] {strides = array<i32>} : memref<64x128xf32, #tpu.memory_space<vmem>>, vector<16xf32>,
        tpu.vector_store %arg17[%parallel_loop3A_409, %parallel_loop3A_410], %parallel_loop3A_408 {strides = array<i32>} : memref<64x128xf32, #tpu.memory_space<vmem>>, vector<16xf32>,
        %parallel_loop3A_412 = arith.index_cast %parallel_loop3A_388 : i32 to index
        %parallel_loop3A_413 = arith.constant 48 : index
        %parallel_loop3A_414 = tpu.vector_load %arg17[%parallel_loop3A_412, %parallel_loop3A_413] {strides = array<i32>} : memref<64x128xf32, #tpu.memory_space<vmem>>, vector<16xf32>,
        %parallel_loop3A_415 = arith.mulf %parallel_loop3A_414, %parallel_loop3A_390 : vector<16xf32>
        %parallel_loop3A_416 = arith.index_cast %parallel_loop3A_388 : i32 to index
        %parallel_loop3A_417 = arith.constant 48 : index
        %parallel_loop3A_418 = tpu.vector_load %arg17[%parallel_loop3A_416, %parallel_loop3A_417] {strides = array<i32>} : memref<64x128xf32, #tpu.memory_space<vmem>>, vector<16xf32>,
        tpu.vector_store %arg17[%parallel_loop3A_416, %parallel_loop3A_417], %parallel_loop3A_415 {strides = array<i32>} : memref<64x128xf32, #tpu.memory_space<vmem>>, vector<16xf32>,
        %parallel_loop3A_419 = arith.index_cast %parallel_loop3A_388 : i32 to index
        %parallel_loop3A_420 = arith.constant 64 : index
        %parallel_loop3A_421 = tpu.vector_load %arg17[%parallel_loop3A_419, %parallel_loop3A_420] {strides = array<i32>} : memref<64x128xf32, #tpu.memory_space<vmem>>, vector<16xf32>,
        %parallel_loop3A_422 = arith.mulf %parallel_loop3A_421, %parallel_loop3A_390 : vector<16xf32>
        %parallel_loop3A_423 = arith.index_cast %parallel_loop3A_388 : i32 to index
        %parallel_loop3A_424 = arith.constant 64 : index
        %parallel_loop3A_425 = tpu.vector_load %arg17[%parallel_loop3A_423, %parallel_loop3A_424] {strides = array<i32>} : memref<64x128xf32, #tpu.memory_space<vmem>>, vector<16xf32>,
        tpu.vector_store %arg17[%parallel_loop3A_423, %parallel_loop3A_424], %parallel_loop3A_422 {strides = array<i32>} : memref<64x128xf32, #tpu.memory_space<vmem>>, vector<16xf32>,
        %parallel_loop3A_426 = arith.index_cast %parallel_loop3A_388 : i32 to index
        %parallel_loop3A_427 = arith.constant 80 : index
        %parallel_loop3A_428 = tpu.vector_load %arg17[%parallel_loop3A_426, %parallel_loop3A_427] {strides = array<i32>} : memref<64x128xf32, #tpu.memory_space<vmem>>, vector<16xf32>,
        %parallel_loop3A_429 = arith.mulf %parallel_loop3A_428, %parallel_loop3A_390 : vector<16xf32>
        %parallel_loop3A_430 = arith.index_cast %parallel_loop3A_388 : i32 to index
        %parallel_loop3A_431 = arith.constant 80 : index
        %parallel_loop3A_432 = tpu.vector_load %arg17[%parallel_loop3A_430, %parallel_loop3A_431] {strides = array<i32>} : memref<64x128xf32, #tpu.memory_space<vmem>>, vector<16xf32>,
        tpu.vector_store %arg17[%parallel_loop3A_430, %parallel_loop3A_431], %parallel_loop3A_429 {strides = array<i32>} : memref<64x128xf32, #tpu.memory_space<vmem>>, vector<16xf32>,
        %parallel_loop3A_433 = arith.index_cast %parallel_loop3A_388 : i32 to index
        %parallel_loop3A_434 = arith.constant 96 : index
        %parallel_loop3A_435 = tpu.vector_load %arg17[%parallel_loop3A_433, %parallel_loop3A_434] {strides = array<i32>} : memref<64x128xf32, #tpu.memory_space<vmem>>, vector<16xf32>,
        %parallel_loop3A_436 = arith.mulf %parallel_loop3A_435, %parallel_loop3A_390 : vector<16xf32>
        %parallel_loop3A_437 = arith.index_cast %parallel_loop3A_388 : i32 to index
        %parallel_loop3A_438 = arith.constant 96 : index
        %parallel_loop3A_439 = tpu.vector_load %arg17[%parallel_loop3A_437, %parallel_loop3A_438] {strides = array<i32>} : memref<64x128xf32, #tpu.memory_space<vmem>>, vector<16xf32>,
        tpu.vector_store %arg17[%parallel_loop3A_437, %parallel_loop3A_438], %parallel_loop3A_436 {strides = array<i32>} : memref<64x128xf32, #tpu.memory_space<vmem>>, vector<16xf32>,
        %parallel_loop3A_440 = arith.index_cast %parallel_loop3A_388 : i32 to index
        %parallel_loop3A_441 = arith.constant 112 : index
        %parallel_loop3A_442 = tpu.vector_load %arg17[%parallel_loop3A_440, %parallel_loop3A_441] {strides = array<i32>} : memref<64x128xf32, #tpu.memory_space<vmem>>, vector<16xf32>,
        %parallel_loop3A_443 = arith.mulf %parallel_loop3A_442, %parallel_loop3A_390 : vector<16xf32>
        %parallel_loop3A_444 = arith.index_cast %parallel_loop3A_388 : i32 to index
        %parallel_loop3A_445 = arith.constant 112 : index
        %parallel_loop3A_446 = tpu.vector_load %arg17[%parallel_loop3A_444, %parallel_loop3A_445] {strides = array<i32>} : memref<64x128xf32, #tpu.memory_space<vmem>>, vector<16xf32>,
        tpu.vector_store %arg17[%parallel_loop3A_444, %parallel_loop3A_445], %parallel_loop3A_443 {strides = array<i32>} : memref<64x128xf32, #tpu.memory_space<vmem>>, vector<16xf32>,
      } {sc.loop_unroll_factor = 8 : i64, sc.parallel_access}
      %dma_start3A_251 = arith.constant 0 : i32
      %dma_start3A_252 = arith.constant 0 : i32
      %dma_start3A_253 = tpu.memref_slice %arg19[%dma_start3A_251, %dma_start3A_252] : memref<10240x128xf32, #tpu.memory_space<vmem_shared>> -> memref<10240x128xf32, #tpu.memory_space<vmem_shared>>
      tpu.enqueue_indirect_dma source(%arg17 : memref<64x128xf32, #tpu.memory_space<vmem>>) target(%dma_start3A_253 : memref<10240x128xf32, #tpu.memory_space<vmem_shared>>) offsets(%arg11 : memref<64xi32, #tpu.memory_space<vmem>>) semaphore(%arg23 : memref<!tpu.dma_semaphore, #tpu.memory_space<semaphore_mem>>) {add = true}
      %dma_start3A_254 = arith.constant 0 : i32
      %dma_start3A_255 = tpu.memref_slice %arg20[%dma_start3A_254] : memref<10240xf32, #tpu.memory_space<vmem_shared>> -> memref<10240xf32, #tpu.memory_space<vmem_shared>>
      tpu.enqueue_indirect_dma source(%arg15 : memref<64xf32, #tpu.memory_space<vmem>>) target(%dma_start3A_255 : memref<10240xf32, #tpu.memory_space<vmem_shared>>) offsets(%arg11 : memref<64xi32, #tpu.memory_space<vmem>>) semaphore(%arg23 : memref<!tpu.dma_semaphore, #tpu.memory_space<semaphore_mem>>) {add = true}
      %dma_wait3A_256 = arith.constant 0 : i32
      %dma_wait3A_257 = arith.constant 0 : i32
      %dma_wait3A_258 = tpu.memref_slice %arg2[%dma_wait3A_256, %dma_wait3A_257] : memref<10000x128xf32, #tpu.memory_space<hbm>> -> memref<10000x128xf32, #tpu.memory_space<hbm>>
      tpu.wait_indirect_dma semaphore(%arg22 : memref<!tpu.dma_semaphore, #tpu.memory_space<semaphore_mem>>) src(%dma_wait3A_258 : memref<10000x128xf32, #tpu.memory_space<hbm>>) dst(%arg18 : memref<64x128xf32, #tpu.memory_space<vmem>>)
      %get3A_259 = arith.constant 0 : index
      %get3A_260 = tpu.vector_load %arg13[%get3A_259] {strides = array<i32>} : memref<64xi32, #tpu.memory_space<vmem>>, vector<16xi32>,
      %get3A_261 = arith.constant 0 : index
      %get3A_262 = tpu.vector_load %arg14[%get3A_261] {strides = array<i32>} : memref<64xi32, #tpu.memory_space<vmem>>, vector<16xi32>,
      %gather3A_263 = tpu.vector_load_idx %arg9[%get3A_260] : memref<10016xi32, #tpu.memory_space<vmem>>[vector<16xi32>], vector<16xi32>,
      %gather3A_264 = tpu.vector_load_idx %arg9[%get3A_262] : memref<10016xi32, #tpu.memory_space<vmem>>[vector<16xi32>], vector<16xi32>,
      %and3A_265 = arith.constant -65536 : i32
      %and3A_266 = vector.broadcast %and3A_265 : i32 to vector<16xi32>
      %and3A_267 = arith.andi %gather3A_263, %and3A_266 : vector<16xi32>
      %bitcast3A_268 = vector.bitcast %and3A_267 : vector<16xi32> to vector<16xf32>
      %shift_left3A_269 = arith.constant 16 : i32
      %shift_left3A_270 = vector.broadcast %shift_left3A_269 : i32 to vector<16xi32>
      %shift_left3A_271 = arith.shli %gather3A_264, %shift_left3A_270 : vector<16xi32>
      %bitcast3A_272 = vector.bitcast %shift_left3A_271 : vector<16xi32> to vector<16xf32>
      %add3A_273 = arith.addf %bitcast3A_268, %bitcast3A_272 : vector<16xf32>
      %ge3A_274 = arith.constant 0.000000e+00 : f32
      %ge3A_275 = vector.broadcast %ge3A_274 : f32 to vector<16xf32>
      %ge3A_276 = arith.cmpf oge, %add3A_273, %ge3A_275 : vector<16xf32>
      %mul3A_277 = arith.constant 0.00999999977 : f32
      %mul3A_278 = vector.broadcast %mul3A_277 : f32 to vector<16xf32>
      %mul3A_279 = arith.mulf %mul3A_278, %add3A_273 : vector<16xf32>
      %select_n3A_280 = arith.select %ge3A_276, %add3A_273, %mul3A_279 : vector<16xi1>, vector<16xf32>
      %neg3A_281 = arith.constant 0.000000e+00 : f32
      %neg3A_282 = vector.broadcast %neg3A_281 : f32 to vector<16xf32>
      %neg3A_283 = arith.subf %neg3A_282, %select_n3A_280 : vector<16xf32>
      %exp3A_284 = math.exp %neg3A_283 : vector<16xf32>
      %swap3A_285 = arith.constant 0 : index
      %swap3A_286 = tpu.vector_load %arg16[%swap3A_285] {strides = array<i32>} : memref<64xf32, #tpu.memory_space<vmem>>, vector<16xf32>,
      tpu.vector_store %arg16[%swap3A_285], %exp3A_284 {strides = array<i32>} : memref<64xf32, #tpu.memory_space<vmem>>, vector<16xf32>,
      %get3A_287 = arith.constant 16 : index
      %get3A_288 = tpu.vector_load %arg13[%get3A_287] {strides = array<i32>} : memref<64xi32, #tpu.memory_space<vmem>>, vector<16xi32>,
      %get3A_289 = arith.constant 16 : index
      %get3A_290 = tpu.vector_load %arg14[%get3A_289] {strides = array<i32>} : memref<64xi32, #tpu.memory_space<vmem>>, vector<16xi32>,
      %gather3A_291 = tpu.vector_load_idx %arg9[%get3A_288] : memref<10016xi32, #tpu.memory_space<vmem>>[vector<16xi32>], vector<16xi32>,
      %gather3A_292 = tpu.vector_load_idx %arg9[%get3A_290] : memref<10016xi32, #tpu.memory_space<vmem>>[vector<16xi32>], vector<16xi32>,
      %and3A_293 = arith.constant -65536 : i32
      %and3A_294 = vector.broadcast %and3A_293 : i32 to vector<16xi32>
      %and3A_295 = arith.andi %gather3A_291, %and3A_294 : vector<16xi32>
      %bitcast3A_296 = vector.bitcast %and3A_295 : vector<16xi32> to vector<16xf32>
      %shift_left3A_297 = arith.constant 16 : i32
      %shift_left3A_298 = vector.broadcast %shift_left3A_297 : i32 to vector<16xi32>
      %shift_left3A_299 = arith.shli %gather3A_292, %shift_left3A_298 : vector<16xi32>
      %bitcast3A_300 = vector.bitcast %shift_left3A_299 : vector<16xi32> to vector<16xf32>
      %add3A_301 = arith.addf %bitcast3A_296, %bitcast3A_300 : vector<16xf32>
      %ge3A_302 = arith.constant 0.000000e+00 : f32
      %ge3A_303 = vector.broadcast %ge3A_302 : f32 to vector<16xf32>
      %ge3A_304 = arith.cmpf oge, %add3A_301, %ge3A_303 : vector<16xf32>
      %mul3A_305 = arith.constant 0.00999999977 : f32
      %mul3A_306 = vector.broadcast %mul3A_305 : f32 to vector<16xf32>
      %mul3A_307 = arith.mulf %mul3A_306, %add3A_301 : vector<16xf32>
      %select_n3A_308 = arith.select %ge3A_304, %add3A_301, %mul3A_307 : vector<16xi1>, vector<16xf32>
      %neg3A_309 = arith.constant 0.000000e+00 : f32
      %neg3A_310 = vector.broadcast %neg3A_309 : f32 to vector<16xf32>
      %neg3A_311 = arith.subf %neg3A_310, %select_n3A_308 : vector<16xf32>
      %exp3A_312 = math.exp %neg3A_311 : vector<16xf32>
      %swap3A_313 = arith.constant 16 : index
      %swap3A_314 = tpu.vector_load %arg16[%swap3A_313] {strides = array<i32>} : memref<64xf32, #tpu.memory_space<vmem>>, vector<16xf32>,
      tpu.vector_store %arg16[%swap3A_313], %exp3A_312 {strides = array<i32>} : memref<64xf32, #tpu.memory_space<vmem>>, vector<16xf32>,
      %get3A_315 = arith.constant 32 : index
      %get3A_316 = tpu.vector_load %arg13[%get3A_315] {strides = array<i32>} : memref<64xi32, #tpu.memory_space<vmem>>, vector<16xi32>,
      %get3A_317 = arith.constant 32 : index
      %get3A_318 = tpu.vector_load %arg14[%get3A_317] {strides = array<i32>} : memref<64xi32, #tpu.memory_space<vmem>>, vector<16xi32>,
      %gather3A_319 = tpu.vector_load_idx %arg9[%get3A_316] : memref<10016xi32, #tpu.memory_space<vmem>>[vector<16xi32>], vector<16xi32>,
      %gather3A_320 = tpu.vector_load_idx %arg9[%get3A_318] : memref<10016xi32, #tpu.memory_space<vmem>>[vector<16xi32>], vector<16xi32>,
      %and3A_321 = arith.constant -65536 : i32
      %and3A_322 = vector.broadcast %and3A_321 : i32 to vector<16xi32>
      %and3A_323 = arith.andi %gather3A_319, %and3A_322 : vector<16xi32>
      %bitcast3A_324 = vector.bitcast %and3A_323 : vector<16xi32> to vector<16xf32>
      %shift_left3A_325 = arith.constant 16 : i32
      %shift_left3A_326 = vector.broadcast %shift_left3A_325 : i32 to vector<16xi32>
      %shift_left3A_327 = arith.shli %gather3A_320, %shift_left3A_326 : vector<16xi32>
      %bitcast3A_328 = vector.bitcast %shift_left3A_327 : vector<16xi32> to vector<16xf32>
      %add3A_329 = arith.addf %bitcast3A_324, %bitcast3A_328 : vector<16xf32>
      %ge3A_330 = arith.constant 0.000000e+00 : f32
      %ge3A_331 = vector.broadcast %ge3A_330 : f32 to vector<16xf32>
      %ge3A_332 = arith.cmpf oge, %add3A_329, %ge3A_331 : vector<16xf32>
      %mul3A_333 = arith.constant 0.00999999977 : f32
      %mul3A_334 = vector.broadcast %mul3A_333 : f32 to vector<16xf32>
      %mul3A_335 = arith.mulf %mul3A_334, %add3A_329 : vector<16xf32>
      %select_n3A_336 = arith.select %ge3A_332, %add3A_329, %mul3A_335 : vector<16xi1>, vector<16xf32>
      %neg3A_337 = arith.constant 0.000000e+00 : f32
      %neg3A_338 = vector.broadcast %neg3A_337 : f32 to vector<16xf32>
      %neg3A_339 = arith.subf %neg3A_338, %select_n3A_336 : vector<16xf32>
      %exp3A_340 = math.exp %neg3A_339 : vector<16xf32>
      %swap3A_341 = arith.constant 32 : index
      %swap3A_342 = tpu.vector_load %arg16[%swap3A_341] {strides = array<i32>} : memref<64xf32, #tpu.memory_space<vmem>>, vector<16xf32>,
      tpu.vector_store %arg16[%swap3A_341], %exp3A_340 {strides = array<i32>} : memref<64xf32, #tpu.memory_space<vmem>>, vector<16xf32>,
      %get3A_343 = arith.constant 48 : index
      %get3A_344 = tpu.vector_load %arg13[%get3A_343] {strides = array<i32>} : memref<64xi32, #tpu.memory_space<vmem>>, vector<16xi32>,
      %get3A_345 = arith.constant 48 : index
      %get3A_346 = tpu.vector_load %arg14[%get3A_345] {strides = array<i32>} : memref<64xi32, #tpu.memory_space<vmem>>, vector<16xi32>,
      %gather3A_347 = tpu.vector_load_idx %arg9[%get3A_344] : memref<10016xi32, #tpu.memory_space<vmem>>[vector<16xi32>], vector<16xi32>,
      %gather3A_348 = tpu.vector_load_idx %arg9[%get3A_346] : memref<10016xi32, #tpu.memory_space<vmem>>[vector<16xi32>], vector<16xi32>,
      %and3A_349 = arith.constant -65536 : i32
      %and3A_350 = vector.broadcast %and3A_349 : i32 to vector<16xi32>
      %and3A_351 = arith.andi %gather3A_347, %and3A_350 : vector<16xi32>
      %bitcast3A_352 = vector.bitcast %and3A_351 : vector<16xi32> to vector<16xf32>
      %shift_left3A_353 = arith.constant 16 : i32
      %shift_left3A_354 = vector.broadcast %shift_left3A_353 : i32 to vector<16xi32>
      %shift_left3A_355 = arith.shli %gather3A_348, %shift_left3A_354 : vector<16xi32>
      %bitcast3A_356 = vector.bitcast %shift_left3A_355 : vector<16xi32> to vector<16xf32>
      %add3A_357 = arith.addf %bitcast3A_352, %bitcast3A_356 : vector<16xf32>
      %ge3A_358 = arith.constant 0.000000e+00 : f32
      %ge3A_359 = vector.broadcast %ge3A_358 : f32 to vector<16xf32>
      %ge3A_360 = arith.cmpf oge, %add3A_357, %ge3A_359 : vector<16xf32>
      %mul3A_361 = arith.constant 0.00999999977 : f32
      %mul3A_362 = vector.broadcast %mul3A_361 : f32 to vector<16xf32>
      %mul3A_363 = arith.mulf %mul3A_362, %add3A_357 : vector<16xf32>
      %select_n3A_364 = arith.select %ge3A_360, %add3A_357, %mul3A_363 : vector<16xi1>, vector<16xf32>
      %neg3A_365 = arith.constant 0.000000e+00 : f32
      %neg3A_366 = vector.broadcast %neg3A_365 : f32 to vector<16xf32>
      %neg3A_367 = arith.subf %neg3A_366, %select_n3A_364 : vector<16xf32>
      %exp3A_368 = math.exp %neg3A_367 : vector<16xf32>
      %swap3A_369 = arith.constant 48 : index
      %swap3A_370 = tpu.vector_load %arg16[%swap3A_369] {strides = array<i32>} : memref<64xf32, #tpu.memory_space<vmem>>, vector<16xf32>,
      tpu.vector_store %arg16[%swap3A_369], %exp3A_368 {strides = array<i32>} : memref<64xf32, #tpu.memory_space<vmem>>, vector<16xf32>,
      %parallel_loop3A_371 = arith.constant 0 : i32
      %parallel_loop3A_372 = arith.constant 64 : i32
      %parallel_loop3A_373 = arith.constant 1 : i32
      scf.for %parallel_loop3A_388 = %parallel_loop3A_371 to %parallel_loop3A_372 step %parallel_loop3A_373  : i32 {
        %parallel_loop3A_389 = vector.broadcast %parallel_loop3A_388 : i32 to vector<16xi32>
        %parallel_loop3A_390 = tpu.vector_load_idx %arg16[%parallel_loop3A_389] : memref<64xf32, #tpu.memory_space<vmem>>[vector<16xi32>], vector<16xf32>,
        %parallel_loop3A_391 = arith.index_cast %parallel_loop3A_388 : i32 to index
        %parallel_loop3A_392 = arith.constant 0 : index
        %parallel_loop3A_393 = tpu.vector_load %arg18[%parallel_loop3A_391, %parallel_loop3A_392] {strides = array<i32>} : memref<64x128xf32, #tpu.memory_space<vmem>>, vector<16xf32>,
        %parallel_loop3A_394 = arith.mulf %parallel_loop3A_393, %parallel_loop3A_390 : vector<16xf32>
        %parallel_loop3A_395 = arith.index_cast %parallel_loop3A_388 : i32 to index
        %parallel_loop3A_396 = arith.constant 0 : index
        %parallel_loop3A_397 = tpu.vector_load %arg18[%parallel_loop3A_395, %parallel_loop3A_396] {strides = array<i32>} : memref<64x128xf32, #tpu.memory_space<vmem>>, vector<16xf32>,
        tpu.vector_store %arg18[%parallel_loop3A_395, %parallel_loop3A_396], %parallel_loop3A_394 {strides = array<i32>} : memref<64x128xf32, #tpu.memory_space<vmem>>, vector<16xf32>,
        %parallel_loop3A_398 = arith.index_cast %parallel_loop3A_388 : i32 to index
        %parallel_loop3A_399 = arith.constant 16 : index
        %parallel_loop3A_400 = tpu.vector_load %arg18[%parallel_loop3A_398, %parallel_loop3A_399] {strides = array<i32>} : memref<64x128xf32, #tpu.memory_space<vmem>>, vector<16xf32>,
        %parallel_loop3A_401 = arith.mulf %parallel_loop3A_400, %parallel_loop3A_390 : vector<16xf32>
        %parallel_loop3A_402 = arith.index_cast %parallel_loop3A_388 : i32 to index
        %parallel_loop3A_403 = arith.constant 16 : index
        %parallel_loop3A_404 = tpu.vector_load %arg18[%parallel_loop3A_402, %parallel_loop3A_403] {strides = array<i32>} : memref<64x128xf32, #tpu.memory_space<vmem>>, vector<16xf32>,
        tpu.vector_store %arg18[%parallel_loop3A_402, %parallel_loop3A_403], %parallel_loop3A_401 {strides = array<i32>} : memref<64x128xf32, #tpu.memory_space<vmem>>, vector<16xf32>,
        %parallel_loop3A_405 = arith.index_cast %parallel_loop3A_388 : i32 to index
        %parallel_loop3A_406 = arith.constant 32 : index
        %parallel_loop3A_407 = tpu.vector_load %arg18[%parallel_loop3A_405, %parallel_loop3A_406] {strides = array<i32>} : memref<64x128xf32, #tpu.memory_space<vmem>>, vector<16xf32>,
        %parallel_loop3A_408 = arith.mulf %parallel_loop3A_407, %parallel_loop3A_390 : vector<16xf32>
        %parallel_loop3A_409 = arith.index_cast %parallel_loop3A_388 : i32 to index
        %parallel_loop3A_410 = arith.constant 32 : index
        %parallel_loop3A_411 = tpu.vector_load %arg18[%parallel_loop3A_409, %parallel_loop3A_410] {strides = array<i32>} : memref<64x128xf32, #tpu.memory_space<vmem>>, vector<16xf32>,
        tpu.vector_store %arg18[%parallel_loop3A_409, %parallel_loop3A_410], %parallel_loop3A_408 {strides = array<i32>} : memref<64x128xf32, #tpu.memory_space<vmem>>, vector<16xf32>,
        %parallel_loop3A_412 = arith.index_cast %parallel_loop3A_388 : i32 to index
        %parallel_loop3A_413 = arith.constant 48 : index
        %parallel_loop3A_414 = tpu.vector_load %arg18[%parallel_loop3A_412, %parallel_loop3A_413] {strides = array<i32>} : memref<64x128xf32, #tpu.memory_space<vmem>>, vector<16xf32>,
        %parallel_loop3A_415 = arith.mulf %parallel_loop3A_414, %parallel_loop3A_390 : vector<16xf32>
        %parallel_loop3A_416 = arith.index_cast %parallel_loop3A_388 : i32 to index
        %parallel_loop3A_417 = arith.constant 48 : index
        %parallel_loop3A_418 = tpu.vector_load %arg18[%parallel_loop3A_416, %parallel_loop3A_417] {strides = array<i32>} : memref<64x128xf32, #tpu.memory_space<vmem>>, vector<16xf32>,
        tpu.vector_store %arg18[%parallel_loop3A_416, %parallel_loop3A_417], %parallel_loop3A_415 {strides = array<i32>} : memref<64x128xf32, #tpu.memory_space<vmem>>, vector<16xf32>,
        %parallel_loop3A_419 = arith.index_cast %parallel_loop3A_388 : i32 to index
        %parallel_loop3A_420 = arith.constant 64 : index
        %parallel_loop3A_421 = tpu.vector_load %arg18[%parallel_loop3A_419, %parallel_loop3A_420] {strides = array<i32>} : memref<64x128xf32, #tpu.memory_space<vmem>>, vector<16xf32>,
        %parallel_loop3A_422 = arith.mulf %parallel_loop3A_421, %parallel_loop3A_390 : vector<16xf32>
        %parallel_loop3A_423 = arith.index_cast %parallel_loop3A_388 : i32 to index
        %parallel_loop3A_424 = arith.constant 64 : index
        %parallel_loop3A_425 = tpu.vector_load %arg18[%parallel_loop3A_423, %parallel_loop3A_424] {strides = array<i32>} : memref<64x128xf32, #tpu.memory_space<vmem>>, vector<16xf32>,
        tpu.vector_store %arg18[%parallel_loop3A_423, %parallel_loop3A_424], %parallel_loop3A_422 {strides = array<i32>} : memref<64x128xf32, #tpu.memory_space<vmem>>, vector<16xf32>,
        %parallel_loop3A_426 = arith.index_cast %parallel_loop3A_388 : i32 to index
        %parallel_loop3A_427 = arith.constant 80 : index
        %parallel_loop3A_428 = tpu.vector_load %arg18[%parallel_loop3A_426, %parallel_loop3A_427] {strides = array<i32>} : memref<64x128xf32, #tpu.memory_space<vmem>>, vector<16xf32>,
        %parallel_loop3A_429 = arith.mulf %parallel_loop3A_428, %parallel_loop3A_390 : vector<16xf32>
        %parallel_loop3A_430 = arith.index_cast %parallel_loop3A_388 : i32 to index
        %parallel_loop3A_431 = arith.constant 80 : index
        %parallel_loop3A_432 = tpu.vector_load %arg18[%parallel_loop3A_430, %parallel_loop3A_431] {strides = array<i32>} : memref<64x128xf32, #tpu.memory_space<vmem>>, vector<16xf32>,
        tpu.vector_store %arg18[%parallel_loop3A_430, %parallel_loop3A_431], %parallel_loop3A_429 {strides = array<i32>} : memref<64x128xf32, #tpu.memory_space<vmem>>, vector<16xf32>,
        %parallel_loop3A_433 = arith.index_cast %parallel_loop3A_388 : i32 to index
        %parallel_loop3A_434 = arith.constant 96 : index
        %parallel_loop3A_435 = tpu.vector_load %arg18[%parallel_loop3A_433, %parallel_loop3A_434] {strides = array<i32>} : memref<64x128xf32, #tpu.memory_space<vmem>>, vector<16xf32>,
        %parallel_loop3A_436 = arith.mulf %parallel_loop3A_435, %parallel_loop3A_390 : vector<16xf32>
        %parallel_loop3A_437 = arith.index_cast %parallel_loop3A_388 : i32 to index
        %parallel_loop3A_438 = arith.constant 96 : index
        %parallel_loop3A_439 = tpu.vector_load %arg18[%parallel_loop3A_437, %parallel_loop3A_438] {strides = array<i32>} : memref<64x128xf32, #tpu.memory_space<vmem>>, vector<16xf32>,
        tpu.vector_store %arg18[%parallel_loop3A_437, %parallel_loop3A_438], %parallel_loop3A_436 {strides = array<i32>} : memref<64x128xf32, #tpu.memory_space<vmem>>, vector<16xf32>,
        %parallel_loop3A_440 = arith.index_cast %parallel_loop3A_388 : i32 to index
        %parallel_loop3A_441 = arith.constant 112 : index
        %parallel_loop3A_442 = tpu.vector_load %arg18[%parallel_loop3A_440, %parallel_loop3A_441] {strides = array<i32>} : memref<64x128xf32, #tpu.memory_space<vmem>>, vector<16xf32>,
        %parallel_loop3A_443 = arith.mulf %parallel_loop3A_442, %parallel_loop3A_390 : vector<16xf32>
        %parallel_loop3A_444 = arith.index_cast %parallel_loop3A_388 : i32 to index
        %parallel_loop3A_445 = arith.constant 112 : index
        %parallel_loop3A_446 = tpu.vector_load %arg18[%parallel_loop3A_444, %parallel_loop3A_445] {strides = array<i32>} : memref<64x128xf32, #tpu.memory_space<vmem>>, vector<16xf32>,
        tpu.vector_store %arg18[%parallel_loop3A_444, %parallel_loop3A_445], %parallel_loop3A_443 {strides = array<i32>} : memref<64x128xf32, #tpu.memory_space<vmem>>, vector<16xf32>,
      } {sc.loop_unroll_factor = 8 : i64, sc.parallel_access}
      %dma_wait3A_374 = arith.constant 0 : i32
      %dma_wait3A_375 = arith.constant 0 : i32
      %dma_wait3A_376 = tpu.memref_slice %arg19[%dma_wait3A_374, %dma_wait3A_375] : memref<10240x128xf32, #tpu.memory_space<vmem_shared>> -> memref<10240x128xf32, #tpu.memory_space<vmem_shared>>
      tpu.wait_indirect_dma semaphore(%arg23 : memref<!tpu.dma_semaphore, #tpu.memory_space<semaphore_mem>>) src(%arg17 : memref<64x128xf32, #tpu.memory_space<vmem>>) dst(%dma_wait3A_376 : memref<10240x128xf32, #tpu.memory_space<vmem_shared>>)
      %dma_wait3A_377 = arith.constant 0 : i32
      %dma_wait3A_378 = tpu.memref_slice %arg20[%dma_wait3A_377] : memref<10240xf32, #tpu.memory_space<vmem_shared>> -> memref<10240xf32, #tpu.memory_space<vmem_shared>>
      tpu.wait_indirect_dma semaphore(%arg23 : memref<!tpu.dma_semaphore, #tpu.memory_space<semaphore_mem>>) src(%arg15 : memref<64xf32, #tpu.memory_space<vmem>>) dst(%dma_wait3A_378 : memref<10240xf32, #tpu.memory_space<vmem_shared>>)
      %lt3A = arith.constant 79 : i32
      %lt3A_379 = arith.cmpi slt, %scan3A_77, %lt3A : i32
      %convert_element_type3A_380 = arith.extui %lt3A_379 : i1 to i32
      %cond3A_381 = arith.constant 0 : i32
      %cond3A_382 = arith.cmpi ne, %convert_element_type3A_380, %cond3A_381 : i32
      scf.if %cond3A_382 {
        %add3A_388 = arith.constant 1 : i32
        %add3A_389 = arith.addi %scan3A_77, %add3A_388 : i32
        %get3A_390 = arith.index_cast %add3A_389 : i32 to index
        %get3A_391 = arith.constant 0 : index
        %get3A_392 = tpu.vector_load %arg10[%get3A_390, %get3A_391] {strides = array<i32>} : memref<80x128xi32, #tpu.memory_space<vmem>>, vector<16xi32>,
        %shift_right_arithmetic3A_393 = arith.constant 16 : i32
        %shift_right_arithmetic3A_394 = vector.broadcast %shift_right_arithmetic3A_393 : i32 to vector<16xi32>
        %shift_right_arithmetic3A_395 = arith.shrsi %get3A_392, %shift_right_arithmetic3A_394 : vector<16xi32>
        %swap3A_396 = arith.constant 0 : index
        %swap3A_397 = tpu.vector_load %arg11[%swap3A_396] {strides = array<i32>} : memref<64xi32, #tpu.memory_space<vmem>>, vector<16xi32>,
        tpu.vector_store %arg11[%swap3A_396], %shift_right_arithmetic3A_395 {strides = array<i32>} : memref<64xi32, #tpu.memory_space<vmem>>, vector<16xi32>,
        %and3A_398 = arith.constant 65535 : i32
        %and3A_399 = vector.broadcast %and3A_398 : i32 to vector<16xi32>
        %and3A_400 = arith.andi %get3A_392, %and3A_399 : vector<16xi32>
        %swap3A_401 = arith.constant 0 : index
        %swap3A_402 = tpu.vector_load %arg12[%swap3A_401] {strides = array<i32>} : memref<64xi32, #tpu.memory_space<vmem>>, vector<16xi32>,
        tpu.vector_store %arg12[%swap3A_401], %and3A_400 {strides = array<i32>} : memref<64xi32, #tpu.memory_space<vmem>>, vector<16xi32>,
        %get3A_403 = arith.index_cast %add3A_389 : i32 to index
        %get3A_404 = arith.constant 16 : index
        %get3A_405 = tpu.vector_load %arg10[%get3A_403, %get3A_404] {strides = array<i32>} : memref<80x128xi32, #tpu.memory_space<vmem>>, vector<16xi32>,
        %shift_right_arithmetic3A_406 = arith.constant 16 : i32
        %shift_right_arithmetic3A_407 = vector.broadcast %shift_right_arithmetic3A_406 : i32 to vector<16xi32>
        %shift_right_arithmetic3A_408 = arith.shrsi %get3A_405, %shift_right_arithmetic3A_407 : vector<16xi32>
        %swap3A_409 = arith.constant 16 : index
        %swap3A_410 = tpu.vector_load %arg11[%swap3A_409] {strides = array<i32>} : memref<64xi32, #tpu.memory_space<vmem>>, vector<16xi32>,
        tpu.vector_store %arg11[%swap3A_409], %shift_right_arithmetic3A_408 {strides = array<i32>} : memref<64xi32, #tpu.memory_space<vmem>>, vector<16xi32>,
        %and3A_411 = arith.constant 65535 : i32
        %and3A_412 = vector.broadcast %and3A_411 : i32 to vector<16xi32>
        %and3A_413 = arith.andi %get3A_405, %and3A_412 : vector<16xi32>
        %swap3A_414 = arith.constant 16 : index
        %swap3A_415 = tpu.vector_load %arg12[%swap3A_414] {strides = array<i32>} : memref<64xi32, #tpu.memory_space<vmem>>, vector<16xi32>,
        tpu.vector_store %arg12[%swap3A_414], %and3A_413 {strides = array<i32>} : memref<64xi32, #tpu.memory_space<vmem>>, vector<16xi32>,
        %get3A_416 = arith.index_cast %add3A_389 : i32 to index
        %get3A_417 = arith.constant 32 : index
        %get3A_418 = tpu.vector_load %arg10[%get3A_416, %get3A_417] {strides = array<i32>} : memref<80x128xi32, #tpu.memory_space<vmem>>, vector<16xi32>,
        %shift_right_arithmetic3A_419 = arith.constant 16 : i32
        %shift_right_arithmetic3A_420 = vector.broadcast %shift_right_arithmetic3A_419 : i32 to vector<16xi32>
        %shift_right_arithmetic3A_421 = arith.shrsi %get3A_418, %shift_right_arithmetic3A_420 : vector<16xi32>
        %swap3A_422 = arith.constant 32 : index
        %swap3A_423 = tpu.vector_load %arg11[%swap3A_422] {strides = array<i32>} : memref<64xi32, #tpu.memory_space<vmem>>, vector<16xi32>,
        tpu.vector_store %arg11[%swap3A_422], %shift_right_arithmetic3A_421 {strides = array<i32>} : memref<64xi32, #tpu.memory_space<vmem>>, vector<16xi32>,
        %and3A_424 = arith.constant 65535 : i32
        %and3A_425 = vector.broadcast %and3A_424 : i32 to vector<16xi32>
        %and3A_426 = arith.andi %get3A_418, %and3A_425 : vector<16xi32>
        %swap3A_427 = arith.constant 32 : index
        %swap3A_428 = tpu.vector_load %arg12[%swap3A_427] {strides = array<i32>} : memref<64xi32, #tpu.memory_space<vmem>>, vector<16xi32>,
        tpu.vector_store %arg12[%swap3A_427], %and3A_426 {strides = array<i32>} : memref<64xi32, #tpu.memory_space<vmem>>, vector<16xi32>,
        %get3A_429 = arith.index_cast %add3A_389 : i32 to index
        %get3A_430 = arith.constant 48 : index
        %get3A_431 = tpu.vector_load %arg10[%get3A_429, %get3A_430] {strides = array<i32>} : memref<80x128xi32, #tpu.memory_space<vmem>>, vector<16xi32>,
        %shift_right_arithmetic3A_432 = arith.constant 16 : i32
        %shift_right_arithmetic3A_433 = vector.broadcast %shift_right_arithmetic3A_432 : i32 to vector<16xi32>
        %shift_right_arithmetic3A_434 = arith.shrsi %get3A_431, %shift_right_arithmetic3A_433 : vector<16xi32>
        %swap3A_435 = arith.constant 48 : index
        %swap3A_436 = tpu.vector_load %arg11[%swap3A_435] {strides = array<i32>} : memref<64xi32, #tpu.memory_space<vmem>>, vector<16xi32>,
        tpu.vector_store %arg11[%swap3A_435], %shift_right_arithmetic3A_434 {strides = array<i32>} : memref<64xi32, #tpu.memory_space<vmem>>, vector<16xi32>,
        %and3A_437 = arith.constant 65535 : i32
        %and3A_438 = vector.broadcast %and3A_437 : i32 to vector<16xi32>
        %and3A_439 = arith.andi %get3A_431, %and3A_438 : vector<16xi32>
        %swap3A_440 = arith.constant 48 : index
        %swap3A_441 = tpu.vector_load %arg12[%swap3A_440] {strides = array<i32>} : memref<64xi32, #tpu.memory_space<vmem>>, vector<16xi32>,
        tpu.vector_store %arg12[%swap3A_440], %and3A_439 {strides = array<i32>} : memref<64xi32, #tpu.memory_space<vmem>>, vector<16xi32>,
        %dma_start3A_442 = arith.constant 0 : i32
        %dma_start3A_443 = arith.constant 0 : i32
        %dma_start3A_444 = tpu.memref_slice %arg2[%dma_start3A_442, %dma_start3A_443] : memref<10000x128xf32, #tpu.memory_space<hbm>> -> memref<10000x128xf32, #tpu.memory_space<hbm>>
        tpu.enqueue_indirect_dma source(%dma_start3A_444 : memref<10000x128xf32, #tpu.memory_space<hbm>>) target(%arg17 : memref<64x128xf32, #tpu.memory_space<vmem>>) offsets(%arg12 : memref<64xi32, #tpu.memory_space<vmem>>) semaphore(%arg21 : memref<!tpu.dma_semaphore, #tpu.memory_space<semaphore_mem>>)
      } else {
      }
      %dma_start3A_383 = arith.constant 0 : i32
      %dma_start3A_384 = arith.constant 0 : i32
      %dma_start3A_385 = tpu.memref_slice %arg19[%dma_start3A_383, %dma_start3A_384] : memref<10240x128xf32, #tpu.memory_space<vmem_shared>> -> memref<10240x128xf32, #tpu.memory_space<vmem_shared>>
      tpu.enqueue_indirect_dma source(%arg18 : memref<64x128xf32, #tpu.memory_space<vmem>>) target(%dma_start3A_385 : memref<10240x128xf32, #tpu.memory_space<vmem_shared>>) offsets(%arg13 : memref<64xi32, #tpu.memory_space<vmem>>) semaphore(%arg24 : memref<!tpu.dma_semaphore, #tpu.memory_space<semaphore_mem>>) {add = true}
      %dma_start3A_386 = arith.constant 0 : i32
      %dma_start3A_387 = tpu.memref_slice %arg20[%dma_start3A_386] : memref<10240xf32, #tpu.memory_space<vmem_shared>> -> memref<10240xf32, #tpu.memory_space<vmem_shared>>
      tpu.enqueue_indirect_dma source(%arg16 : memref<64xf32, #tpu.memory_space<vmem>>) target(%dma_start3A_387 : memref<10240xf32, #tpu.memory_space<vmem_shared>>) offsets(%arg13 : memref<64xi32, #tpu.memory_space<vmem>>) semaphore(%arg24 : memref<!tpu.dma_semaphore, #tpu.memory_space<semaphore_mem>>) {add = true}
    }
    %scan3A_63 = arith.constant 80 : i32
    %dma_wait3A = arith.constant 0 : i32
    %dma_wait3A_64 = arith.constant 0 : i32
    %dma_wait3A_65 = tpu.memref_slice %arg19[%dma_wait3A, %dma_wait3A_64] : memref<10240x128xf32, #tpu.memory_space<vmem_shared>> -> memref<10240x128xf32, #tpu.memory_space<vmem_shared>>
    tpu.wait_indirect_dma semaphore(%arg24 : memref<!tpu.dma_semaphore, #tpu.memory_space<semaphore_mem>>) src(%arg18 : memref<64x128xf32, #tpu.memory_space<vmem>>) dst(%dma_wait3A_65 : memref<10240x128xf32, #tpu.memory_space<vmem_shared>>)
    %dma_wait3A_66 = arith.constant 0 : i32
    %dma_wait3A_67 = tpu.memref_slice %arg20[%dma_wait3A_66] : memref<10240xf32, #tpu.memory_space<vmem_shared>> -> memref<10240xf32, #tpu.memory_space<vmem_shared>>
    tpu.wait_indirect_dma semaphore(%arg24 : memref<!tpu.dma_semaphore, #tpu.memory_space<semaphore_mem>>) src(%arg16 : memref<64xf32, #tpu.memory_space<vmem>>) dst(%dma_wait3A_67 : memref<10240xf32, #tpu.memory_space<vmem_shared>>)
    %barrier3A_68 = arith.constant 0 : index
    tpu.barrier barrier_id(%barrier3A_68)
    %mul3A_69 = arith.constant 640 : i32
    %mul3A_70 = arith.muli %arg1, %mul3A_69 : i32
    %mul3A_71 = arith.constant 640 : i32
    %mul3A_72 = arith.muli %arg1, %mul3A_71 : i32
    "tpu.region"() ({
      %run_scoped3A = tpu.sem_alloc : memref<!tpu.dma_semaphore, #tpu.memory_space<semaphore_mem>>
      %dma_start3A_77 = arith.constant 0 : i32
      %dma_start3A_78 = tpu.memref_slice %arg7[%arg0, %mul3A_72, %dma_start3A_77] : memref<2x10240x128xf32, #tpu.memory_space<hbm>> -> memref<1x640x128xf32, #tpu.memory_space<hbm>>
      %dma_start3A_79 = tpu.memref_squeeze %dma_start3A_78 : memref<1x640x128xf32, #tpu.memory_space<hbm>> -> memref<640x128xf32, #tpu.memory_space<hbm>>
      %dma_start3A_80 = arith.constant 0 : i32
      %dma_start3A_81 = tpu.memref_slice %arg19[%mul3A_70, %dma_start3A_80] : memref<10240x128xf32, #tpu.memory_space<vmem_shared>> -> memref<640x128xf32, #tpu.memory_space<vmem_shared>>
      tpu.enqueue_dma source(%dma_start3A_81 : memref<640x128xf32, #tpu.memory_space<vmem_shared>>) target(%dma_start3A_79 : memref<640x128xf32, #tpu.memory_space<hbm>>) target_semaphore(%run_scoped3A : memref<!tpu.dma_semaphore, #tpu.memory_space<semaphore_mem>>)
      %dma_wait3A_82 = arith.constant 0 : i32
      %dma_wait3A_83 = tpu.memref_slice %arg7[%arg0, %mul3A_72, %dma_wait3A_82] : memref<2x10240x128xf32, #tpu.memory_space<hbm>> -> memref<1x640x128xf32, #tpu.memory_space<hbm>>
      %dma_wait3A_84 = tpu.memref_squeeze %dma_wait3A_83 : memref<1x640x128xf32, #tpu.memory_space<hbm>> -> memref<640x128xf32, #tpu.memory_space<hbm>>
      %dma_wait3A_85 = arith.constant 0 : i32
      %dma_wait3A_86 = tpu.memref_slice %arg19[%mul3A_70, %dma_wait3A_85] : memref<10240x128xf32, #tpu.memory_space<vmem_shared>> -> memref<640x128xf32, #tpu.memory_space<vmem_shared>>
      tpu.wait_dma2 semaphore(%run_scoped3A : memref<!tpu.dma_semaphore, #tpu.memory_space<semaphore_mem>>) src(%dma_wait3A_86 : memref<640x128xf32, #tpu.memory_space<vmem_shared>>) dst(%dma_wait3A_84 : memref<640x128xf32, #tpu.memory_space<hbm>>)
      tpu.yield
    }) : () -> ()
    %mul3A_73 = arith.constant 640 : i32
    %mul3A_74 = arith.muli %arg1, %mul3A_73 : i32
    %mul3A_75 = arith.constant 640 : i32
    %mul3A_76 = arith.muli %arg1, %mul3A_75 : i32
    "tpu.region"() ({
      %run_scoped3A = tpu.sem_alloc : memref<!tpu.dma_semaphore, #tpu.memory_space<semaphore_mem>>
      %dma_start3A_77 = tpu.memref_slice %arg8[%arg0, %mul3A_76] : memref<2x10240xf32, #tpu.memory_space<hbm>> -> memref<1x640xf32, #tpu.memory_space<hbm>>
      %dma_start3A_78 = tpu.memref_squeeze %dma_start3A_77 : memref<1x640xf32, #tpu.memory_space<hbm>> -> memref<640xf32, #tpu.memory_space<hbm>>
      %dma_start3A_79 = tpu.memref_slice %arg20[%mul3A_74] : memref<10240xf32, #tpu.memory_space<vmem_shared>> -> memref<640xf32, #tpu.memory_space<vmem_shared>>
      tpu.enqueue_dma source(%dma_start3A_79 : memref<640xf32, #tpu.memory_space<vmem_shared>>) target(%dma_start3A_78 : memref<640xf32, #tpu.memory_space<hbm>>) target_semaphore(%run_scoped3A : memref<!tpu.dma_semaphore, #tpu.memory_space<semaphore_mem>>)
      %dma_wait3A_80 = tpu.memref_slice %arg8[%arg0, %mul3A_76] : memref<2x10240xf32, #tpu.memory_space<hbm>> -> memref<1x640xf32, #tpu.memory_space<hbm>>
      %dma_wait3A_81 = tpu.memref_squeeze %dma_wait3A_80 : memref<1x640xf32, #tpu.memory_space<hbm>> -> memref<640xf32, #tpu.memory_space<hbm>>
      %dma_wait3A_82 = tpu.memref_slice %arg20[%mul3A_74] : memref<10240xf32, #tpu.memory_space<vmem_shared>> -> memref<640xf32, #tpu.memory_space<vmem_shared>>
      tpu.wait_dma2 semaphore(%run_scoped3A : memref<!tpu.dma_semaphore, #tpu.memory_space<semaphore_mem>>) src(%dma_wait3A_82 : memref<640xf32, #tpu.memory_space<vmem_shared>>) dst(%dma_wait3A_81 : memref<640xf32, #tpu.memory_space<hbm>>)
      tpu.yield
    }) : () -> ()
    return
  }
}

#map = affine_map<(d0, d1) -> (0, 0)>
#map1 = affine_map<(d0, d1) -> (0)>
#map2 = affine_map<(d0, d1) -> (0, 0, 0)>
module attributes {stable_mosaic.version = 14 : i64} {
  func.func @_sc_gat(%arg0: i32, %arg1: i32, %arg2: memref<10000x128xf32, #tpu.memory_space<hbm>>, %arg3: memref<10016xi32, #tpu.memory_space<hbm>>, %arg4: memref<32x80x128xi32, #tpu.memory_space<hbm>>, %arg5: memref<640x128xf32, #tpu.memory_space<hbm>>, %arg6: memref<640xf32, #tpu.memory_space<hbm>>, %arg7: memref<2x10240x128xf32, #tpu.memory_space<hbm>>, %arg8: memref<2x10240xf32, #tpu.memory_space<hbm>>, %arg9: memref<10016xi32, #tpu.memory_space<vmem>>, %arg10: memref<80x128xi32, #tpu.memory_space<vmem>>, %arg11: memref<64xi32, #tpu.memory_space<vmem>>, %arg12: memref<64xi32, #tpu.memory_space<vmem>>, %arg13: memref<64xi32, #tpu.memory_space<vmem>>, %arg14: memref<64xi32, #tpu.memory_space<vmem>>, %arg15: memref<64xf32, #tpu.memory_space<vmem>>, %arg16: memref<64xf32, #tpu.memory_space<vmem>>, %arg17: memref<64x128xf32, #tpu.memory_space<vmem>>, %arg18: memref<64x128xf32, #tpu.memory_space<vmem>>, %arg19: memref<10240x128xf32, #tpu.memory_space<vmem_shared>>, %arg20: memref<10240xf32, #tpu.memory_space<vmem_shared>>, %arg21: memref<!tpu.dma_semaphore, #tpu.memory_space<semaphore_mem>>, %arg22: memref<!tpu.dma_semaphore, #tpu.memory_space<semaphore_mem>>, %arg23: memref<!tpu.dma_semaphore, #tpu.memory_space<semaphore_mem>>, %arg24: memref<!tpu.dma_semaphore, #tpu.memory_space<semaphore_mem>>) attributes {dimension_semantics = [#tpu.dimension_semantics<core_parallel>, #tpu.dimension_semantics<subcore_parallel>], iteration_bounds = array<i64: 2, 16>, scalar_prefetch = 0 : i64, scratch_operands = 16 : i64, tpu.core_type = #tpu.core_type<sc_vector_subcore>, window_params = [{transform_indices = #map}, {transform_indices = #map1}, {transform_indices = #map2}, {transform_indices = #map}, {transform_indices = #map1}, {transform_indices = #map2}, {transform_indices = #map}]} {
    %mul3A = arith.constant 16 : i32
    %mul3A_0 = arith.muli %arg0, %mul3A : i32
    %add3A = arith.addi %mul3A_0, %arg1 : i32
    "tpu.region"() ({
      %run_scoped3A = tpu.sem_alloc : memref<!tpu.dma_semaphore, #tpu.memory_space<semaphore_mem>>
      tpu.enqueue_dma source(%arg3 : memref<10016xi32, #tpu.memory_space<hbm>>) target(%arg9 : memref<10016xi32, #tpu.memory_space<vmem>>) target_semaphore(%run_scoped3A : memref<!tpu.dma_semaphore, #tpu.memory_space<semaphore_mem>>)
      tpu.wait_dma2 semaphore(%run_scoped3A : memref<!tpu.dma_semaphore, #tpu.memory_space<semaphore_mem>>) src(%arg3 : memref<10016xi32, #tpu.memory_space<hbm>>) dst(%arg9 : memref<10016xi32, #tpu.memory_space<vmem>>)
      tpu.yield
    }) : () -> ()
    "tpu.region"() ({
      %run_scoped3A = tpu.sem_alloc : memref<!tpu.dma_semaphore, #tpu.memory_space<semaphore_mem>>
      %dma_start3A_77 = arith.constant 0 : i32
      %dma_start3A_78 = arith.constant 0 : i32
      %dma_start3A_79 = tpu.memref_slice %arg4[%add3A, %dma_start3A_77, %dma_start3A_78] : memref<32x80x128xi32, #tpu.memory_space<hbm>> -> memref<1x80x128xi32, #tpu.memory_space<hbm>>
      %dma_start3A_80 = tpu.memref_squeeze %dma_start3A_79 : memref<1x80x128xi32, #tpu.memory_space<hbm>> -> memref<80x128xi32, #tpu.memory_space<hbm>>
      %dma_start3A_81 = arith.constant 0 : i32
      %dma_start3A_82 = arith.constant 0 : i32
      %dma_start3A_83 = tpu.memref_slice %arg4[%add3A, %dma_start3A_81, %dma_start3A_82] : memref<32x80x128xi32, #tpu.memory_space<hbm>> -> memref<1x80x128xi32, #tpu.memory_space<hbm>>
      %dma_start3A_84 = tpu.memref_squeeze %dma_start3A_83 : memref<1x80x128xi32, #tpu.memory_space<hbm>> -> memref<80x128xi32, #tpu.memory_space<hbm>>
      tpu.enqueue_dma source(%dma_start3A_84 : memref<80x128xi32, #tpu.memory_space<hbm>>) target(%arg10 : memref<80x128xi32, #tpu.memory_space<vmem>>) target_semaphore(%run_scoped3A : memref<!tpu.dma_semaphore, #tpu.memory_space<semaphore_mem>>)
      %dma_wait3A_85 = arith.constant 0 : i32
      %dma_wait3A_86 = arith.constant 0 : i32
      %dma_wait3A_87 = tpu.memref_slice %arg4[%add3A, %dma_wait3A_85, %dma_wait3A_86] : memref<32x80x128xi32, #tpu.memory_space<hbm>> -> memref<1x80x128xi32, #tpu.memory_space<hbm>>
      %dma_wait3A_88 = tpu.memref_squeeze %dma_wait3A_87 : memref<1x80x128xi32, #tpu.memory_space<hbm>> -> memref<80x128xi32, #tpu.memory_space<hbm>>
      %dma_wait3A_89 = arith.constant 0 : i32
      %dma_wait3A_90 = arith.constant 0 : i32
      %dma_wait3A_91 = tpu.memref_slice %arg4[%add3A, %dma_wait3A_89, %dma_wait3A_90] : memref<32x80x128xi32, #tpu.memory_space<hbm>> -> memref<1x80x128xi32, #tpu.memory_space<hbm>>
      %dma_wait3A_92 = tpu.memref_squeeze %dma_wait3A_91 : memref<1x80x128xi32, #tpu.memory_space<hbm>> -> memref<80x128xi32, #tpu.memory_space<hbm>>
      tpu.wait_dma2 semaphore(%run_scoped3A : memref<!tpu.dma_semaphore, #tpu.memory_space<semaphore_mem>>) src(%dma_wait3A_92 : memref<80x128xi32, #tpu.memory_space<hbm>>) dst(%arg10 : memref<80x128xi32, #tpu.memory_space<vmem>>)
      tpu.yield
    }) : () -> ()
    %mul3A_1 = arith.constant 640 : i32
    %mul3A_2 = arith.muli %arg1, %mul3A_1 : i32
    "tpu.region"() ({
      %run_scoped3A = tpu.sem_alloc : memref<!tpu.dma_semaphore, #tpu.memory_space<semaphore_mem>>
      %dma_start3A_77 = arith.constant 0 : i32
      %dma_start3A_78 = tpu.memref_slice %arg19[%mul3A_2, %dma_start3A_77] : memref<10240x128xf32, #tpu.memory_space<vmem_shared>> -> memref<640x128xf32, #tpu.memory_space<vmem_shared>>
      tpu.enqueue_dma source(%arg5 : memref<640x128xf32, #tpu.memory_space<hbm>>) target(%dma_start3A_78 : memref<640x128xf32, #tpu.memory_space<vmem_shared>>) target_semaphore(%run_scoped3A : memref<!tpu.dma_semaphore, #tpu.memory_space<semaphore_mem>>)
      %dma_wait3A_79 = arith.constant 0 : i32
      %dma_wait3A_80 = tpu.memref_slice %arg19[%mul3A_2, %dma_wait3A_79] : memref<10240x128xf32, #tpu.memory_space<vmem_shared>> -> memref<640x128xf32, #tpu.memory_space<vmem_shared>>
      tpu.wait_dma2 semaphore(%run_scoped3A : memref<!tpu.dma_semaphore, #tpu.memory_space<semaphore_mem>>) src(%arg5 : memref<640x128xf32, #tpu.memory_space<hbm>>) dst(%dma_wait3A_80 : memref<640x128xf32, #tpu.memory_space<vmem_shared>>)
      tpu.yield
    }) : () -> ()
    %mul3A_3 = arith.constant 640 : i32
    %mul3A_4 = arith.muli %arg1, %mul3A_3 : i32
    "tpu.region"() ({
      %run_scoped3A = tpu.sem_alloc : memref<!tpu.dma_semaphore, #tpu.memory_space<semaphore_mem>>
      %dma_start3A_77 = tpu.memref_slice %arg20[%mul3A_4] : memref<10240xf32, #tpu.memory_space<vmem_shared>> -> memref<640xf32, #tpu.memory_space<vmem_shared>>
      tpu.enqueue_dma source(%arg6 : memref<640xf32, #tpu.memory_space<hbm>>) target(%dma_start3A_77 : memref<640xf32, #tpu.memory_space<vmem_shared>>) target_semaphore(%run_scoped3A : memref<!tpu.dma_semaphore, #tpu.memory_space<semaphore_mem>>)
      %dma_wait3A_78 = tpu.memref_slice %arg20[%mul3A_4] : memref<10240xf32, #tpu.memory_space<vmem_shared>> -> memref<640xf32, #tpu.memory_space<vmem_shared>>
      tpu.wait_dma2 semaphore(%run_scoped3A : memref<!tpu.dma_semaphore, #tpu.memory_space<semaphore_mem>>) src(%arg6 : memref<640xf32, #tpu.memory_space<hbm>>) dst(%dma_wait3A_78 : memref<640xf32, #tpu.memory_space<vmem_shared>>)
      tpu.yield
    }) : () -> ()
    %barrier3A = arith.constant 0 : index
    tpu.barrier barrier_id(%barrier3A)
    %get3A = arith.constant 0 : i32
    %get3A_5 = arith.index_cast %get3A : i32 to index
    %get3A_6 = arith.constant 0 : index
    %get3A_7 = tpu.vector_load %arg10[%get3A_5, %get3A_6] {strides = array<i32>} : memref<80x128xi32, #tpu.memory_space<vmem>>, vector<16xi32>,
    %shift_right_arithmetic3A = arith.constant 16 : i32
    %shift_right_arithmetic3A_8 = vector.broadcast %shift_right_arithmetic3A : i32 to vector<16xi32>
    %shift_right_arithmetic3A_9 = arith.shrsi %get3A_7, %shift_right_arithmetic3A_8 : vector<16xi32>
    %swap3A = arith.constant 0 : index
    %swap3A_10 = tpu.vector_load %arg11[%swap3A] {strides = array<i32>} : memref<64xi32, #tpu.memory_space<vmem>>, vector<16xi32>,
    tpu.vector_store %arg11[%swap3A], %shift_right_arithmetic3A_9 {strides = array<i32>} : memref<64xi32, #tpu.memory_space<vmem>>, vector<16xi32>,
    %and3A = arith.constant 65535 : i32
    %and3A_11 = vector.broadcast %and3A : i32 to vector<16xi32>
    %and3A_12 = arith.andi %get3A_7, %and3A_11 : vector<16xi32>
    %swap3A_13 = arith.constant 0 : index
    %swap3A_14 = tpu.vector_load %arg12[%swap3A_13] {strides = array<i32>} : memref<64xi32, #tpu.memory_space<vmem>>, vector<16xi32>,
    tpu.vector_store %arg12[%swap3A_13], %and3A_12 {strides = array<i32>} : memref<64xi32, #tpu.memory_space<vmem>>, vector<16xi32>,
    %get3A_15 = arith.constant 0 : i32
    %get3A_16 = arith.index_cast %get3A_15 : i32 to index
    %get3A_17 = arith.constant 16 : index
    %get3A_18 = tpu.vector_load %arg10[%get3A_16, %get3A_17] {strides = array<i32>} : memref<80x128xi32, #tpu.memory_space<vmem>>, vector<16xi32>,
    %shift_right_arithmetic3A_19 = arith.constant 16 : i32
    %shift_right_arithmetic3A_20 = vector.broadcast %shift_right_arithmetic3A_19 : i32 to vector<16xi32>
    %shift_right_arithmetic3A_21 = arith.shrsi %get3A_18, %shift_right_arithmetic3A_20 : vector<16xi32>
    %swap3A_22 = arith.constant 16 : index
    %swap3A_23 = tpu.vector_load %arg11[%swap3A_22] {strides = array<i32>} : memref<64xi32, #tpu.memory_space<vmem>>, vector<16xi32>,
    tpu.vector_store %arg11[%swap3A_22], %shift_right_arithmetic3A_21 {strides = array<i32>} : memref<64xi32, #tpu.memory_space<vmem>>, vector<16xi32>,
    %and3A_24 = arith.constant 65535 : i32
    %and3A_25 = vector.broadcast %and3A_24 : i32 to vector<16xi32>
    %and3A_26 = arith.andi %get3A_18, %and3A_25 : vector<16xi32>
    %swap3A_27 = arith.constant 16 : index
    %swap3A_28 = tpu.vector_load %arg12[%swap3A_27] {strides = array<i32>} : memref<64xi32, #tpu.memory_space<vmem>>, vector<16xi32>,
    tpu.vector_store %arg12[%swap3A_27], %and3A_26 {strides = array<i32>} : memref<64xi32, #tpu.memory_space<vmem>>, vector<16xi32>,
    %get3A_29 = arith.constant 0 : i32
    %get3A_30 = arith.index_cast %get3A_29 : i32 to index
    %get3A_31 = arith.constant 32 : index
    %get3A_32 = tpu.vector_load %arg10[%get3A_30, %get3A_31] {strides = array<i32>} : memref<80x128xi32, #tpu.memory_space<vmem>>, vector<16xi32>,
    %shift_right_arithmetic3A_33 = arith.constant 16 : i32
    %shift_right_arithmetic3A_34 = vector.broadcast %shift_right_arithmetic3A_33 : i32 to vector<16xi32>
    %shift_right_arithmetic3A_35 = arith.shrsi %get3A_32, %shift_right_arithmetic3A_34 : vector<16xi32>
    %swap3A_36 = arith.constant 32 : index
    %swap3A_37 = tpu.vector_load %arg11[%swap3A_36] {strides = array<i32>} : memref<64xi32, #tpu.memory_space<vmem>>, vector<16xi32>,
    tpu.vector_store %arg11[%swap3A_36], %shift_right_arithmetic3A_35 {strides = array<i32>} : memref<64xi32, #tpu.memory_space<vmem>>, vector<16xi32>,
    %and3A_38 = arith.constant 65535 : i32
    %and3A_39 = vector.broadcast %and3A_38 : i32 to vector<16xi32>
    %and3A_40 = arith.andi %get3A_32, %and3A_39 : vector<16xi32>
    %swap3A_41 = arith.constant 32 : index
    %swap3A_42 = tpu.vector_load %arg12[%swap3A_41] {strides = array<i32>} : memref<64xi32, #tpu.memory_space<vmem>>, vector<16xi32>,
    tpu.vector_store %arg12[%swap3A_41], %and3A_40 {strides = array<i32>} : memref<64xi32, #tpu.memory_space<vmem>>, vector<16xi32>,
    %get3A_43 = arith.constant 0 : i32
    %get3A_44 = arith.index_cast %get3A_43 : i32 to index
    %get3A_45 = arith.constant 48 : index
    %get3A_46 = tpu.vector_load %arg10[%get3A_44, %get3A_45] {strides = array<i32>} : memref<80x128xi32, #tpu.memory_space<vmem>>, vector<16xi32>,
    %shift_right_arithmetic3A_47 = arith.constant 16 : i32
    %shift_right_arithmetic3A_48 = vector.broadcast %shift_right_arithmetic3A_47 : i32 to vector<16xi32>
    %shift_right_arithmetic3A_49 = arith.shrsi %get3A_46, %shift_right_arithmetic3A_48 : vector<16xi32>
    %swap3A_50 = arith.constant 48 : index
    %swap3A_51 = tpu.vector_load %arg11[%swap3A_50] {strides = array<i32>} : memref<64xi32, #tpu.memory_space<vmem>>, vector<16xi32>,
    tpu.vector_store %arg11[%swap3A_50], %shift_right_arithmetic3A_49 {strides = array<i32>} : memref<64xi32, #tpu.memory_space<vmem>>, vector<16xi32>,
    %and3A_52 = arith.constant 65535 : i32
    %and3A_53 = vector.broadcast %and3A_52 : i32 to vector<16xi32>
    %and3A_54 = arith.andi %get3A_46, %and3A_53 : vector<16xi32>
    %swap3A_55 = arith.constant 48 : index
    %swap3A_56 = tpu.vector_load %arg12[%swap3A_55] {strides = array<i32>} : memref<64xi32, #tpu.memory_space<vmem>>, vector<16xi32>,
    tpu.vector_store %arg12[%swap3A_55], %and3A_54 {strides = array<i32>} : memref<64xi32, #tpu.memory_space<vmem>>, vector<16xi32>,
    %dma_start3A = arith.constant 0 : i32
    %dma_start3A_57 = arith.constant 0 : i32
    %dma_start3A_58 = tpu.memref_slice %arg2[%dma_start3A, %dma_start3A_57] : memref<10000x128xf32, #tpu.memory_space<hbm>> -> memref<10000x128xf32, #tpu.memory_space<hbm>>
    tpu.enqueue_indirect_dma source(%dma_start3A_58 : memref<10000x128xf32, #tpu.memory_space<hbm>>) target(%arg17 : memref<64x128xf32, #tpu.memory_space<vmem>>) offsets(%arg12 : memref<64xi32, #tpu.memory_space<vmem>>) semaphore(%arg21 : memref<!tpu.dma_semaphore, #tpu.memory_space<semaphore_mem>>)
    %scan3A = arith.constant 0 : i32
    %scan3A_59 = arith.constant 0 : i32
    %scan3A_60 = arith.constant 80 : i32
    %scan3A_61 = arith.addi %scan3A_59, %scan3A_60 : i32
    %scan3A_62 = arith.constant 1 : i32
    scf.for %scan3A_77 = %scan3A_59 to %scan3A_61 step %scan3A_62  : i32 {
      %mul3A_78 = arith.constant 2 : i32
      %mul3A_79 = arith.muli %mul3A_78, %scan3A_77 : i32
      %mul3A_80 = arith.constant 2 : i32
      %mul3A_81 = arith.muli %mul3A_80, %scan3A_77 : i32
      %add3A_82 = arith.constant 1 : i32
      %add3A_83 = arith.addi %mul3A_81, %add3A_82 : i32
      %gt3A = arith.constant 0 : i32
      %gt3A_84 = arith.cmpi sgt, %scan3A_77, %gt3A : i32
      %convert_element_type3A = arith.extui %gt3A_84 : i1 to i32
      %cond3A = arith.constant 0 : i32
      %cond3A_85 = arith.cmpi ne, %convert_element_type3A, %cond3A : i32
      scf.if %cond3A_85 {
        %dma_wait3A_388 = arith.constant 0 : i32
        %dma_wait3A_389 = arith.constant 0 : i32
        %dma_wait3A_390 = tpu.memref_slice %arg19[%dma_wait3A_388, %dma_wait3A_389] : memref<10240x128xf32, #tpu.memory_space<vmem_shared>> -> memref<10240x128xf32, #tpu.memory_space<vmem_shared>>
        tpu.wait_indirect_dma semaphore(%arg24 : memref<!tpu.dma_semaphore, #tpu.memory_space<semaphore_mem>>) src(%arg18 : memref<64x128xf32, #tpu.memory_space<vmem>>) dst(%dma_wait3A_390 : memref<10240x128xf32, #tpu.memory_space<vmem_shared>>)
        %dma_wait3A_391 = arith.constant 0 : i32
        %dma_wait3A_392 = tpu.memref_slice %arg20[%dma_wait3A_391] : memref<10240xf32, #tpu.memory_space<vmem_shared>> -> memref<10240xf32, #tpu.memory_space<vmem_shared>>
        tpu.wait_indirect_dma semaphore(%arg24 : memref<!tpu.dma_semaphore, #tpu.memory_space<semaphore_mem>>) src(%arg16 : memref<64xf32, #tpu.memory_space<vmem>>) dst(%dma_wait3A_392 : memref<10240xf32, #tpu.memory_space<vmem_shared>>)
      } else {
      }
      %get3A_86 = arith.index_cast %scan3A_77 : i32 to index
      %get3A_87 = arith.constant 64 : index
      %get3A_88 = tpu.vector_load %arg10[%get3A_86, %get3A_87] {strides = array<i32>} : memref<80x128xi32, #tpu.memory_space<vmem>>, vector<16xi32>,
      %shift_right_arithmetic3A_89 = arith.constant 16 : i32
      %shift_right_arithmetic3A_90 = vector.broadcast %shift_right_arithmetic3A_89 : i32 to vector<16xi32>
      %shift_right_arithmetic3A_91 = arith.shrsi %get3A_88, %shift_right_arithmetic3A_90 : vector<16xi32>
      %swap3A_92 = arith.constant 0 : index
      %swap3A_93 = tpu.vector_load %arg13[%swap3A_92] {strides = array<i32>} : memref<64xi32, #tpu.memory_space<vmem>>, vector<16xi32>,
      tpu.vector_store %arg13[%swap3A_92], %shift_right_arithmetic3A_91 {strides = array<i32>} : memref<64xi32, #tpu.memory_space<vmem>>, vector<16xi32>,
      %and3A_94 = arith.constant 65535 : i32
      %and3A_95 = vector.broadcast %and3A_94 : i32 to vector<16xi32>
      %and3A_96 = arith.andi %get3A_88, %and3A_95 : vector<16xi32>
      %swap3A_97 = arith.constant 0 : index
      %swap3A_98 = tpu.vector_load %arg14[%swap3A_97] {strides = array<i32>} : memref<64xi32, #tpu.memory_space<vmem>>, vector<16xi32>,
      tpu.vector_store %arg14[%swap3A_97], %and3A_96 {strides = array<i32>} : memref<64xi32, #tpu.memory_space<vmem>>, vector<16xi32>,
      %get3A_99 = arith.index_cast %scan3A_77 : i32 to index
      %get3A_100 = arith.constant 80 : index
      %get3A_101 = tpu.vector_load %arg10[%get3A_99, %get3A_100] {strides = array<i32>} : memref<80x128xi32, #tpu.memory_space<vmem>>, vector<16xi32>,
      %shift_right_arithmetic3A_102 = arith.constant 16 : i32
      %shift_right_arithmetic3A_103 = vector.broadcast %shift_right_arithmetic3A_102 : i32 to vector<16xi32>
      %shift_right_arithmetic3A_104 = arith.shrsi %get3A_101, %shift_right_arithmetic3A_103 : vector<16xi32>
      %swap3A_105 = arith.constant 16 : index
      %swap3A_106 = tpu.vector_load %arg13[%swap3A_105] {strides = array<i32>} : memref<64xi32, #tpu.memory_space<vmem>>, vector<16xi32>,
      tpu.vector_store %arg13[%swap3A_105], %shift_right_arithmetic3A_104 {strides = array<i32>} : memref<64xi32, #tpu.memory_space<vmem>>, vector<16xi32>,
      %and3A_107 = arith.constant 65535 : i32
      %and3A_108 = vector.broadcast %and3A_107 : i32 to vector<16xi32>
      %and3A_109 = arith.andi %get3A_101, %and3A_108 : vector<16xi32>
      %swap3A_110 = arith.constant 16 : index
      %swap3A_111 = tpu.vector_load %arg14[%swap3A_110] {strides = array<i32>} : memref<64xi32, #tpu.memory_space<vmem>>, vector<16xi32>,
      tpu.vector_store %arg14[%swap3A_110], %and3A_109 {strides = array<i32>} : memref<64xi32, #tpu.memory_space<vmem>>, vector<16xi32>,
      %get3A_112 = arith.index_cast %scan3A_77 : i32 to index
      %get3A_113 = arith.constant 96 : index
      %get3A_114 = tpu.vector_load %arg10[%get3A_112, %get3A_113] {strides = array<i32>} : memref<80x128xi32, #tpu.memory_space<vmem>>, vector<16xi32>,
      %shift_right_arithmetic3A_115 = arith.constant 16 : i32
      %shift_right_arithmetic3A_116 = vector.broadcast %shift_right_arithmetic3A_115 : i32 to vector<16xi32>
      %shift_right_arithmetic3A_117 = arith.shrsi %get3A_114, %shift_right_arithmetic3A_116 : vector<16xi32>
      %swap3A_118 = arith.constant 32 : index
      %swap3A_119 = tpu.vector_load %arg13[%swap3A_118] {strides = array<i32>} : memref<64xi32, #tpu.memory_space<vmem>>, vector<16xi32>,
      tpu.vector_store %arg13[%swap3A_118], %shift_right_arithmetic3A_117 {strides = array<i32>} : memref<64xi32, #tpu.memory_space<vmem>>, vector<16xi32>,
      %and3A_120 = arith.constant 65535 : i32
      %and3A_121 = vector.broadcast %and3A_120 : i32 to vector<16xi32>
      %and3A_122 = arith.andi %get3A_114, %and3A_121 : vector<16xi32>
      %swap3A_123 = arith.constant 32 : index
      %swap3A_124 = tpu.vector_load %arg14[%swap3A_123] {strides = array<i32>} : memref<64xi32, #tpu.memory_space<vmem>>, vector<16xi32>,
      tpu.vector_store %arg14[%swap3A_123], %and3A_122 {strides = array<i32>} : memref<64xi32, #tpu.memory_space<vmem>>, vector<16xi32>,
      %get3A_125 = arith.index_cast %scan3A_77 : i32 to index
      %get3A_126 = arith.constant 112 : index
      %get3A_127 = tpu.vector_load %arg10[%get3A_125, %get3A_126] {strides = array<i32>} : memref<80x128xi32, #tpu.memory_space<vmem>>, vector<16xi32>,
      %shift_right_arithmetic3A_128 = arith.constant 16 : i32
      %shift_right_arithmetic3A_129 = vector.broadcast %shift_right_arithmetic3A_128 : i32 to vector<16xi32>
      %shift_right_arithmetic3A_130 = arith.shrsi %get3A_127, %shift_right_arithmetic3A_129 : vector<16xi32>
      %swap3A_131 = arith.constant 48 : index
      %swap3A_132 = tpu.vector_load %arg13[%swap3A_131] {strides = array<i32>} : memref<64xi32, #tpu.memory_space<vmem>>, vector<16xi32>,
      tpu.vector_store %arg13[%swap3A_131], %shift_right_arithmetic3A_130 {strides = array<i32>} : memref<64xi32, #tpu.memory_space<vmem>>, vector<16xi32>,
      %and3A_133 = arith.constant 65535 : i32
      %and3A_134 = vector.broadcast %and3A_133 : i32 to vector<16xi32>
      %and3A_135 = arith.andi %get3A_127, %and3A_134 : vector<16xi32>
      %swap3A_136 = arith.constant 48 : index
      %swap3A_137 = tpu.vector_load %arg14[%swap3A_136] {strides = array<i32>} : memref<64xi32, #tpu.memory_space<vmem>>, vector<16xi32>,
      tpu.vector_store %arg14[%swap3A_136], %and3A_135 {strides = array<i32>} : memref<64xi32, #tpu.memory_space<vmem>>, vector<16xi32>,
      %dma_start3A_138 = arith.constant 0 : i32
      %dma_start3A_139 = arith.constant 0 : i32
      %dma_start3A_140 = tpu.memref_slice %arg2[%dma_start3A_138, %dma_start3A_139] : memref<10000x128xf32, #tpu.memory_space<hbm>> -> memref<10000x128xf32, #tpu.memory_space<hbm>>
      tpu.enqueue_indirect_dma source(%dma_start3A_140 : memref<10000x128xf32, #tpu.memory_space<hbm>>) target(%arg18 : memref<64x128xf32, #tpu.memory_space<vmem>>) offsets(%arg14 : memref<64xi32, #tpu.memory_space<vmem>>) semaphore(%arg22 : memref<!tpu.dma_semaphore, #tpu.memory_space<semaphore_mem>>)
      %dma_wait3A_141 = arith.constant 0 : i32
      %dma_wait3A_142 = arith.constant 0 : i32
      %dma_wait3A_143 = tpu.memref_slice %arg2[%dma_wait3A_141, %dma_wait3A_142] : memref<10000x128xf32, #tpu.memory_space<hbm>> -> memref<10000x128xf32, #tpu.memory_space<hbm>>
      tpu.wait_indirect_dma semaphore(%arg21 : memref<!tpu.dma_semaphore, #tpu.memory_space<semaphore_mem>>) src(%dma_wait3A_143 : memref<10000x128xf32, #tpu.memory_space<hbm>>) dst(%arg17 : memref<64x128xf32, #tpu.memory_space<vmem>>)
      %get3A_144 = arith.constant 0 : index
      %get3A_145 = tpu.vector_load %arg11[%get3A_144] {strides = array<i32>} : memref<64xi32, #tpu.memory_space<vmem>>, vector<16xi32>,
      %get3A_146 = arith.constant 0 : index
      %get3A_147 = tpu.vector_load %arg12[%get3A_146] {strides = array<i32>} : memref<64xi32, #tpu.memory_space<vmem>>, vector<16xi32>,
      %gather3A = tpu.vector_load_idx %arg9[%get3A_145] : memref<10016xi32, #tpu.memory_space<vmem>>[vector<16xi32>], vector<16xi32>,
      %gather3A_148 = tpu.vector_load_idx %arg9[%get3A_147] : memref<10016xi32, #tpu.memory_space<vmem>>[vector<16xi32>], vector<16xi32>,
      %and3A_149 = arith.constant -65536 : i32
      %and3A_150 = vector.broadcast %and3A_149 : i32 to vector<16xi32>
      %and3A_151 = arith.andi %gather3A, %and3A_150 : vector<16xi32>
      %bitcast3A = vector.bitcast %and3A_151 : vector<16xi32> to vector<16xf32>
      %shift_left3A = arith.constant 16 : i32
      %shift_left3A_152 = vector.broadcast %shift_left3A : i32 to vector<16xi32>
      %shift_left3A_153 = arith.shli %gather3A_148, %shift_left3A_152 : vector<16xi32>
      %bitcast3A_154 = vector.bitcast %shift_left3A_153 : vector<16xi32> to vector<16xf32>
      %add3A_155 = arith.addf %bitcast3A, %bitcast3A_154 : vector<16xf32>
      %ge3A = arith.constant 0.000000e+00 : f32
      %ge3A_156 = vector.broadcast %ge3A : f32 to vector<16xf32>
      %ge3A_157 = arith.cmpf oge, %add3A_155, %ge3A_156 : vector<16xf32>
      %mul3A_158 = arith.constant 0.00999999977 : f32
      %mul3A_159 = vector.broadcast %mul3A_158 : f32 to vector<16xf32>
      %mul3A_160 = arith.mulf %mul3A_159, %add3A_155 : vector<16xf32>
      %select_n3A = arith.select %ge3A_157, %add3A_155, %mul3A_160 : vector<16xi1>, vector<16xf32>
      %neg3A = arith.constant 0.000000e+00 : f32
      %neg3A_161 = vector.broadcast %neg3A : f32 to vector<16xf32>
      %neg3A_162 = arith.subf %neg3A_161, %select_n3A : vector<16xf32>
      %exp3A = math.exp %neg3A_162 : vector<16xf32>
      %swap3A_163 = arith.constant 0 : index
      %swap3A_164 = tpu.vector_load %arg15[%swap3A_163] {strides = array<i32>} : memref<64xf32, #tpu.memory_space<vmem>>, vector<16xf32>,
      tpu.vector_store %arg15[%swap3A_163], %exp3A {strides = array<i32>} : memref<64xf32, #tpu.memory_space<vmem>>, vector<16xf32>,
      %get3A_165 = arith.constant 16 : index
      %get3A_166 = tpu.vector_load %arg11[%get3A_165] {strides = array<i32>} : memref<64xi32, #tpu.memory_space<vmem>>, vector<16xi32>,
      %get3A_167 = arith.constant 16 : index
      %get3A_168 = tpu.vector_load %arg12[%get3A_167] {strides = array<i32>} : memref<64xi32, #tpu.memory_space<vmem>>, vector<16xi32>,
      %gather3A_169 = tpu.vector_load_idx %arg9[%get3A_166] : memref<10016xi32, #tpu.memory_space<vmem>>[vector<16xi32>], vector<16xi32>,
      %gather3A_170 = tpu.vector_load_idx %arg9[%get3A_168] : memref<10016xi32, #tpu.memory_space<vmem>>[vector<16xi32>], vector<16xi32>,
      %and3A_171 = arith.constant -65536 : i32
      %and3A_172 = vector.broadcast %and3A_171 : i32 to vector<16xi32>
      %and3A_173 = arith.andi %gather3A_169, %and3A_172 : vector<16xi32>
      %bitcast3A_174 = vector.bitcast %and3A_173 : vector<16xi32> to vector<16xf32>
      %shift_left3A_175 = arith.constant 16 : i32
      %shift_left3A_176 = vector.broadcast %shift_left3A_175 : i32 to vector<16xi32>
      %shift_left3A_177 = arith.shli %gather3A_170, %shift_left3A_176 : vector<16xi32>
      %bitcast3A_178 = vector.bitcast %shift_left3A_177 : vector<16xi32> to vector<16xf32>
      %add3A_179 = arith.addf %bitcast3A_174, %bitcast3A_178 : vector<16xf32>
      %ge3A_180 = arith.constant 0.000000e+00 : f32
      %ge3A_181 = vector.broadcast %ge3A_180 : f32 to vector<16xf32>
      %ge3A_182 = arith.cmpf oge, %add3A_179, %ge3A_181 : vector<16xf32>
      %mul3A_183 = arith.constant 0.00999999977 : f32
      %mul3A_184 = vector.broadcast %mul3A_183 : f32 to vector<16xf32>
      %mul3A_185 = arith.mulf %mul3A_184, %add3A_179 : vector<16xf32>
      %select_n3A_186 = arith.select %ge3A_182, %add3A_179, %mul3A_185 : vector<16xi1>, vector<16xf32>
      %neg3A_187 = arith.constant 0.000000e+00 : f32
      %neg3A_188 = vector.broadcast %neg3A_187 : f32 to vector<16xf32>
      %neg3A_189 = arith.subf %neg3A_188, %select_n3A_186 : vector<16xf32>
      %exp3A_190 = math.exp %neg3A_189 : vector<16xf32>
      %swap3A_191 = arith.constant 16 : index
      %swap3A_192 = tpu.vector_load %arg15[%swap3A_191] {strides = array<i32>} : memref<64xf32, #tpu.memory_space<vmem>>, vector<16xf32>,
      tpu.vector_store %arg15[%swap3A_191], %exp3A_190 {strides = array<i32>} : memref<64xf32, #tpu.memory_space<vmem>>, vector<16xf32>,
      %get3A_193 = arith.constant 32 : index
      %get3A_194 = tpu.vector_load %arg11[%get3A_193] {strides = array<i32>} : memref<64xi32, #tpu.memory_space<vmem>>, vector<16xi32>,
      %get3A_195 = arith.constant 32 : index
      %get3A_196 = tpu.vector_load %arg12[%get3A_195] {strides = array<i32>} : memref<64xi32, #tpu.memory_space<vmem>>, vector<16xi32>,
      %gather3A_197 = tpu.vector_load_idx %arg9[%get3A_194] : memref<10016xi32, #tpu.memory_space<vmem>>[vector<16xi32>], vector<16xi32>,
      %gather3A_198 = tpu.vector_load_idx %arg9[%get3A_196] : memref<10016xi32, #tpu.memory_space<vmem>>[vector<16xi32>], vector<16xi32>,
      %and3A_199 = arith.constant -65536 : i32
      %and3A_200 = vector.broadcast %and3A_199 : i32 to vector<16xi32>
      %and3A_201 = arith.andi %gather3A_197, %and3A_200 : vector<16xi32>
      %bitcast3A_202 = vector.bitcast %and3A_201 : vector<16xi32> to vector<16xf32>
      %shift_left3A_203 = arith.constant 16 : i32
      %shift_left3A_204 = vector.broadcast %shift_left3A_203 : i32 to vector<16xi32>
      %shift_left3A_205 = arith.shli %gather3A_198, %shift_left3A_204 : vector<16xi32>
      %bitcast3A_206 = vector.bitcast %shift_left3A_205 : vector<16xi32> to vector<16xf32>
      %add3A_207 = arith.addf %bitcast3A_202, %bitcast3A_206 : vector<16xf32>
      %ge3A_208 = arith.constant 0.000000e+00 : f32
      %ge3A_209 = vector.broadcast %ge3A_208 : f32 to vector<16xf32>
      %ge3A_210 = arith.cmpf oge, %add3A_207, %ge3A_209 : vector<16xf32>
      %mul3A_211 = arith.constant 0.00999999977 : f32
      %mul3A_212 = vector.broadcast %mul3A_211 : f32 to vector<16xf32>
      %mul3A_213 = arith.mulf %mul3A_212, %add3A_207 : vector<16xf32>
      %select_n3A_214 = arith.select %ge3A_210, %add3A_207, %mul3A_213 : vector<16xi1>, vector<16xf32>
      %neg3A_215 = arith.constant 0.000000e+00 : f32
      %neg3A_216 = vector.broadcast %neg3A_215 : f32 to vector<16xf32>
      %neg3A_217 = arith.subf %neg3A_216, %select_n3A_214 : vector<16xf32>
      %exp3A_218 = math.exp %neg3A_217 : vector<16xf32>
      %swap3A_219 = arith.constant 32 : index
      %swap3A_220 = tpu.vector_load %arg15[%swap3A_219] {strides = array<i32>} : memref<64xf32, #tpu.memory_space<vmem>>, vector<16xf32>,
      tpu.vector_store %arg15[%swap3A_219], %exp3A_218 {strides = array<i32>} : memref<64xf32, #tpu.memory_space<vmem>>, vector<16xf32>,
      %get3A_221 = arith.constant 48 : index
      %get3A_222 = tpu.vector_load %arg11[%get3A_221] {strides = array<i32>} : memref<64xi32, #tpu.memory_space<vmem>>, vector<16xi32>,
      %get3A_223 = arith.constant 48 : index
      %get3A_224 = tpu.vector_load %arg12[%get3A_223] {strides = array<i32>} : memref<64xi32, #tpu.memory_space<vmem>>, vector<16xi32>,
      %gather3A_225 = tpu.vector_load_idx %arg9[%get3A_222] : memref<10016xi32, #tpu.memory_space<vmem>>[vector<16xi32>], vector<16xi32>,
      %gather3A_226 = tpu.vector_load_idx %arg9[%get3A_224] : memref<10016xi32, #tpu.memory_space<vmem>>[vector<16xi32>], vector<16xi32>,
      %and3A_227 = arith.constant -65536 : i32
      %and3A_228 = vector.broadcast %and3A_227 : i32 to vector<16xi32>
      %and3A_229 = arith.andi %gather3A_225, %and3A_228 : vector<16xi32>
      %bitcast3A_230 = vector.bitcast %and3A_229 : vector<16xi32> to vector<16xf32>
      %shift_left3A_231 = arith.constant 16 : i32
      %shift_left3A_232 = vector.broadcast %shift_left3A_231 : i32 to vector<16xi32>
      %shift_left3A_233 = arith.shli %gather3A_226, %shift_left3A_232 : vector<16xi32>
      %bitcast3A_234 = vector.bitcast %shift_left3A_233 : vector<16xi32> to vector<16xf32>
      %add3A_235 = arith.addf %bitcast3A_230, %bitcast3A_234 : vector<16xf32>
      %ge3A_236 = arith.constant 0.000000e+00 : f32
      %ge3A_237 = vector.broadcast %ge3A_236 : f32 to vector<16xf32>
      %ge3A_238 = arith.cmpf oge, %add3A_235, %ge3A_237 : vector<16xf32>
      %mul3A_239 = arith.constant 0.00999999977 : f32
      %mul3A_240 = vector.broadcast %mul3A_239 : f32 to vector<16xf32>
      %mul3A_241 = arith.mulf %mul3A_240, %add3A_235 : vector<16xf32>
      %select_n3A_242 = arith.select %ge3A_238, %add3A_235, %mul3A_241 : vector<16xi1>, vector<16xf32>
      %neg3A_243 = arith.constant 0.000000e+00 : f32
      %neg3A_244 = vector.broadcast %neg3A_243 : f32 to vector<16xf32>
      %neg3A_245 = arith.subf %neg3A_244, %select_n3A_242 : vector<16xf32>
      %exp3A_246 = math.exp %neg3A_245 : vector<16xf32>
      %swap3A_247 = arith.constant 48 : index
      %swap3A_248 = tpu.vector_load %arg15[%swap3A_247] {strides = array<i32>} : memref<64xf32, #tpu.memory_space<vmem>>, vector<16xf32>,
      tpu.vector_store %arg15[%swap3A_247], %exp3A_246 {strides = array<i32>} : memref<64xf32, #tpu.memory_space<vmem>>, vector<16xf32>,
      %parallel_loop3A = arith.constant 0 : i32
      %parallel_loop3A_249 = arith.constant 64 : i32
      %parallel_loop3A_250 = arith.constant 1 : i32
      scf.for %parallel_loop3A_388 = %parallel_loop3A to %parallel_loop3A_249 step %parallel_loop3A_250  : i32 {
        %parallel_loop3A_389 = vector.broadcast %parallel_loop3A_388 : i32 to vector<16xi32>
        %parallel_loop3A_390 = tpu.vector_load_idx %arg15[%parallel_loop3A_389] : memref<64xf32, #tpu.memory_space<vmem>>[vector<16xi32>], vector<16xf32>,
        %parallel_loop3A_391 = arith.index_cast %parallel_loop3A_388 : i32 to index
        %parallel_loop3A_392 = arith.constant 0 : index
        %parallel_loop3A_393 = tpu.vector_load %arg17[%parallel_loop3A_391, %parallel_loop3A_392] {strides = array<i32>} : memref<64x128xf32, #tpu.memory_space<vmem>>, vector<16xf32>,
        %parallel_loop3A_394 = arith.mulf %parallel_loop3A_393, %parallel_loop3A_390 : vector<16xf32>
        %parallel_loop3A_395 = arith.index_cast %parallel_loop3A_388 : i32 to index
        %parallel_loop3A_396 = arith.constant 0 : index
        %parallel_loop3A_397 = tpu.vector_load %arg17[%parallel_loop3A_395, %parallel_loop3A_396] {strides = array<i32>} : memref<64x128xf32, #tpu.memory_space<vmem>>, vector<16xf32>,
        tpu.vector_store %arg17[%parallel_loop3A_395, %parallel_loop3A_396], %parallel_loop3A_394 {strides = array<i32>} : memref<64x128xf32, #tpu.memory_space<vmem>>, vector<16xf32>,
        %parallel_loop3A_398 = arith.index_cast %parallel_loop3A_388 : i32 to index
        %parallel_loop3A_399 = arith.constant 16 : index
        %parallel_loop3A_400 = tpu.vector_load %arg17[%parallel_loop3A_398, %parallel_loop3A_399] {strides = array<i32>} : memref<64x128xf32, #tpu.memory_space<vmem>>, vector<16xf32>,
        %parallel_loop3A_401 = arith.mulf %parallel_loop3A_400, %parallel_loop3A_390 : vector<16xf32>
        %parallel_loop3A_402 = arith.index_cast %parallel_loop3A_388 : i32 to index
        %parallel_loop3A_403 = arith.constant 16 : index
        %parallel_loop3A_404 = tpu.vector_load %arg17[%parallel_loop3A_402, %parallel_loop3A_403] {strides = array<i32>} : memref<64x128xf32, #tpu.memory_space<vmem>>, vector<16xf32>,
        tpu.vector_store %arg17[%parallel_loop3A_402, %parallel_loop3A_403], %parallel_loop3A_401 {strides = array<i32>} : memref<64x128xf32, #tpu.memory_space<vmem>>, vector<16xf32>,
        %parallel_loop3A_405 = arith.index_cast %parallel_loop3A_388 : i32 to index
        %parallel_loop3A_406 = arith.constant 32 : index
        %parallel_loop3A_407 = tpu.vector_load %arg17[%parallel_loop3A_405, %parallel_loop3A_406] {strides = array<i32>} : memref<64x128xf32, #tpu.memory_space<vmem>>, vector<16xf32>,
        %parallel_loop3A_408 = arith.mulf %parallel_loop3A_407, %parallel_loop3A_390 : vector<16xf32>
        %parallel_loop3A_409 = arith.index_cast %parallel_loop3A_388 : i32 to index
        %parallel_loop3A_410 = arith.constant 32 : index
        %parallel_loop3A_411 = tpu.vector_load %arg17[%parallel_loop3A_409, %parallel_loop3A_410] {strides = array<i32>} : memref<64x128xf32, #tpu.memory_space<vmem>>, vector<16xf32>,
        tpu.vector_store %arg17[%parallel_loop3A_409, %parallel_loop3A_410], %parallel_loop3A_408 {strides = array<i32>} : memref<64x128xf32, #tpu.memory_space<vmem>>, vector<16xf32>,
        %parallel_loop3A_412 = arith.index_cast %parallel_loop3A_388 : i32 to index
        %parallel_loop3A_413 = arith.constant 48 : index
        %parallel_loop3A_414 = tpu.vector_load %arg17[%parallel_loop3A_412, %parallel_loop3A_413] {strides = array<i32>} : memref<64x128xf32, #tpu.memory_space<vmem>>, vector<16xf32>,
        %parallel_loop3A_415 = arith.mulf %parallel_loop3A_414, %parallel_loop3A_390 : vector<16xf32>
        %parallel_loop3A_416 = arith.index_cast %parallel_loop3A_388 : i32 to index
        %parallel_loop3A_417 = arith.constant 48 : index
        %parallel_loop3A_418 = tpu.vector_load %arg17[%parallel_loop3A_416, %parallel_loop3A_417] {strides = array<i32>} : memref<64x128xf32, #tpu.memory_space<vmem>>, vector<16xf32>,
        tpu.vector_store %arg17[%parallel_loop3A_416, %parallel_loop3A_417], %parallel_loop3A_415 {strides = array<i32>} : memref<64x128xf32, #tpu.memory_space<vmem>>, vector<16xf32>,
        %parallel_loop3A_419 = arith.index_cast %parallel_loop3A_388 : i32 to index
        %parallel_loop3A_420 = arith.constant 64 : index
        %parallel_loop3A_421 = tpu.vector_load %arg17[%parallel_loop3A_419, %parallel_loop3A_420] {strides = array<i32>} : memref<64x128xf32, #tpu.memory_space<vmem>>, vector<16xf32>,
        %parallel_loop3A_422 = arith.mulf %parallel_loop3A_421, %parallel_loop3A_390 : vector<16xf32>
        %parallel_loop3A_423 = arith.index_cast %parallel_loop3A_388 : i32 to index
        %parallel_loop3A_424 = arith.constant 64 : index
        %parallel_loop3A_425 = tpu.vector_load %arg17[%parallel_loop3A_423, %parallel_loop3A_424] {strides = array<i32>} : memref<64x128xf32, #tpu.memory_space<vmem>>, vector<16xf32>,
        tpu.vector_store %arg17[%parallel_loop3A_423, %parallel_loop3A_424], %parallel_loop3A_422 {strides = array<i32>} : memref<64x128xf32, #tpu.memory_space<vmem>>, vector<16xf32>,
        %parallel_loop3A_426 = arith.index_cast %parallel_loop3A_388 : i32 to index
        %parallel_loop3A_427 = arith.constant 80 : index
        %parallel_loop3A_428 = tpu.vector_load %arg17[%parallel_loop3A_426, %parallel_loop3A_427] {strides = array<i32>} : memref<64x128xf32, #tpu.memory_space<vmem>>, vector<16xf32>,
        %parallel_loop3A_429 = arith.mulf %parallel_loop3A_428, %parallel_loop3A_390 : vector<16xf32>
        %parallel_loop3A_430 = arith.index_cast %parallel_loop3A_388 : i32 to index
        %parallel_loop3A_431 = arith.constant 80 : index
        %parallel_loop3A_432 = tpu.vector_load %arg17[%parallel_loop3A_430, %parallel_loop3A_431] {strides = array<i32>} : memref<64x128xf32, #tpu.memory_space<vmem>>, vector<16xf32>,
        tpu.vector_store %arg17[%parallel_loop3A_430, %parallel_loop3A_431], %parallel_loop3A_429 {strides = array<i32>} : memref<64x128xf32, #tpu.memory_space<vmem>>, vector<16xf32>,
        %parallel_loop3A_433 = arith.index_cast %parallel_loop3A_388 : i32 to index
        %parallel_loop3A_434 = arith.constant 96 : index
        %parallel_loop3A_435 = tpu.vector_load %arg17[%parallel_loop3A_433, %parallel_loop3A_434] {strides = array<i32>} : memref<64x128xf32, #tpu.memory_space<vmem>>, vector<16xf32>,
        %parallel_loop3A_436 = arith.mulf %parallel_loop3A_435, %parallel_loop3A_390 : vector<16xf32>
        %parallel_loop3A_437 = arith.index_cast %parallel_loop3A_388 : i32 to index
        %parallel_loop3A_438 = arith.constant 96 : index
        %parallel_loop3A_439 = tpu.vector_load %arg17[%parallel_loop3A_437, %parallel_loop3A_438] {strides = array<i32>} : memref<64x128xf32, #tpu.memory_space<vmem>>, vector<16xf32>,
        tpu.vector_store %arg17[%parallel_loop3A_437, %parallel_loop3A_438], %parallel_loop3A_436 {strides = array<i32>} : memref<64x128xf32, #tpu.memory_space<vmem>>, vector<16xf32>,
        %parallel_loop3A_440 = arith.index_cast %parallel_loop3A_388 : i32 to index
        %parallel_loop3A_441 = arith.constant 112 : index
        %parallel_loop3A_442 = tpu.vector_load %arg17[%parallel_loop3A_440, %parallel_loop3A_441] {strides = array<i32>} : memref<64x128xf32, #tpu.memory_space<vmem>>, vector<16xf32>,
        %parallel_loop3A_443 = arith.mulf %parallel_loop3A_442, %parallel_loop3A_390 : vector<16xf32>
        %parallel_loop3A_444 = arith.index_cast %parallel_loop3A_388 : i32 to index
        %parallel_loop3A_445 = arith.constant 112 : index
        %parallel_loop3A_446 = tpu.vector_load %arg17[%parallel_loop3A_444, %parallel_loop3A_445] {strides = array<i32>} : memref<64x128xf32, #tpu.memory_space<vmem>>, vector<16xf32>,
        tpu.vector_store %arg17[%parallel_loop3A_444, %parallel_loop3A_445], %parallel_loop3A_443 {strides = array<i32>} : memref<64x128xf32, #tpu.memory_space<vmem>>, vector<16xf32>,
      } {sc.loop_unroll_factor = 8 : i64, sc.parallel_access}
      %dma_start3A_251 = arith.constant 0 : i32
      %dma_start3A_252 = arith.constant 0 : i32
      %dma_start3A_253 = tpu.memref_slice %arg19[%dma_start3A_251, %dma_start3A_252] : memref<10240x128xf32, #tpu.memory_space<vmem_shared>> -> memref<10240x128xf32, #tpu.memory_space<vmem_shared>>
      tpu.enqueue_indirect_dma source(%arg17 : memref<64x128xf32, #tpu.memory_space<vmem>>) target(%dma_start3A_253 : memref<10240x128xf32, #tpu.memory_space<vmem_shared>>) offsets(%arg11 : memref<64xi32, #tpu.memory_space<vmem>>) semaphore(%arg23 : memref<!tpu.dma_semaphore, #tpu.memory_space<semaphore_mem>>) {add = true}
      %dma_start3A_254 = arith.constant 0 : i32
      %dma_start3A_255 = tpu.memref_slice %arg20[%dma_start3A_254] : memref<10240xf32, #tpu.memory_space<vmem_shared>> -> memref<10240xf32, #tpu.memory_space<vmem_shared>>
      tpu.enqueue_indirect_dma source(%arg15 : memref<64xf32, #tpu.memory_space<vmem>>) target(%dma_start3A_255 : memref<10240xf32, #tpu.memory_space<vmem_shared>>) offsets(%arg11 : memref<64xi32, #tpu.memory_space<vmem>>) semaphore(%arg23 : memref<!tpu.dma_semaphore, #tpu.memory_space<semaphore_mem>>) {add = true}
      %dma_wait3A_256 = arith.constant 0 : i32
      %dma_wait3A_257 = arith.constant 0 : i32
      %dma_wait3A_258 = tpu.memref_slice %arg2[%dma_wait3A_256, %dma_wait3A_257] : memref<10000x128xf32, #tpu.memory_space<hbm>> -> memref<10000x128xf32, #tpu.memory_space<hbm>>
      tpu.wait_indirect_dma semaphore(%arg22 : memref<!tpu.dma_semaphore, #tpu.memory_space<semaphore_mem>>) src(%dma_wait3A_258 : memref<10000x128xf32, #tpu.memory_space<hbm>>) dst(%arg18 : memref<64x128xf32, #tpu.memory_space<vmem>>)
      %get3A_259 = arith.constant 0 : index
      %get3A_260 = tpu.vector_load %arg13[%get3A_259] {strides = array<i32>} : memref<64xi32, #tpu.memory_space<vmem>>, vector<16xi32>,
      %get3A_261 = arith.constant 0 : index
      %get3A_262 = tpu.vector_load %arg14[%get3A_261] {strides = array<i32>} : memref<64xi32, #tpu.memory_space<vmem>>, vector<16xi32>,
      %gather3A_263 = tpu.vector_load_idx %arg9[%get3A_260] : memref<10016xi32, #tpu.memory_space<vmem>>[vector<16xi32>], vector<16xi32>,
      %gather3A_264 = tpu.vector_load_idx %arg9[%get3A_262] : memref<10016xi32, #tpu.memory_space<vmem>>[vector<16xi32>], vector<16xi32>,
      %and3A_265 = arith.constant -65536 : i32
      %and3A_266 = vector.broadcast %and3A_265 : i32 to vector<16xi32>
      %and3A_267 = arith.andi %gather3A_263, %and3A_266 : vector<16xi32>
      %bitcast3A_268 = vector.bitcast %and3A_267 : vector<16xi32> to vector<16xf32>
      %shift_left3A_269 = arith.constant 16 : i32
      %shift_left3A_270 = vector.broadcast %shift_left3A_269 : i32 to vector<16xi32>
      %shift_left3A_271 = arith.shli %gather3A_264, %shift_left3A_270 : vector<16xi32>
      %bitcast3A_272 = vector.bitcast %shift_left3A_271 : vector<16xi32> to vector<16xf32>
      %add3A_273 = arith.addf %bitcast3A_268, %bitcast3A_272 : vector<16xf32>
      %ge3A_274 = arith.constant 0.000000e+00 : f32
      %ge3A_275 = vector.broadcast %ge3A_274 : f32 to vector<16xf32>
      %ge3A_276 = arith.cmpf oge, %add3A_273, %ge3A_275 : vector<16xf32>
      %mul3A_277 = arith.constant 0.00999999977 : f32
      %mul3A_278 = vector.broadcast %mul3A_277 : f32 to vector<16xf32>
      %mul3A_279 = arith.mulf %mul3A_278, %add3A_273 : vector<16xf32>
      %select_n3A_280 = arith.select %ge3A_276, %add3A_273, %mul3A_279 : vector<16xi1>, vector<16xf32>
      %neg3A_281 = arith.constant 0.000000e+00 : f32
      %neg3A_282 = vector.broadcast %neg3A_281 : f32 to vector<16xf32>
      %neg3A_283 = arith.subf %neg3A_282, %select_n3A_280 : vector<16xf32>
      %exp3A_284 = math.exp %neg3A_283 : vector<16xf32>
      %swap3A_285 = arith.constant 0 : index
      %swap3A_286 = tpu.vector_load %arg16[%swap3A_285] {strides = array<i32>} : memref<64xf32, #tpu.memory_space<vmem>>, vector<16xf32>,
      tpu.vector_store %arg16[%swap3A_285], %exp3A_284 {strides = array<i32>} : memref<64xf32, #tpu.memory_space<vmem>>, vector<16xf32>,
      %get3A_287 = arith.constant 16 : index
      %get3A_288 = tpu.vector_load %arg13[%get3A_287] {strides = array<i32>} : memref<64xi32, #tpu.memory_space<vmem>>, vector<16xi32>,
      %get3A_289 = arith.constant 16 : index
      %get3A_290 = tpu.vector_load %arg14[%get3A_289] {strides = array<i32>} : memref<64xi32, #tpu.memory_space<vmem>>, vector<16xi32>,
      %gather3A_291 = tpu.vector_load_idx %arg9[%get3A_288] : memref<10016xi32, #tpu.memory_space<vmem>>[vector<16xi32>], vector<16xi32>,
      %gather3A_292 = tpu.vector_load_idx %arg9[%get3A_290] : memref<10016xi32, #tpu.memory_space<vmem>>[vector<16xi32>], vector<16xi32>,
      %and3A_293 = arith.constant -65536 : i32
      %and3A_294 = vector.broadcast %and3A_293 : i32 to vector<16xi32>
      %and3A_295 = arith.andi %gather3A_291, %and3A_294 : vector<16xi32>
      %bitcast3A_296 = vector.bitcast %and3A_295 : vector<16xi32> to vector<16xf32>
      %shift_left3A_297 = arith.constant 16 : i32
      %shift_left3A_298 = vector.broadcast %shift_left3A_297 : i32 to vector<16xi32>
      %shift_left3A_299 = arith.shli %gather3A_292, %shift_left3A_298 : vector<16xi32>
      %bitcast3A_300 = vector.bitcast %shift_left3A_299 : vector<16xi32> to vector<16xf32>
      %add3A_301 = arith.addf %bitcast3A_296, %bitcast3A_300 : vector<16xf32>
      %ge3A_302 = arith.constant 0.000000e+00 : f32
      %ge3A_303 = vector.broadcast %ge3A_302 : f32 to vector<16xf32>
      %ge3A_304 = arith.cmpf oge, %add3A_301, %ge3A_303 : vector<16xf32>
      %mul3A_305 = arith.constant 0.00999999977 : f32
      %mul3A_306 = vector.broadcast %mul3A_305 : f32 to vector<16xf32>
      %mul3A_307 = arith.mulf %mul3A_306, %add3A_301 : vector<16xf32>
      %select_n3A_308 = arith.select %ge3A_304, %add3A_301, %mul3A_307 : vector<16xi1>, vector<16xf32>
      %neg3A_309 = arith.constant 0.000000e+00 : f32
      %neg3A_310 = vector.broadcast %neg3A_309 : f32 to vector<16xf32>
      %neg3A_311 = arith.subf %neg3A_310, %select_n3A_308 : vector<16xf32>
      %exp3A_312 = math.exp %neg3A_311 : vector<16xf32>
      %swap3A_313 = arith.constant 16 : index
      %swap3A_314 = tpu.vector_load %arg16[%swap3A_313] {strides = array<i32>} : memref<64xf32, #tpu.memory_space<vmem>>, vector<16xf32>,
      tpu.vector_store %arg16[%swap3A_313], %exp3A_312 {strides = array<i32>} : memref<64xf32, #tpu.memory_space<vmem>>, vector<16xf32>,
      %get3A_315 = arith.constant 32 : index
      %get3A_316 = tpu.vector_load %arg13[%get3A_315] {strides = array<i32>} : memref<64xi32, #tpu.memory_space<vmem>>, vector<16xi32>,
      %get3A_317 = arith.constant 32 : index
      %get3A_318 = tpu.vector_load %arg14[%get3A_317] {strides = array<i32>} : memref<64xi32, #tpu.memory_space<vmem>>, vector<16xi32>,
      %gather3A_319 = tpu.vector_load_idx %arg9[%get3A_316] : memref<10016xi32, #tpu.memory_space<vmem>>[vector<16xi32>], vector<16xi32>,
      %gather3A_320 = tpu.vector_load_idx %arg9[%get3A_318] : memref<10016xi32, #tpu.memory_space<vmem>>[vector<16xi32>], vector<16xi32>,
      %and3A_321 = arith.constant -65536 : i32
      %and3A_322 = vector.broadcast %and3A_321 : i32 to vector<16xi32>
      %and3A_323 = arith.andi %gather3A_319, %and3A_322 : vector<16xi32>
      %bitcast3A_324 = vector.bitcast %and3A_323 : vector<16xi32> to vector<16xf32>
      %shift_left3A_325 = arith.constant 16 : i32
      %shift_left3A_326 = vector.broadcast %shift_left3A_325 : i32 to vector<16xi32>
      %shift_left3A_327 = arith.shli %gather3A_320, %shift_left3A_326 : vector<16xi32>
      %bitcast3A_328 = vector.bitcast %shift_left3A_327 : vector<16xi32> to vector<16xf32>
      %add3A_329 = arith.addf %bitcast3A_324, %bitcast3A_328 : vector<16xf32>
      %ge3A_330 = arith.constant 0.000000e+00 : f32
      %ge3A_331 = vector.broadcast %ge3A_330 : f32 to vector<16xf32>
      %ge3A_332 = arith.cmpf oge, %add3A_329, %ge3A_331 : vector<16xf32>
      %mul3A_333 = arith.constant 0.00999999977 : f32
      %mul3A_334 = vector.broadcast %mul3A_333 : f32 to vector<16xf32>
      %mul3A_335 = arith.mulf %mul3A_334, %add3A_329 : vector<16xf32>
      %select_n3A_336 = arith.select %ge3A_332, %add3A_329, %mul3A_335 : vector<16xi1>, vector<16xf32>
      %neg3A_337 = arith.constant 0.000000e+00 : f32
      %neg3A_338 = vector.broadcast %neg3A_337 : f32 to vector<16xf32>
      %neg3A_339 = arith.subf %neg3A_338, %select_n3A_336 : vector<16xf32>
      %exp3A_340 = math.exp %neg3A_339 : vector<16xf32>
      %swap3A_341 = arith.constant 32 : index
      %swap3A_342 = tpu.vector_load %arg16[%swap3A_341] {strides = array<i32>} : memref<64xf32, #tpu.memory_space<vmem>>, vector<16xf32>,
      tpu.vector_store %arg16[%swap3A_341], %exp3A_340 {strides = array<i32>} : memref<64xf32, #tpu.memory_space<vmem>>, vector<16xf32>,
      %get3A_343 = arith.constant 48 : index
      %get3A_344 = tpu.vector_load %arg13[%get3A_343] {strides = array<i32>} : memref<64xi32, #tpu.memory_space<vmem>>, vector<16xi32>,
      %get3A_345 = arith.constant 48 : index
      %get3A_346 = tpu.vector_load %arg14[%get3A_345] {strides = array<i32>} : memref<64xi32, #tpu.memory_space<vmem>>, vector<16xi32>,
      %gather3A_347 = tpu.vector_load_idx %arg9[%get3A_344] : memref<10016xi32, #tpu.memory_space<vmem>>[vector<16xi32>], vector<16xi32>,
      %gather3A_348 = tpu.vector_load_idx %arg9[%get3A_346] : memref<10016xi32, #tpu.memory_space<vmem>>[vector<16xi32>], vector<16xi32>,
      %and3A_349 = arith.constant -65536 : i32
      %and3A_350 = vector.broadcast %and3A_349 : i32 to vector<16xi32>
      %and3A_351 = arith.andi %gather3A_347, %and3A_350 : vector<16xi32>
      %bitcast3A_352 = vector.bitcast %and3A_351 : vector<16xi32> to vector<16xf32>
      %shift_left3A_353 = arith.constant 16 : i32
      %shift_left3A_354 = vector.broadcast %shift_left3A_353 : i32 to vector<16xi32>
      %shift_left3A_355 = arith.shli %gather3A_348, %shift_left3A_354 : vector<16xi32>
      %bitcast3A_356 = vector.bitcast %shift_left3A_355 : vector<16xi32> to vector<16xf32>
      %add3A_357 = arith.addf %bitcast3A_352, %bitcast3A_356 : vector<16xf32>
      %ge3A_358 = arith.constant 0.000000e+00 : f32
      %ge3A_359 = vector.broadcast %ge3A_358 : f32 to vector<16xf32>
      %ge3A_360 = arith.cmpf oge, %add3A_357, %ge3A_359 : vector<16xf32>
      %mul3A_361 = arith.constant 0.00999999977 : f32
      %mul3A_362 = vector.broadcast %mul3A_361 : f32 to vector<16xf32>
      %mul3A_363 = arith.mulf %mul3A_362, %add3A_357 : vector<16xf32>
      %select_n3A_364 = arith.select %ge3A_360, %add3A_357, %mul3A_363 : vector<16xi1>, vector<16xf32>
      %neg3A_365 = arith.constant 0.000000e+00 : f32
      %neg3A_366 = vector.broadcast %neg3A_365 : f32 to vector<16xf32>
      %neg3A_367 = arith.subf %neg3A_366, %select_n3A_364 : vector<16xf32>
      %exp3A_368 = math.exp %neg3A_367 : vector<16xf32>
      %swap3A_369 = arith.constant 48 : index
      %swap3A_370 = tpu.vector_load %arg16[%swap3A_369] {strides = array<i32>} : memref<64xf32, #tpu.memory_space<vmem>>, vector<16xf32>,
      tpu.vector_store %arg16[%swap3A_369], %exp3A_368 {strides = array<i32>} : memref<64xf32, #tpu.memory_space<vmem>>, vector<16xf32>,
      %parallel_loop3A_371 = arith.constant 0 : i32
      %parallel_loop3A_372 = arith.constant 64 : i32
      %parallel_loop3A_373 = arith.constant 1 : i32
      scf.for %parallel_loop3A_388 = %parallel_loop3A_371 to %parallel_loop3A_372 step %parallel_loop3A_373  : i32 {
        %parallel_loop3A_389 = vector.broadcast %parallel_loop3A_388 : i32 to vector<16xi32>
        %parallel_loop3A_390 = tpu.vector_load_idx %arg16[%parallel_loop3A_389] : memref<64xf32, #tpu.memory_space<vmem>>[vector<16xi32>], vector<16xf32>,
        %parallel_loop3A_391 = arith.index_cast %parallel_loop3A_388 : i32 to index
        %parallel_loop3A_392 = arith.constant 0 : index
        %parallel_loop3A_393 = tpu.vector_load %arg18[%parallel_loop3A_391, %parallel_loop3A_392] {strides = array<i32>} : memref<64x128xf32, #tpu.memory_space<vmem>>, vector<16xf32>,
        %parallel_loop3A_394 = arith.mulf %parallel_loop3A_393, %parallel_loop3A_390 : vector<16xf32>
        %parallel_loop3A_395 = arith.index_cast %parallel_loop3A_388 : i32 to index
        %parallel_loop3A_396 = arith.constant 0 : index
        %parallel_loop3A_397 = tpu.vector_load %arg18[%parallel_loop3A_395, %parallel_loop3A_396] {strides = array<i32>} : memref<64x128xf32, #tpu.memory_space<vmem>>, vector<16xf32>,
        tpu.vector_store %arg18[%parallel_loop3A_395, %parallel_loop3A_396], %parallel_loop3A_394 {strides = array<i32>} : memref<64x128xf32, #tpu.memory_space<vmem>>, vector<16xf32>,
        %parallel_loop3A_398 = arith.index_cast %parallel_loop3A_388 : i32 to index
        %parallel_loop3A_399 = arith.constant 16 : index
        %parallel_loop3A_400 = tpu.vector_load %arg18[%parallel_loop3A_398, %parallel_loop3A_399] {strides = array<i32>} : memref<64x128xf32, #tpu.memory_space<vmem>>, vector<16xf32>,
        %parallel_loop3A_401 = arith.mulf %parallel_loop3A_400, %parallel_loop3A_390 : vector<16xf32>
        %parallel_loop3A_402 = arith.index_cast %parallel_loop3A_388 : i32 to index
        %parallel_loop3A_403 = arith.constant 16 : index
        %parallel_loop3A_404 = tpu.vector_load %arg18[%parallel_loop3A_402, %parallel_loop3A_403] {strides = array<i32>} : memref<64x128xf32, #tpu.memory_space<vmem>>, vector<16xf32>,
        tpu.vector_store %arg18[%parallel_loop3A_402, %parallel_loop3A_403], %parallel_loop3A_401 {strides = array<i32>} : memref<64x128xf32, #tpu.memory_space<vmem>>, vector<16xf32>,
        %parallel_loop3A_405 = arith.index_cast %parallel_loop3A_388 : i32 to index
        %parallel_loop3A_406 = arith.constant 32 : index
        %parallel_loop3A_407 = tpu.vector_load %arg18[%parallel_loop3A_405, %parallel_loop3A_406] {strides = array<i32>} : memref<64x128xf32, #tpu.memory_space<vmem>>, vector<16xf32>,
        %parallel_loop3A_408 = arith.mulf %parallel_loop3A_407, %parallel_loop3A_390 : vector<16xf32>
        %parallel_loop3A_409 = arith.index_cast %parallel_loop3A_388 : i32 to index
        %parallel_loop3A_410 = arith.constant 32 : index
        %parallel_loop3A_411 = tpu.vector_load %arg18[%parallel_loop3A_409, %parallel_loop3A_410] {strides = array<i32>} : memref<64x128xf32, #tpu.memory_space<vmem>>, vector<16xf32>,
        tpu.vector_store %arg18[%parallel_loop3A_409, %parallel_loop3A_410], %parallel_loop3A_408 {strides = array<i32>} : memref<64x128xf32, #tpu.memory_space<vmem>>, vector<16xf32>,
        %parallel_loop3A_412 = arith.index_cast %parallel_loop3A_388 : i32 to index
        %parallel_loop3A_413 = arith.constant 48 : index
        %parallel_loop3A_414 = tpu.vector_load %arg18[%parallel_loop3A_412, %parallel_loop3A_413] {strides = array<i32>} : memref<64x128xf32, #tpu.memory_space<vmem>>, vector<16xf32>,
        %parallel_loop3A_415 = arith.mulf %parallel_loop3A_414, %parallel_loop3A_390 : vector<16xf32>
        %parallel_loop3A_416 = arith.index_cast %parallel_loop3A_388 : i32 to index
        %parallel_loop3A_417 = arith.constant 48 : index
        %parallel_loop3A_418 = tpu.vector_load %arg18[%parallel_loop3A_416, %parallel_loop3A_417] {strides = array<i32>} : memref<64x128xf32, #tpu.memory_space<vmem>>, vector<16xf32>,
        tpu.vector_store %arg18[%parallel_loop3A_416, %parallel_loop3A_417], %parallel_loop3A_415 {strides = array<i32>} : memref<64x128xf32, #tpu.memory_space<vmem>>, vector<16xf32>,
        %parallel_loop3A_419 = arith.index_cast %parallel_loop3A_388 : i32 to index
        %parallel_loop3A_420 = arith.constant 64 : index
        %parallel_loop3A_421 = tpu.vector_load %arg18[%parallel_loop3A_419, %parallel_loop3A_420] {strides = array<i32>} : memref<64x128xf32, #tpu.memory_space<vmem>>, vector<16xf32>,
        %parallel_loop3A_422 = arith.mulf %parallel_loop3A_421, %parallel_loop3A_390 : vector<16xf32>
        %parallel_loop3A_423 = arith.index_cast %parallel_loop3A_388 : i32 to index
        %parallel_loop3A_424 = arith.constant 64 : index
        %parallel_loop3A_425 = tpu.vector_load %arg18[%parallel_loop3A_423, %parallel_loop3A_424] {strides = array<i32>} : memref<64x128xf32, #tpu.memory_space<vmem>>, vector<16xf32>,
        tpu.vector_store %arg18[%parallel_loop3A_423, %parallel_loop3A_424], %parallel_loop3A_422 {strides = array<i32>} : memref<64x128xf32, #tpu.memory_space<vmem>>, vector<16xf32>,
        %parallel_loop3A_426 = arith.index_cast %parallel_loop3A_388 : i32 to index
        %parallel_loop3A_427 = arith.constant 80 : index
        %parallel_loop3A_428 = tpu.vector_load %arg18[%parallel_loop3A_426, %parallel_loop3A_427] {strides = array<i32>} : memref<64x128xf32, #tpu.memory_space<vmem>>, vector<16xf32>,
        %parallel_loop3A_429 = arith.mulf %parallel_loop3A_428, %parallel_loop3A_390 : vector<16xf32>
        %parallel_loop3A_430 = arith.index_cast %parallel_loop3A_388 : i32 to index
        %parallel_loop3A_431 = arith.constant 80 : index
        %parallel_loop3A_432 = tpu.vector_load %arg18[%parallel_loop3A_430, %parallel_loop3A_431] {strides = array<i32>} : memref<64x128xf32, #tpu.memory_space<vmem>>, vector<16xf32>,
        tpu.vector_store %arg18[%parallel_loop3A_430, %parallel_loop3A_431], %parallel_loop3A_429 {strides = array<i32>} : memref<64x128xf32, #tpu.memory_space<vmem>>, vector<16xf32>,
        %parallel_loop3A_433 = arith.index_cast %parallel_loop3A_388 : i32 to index
        %parallel_loop3A_434 = arith.constant 96 : index
        %parallel_loop3A_435 = tpu.vector_load %arg18[%parallel_loop3A_433, %parallel_loop3A_434] {strides = array<i32>} : memref<64x128xf32, #tpu.memory_space<vmem>>, vector<16xf32>,
        %parallel_loop3A_436 = arith.mulf %parallel_loop3A_435, %parallel_loop3A_390 : vector<16xf32>
        %parallel_loop3A_437 = arith.index_cast %parallel_loop3A_388 : i32 to index
        %parallel_loop3A_438 = arith.constant 96 : index
        %parallel_loop3A_439 = tpu.vector_load %arg18[%parallel_loop3A_437, %parallel_loop3A_438] {strides = array<i32>} : memref<64x128xf32, #tpu.memory_space<vmem>>, vector<16xf32>,
        tpu.vector_store %arg18[%parallel_loop3A_437, %parallel_loop3A_438], %parallel_loop3A_436 {strides = array<i32>} : memref<64x128xf32, #tpu.memory_space<vmem>>, vector<16xf32>,
        %parallel_loop3A_440 = arith.index_cast %parallel_loop3A_388 : i32 to index
        %parallel_loop3A_441 = arith.constant 112 : index
        %parallel_loop3A_442 = tpu.vector_load %arg18[%parallel_loop3A_440, %parallel_loop3A_441] {strides = array<i32>} : memref<64x128xf32, #tpu.memory_space<vmem>>, vector<16xf32>,
        %parallel_loop3A_443 = arith.mulf %parallel_loop3A_442, %parallel_loop3A_390 : vector<16xf32>
        %parallel_loop3A_444 = arith.index_cast %parallel_loop3A_388 : i32 to index
        %parallel_loop3A_445 = arith.constant 112 : index
        %parallel_loop3A_446 = tpu.vector_load %arg18[%parallel_loop3A_444, %parallel_loop3A_445] {strides = array<i32>} : memref<64x128xf32, #tpu.memory_space<vmem>>, vector<16xf32>,
        tpu.vector_store %arg18[%parallel_loop3A_444, %parallel_loop3A_445], %parallel_loop3A_443 {strides = array<i32>} : memref<64x128xf32, #tpu.memory_space<vmem>>, vector<16xf32>,
      } {sc.loop_unroll_factor = 8 : i64, sc.parallel_access}
      %dma_wait3A_374 = arith.constant 0 : i32
      %dma_wait3A_375 = arith.constant 0 : i32
      %dma_wait3A_376 = tpu.memref_slice %arg19[%dma_wait3A_374, %dma_wait3A_375] : memref<10240x128xf32, #tpu.memory_space<vmem_shared>> -> memref<10240x128xf32, #tpu.memory_space<vmem_shared>>
      tpu.wait_indirect_dma semaphore(%arg23 : memref<!tpu.dma_semaphore, #tpu.memory_space<semaphore_mem>>) src(%arg17 : memref<64x128xf32, #tpu.memory_space<vmem>>) dst(%dma_wait3A_376 : memref<10240x128xf32, #tpu.memory_space<vmem_shared>>)
      %dma_wait3A_377 = arith.constant 0 : i32
      %dma_wait3A_378 = tpu.memref_slice %arg20[%dma_wait3A_377] : memref<10240xf32, #tpu.memory_space<vmem_shared>> -> memref<10240xf32, #tpu.memory_space<vmem_shared>>
      tpu.wait_indirect_dma semaphore(%arg23 : memref<!tpu.dma_semaphore, #tpu.memory_space<semaphore_mem>>) src(%arg15 : memref<64xf32, #tpu.memory_space<vmem>>) dst(%dma_wait3A_378 : memref<10240xf32, #tpu.memory_space<vmem_shared>>)
      %lt3A = arith.constant 79 : i32
      %lt3A_379 = arith.cmpi slt, %scan3A_77, %lt3A : i32
      %convert_element_type3A_380 = arith.extui %lt3A_379 : i1 to i32
      %cond3A_381 = arith.constant 0 : i32
      %cond3A_382 = arith.cmpi ne, %convert_element_type3A_380, %cond3A_381 : i32
      scf.if %cond3A_382 {
        %add3A_388 = arith.constant 1 : i32
        %add3A_389 = arith.addi %scan3A_77, %add3A_388 : i32
        %get3A_390 = arith.index_cast %add3A_389 : i32 to index
        %get3A_391 = arith.constant 0 : index
        %get3A_392 = tpu.vector_load %arg10[%get3A_390, %get3A_391] {strides = array<i32>} : memref<80x128xi32, #tpu.memory_space<vmem>>, vector<16xi32>,
        %shift_right_arithmetic3A_393 = arith.constant 16 : i32
        %shift_right_arithmetic3A_394 = vector.broadcast %shift_right_arithmetic3A_393 : i32 to vector<16xi32>
        %shift_right_arithmetic3A_395 = arith.shrsi %get3A_392, %shift_right_arithmetic3A_394 : vector<16xi32>
        %swap3A_396 = arith.constant 0 : index
        %swap3A_397 = tpu.vector_load %arg11[%swap3A_396] {strides = array<i32>} : memref<64xi32, #tpu.memory_space<vmem>>, vector<16xi32>,
        tpu.vector_store %arg11[%swap3A_396], %shift_right_arithmetic3A_395 {strides = array<i32>} : memref<64xi32, #tpu.memory_space<vmem>>, vector<16xi32>,
        %and3A_398 = arith.constant 65535 : i32
        %and3A_399 = vector.broadcast %and3A_398 : i32 to vector<16xi32>
        %and3A_400 = arith.andi %get3A_392, %and3A_399 : vector<16xi32>
        %swap3A_401 = arith.constant 0 : index
        %swap3A_402 = tpu.vector_load %arg12[%swap3A_401] {strides = array<i32>} : memref<64xi32, #tpu.memory_space<vmem>>, vector<16xi32>,
        tpu.vector_store %arg12[%swap3A_401], %and3A_400 {strides = array<i32>} : memref<64xi32, #tpu.memory_space<vmem>>, vector<16xi32>,
        %get3A_403 = arith.index_cast %add3A_389 : i32 to index
        %get3A_404 = arith.constant 16 : index
        %get3A_405 = tpu.vector_load %arg10[%get3A_403, %get3A_404] {strides = array<i32>} : memref<80x128xi32, #tpu.memory_space<vmem>>, vector<16xi32>,
        %shift_right_arithmetic3A_406 = arith.constant 16 : i32
        %shift_right_arithmetic3A_407 = vector.broadcast %shift_right_arithmetic3A_406 : i32 to vector<16xi32>
        %shift_right_arithmetic3A_408 = arith.shrsi %get3A_405, %shift_right_arithmetic3A_407 : vector<16xi32>
        %swap3A_409 = arith.constant 16 : index
        %swap3A_410 = tpu.vector_load %arg11[%swap3A_409] {strides = array<i32>} : memref<64xi32, #tpu.memory_space<vmem>>, vector<16xi32>,
        tpu.vector_store %arg11[%swap3A_409], %shift_right_arithmetic3A_408 {strides = array<i32>} : memref<64xi32, #tpu.memory_space<vmem>>, vector<16xi32>,
        %and3A_411 = arith.constant 65535 : i32
        %and3A_412 = vector.broadcast %and3A_411 : i32 to vector<16xi32>
        %and3A_413 = arith.andi %get3A_405, %and3A_412 : vector<16xi32>
        %swap3A_414 = arith.constant 16 : index
        %swap3A_415 = tpu.vector_load %arg12[%swap3A_414] {strides = array<i32>} : memref<64xi32, #tpu.memory_space<vmem>>, vector<16xi32>,
        tpu.vector_store %arg12[%swap3A_414], %and3A_413 {strides = array<i32>} : memref<64xi32, #tpu.memory_space<vmem>>, vector<16xi32>,
        %get3A_416 = arith.index_cast %add3A_389 : i32 to index
        %get3A_417 = arith.constant 32 : index
        %get3A_418 = tpu.vector_load %arg10[%get3A_416, %get3A_417] {strides = array<i32>} : memref<80x128xi32, #tpu.memory_space<vmem>>, vector<16xi32>,
        %shift_right_arithmetic3A_419 = arith.constant 16 : i32
        %shift_right_arithmetic3A_420 = vector.broadcast %shift_right_arithmetic3A_419 : i32 to vector<16xi32>
        %shift_right_arithmetic3A_421 = arith.shrsi %get3A_418, %shift_right_arithmetic3A_420 : vector<16xi32>
        %swap3A_422 = arith.constant 32 : index
        %swap3A_423 = tpu.vector_load %arg11[%swap3A_422] {strides = array<i32>} : memref<64xi32, #tpu.memory_space<vmem>>, vector<16xi32>,
        tpu.vector_store %arg11[%swap3A_422], %shift_right_arithmetic3A_421 {strides = array<i32>} : memref<64xi32, #tpu.memory_space<vmem>>, vector<16xi32>,
        %and3A_424 = arith.constant 65535 : i32
        %and3A_425 = vector.broadcast %and3A_424 : i32 to vector<16xi32>
        %and3A_426 = arith.andi %get3A_418, %and3A_425 : vector<16xi32>
        %swap3A_427 = arith.constant 32 : index
        %swap3A_428 = tpu.vector_load %arg12[%swap3A_427] {strides = array<i32>} : memref<64xi32, #tpu.memory_space<vmem>>, vector<16xi32>,
        tpu.vector_store %arg12[%swap3A_427], %and3A_426 {strides = array<i32>} : memref<64xi32, #tpu.memory_space<vmem>>, vector<16xi32>,
        %get3A_429 = arith.index_cast %add3A_389 : i32 to index
        %get3A_430 = arith.constant 48 : index
        %get3A_431 = tpu.vector_load %arg10[%get3A_429, %get3A_430] {strides = array<i32>} : memref<80x128xi32, #tpu.memory_space<vmem>>, vector<16xi32>,
        %shift_right_arithmetic3A_432 = arith.constant 16 : i32
        %shift_right_arithmetic3A_433 = vector.broadcast %shift_right_arithmetic3A_432 : i32 to vector<16xi32>
        %shift_right_arithmetic3A_434 = arith.shrsi %get3A_431, %shift_right_arithmetic3A_433 : vector<16xi32>
        %swap3A_435 = arith.constant 48 : index
        %swap3A_436 = tpu.vector_load %arg11[%swap3A_435] {strides = array<i32>} : memref<64xi32, #tpu.memory_space<vmem>>, vector<16xi32>,
        tpu.vector_store %arg11[%swap3A_435], %shift_right_arithmetic3A_434 {strides = array<i32>} : memref<64xi32, #tpu.memory_space<vmem>>, vector<16xi32>,
        %and3A_437 = arith.constant 65535 : i32
        %and3A_438 = vector.broadcast %and3A_437 : i32 to vector<16xi32>
        %and3A_439 = arith.andi %get3A_431, %and3A_438 : vector<16xi32>
        %swap3A_440 = arith.constant 48 : index
        %swap3A_441 = tpu.vector_load %arg12[%swap3A_440] {strides = array<i32>} : memref<64xi32, #tpu.memory_space<vmem>>, vector<16xi32>,
        tpu.vector_store %arg12[%swap3A_440], %and3A_439 {strides = array<i32>} : memref<64xi32, #tpu.memory_space<vmem>>, vector<16xi32>,
        %dma_start3A_442 = arith.constant 0 : i32
        %dma_start3A_443 = arith.constant 0 : i32
        %dma_start3A_444 = tpu.memref_slice %arg2[%dma_start3A_442, %dma_start3A_443] : memref<10000x128xf32, #tpu.memory_space<hbm>> -> memref<10000x128xf32, #tpu.memory_space<hbm>>
        tpu.enqueue_indirect_dma source(%dma_start3A_444 : memref<10000x128xf32, #tpu.memory_space<hbm>>) target(%arg17 : memref<64x128xf32, #tpu.memory_space<vmem>>) offsets(%arg12 : memref<64xi32, #tpu.memory_space<vmem>>) semaphore(%arg21 : memref<!tpu.dma_semaphore, #tpu.memory_space<semaphore_mem>>)
      } else {
      }
      %dma_start3A_383 = arith.constant 0 : i32
      %dma_start3A_384 = arith.constant 0 : i32
      %dma_start3A_385 = tpu.memref_slice %arg19[%dma_start3A_383, %dma_start3A_384] : memref<10240x128xf32, #tpu.memory_space<vmem_shared>> -> memref<10240x128xf32, #tpu.memory_space<vmem_shared>>
      tpu.enqueue_indirect_dma source(%arg18 : memref<64x128xf32, #tpu.memory_space<vmem>>) target(%dma_start3A_385 : memref<10240x128xf32, #tpu.memory_space<vmem_shared>>) offsets(%arg13 : memref<64xi32, #tpu.memory_space<vmem>>) semaphore(%arg24 : memref<!tpu.dma_semaphore, #tpu.memory_space<semaphore_mem>>) {add = true}
      %dma_start3A_386 = arith.constant 0 : i32
      %dma_start3A_387 = tpu.memref_slice %arg20[%dma_start3A_386] : memref<10240xf32, #tpu.memory_space<vmem_shared>> -> memref<10240xf32, #tpu.memory_space<vmem_shared>>
      tpu.enqueue_indirect_dma source(%arg16 : memref<64xf32, #tpu.memory_space<vmem>>) target(%dma_start3A_387 : memref<10240xf32, #tpu.memory_space<vmem_shared>>) offsets(%arg13 : memref<64xi32, #tpu.memory_space<vmem>>) semaphore(%arg24 : memref<!tpu.dma_semaphore, #tpu.memory_space<semaphore_mem>>) {add = true}
    }
    %scan3A_63 = arith.constant 80 : i32
    %dma_wait3A = arith.constant 0 : i32
    %dma_wait3A_64 = arith.constant 0 : i32
    %dma_wait3A_65 = tpu.memref_slice %arg19[%dma_wait3A, %dma_wait3A_64] : memref<10240x128xf32, #tpu.memory_space<vmem_shared>> -> memref<10240x128xf32, #tpu.memory_space<vmem_shared>>
    tpu.wait_indirect_dma semaphore(%arg24 : memref<!tpu.dma_semaphore, #tpu.memory_space<semaphore_mem>>) src(%arg18 : memref<64x128xf32, #tpu.memory_space<vmem>>) dst(%dma_wait3A_65 : memref<10240x128xf32, #tpu.memory_space<vmem_shared>>)
    %dma_wait3A_66 = arith.constant 0 : i32
    %dma_wait3A_67 = tpu.memref_slice %arg20[%dma_wait3A_66] : memref<10240xf32, #tpu.memory_space<vmem_shared>> -> memref<10240xf32, #tpu.memory_space<vmem_shared>>
    tpu.wait_indirect_dma semaphore(%arg24 : memref<!tpu.dma_semaphore, #tpu.memory_space<semaphore_mem>>) src(%arg16 : memref<64xf32, #tpu.memory_space<vmem>>) dst(%dma_wait3A_67 : memref<10240xf32, #tpu.memory_space<vmem_shared>>)
    %barrier3A_68 = arith.constant 0 : index
    tpu.barrier barrier_id(%barrier3A_68)
    %mul3A_69 = arith.constant 640 : i32
    %mul3A_70 = arith.muli %arg1, %mul3A_69 : i32
    %mul3A_71 = arith.constant 640 : i32
    %mul3A_72 = arith.muli %arg1, %mul3A_71 : i32
    "tpu.region"() ({
      %run_scoped3A = tpu.sem_alloc : memref<!tpu.dma_semaphore, #tpu.memory_space<semaphore_mem>>
      %dma_start3A_77 = arith.constant 0 : i32
      %dma_start3A_78 = tpu.memref_slice %arg7[%arg0, %mul3A_72, %dma_start3A_77] : memref<2x10240x128xf32, #tpu.memory_space<hbm>> -> memref<1x640x128xf32, #tpu.memory_space<hbm>>
      %dma_start3A_79 = tpu.memref_squeeze %dma_start3A_78 : memref<1x640x128xf32, #tpu.memory_space<hbm>> -> memref<640x128xf32, #tpu.memory_space<hbm>>
      %dma_start3A_80 = arith.constant 0 : i32
      %dma_start3A_81 = tpu.memref_slice %arg19[%mul3A_70, %dma_start3A_80] : memref<10240x128xf32, #tpu.memory_space<vmem_shared>> -> memref<640x128xf32, #tpu.memory_space<vmem_shared>>
      tpu.enqueue_dma source(%dma_start3A_81 : memref<640x128xf32, #tpu.memory_space<vmem_shared>>) target(%dma_start3A_79 : memref<640x128xf32, #tpu.memory_space<hbm>>) target_semaphore(%run_scoped3A : memref<!tpu.dma_semaphore, #tpu.memory_space<semaphore_mem>>)
      %dma_wait3A_82 = arith.constant 0 : i32
      %dma_wait3A_83 = tpu.memref_slice %arg7[%arg0, %mul3A_72, %dma_wait3A_82] : memref<2x10240x128xf32, #tpu.memory_space<hbm>> -> memref<1x640x128xf32, #tpu.memory_space<hbm>>
      %dma_wait3A_84 = tpu.memref_squeeze %dma_wait3A_83 : memref<1x640x128xf32, #tpu.memory_space<hbm>> -> memref<640x128xf32, #tpu.memory_space<hbm>>
      %dma_wait3A_85 = arith.constant 0 : i32
      %dma_wait3A_86 = tpu.memref_slice %arg19[%mul3A_70, %dma_wait3A_85] : memref<10240x128xf32, #tpu.memory_space<vmem_shared>> -> memref<640x128xf32, #tpu.memory_space<vmem_shared>>
      tpu.wait_dma2 semaphore(%run_scoped3A : memref<!tpu.dma_semaphore, #tpu.memory_space<semaphore_mem>>) src(%dma_wait3A_86 : memref<640x128xf32, #tpu.memory_space<vmem_shared>>) dst(%dma_wait3A_84 : memref<640x128xf32, #tpu.memory_space<hbm>>)
      tpu.yield
    }) : () -> ()
    %mul3A_73 = arith.constant 640 : i32
    %mul3A_74 = arith.muli %arg1, %mul3A_73 : i32
    %mul3A_75 = arith.constant 640 : i32
    %mul3A_76 = arith.muli %arg1, %mul3A_75 : i32
    "tpu.region"() ({
      %run_scoped3A = tpu.sem_alloc : memref<!tpu.dma_semaphore, #tpu.memory_space<semaphore_mem>>
      %dma_start3A_77 = tpu.memref_slice %arg8[%arg0, %mul3A_76] : memref<2x10240xf32, #tpu.memory_space<hbm>> -> memref<1x640xf32, #tpu.memory_space<hbm>>
      %dma_start3A_78 = tpu.memref_squeeze %dma_start3A_77 : memref<1x640xf32, #tpu.memory_space<hbm>> -> memref<640xf32, #tpu.memory_space<hbm>>
      %dma_start3A_79 = tpu.memref_slice %arg20[%mul3A_74] : memref<10240xf32, #tpu.memory_space<vmem_shared>> -> memref<640xf32, #tpu.memory_space<vmem_shared>>
      tpu.enqueue_dma source(%dma_start3A_79 : memref<640xf32, #tpu.memory_space<vmem_shared>>) target(%dma_start3A_78 : memref<640xf32, #tpu.memory_space<hbm>>) target_semaphore(%run_scoped3A : memref<!tpu.dma_semaphore, #tpu.memory_space<semaphore_mem>>)
      %dma_wait3A_80 = tpu.memref_slice %arg8[%arg0, %mul3A_76] : memref<2x10240xf32, #tpu.memory_space<hbm>> -> memref<1x640xf32, #tpu.memory_space<hbm>>
      %dma_wait3A_81 = tpu.memref_squeeze %dma_wait3A_80 : memref<1x640xf32, #tpu.memory_space<hbm>> -> memref<640xf32, #tpu.memory_space<hbm>>
      %dma_wait3A_82 = tpu.memref_slice %arg20[%mul3A_74] : memref<10240xf32, #tpu.memory_space<vmem_shared>> -> memref<640xf32, #tpu.memory_space<vmem_shared>>
      tpu.wait_dma2 semaphore(%run_scoped3A : memref<!tpu.dma_semaphore, #tpu.memory_space<semaphore_mem>>) src(%dma_wait3A_82 : memref<640xf32, #tpu.memory_space<vmem_shared>>) dst(%dma_wait3A_81 : memref<640xf32, #tpu.memory_space<hbm>>)
      tpu.yield
    }) : () -> ()
    return
  }
}

module attributes {stable_mosaic.version = 14 : i64} {
  func.func @_mm_first(%arg0: i32, %arg1: memref<1000x128xf32, #tpu.memory_space<vmem>>, %arg2: memref<128x128xf32, #tpu.memory_space<vmem>>, %arg3: memref<128x8xf32, #tpu.memory_space<vmem>>, %arg4: memref<1000x128xf32, #tpu.memory_space<vmem>>, %arg5: memref<1000x8xf32, #tpu.memory_space<vmem>>) attributes {dimension_semantics = [#tpu.dimension_semantics<arbitrary>], iteration_bounds = array<i64: 10>, scalar_prefetch = 0 : i64, scratch_operands = 0 : i64, tpu.core_type = #tpu.core_type<tc>, window_params = [{transform_indices = @transform_0, window_bounds = array<i64: 1000, 128>}, {pipeline_mode = #tpu.pipeline_mode<synchronous>, transform_indices = @transform_1, window_bounds = array<i64: 128, 128>}, {pipeline_mode = #tpu.pipeline_mode<synchronous>, transform_indices = @transform_2, window_bounds = array<i64: 128, 8>}, {transform_indices = @transform_3, window_bounds = array<i64: 1000, 128>}, {transform_indices = @transform_4, window_bounds = array<i64: 1000, 8>}]} {
    %get3A = arith.constant 0 : index
    %get3A_0 = arith.constant 0 : index
    %get3A_1 = vector.load %arg1[%get3A, %get3A_0] : memref<1000x128xf32, #tpu.memory_space<vmem>>, vector<1000x128xf32>
    %get3A_2 = arith.constant 0 : index
    %get3A_3 = arith.constant 0 : index
    %get3A_4 = vector.load %arg2[%get3A_2, %get3A_3] : memref<128x128xf32, #tpu.memory_space<vmem>>, vector<128x128xf32>
    %dot_general3A = arith.constant dense<0.000000e+00> : vector<1000x128xf32>
    %dot_general3A_5 = tpu.matmul %get3A_1, %get3A_4, %dot_general3A {dimension_numbers = #tpu.dot_dimension_numbers<[1], [0], [0], [1], [0, 0, 1, 1], [], []>, transpose_lhs_hint = false} : vector<1000x128xf32>, vector<128x128xf32>, vector<1000x128xf32> -> vector<1000x128xf32>
    %swap3A = arith.constant 0 : index
    %swap3A_6 = arith.constant 0 : index
    %swap3A_7 = vector.load %arg4[%swap3A, %swap3A_6] : memref<1000x128xf32, #tpu.memory_space<vmem>>, vector<1000x128xf32>
    tpu.vector_store %arg4[%swap3A, %swap3A_6], %dot_general3A_5 {strides = array<i32>} : memref<1000x128xf32, #tpu.memory_space<vmem>>, vector<1000x128xf32>,
    %get3A_8 = arith.constant 0 : index
    %get3A_9 = arith.constant 0 : index
    %get3A_10 = vector.load %arg3[%get3A_8, %get3A_9] : memref<128x8xf32, #tpu.memory_space<vmem>>, vector<128x8xf32>
    %dot_general3A_11 = arith.constant dense<0.000000e+00> : vector<1000x8xf32>
    %dot_general3A_12 = tpu.matmul %dot_general3A_5, %get3A_10, %dot_general3A_11 {dimension_numbers = #tpu.dot_dimension_numbers<[1], [0], [0], [1], [0, 0, 1, 1], [], []>, transpose_lhs_hint = false} : vector<1000x128xf32>, vector<128x8xf32>, vector<1000x8xf32> -> vector<1000x8xf32>
    %swap3A_13 = arith.constant 0 : index
    %swap3A_14 = arith.constant 0 : index
    %swap3A_15 = vector.load %arg5[%swap3A_13, %swap3A_14] : memref<1000x8xf32, #tpu.memory_space<vmem>>, vector<1000x8xf32>
    tpu.vector_store %arg5[%swap3A_13, %swap3A_14], %dot_general3A_12 {strides = array<i32>} : memref<1000x8xf32, #tpu.memory_space<vmem>>, vector<1000x8xf32>,
    return
  }
  func.func @transform_0(%arg0: i32) -> (i32, i32) {
    %c0_i32 = arith.constant 0 : i32
    %c0_i32_0 = arith.constant 0 : i32
    return %arg0, %c0_i32 : i32, i32
  }
  func.func @transform_1(%arg0: i32) -> (i32, i32) {
    %c0_i32 = arith.constant 0 : i32
    %c0_i32_0 = arith.constant 0 : i32
    %c0_i32_1 = arith.constant 0 : i32
    return %c0_i32, %c0_i32_0 : i32, i32
  }
  func.func @transform_2(%arg0: i32) -> (i32, i32) {
    %c0_i32 = arith.constant 0 : i32
    %c0_i32_0 = arith.constant 0 : i32
    %c0_i32_1 = arith.constant 0 : i32
    return %c0_i32, %c0_i32_0 : i32, i32
  }
  func.func @transform_3(%arg0: i32) -> (i32, i32) {
    %c0_i32 = arith.constant 0 : i32
    %c0_i32_0 = arith.constant 0 : i32
    return %arg0, %c0_i32 : i32, i32
  }
  func.func @transform_4(%arg0: i32) -> (i32, i32) {
    %c0_i32 = arith.constant 0 : i32
    %c0_i32_0 = arith.constant 0 : i32
    return %arg0, %c0_i32 : i32, i32
  }
}

module attributes {stable_mosaic.version = 14 : i64} {
  func.func @_mm_combine(%arg0: i32, %arg1: memref<2x1000x128xf32, #tpu.memory_space<vmem>>, %arg2: memref<2x1000x1xf32, #tpu.memory_space<vmem>>, %arg3: memref<128x128xf32, #tpu.memory_space<vmem>>, %arg4: memref<128x8xf32, #tpu.memory_space<vmem>>, %arg5: memref<1000x128xf32, #tpu.memory_space<vmem>>, %arg6: memref<1000x8xf32, #tpu.memory_space<vmem>>) attributes {dimension_semantics = [#tpu.dimension_semantics<arbitrary>], iteration_bounds = array<i64: 10>, scalar_prefetch = 0 : i64, scratch_operands = 0 : i64, tpu.core_type = #tpu.core_type<tc>, window_params = [{transform_indices = @transform_0, window_bounds = array<i64: 2, 1000, 128>}, {transform_indices = @transform_1, window_bounds = array<i64: 2, 1000, 1>}, {pipeline_mode = #tpu.pipeline_mode<synchronous>, transform_indices = @transform_2, window_bounds = array<i64: 128, 128>}, {pipeline_mode = #tpu.pipeline_mode<synchronous>, transform_indices = @transform_3, window_bounds = array<i64: 128, 8>}, {transform_indices = @transform_4, window_bounds = array<i64: 1000, 128>}, {transform_indices = @transform_5, window_bounds = array<i64: 1000, 8>}]} {
    %get3A = arith.constant 0 : index
    %get3A_0 = arith.constant 0 : index
    %get3A_1 = arith.constant 0 : index
    %get3A_2 = vector.load %arg1[%get3A, %get3A_0, %get3A_1] : memref<2x1000x128xf32, #tpu.memory_space<vmem>>, vector<1x1000x128xf32>
    %get3A_3 = vector.shape_cast %get3A_2 : vector<1x1000x128xf32> to vector<1000x128xf32>
    %get3A_4 = arith.constant 1 : index
    %get3A_5 = arith.constant 0 : index
    %get3A_6 = arith.constant 0 : index
    %get3A_7 = vector.load %arg1[%get3A_4, %get3A_5, %get3A_6] : memref<2x1000x128xf32, #tpu.memory_space<vmem>>, vector<1x1000x128xf32>
    %get3A_8 = vector.shape_cast %get3A_7 : vector<1x1000x128xf32> to vector<1000x128xf32>
    %add3A = arith.addf %get3A_3, %get3A_8 : vector<1000x128xf32>
    %get3A_9 = arith.constant 0 : index
    %get3A_10 = arith.constant 0 : index
    %get3A_11 = arith.constant 0 : index
    %get3A_12 = vector.load %arg2[%get3A_9, %get3A_10, %get3A_11] : memref<2x1000x1xf32, #tpu.memory_space<vmem>>, vector<1x1000x1xf32>
    %get3A_13 = vector.shape_cast %get3A_12 : vector<1x1000x1xf32> to vector<1000x1xf32>
    %get3A_14 = arith.constant 1 : index
    %get3A_15 = arith.constant 0 : index
    %get3A_16 = arith.constant 0 : index
    %get3A_17 = vector.load %arg2[%get3A_14, %get3A_15, %get3A_16] : memref<2x1000x1xf32, #tpu.memory_space<vmem>>, vector<1x1000x1xf32>
    %get3A_18 = vector.shape_cast %get3A_17 : vector<1x1000x1xf32> to vector<1000x1xf32>
    %add3A_19 = arith.addf %get3A_13, %get3A_18 : vector<1000x1xf32>
    %div3A = vector.broadcast %add3A_19 : vector<1000x1xf32> to vector<1000x128xf32>
    %div3A_20 = arith.divf %add3A, %div3A : vector<1000x128xf32>
    %get3A_21 = arith.constant 0 : index
    %get3A_22 = arith.constant 0 : index
    %get3A_23 = vector.load %arg3[%get3A_21, %get3A_22] : memref<128x128xf32, #tpu.memory_space<vmem>>, vector<128x128xf32>
    %dot_general3A = arith.constant dense<0.000000e+00> : vector<1000x128xf32>
    %dot_general3A_24 = tpu.matmul %div3A_20, %get3A_23, %dot_general3A {dimension_numbers = #tpu.dot_dimension_numbers<[1], [0], [0], [1], [0, 0, 1, 1], [], []>, transpose_lhs_hint = false} : vector<1000x128xf32>, vector<128x128xf32>, vector<1000x128xf32> -> vector<1000x128xf32>
    %swap3A = arith.constant 0 : index
    %swap3A_25 = arith.constant 0 : index
    %swap3A_26 = vector.load %arg5[%swap3A, %swap3A_25] : memref<1000x128xf32, #tpu.memory_space<vmem>>, vector<1000x128xf32>
    tpu.vector_store %arg5[%swap3A, %swap3A_25], %dot_general3A_24 {strides = array<i32>} : memref<1000x128xf32, #tpu.memory_space<vmem>>, vector<1000x128xf32>,
    %get3A_27 = arith.constant 0 : index
    %get3A_28 = arith.constant 0 : index
    %get3A_29 = vector.load %arg4[%get3A_27, %get3A_28] : memref<128x8xf32, #tpu.memory_space<vmem>>, vector<128x8xf32>
    %dot_general3A_30 = arith.constant dense<0.000000e+00> : vector<1000x8xf32>
    %dot_general3A_31 = tpu.matmul %dot_general3A_24, %get3A_29, %dot_general3A_30 {dimension_numbers = #tpu.dot_dimension_numbers<[1], [0], [0], [1], [0, 0, 1, 1], [], []>, transpose_lhs_hint = false} : vector<1000x128xf32>, vector<128x8xf32>, vector<1000x8xf32> -> vector<1000x8xf32>
    %swap3A_32 = arith.constant 0 : index
    %swap3A_33 = arith.constant 0 : index
    %swap3A_34 = vector.load %arg6[%swap3A_32, %swap3A_33] : memref<1000x8xf32, #tpu.memory_space<vmem>>, vector<1000x8xf32>
    tpu.vector_store %arg6[%swap3A_32, %swap3A_33], %dot_general3A_31 {strides = array<i32>} : memref<1000x8xf32, #tpu.memory_space<vmem>>, vector<1000x8xf32>,
    return
  }
  func.func @transform_0(%arg0: i32) -> (i32, i32, i32) {
    %c0_i32 = arith.constant 0 : i32
    %c0_i32_0 = arith.constant 0 : i32
    %c0_i32_1 = arith.constant 0 : i32
    return %c0_i32, %arg0, %c0_i32_0 : i32, i32, i32
  }
  func.func @transform_1(%arg0: i32) -> (i32, i32, i32) {
    %c0_i32 = arith.constant 0 : i32
    %c0_i32_0 = arith.constant 0 : i32
    %c0_i32_1 = arith.constant 0 : i32
    return %c0_i32, %arg0, %c0_i32_0 : i32, i32, i32
  }
  func.func @transform_2(%arg0: i32) -> (i32, i32) {
    %c0_i32 = arith.constant 0 : i32
    %c0_i32_0 = arith.constant 0 : i32
    %c0_i32_1 = arith.constant 0 : i32
    return %c0_i32, %c0_i32_0 : i32, i32
  }
  func.func @transform_3(%arg0: i32) -> (i32, i32) {
    %c0_i32 = arith.constant 0 : i32
    %c0_i32_0 = arith.constant 0 : i32
    %c0_i32_1 = arith.constant 0 : i32
    return %c0_i32, %c0_i32_0 : i32, i32
  }
  func.func @transform_4(%arg0: i32) -> (i32, i32) {
    %c0_i32 = arith.constant 0 : i32
    %c0_i32_0 = arith.constant 0 : i32
    return %arg0, %c0_i32 : i32, i32
  }
  func.func @transform_5(%arg0: i32) -> (i32, i32) {
    %c0_i32 = arith.constant 0 : i32
    %c0_i32_0 = arith.constant 0 : i32
    return %arg0, %c0_i32 : i32, i32
  }
}

module attributes {stable_mosaic.version = 14 : i64} {
  func.func @_final(%arg0: i32, %arg1: memref<2x1000x128xf32, #tpu.memory_space<vmem>>, %arg2: memref<2x1000x1xf32, #tpu.memory_space<vmem>>, %arg3: memref<1000x128xf32, #tpu.memory_space<vmem>>) attributes {dimension_semantics = [#tpu.dimension_semantics<arbitrary>], iteration_bounds = array<i64: 10>, scalar_prefetch = 0 : i64, scratch_operands = 0 : i64, tpu.core_type = #tpu.core_type<tc>, window_params = [{transform_indices = @transform_0, window_bounds = array<i64: 2, 1000, 128>}, {transform_indices = @transform_1, window_bounds = array<i64: 2, 1000, 1>}, {transform_indices = @transform_2, window_bounds = array<i64: 1000, 128>}]} {
    %get3A = arith.constant 0 : index
    %get3A_0 = arith.constant 0 : index
    %get3A_1 = arith.constant 0 : index
    %get3A_2 = vector.load %arg1[%get3A, %get3A_0, %get3A_1] : memref<2x1000x128xf32, #tpu.memory_space<vmem>>, vector<1x1000x128xf32>
    %get3A_3 = vector.shape_cast %get3A_2 : vector<1x1000x128xf32> to vector<1000x128xf32>
    %get3A_4 = arith.constant 1 : index
    %get3A_5 = arith.constant 0 : index
    %get3A_6 = arith.constant 0 : index
    %get3A_7 = vector.load %arg1[%get3A_4, %get3A_5, %get3A_6] : memref<2x1000x128xf32, #tpu.memory_space<vmem>>, vector<1x1000x128xf32>
    %get3A_8 = vector.shape_cast %get3A_7 : vector<1x1000x128xf32> to vector<1000x128xf32>
    %add3A = arith.addf %get3A_3, %get3A_8 : vector<1000x128xf32>
    %get3A_9 = arith.constant 0 : index
    %get3A_10 = arith.constant 0 : index
    %get3A_11 = arith.constant 0 : index
    %get3A_12 = vector.load %arg2[%get3A_9, %get3A_10, %get3A_11] : memref<2x1000x1xf32, #tpu.memory_space<vmem>>, vector<1x1000x1xf32>
    %get3A_13 = vector.shape_cast %get3A_12 : vector<1x1000x1xf32> to vector<1000x1xf32>
    %get3A_14 = arith.constant 1 : index
    %get3A_15 = arith.constant 0 : index
    %get3A_16 = arith.constant 0 : index
    %get3A_17 = vector.load %arg2[%get3A_14, %get3A_15, %get3A_16] : memref<2x1000x1xf32, #tpu.memory_space<vmem>>, vector<1x1000x1xf32>
    %get3A_18 = vector.shape_cast %get3A_17 : vector<1x1000x1xf32> to vector<1000x1xf32>
    %add3A_19 = arith.addf %get3A_13, %get3A_18 : vector<1000x1xf32>
    %div3A = vector.broadcast %add3A_19 : vector<1000x1xf32> to vector<1000x128xf32>
    %div3A_20 = arith.divf %add3A, %div3A : vector<1000x128xf32>
    %max3A = arith.constant 0.000000e+00 : f32
    %max3A_21 = vector.broadcast %max3A : f32 to vector<1000x128xf32>
    %max3A_22 = arith.maximumf %div3A_20, %max3A_21 : vector<1000x128xf32>
    %swap3A = arith.constant 0 : index
    %swap3A_23 = arith.constant 0 : index
    %swap3A_24 = vector.load %arg3[%swap3A, %swap3A_23] : memref<1000x128xf32, #tpu.memory_space<vmem>>, vector<1000x128xf32>
    tpu.vector_store %arg3[%swap3A, %swap3A_23], %max3A_22 {strides = array<i32>} : memref<1000x128xf32, #tpu.memory_space<vmem>>, vector<1000x128xf32>,
    return
  }
  func.func @transform_0(%arg0: i32) -> (i32, i32, i32) {
    %c0_i32 = arith.constant 0 : i32
    %c0_i32_0 = arith.constant 0 : i32
    %c0_i32_1 = arith.constant 0 : i32
    return %c0_i32, %arg0, %c0_i32_0 : i32, i32, i32
  }
  func.func @transform_1(%arg0: i32) -> (i32, i32, i32) {
    %c0_i32 = arith.constant 0 : i32
    %c0_i32_0 = arith.constant 0 : i32
    %c0_i32_1 = arith.constant 0 : i32
    return %c0_i32, %arg0, %c0_i32_0 : i32, i32, i32
  }
  func.func @transform_2(%arg0: i32) -> (i32, i32) {
    %c0_i32 = arith.constant 0 : i32
    %c0_i32_0 = arith.constant 0 : i32
    return %arg0, %c0_i32 : i32, i32
  }
}

</mosaic_0001>

<sc_bundles>
// kernel: kernel.10.cloned.1.call-start
scs
__scs_entry_jumppad:
0x0: {  	(pc) =	sbr.rel $0x88, $3  }
0x1: {  	(tag) =	ssettag $0x0;
	lr =	simm.s32 $0x1  }
0x2: {  	[smem:$0x3F9B] =	sst lr;
	_ =	strace $0xD0000000  }
0x3: {  	_ = 	snop  }
0x4: {  	_ = 	snop  }
0x5: {  	_ = 	snop  }
0x6: {  	_ = 	snop  }
0x7: {  	_ = 	snop  }
__scs_overlays_trampoline_lowered:
0x8: {  	[smem:$0x3FAA] =	sst s0  }
0x9: {  	[smem:$0x3FAB] =	sst s1  }
0xa: {  	[smem:$0x3FAC] =	sst s2  }
0xb: {  	[smem:$0x3FAD] =	sst s3  }
0xc: {  	[smem:$0x3FAE] =	sst s4  }
0xd: {  	[smem:$0x3FAF] =	sst s5  }
0xe: {  	[smem:$0x3FB0] =	sst s6  }
0xf: {  	[smem:$0x3FB1] =	sst s7  }
0x10: {  	[smem:$0x3FB2] =	sst s8  }
0x11: {  	[smem:$0x3FB3] =	sst s9;
	s0 =	simm.s32 @!p0 $0x0  }
0x12: {  	s1 =	sld [smem:$0x3F99];
	s0 =	simm.s32 @p0 $0x1  }
0x13: {  	[smem:$0x3FB4] =	sst s0;
	s0 =	simm.s32 @!p1 $0x0  }
0x14: {  	s2 =	sld [smem:$0x3F98];
	s0 =	simm.s32 @p1 $0x1  }
0x15: {  	[smem:$0x3FB5] =	sst s0;
	s0 =	simm.s32 @!p2 $0x0  }
0x16: {  	s3 =	sld [smem:$0x3FDB];
	s0 =	simm.s32 @p2 $0x1  }
0x17: {  	s4 =	simm.s32 $0x1BF5;
	[smem:$0x3FB7] =	sst s0  }
0x18: {  	s0 =	sld [smem:$0x3F9A];
	_ =	swait.ge [sflag:s4], $0x0  }
0x19: {  	s7 =	sld [smem:$0x3F9B]  }
0x1a: {  	s8 =	sadd.s32 $0xFFFFE003, lr  }
0x1b: {  	s9 =	sadd.s32 $0xFFFFFEF7, lr;
	s5 =	simm.s32 $0xFFFFFFFF;
	p2 =	slt.u32 s8, $0xFFFFF086  }
0x1c: {  	p1 =	slt.u32 s9, $0xF7A;
	s5 =	simm.s32 @!p2 $0x0  }
0x1d: {  	s5 =	simm.s32 @p1 $0x1;
	p0 =	seq.s32 s7, s2  }
0x1e: {  	s7 =	smul.u32 @!p0 $0xF7A, s2;
	p2 =	seq.s32 @!p0 s5, $0x0  }
0x1f: {  	s9 =	smul.u32 $0xF7A, s1;
	s8 =	simm.s32 @!p0 $0x1BF5;
	p2 =	por !p2, p0  }
0x20: {  	[sflag:s8] =	ssyncset.s32 @!p0 $0xFFFFF086;
	s6 =	sadd.s32 @!p0 s3, s7;
	s7 =	simm.s32 @!p0 $0x108  }
0x21: {  	s3 =	sadd.s32 s3, s9;
	s6 =	sadd.s32 @!p0 $0x88, s6;
	s7 =	simm.s32 @p2 $0x1082  }
0x22: {  	[simem:s7], [sflag:s8] =	dma.local @!p0 [hbm:s6], $0xF7A  }
0x23: {  	s9 =	sor.u32 $0xD0000000, s2;
	s6 =	simm.s32 $0x108;
	_ =	swait.ge @!p0 [sflag:s8], $0x0  }
0x24: {  	s3 =	sadd.s32 $0x88, s3;
	s6 =	simm.s32 @!p1 $0x1082;
	[sflag:s4] =	ssyncset.s32 $0xFFFFF086  }
0x25: {  	[simem:s6], [sflag:s4] =	dma.local [hbm:s3], $0xF7A  }
0x26: {  	[smem:$0x3F9B] =	sst s1;
	(tag) =	ssettag s2;
	_ =	strace s9  }
0x27: {  	s1 =	sld [smem:$0x3FAB]  }
0x28: {  	s2 =	sld [smem:$0x3FAC]  }
0x29: {  	s4 =	sld [smem:$0x3FAE]  }
0x2a: {  	p0 =	seq.s32 s5, $0x0;
	s5 =	sld [smem:$0x3FAF]  }
0x2b: {  	s6 =	sld [smem:$0x3FB0]  }
0x2c: {  	s7 =	sld [smem:$0x3FB1]  }
0x2d: {  	s3 =	simm.s32 $0x108;
	s8 =	sld [smem:$0x3FB2]  }
0x2e: {  	s3 =	simm.s32 @!p0 $0x1082;
	s9 =	sld [smem:$0x3FB3]  }
0x2f: {  	lr =	sadd.s32 s0, s3;
	s0 =	sld [smem:$0x3FAA]  }
0x30: {  	s3 =	sld [smem:$0x3FAD]  }
0x31: {  	[smem:$0x3FB6] =	sst s10  }
0x32: {  	s10 =	sld [smem:$0x3FB4];
	_ =	sdelay $0x3  }
0x33: {  	p0 =	seq.s32 s10, $0x1;
	s10 =	sld [smem:$0x3FB6];
	_ =	sdelay $0x3  }
0x34: {  	[smem:$0x3FB6] =	sst s10  }
0x35: {  	s10 =	sld [smem:$0x3FB5];
	_ =	sdelay $0x3  }
0x36: {  	p1 =	seq.s32 s10, $0x1;
	s10 =	sld [smem:$0x3FB6];
	_ =	sdelay $0x3  }
0x37: {  	[smem:$0x3FB6] =	sst s10  }
0x38: {  	s10 =	sld [smem:$0x3FB7]  }
0x39: {  	_ = 	snop;
	(pc) =	sbr.ind lr, $3  }
0x3a: {  	_ = 	snop  }
0x3b: {  	_ = 	snop  }
0x3c: {  	p2 =	seq.s32 s10, $0x1;
	s10 =	sld [smem:$0x3FB6]  }
0x3d: {  	_ =	shalt  }
0x3e: {  	_ =	shalt  }
0x3f: {  	_ =	shalt  }
0x40: {  	_ =	shalt  }
0x41: {  	_ =	shalt  }
0x42: {  	_ =	shalt  }
0x43: {  	_ =	shalt  }
0x44: {  	_ =	shalt  }
0x45: {  	_ =	shalt  }
0x46: {  	_ =	shalt  }
0x47: {  	_ =	shalt  }
0x48: {  	_ =	shalt  }
0x49: {  	_ =	shalt  }
0x4a: {  	_ =	shalt  }
0x4b: {  	_ =	shalt  }
0x4c: {  	_ =	shalt  }
0x4d: {  	_ =	shalt  }
0x4e: {  	_ =	shalt  }
0x4f: {  	_ =	shalt  }
0x50: {  	_ =	shalt  }
0x51: {  	_ =	shalt  }
0x52: {  	_ =	shalt  }
0x53: {  	_ =	shalt  }
0x54: {  	_ =	shalt  }
0x55: {  	_ =	shalt  }
0x56: {  	_ =	shalt  }
0x57: {  	_ =	shalt  }
0x58: {  	_ =	shalt  }
0x59: {  	_ =	shalt  }
0x5a: {  	_ =	shalt  }
0x5b: {  	_ =	shalt  }
0x5c: {  	_ =	shalt  }
0x5d: {  	_ =	shalt  }
0x5e: {  	_ =	shalt  }
0x5f: {  	_ =	shalt  }
0x60: {  	_ =	shalt  }
0x61: {  	_ =	shalt  }
0x62: {  	_ =	shalt  }
0x63: {  	_ =	shalt  }
0x64: {  	_ =	shalt  }
0x65: {  	_ =	shalt  }
0x66: {  	_ =	shalt  }
0x67: {  	_ =	shalt  }
0x68: {  	_ =	shalt  }
0x69: {  	_ =	shalt  }
0x6a: {  	_ =	shalt  }
0x6b: {  	_ =	shalt  }
0x6c: {  	_ =	shalt  }
0x6d: {  	_ =	shalt  }
0x6e: {  	_ =	shalt  }
0x6f: {  	_ =	shalt  }
0x70: {  	_ =	shalt  }
0x71: {  	_ =	shalt  }
0x72: {  	_ =	shalt  }
0x73: {  	_ =	shalt  }
0x74: {  	_ =	shalt  }
0x75: {  	_ =	shalt  }
0x76: {  	_ =	shalt  }
0x77: {  	_ =	shalt  }
0x78: {  	_ =	shalt  }
0x79: {  	_ =	shalt  }
0x7a: {  	_ =	shalt  }
0x7b: {  	_ =	shalt  }
0x7c: {  	_ =	shalt  }
0x7d: {  	_ =	shalt  }
0x7e: {  	_ =	shalt  }
0x7f: {  	_ =	shalt  }
0x80: {  	_ =	shalt  }
0x81: {  	_ =	shalt  }
0x82: {  	_ =	shalt  }
0x83: {  	_ =	shalt  }
0x84: {  	_ =	shalt  }
0x85: {  	_ =	shalt  }
0x86: {  	_ =	shalt  }
0x87: {  	_ =	shalt  }
.Lfunc_end0:
.L_simem_size_0:
called_computation.1_lowered:
.L_overlay_start_0:
0x88: {  	s2 =	sld [smem:$0x3FD9]  }
0x89: {  	s3 =	sld [smem:$0x3FFE];
	_ =	sdelay $0x1  }
0x8a: {  	s1 =	srdreg.scid  }
0x8b: {  	s0 =	sand.u32 $0x1, s1  }
0x8c: {  	s17 =	sshll.u32 s0, $0xA;
	s2 =	sadd.s32 s3, s2  }
0x8d: {  	s2 =	sadd.s32 s2, s17  }
0x8e: {  	[smem:$0x3FC2] =	sst s2  }
0x8f: {  	_ = 	snop  }
0x90: {  	s2 =	sld [smem:$0x3FD0];
	(tm) =	ssettm $0x1  }
0x91: {  	s18 =	sld [smem:$0x3FFB];
	_ =	sdelay $0x3  }
0x92: {  	_ =	strace s18  }
0x93: {  	s3 =	sld [smem:$0x3FFC];
	_ =	sdelay $0x3  }
0x94: {  	_ =	strace s3  }
0x95: {  	s3 =	sld [smem:$0x3FFD];
	_ =	sdelay $0x3  }
0x96: {  	_ =	strace s3  }
0x97: {  	_ =	strace $0x8FFFFFFF  }
0x98: {  	s19 =	sld [smem:$0x3FDB];
	_ =	sdelay $0x1  }
0x99: {  	s4 =	simm.s32 $_scs_section_size  }
0x9a: {  	s5 =	simm.s32 $_size__tile_overlayer_lowered;
	s6 =	simm.s32 $_tile_overlayer_lowered  }
0x9b: {  	s22 =	simm.s32 $0x1BFF;
	s21 =	sshll.u32 s6, $0x1;
	s3 =	sadd.s32 s4, s19  }
0x9c: {  	s7 =	simm.s32 $0x0;
	s20 =	sshll.u32 s5, $0x1;
	s5 =	sadd.s32 s21, s3  }
0x9d: {  	[timem:s7], [sflag:s22] =	dma.local [hbm:s5], s20  }
0x9e: {  	_ =	swait.ge [sflag:s22], s20  }
0x9f: {  	s4 =	ssub.s32 $0x0, s20;
	[sflag:s22] =	ssyncset.done $0x0  }
0xa0: {  	[sflag:s22] =	ssyncadd.s32 s4;
	_ =	sdelay $0x1  }
0xa1: {  	s23 =	simm.s32 $0x1B8B  }
0xa2: {  	_ =	swait.ge [sflag:s23], $0x1  }
0xa3: {  	[sflag:s23] =	ssyncset.done $0x0  }
0xa4: {  	s25 =	simm.s32 $0x1B8E;
	s24 =	sld [smem:$0x3FFE];
	[sflag:s23] =	ssyncadd.s32 $0xFFFFFFFF  }
0xa5: {  	s26 =	simm.s32 $execute0_lowered;
	[smem:$0x3FD2] =	sst s25  }
0xa6: {  	s5 =	sshll.u32 s26, $0x1;
	_ =	strace $0x80000049;
	[dreg:$0x1] =	wrdreg $0xFFFFFFFF  }
0xa7: {  	s28 =	simm.s32 $_size_execute0_lowered;
	s3 =	sadd.s32 s3, s5;
	[dreg:$0x0] =	wrdreg $0x0  }
0xa8: {  	s5 =	sshll.u32 s28, $0x1;
	[dreg:$0x2] =	wrdreg s3  }
0xa9: {  	[dreg:$0x3] =	wrdreg s5  }
0xaa: {  	[dreg:$0x4] =	wrdreg $0xC0  }
0xab: {  	_ =	task [dreg:s7], $0x5FFFF  }
0xac: {  	[dreg:$0x1] =	wrdreg $0xFFFFFFFF  }
0xad: {  	[dreg:$0x0] =	wrdreg $0x60  }
0xae: {  	[dreg:$0x2] =	wrdreg s2  }
0xaf: {  	[dreg:$0x3] =	wrdreg s24  }
0xb0: {  	[dreg:$0x4] =	wrdreg $0x92800  }
0xb1: {  	[dreg:$0x5] =	wrdreg $0x1D2800  }
0xb2: {  	[dreg:$0x6] =	wrdreg $0x9  }
0xb3: {  	_ =	task.clear_ibuf [dreg:s7], $0x7FFFF;
	_ =	strace $0x90000049  }
0xb4: {  	s29 =	simm.s32 $0x9;
	_ =	strace $0x8000004B  }
0xb5: {  	_ =	swait.ge [sflag:s29], $0x1  }
0xb6: {  	[sflag:s29] =	ssyncadd.s32 $0xFFFFFFFF  }
0xb7: {  	_ =	strace $0x9000004B  }
0xb8: {  	_ =	sfence  }
0xb9: {  	s30 =	sld [smem:$0x0];
	_ =	sdelay $0x2  }
0xba: {  	s31 =	sshll.u32 s1, $0xD;
	s1 =	sshrl.u32 s1, $0x2  }
0xbb: {  	s3 =	sand.u32 $0x4000, s31;
	s1 =	sadd.s32 s1, s30  }
0xbc: {  	s0 =	sor.u32 s3, s0;
	s1 =	sshll.u32 s1, $0x11  }
0xbd: {  	s0 =	sor.u32 s1, s0  }
0xbe: {  	s0 =	sadd.s32 $0x8F2B, s0  }
0xbf: {  	[sflag:s0] =	ssyncadd.remote.s32 $0x1  }
0xc0: {  	_ =	sfence.sel $0xFFFF  }
0xc1: {  	[dreg:$0x0] =	wrdreg $0xFFFFFFFF;
	(pc) =	sbr.abs _section_cstart, $3  }
0xc2: {  	[dreg:$0x1] =	wrdreg $0xFFFFFFFF  }
0xc3: {  	_ =	task.clear_ibuf [dreg:s7], $0x2FFFF;
	_ =	strace $0x9FFFFFFF  }
0xc4: {  	(tm) =	ssettm $0x7FFFFFFF  }
0xc5: {  	_ =	shalt  }
tec
execute0_lowered:
.L_overlay_start_1:
0x0: {  	(tag) =	ssettag $0x1  }
0x1: {  	s0 =	srdreg.scid;
	s1 =	rddreg [dreg:$0x0]  }
0x2: {  	s2 =	rddreg [dreg:$0x1];
	s8 =	stileid.u32  }
0x3: {  	s3 =	rddreg [dreg:$0x2];
	s7 =	simm.s32 $0x0;
	s13 =	simm.s32 $0x5  }
0x4: {  	s28 =	simm.s32 $0x5200;
	s29 =	simm.s32 $0x3;
	s30 =	simm.s32 $0x5080  }
0x5: {  	s31 =	simm.s32 $0x4;
	s14 =	simm.s32 $0x0;
	s18 =	smul.u32 $0x14000, s8  }
0x6: {  	s0 =	sand.u32 $0x1, s0;
	[smem:$0x7FF] =	sst s7;
	s20 =	smul.u32 $0x500, s8  }
0x7: {  	s9 =	sadd.s32 $0x400, s2;
	s19 =	sadd.s32 $0xAC00, s2;
	s10 =	smul.u32 $0x50000, s8  }
0x8: {  	s21 =	sadd.s32 $0xAA00, s2;
	s11 =	smul.u32 $0xA00, s8;
	s4 =	sshll.u32 s0, $0x4  }
0x9: {  	s26 =	sshll.u32 s8, $0x6;
	s5 =	sor.u32 s8, s4;
	s4 =	rddreg [dreg:$0x3]  }
0xa: {  	s6 =	smul.u32 $0x140000, s0;
	_ =	strace $0x8000004A;
	[dreg:$0x5] =	wrdreg s9  }
0xb: {  	s22 =	sshll.u32 s0, $0x7;
	s0 =	ssub.s32 $0x2, s0;
	[dreg:$0x6] =	wrdreg s19  }
0xc: {  	s15 =	sor.u32 $0x1C05, s26;
	s26 =	simm.s32 $0x2;
	[dreg:$0x7] =	wrdreg s21  }
0xd: {  	s7 =	sor.u32 s22, s20;
	s23 =	sshrl.u32 s0, $0x1;
	s24 =	sshrl.u32 s10, $0x2  }
0xe: {  	s25 =	sshrl.u32 s11, $0x2;
	s19 =	simm.s32 $0x5000;
	s20 =	simm.s32 $0x5280  }
0xf: {  	s21 =	simm.s32 $0x5100;
	s22 =	simm.s32 $0x7280;
	s5 =	smul.u32 $0x500, s5  }
0x10: {  	s6 =	sadd.s32 s18, s6;
	s7 =	sshrl.u32 s7, $0x3;
	s0 =	ssub.s32 s0, s23  }
0x11: {  	s18 =	simm.s32 $0x40;
	s23 =	simm.s32 $0x1;
	s6 =	sshrl.u32 s6, $0x3  }
.Ltmp0:
0x12: {  	s12 =	smax.u32 s0, $0x1;
	s5 =	sadd.s32 s5, s2;
	(pc) =	sbr.rel .LBB2_1-.Ltmp0, $4  }
0x13: {  	s6 =	sadd.s32 s6, s2;
	s2 =	sadd.s32 s7, s2;
	s7 =	sadd.s32 s25, s4  }
0x14: {  	s25 =	simm.s32 $0x4F80;
	s5 =	sadd.s32 $0xA00, s5;
	s10 =	sadd.s32 $0xDE00, s6  }
0x15: {  	s11 =	sadd.s32 $0xD400, s2;
	[dreg:$0x8] =	wrdreg s5;
	s5 =	sadd.s32 s24, s3  }
0x16: {  	s17 =	sshrl.u32 s7, $0x3;
	s24 =	simm.s32 $0x5180;
	s16 =	sshrl.u32 s5, $0x3  }
.LBB2_8:
0x17: {  	[spmem:s3] =	stream.indirect.scatter.add.f32 [tilespmem:s22], [sflag:$0x4], $0x80, s30, s18, $0xb8;
	[tilespmem:$0x1D500] =	vst v63  }
0x18: {  	_ = 	snop  }
0x19: {  	[spmem:s4] =	stream.indirect.scatter.add.f32 [tilespmem:s28], [sflag:$0x4], $0x1, s30, s18, $0xb8;
	[tilespmem:$0x1D500] =	vst v63  }
0x1a: {  	_ =	swait.ge [sflag:s31], $0x2000  }
0x1b: {  	[sflag:s31] =	ssyncset.done $0x0  }
0x1c: {  	[sflag:s31] =	ssyncadd.s32 $0xFFFFE000  }
0x1d: {  	_ =	swait.ge [sflag:s31], $0x40  }
0x1e: {  	[sflag:s31] =	ssyncset.done $0x0  }
0x1f: {  	[sflag:s31] =	ssyncadd.s32 $0xFFFFFFC0  }
0x20: {  	[bflag:$0x0] =	sbarrier.arrive $0xFFFF  }
0x21: {  	[hbm:s10], [sflag:s15] =	dma.local [spmem:s16], $0x2800  }
0x22: {  	s14 =	sadd.s32 $0x1, s14;
	_ =	swait.ge [sflag:s13], $0x2800  }
0x23: {  	s0 =	simm.s32 $0x20;
	p0 =	sne.s32 s14, s12;
	[sflag:s13] =	ssyncset.done $0x0  }
.Ltmp1:
0x24: {  	s2 =	simm.s32 $0x10;
	[sflag:s13] =	ssyncadd.s32 $0xFFFFD800;
	(pc) =	sbr.rel @!p0 .LBB2_9-.Ltmp1, $4  }
0x25: {  	[hbm:s11@s0], [sflag:s15] =	dma.strided [spmem:s17@s2], $0x50, s23, $0x10   }
0x26: {  	_ =	swait.ge [sflag:s13], $0x50  }
0x27: {  	[sflag:s13] =	ssyncset.done $0x0  }
0x28: {  	[sflag:s13] =	ssyncadd.s32 $0xFFFFFFB0  }
.LBB2_1:
0x29: {  	s0 =	simm.s32 $0x0;
	s2 =	rddreg [dreg:$0x5]  }
0x2a: {  	[tilespmem:s0], [sflag:$0x5] =	stream.linear.gather [hbm4b:s2+s0], $0x2780, $0x38;
	[tilespmem:$0x1D500] =	vst v63  }
0x2b: {  	_ =	swait.ge [sflag:s13], $0x2780  }
0x2c: {  	[sflag:s13] =	ssyncset.done $0x0  }
0x2d: {  	s5 =	simm.s32 $0x2780;
	s7 =	rddreg [dreg:$0x8];
	[sflag:s13] =	ssyncadd.s32 $0xFFFFD880  }
0x2e: {  	[tilespmem:s5], [sflag:$0x5] =	stream.linear.gather [hbm4b:s7+s0], $0x2800, $0x38;
	[tilespmem:$0x1D500] =	vst v63  }
0x2f: {  	_ =	swait.ge [sflag:s13], $0x2800  }
0x30: {  	[sflag:s13] =	ssyncset.done $0x0  }
0x31: {  	s8 =	rddreg [dreg:$0x6];
	[sflag:s13] =	ssyncadd.s32 $0xFFFFD800  }
0x32: {  	[spmem:s16], [sflag:s15] =	dma.local [hbm:s8], $0x2800  }
0x33: {  	_ =	swait.ge [sflag:s13], $0x2800  }
0x34: {  	[sflag:s13] =	ssyncset.done $0x0  }
0x35: {  	s9 =	rddreg [dreg:$0x7];
	[sflag:s13] =	ssyncadd.s32 $0xFFFFD800  }
0x36: {  	[spmem:s17], [sflag:s15] =	dma.local [hbm:s9], $0x50  }
0x37: {  	_ =	swait.ge [sflag:s13], $0x50  }
0x38: {  	[sflag:s13] =	ssyncset.done $0x0  }
0x39: {  	[sflag:s13] =	ssyncadd.s32 $0xFFFFFFB0  }
0x3a: {  	[bflag:$0x0] =	sbarrier.arrive $0xFFFF  }
0x3b: {  	v0 =	vld [tilespmem:$0x2780];
	_ =	sdelay $0x1  }
0x3c: {  	v1 =	vld [tilespmem:$0x2790];
	_ =	sdelay $0x1  }
0x3d: {  	v2 =	vld [tilespmem:$0x27A0]  }
0x3e: {  	v3 =	vshra.s32 v0, $0x10  }
0x3f: {  	v57 =	vld [tilespmem:$0x27B0];
	v0 =	vand.u32 $0xFFFF, v0;
	[tilespmem:$0x4F80] =	vst v3  }
0x40: {  	v58 =	vshra.s32 v1, $0x10;
	[tilespmem:$0x5000] =	vst v0  }
0x41: {  	v59 =	vand.u32 $0xFFFF, v1;
	[tilespmem:$0x4F90] =	vst v58  }
0x42: {  	v60 =	vshra.s32 v2, $0x10;
	[tilespmem:$0x5010] =	vst v59  }
0x43: {  	v61 =	vand.u32 $0xFFFF, v2;
	[tilespmem:$0x4FA0] =	vst v60  }
0x44: {  	v62 =	vshra.s32 v57, $0x10;
	[tilespmem:$0x5020] =	vst v61  }
0x45: {  	v63 =	vand.u32 $0xFFFF, v57;
	[tilespmem:$0x4FB0] =	vst v62  }
0x46: {  	s2 =	simm.s32 $0x0;
	[tilespmem:$0x5030] =	vst v63  }
0x47: {  	[tilespmem:s20], [sflag:$0x1] =	stream.indirect.gather [hbm4b:s1+s18], $0x80, s19, s18, $0xb8;
	[tilespmem:$0x1D500] =	vst v63  }
.LBB2_2:
0x48: {  	p0 =	seq.s32 s2, $0x0  }
0x49: {  	s0 =	simm.s32 @!p0 $0x4  }
0x4a: {  	_ =	swait.ge @!p0 [sflag:s0], $0x2000  }
0x4b: {  	[sflag:s0] =	ssyncset.done @!p0 $0x0  }
0x4c: {  	[sflag:s0] =	ssyncadd.s32 @!p0 $0xFFFFE000  }
0x4d: {  	_ =	swait.ge @!p0 [sflag:s0], $0x40  }
0x4e: {  	s5 =	sshll.u32 s2, $0x7;
	[sflag:s0] =	ssyncset.done @!p0 $0x0  }
0x4f: {  	[sflag:s0] =	ssyncadd.s32 @!p0 $0xFFFFFFC0;
	s0 =	sand.u32 $0x3FFFFF80, s5  }
0x50: {  	v0 =	vld [tilespmem:s0+$0x27C0];
	_ =	sdelay $0x4  }
0x51: {  	v1 =	vshra.s32 v0, $0x10  }
0x52: {  	v0 =	vand.u32 $0xFFFF, v0;
	[tilespmem:$0x5080] =	vst v1  }
0x53: {  	[tilespmem:$0x5100] =	vst v0  }
0x54: {  	v0 =	vld [tilespmem:s0+$0x27D0];
	_ =	sdelay $0x4  }
0x55: {  	v1 =	vshra.s32 v0, $0x10  }
0x56: {  	v0 =	vand.u32 $0xFFFF, v0;
	[tilespmem:$0x5090] =	vst v1  }
0x57: {  	[tilespmem:$0x5110] =	vst v0  }
0x58: {  	v0 =	vld [tilespmem:s0+$0x27E0];
	_ =	sdelay $0x4  }
0x59: {  	v1 =	vshra.s32 v0, $0x10  }
0x5a: {  	v0 =	vand.u32 $0xFFFF, v0;
	[tilespmem:$0x50A0] =	vst v1  }
0x5b: {  	[tilespmem:$0x5120] =	vst v0  }
0x5c: {  	v0 =	vld [tilespmem:s0+$0x27F0];
	_ =	sdelay $0x4  }
0x5d: {  	v1 =	vshra.s32 v0, $0x10  }
0x5e: {  	v0 =	vand.u32 $0xFFFF, v0;
	[tilespmem:$0x50B0] =	vst v1  }
0x5f: {  	[tilespmem:$0x5130] =	vst v0  }
0x60: {  	[tilespmem:s22], [sflag:$0x2] =	stream.indirect.gather [hbm4b:s1+s18], $0x80, s21, s18, $0xb8;
	[tilespmem:$0x1D500] =	vst v63  }
0x61: {  	_ =	swait.ge [sflag:s23], $0x2000  }
0x62: {  	[sflag:s23] =	ssyncset.done $0x0  }
0x63: {  	[sflag:s23] =	ssyncadd.s32 $0xFFFFE000  }
0x64: {  	v0 =	vld [tilespmem:$0x4F80]  }
0x65: {  	v1 =	vld [tilespmem:$0x5000];
	_ =	sdelay $0x5  }
0x66: {  	s7 =	simm.s32 $0x0  }
0x67: {  	v0 =	vld.idx.msk [tilespmem:v0+s7+$0x0], $0xffff  }
0x68: {  	v1 =	vld.idx.msk [tilespmem:v1+s7+$0x0], $0xffff;
	_ =	sdelay $0x4  }
0x69: {  	v0 =	vand.u32 $0xFFFF0000, v0;
	v1 =	vshll.u32 v1, $0x10  }
0x6a: {  	v0 =	vadd.f32 v1, v0;
	_ =	sdelay $0x1  }
0x6b: {  	v1 =	vmul.f32 $9.999999770e-03, v0  }
0x6c: {  	vm0 =	vge.f32 v0, $0.0e+00  }
0x6d: {  	v0 =	vsel vm0, v0, v1  }
0x6e: {  	v0 =	vsub.f32 $0.0e+00, v0;
	_ =	sdelay $0x1  }
0x6f: {  	v0 =	vmul.f32 $1.442695020e+00, v0;
	_ =	sdelay $0x1  }
0x70: {  	(erf) = vpow2.f32 v0;
	_ =	sdelay $0x2  }
0x71: {  	v0 =	vld [tilespmem:$0x4F90]  }
0x72: {  	v1 =	vld [tilespmem:$0x5010];
	_ =	sdelay $0x4  }
0x73: {  	v2 =	vpop (erf)  }
0x74: {  	[tilespmem:$0x5180] =	vst v2  }
0x75: {  	v0 =	vld.idx.msk [tilespmem:v0+s7+$0x0], $0xffff  }
0x76: {  	v1 =	vld.idx.msk [tilespmem:v1+s7+$0x0], $0xffff;
	_ =	sdelay $0x4  }
0x77: {  	v0 =	vand.u32 $0xFFFF0000, v0;
	v1 =	vshll.u32 v1, $0x10  }
0x78: {  	v0 =	vadd.f32 v1, v0;
	_ =	sdelay $0x1  }
0x79: {  	v1 =	vmul.f32 $9.999999770e-03, v0  }
0x7a: {  	vm13 =	vge.f32 v0, $0.0e+00  }
0x7b: {  	v0 =	vsel vm13, v0, v1  }
0x7c: {  	v0 =	vsub.f32 $0.0e+00, v0;
	_ =	sdelay $0x1  }
0x7d: {  	v0 =	vmul.f32 $1.442695020e+00, v0;
	_ =	sdelay $0x1  }
0x7e: {  	(erf) = vpow2.f32 v0;
	_ =	sdelay $0x2  }
0x7f: {  	v0 =	vld [tilespmem:$0x4FA0]  }
0x80: {  	v1 =	vld [tilespmem:$0x5020];
	_ =	sdelay $0x4  }
0x81: {  	v2 =	vpop (erf)  }
0x82: {  	[tilespmem:$0x5190] =	vst v2  }
0x83: {  	v0 =	vld.idx.msk [tilespmem:v0+s7+$0x0], $0xffff  }
0x84: {  	v1 =	vld.idx.msk [tilespmem:v1+s7+$0x0], $0xffff;
	_ =	sdelay $0x4  }
0x85: {  	v0 =	vand.u32 $0xFFFF0000, v0;
	v1 =	vshll.u32 v1, $0x10  }
0x86: {  	v0 =	vadd.f32 v1, v0;
	_ =	sdelay $0x1  }
0x87: {  	v1 =	vmul.f32 $9.999999770e-03, v0  }
0x88: {  	vm14 =	vge.f32 v0, $0.0e+00  }
0x89: {  	v0 =	vsel vm14, v0, v1  }
0x8a: {  	v0 =	vsub.f32 $0.0e+00, v0;
	_ =	sdelay $0x1  }
0x8b: {  	v0 =	vmul.f32 $1.442695020e+00, v0;
	_ =	sdelay $0x1  }
0x8c: {  	(erf) = vpow2.f32 v0;
	_ =	sdelay $0x2  }
0x8d: {  	v0 =	vld [tilespmem:$0x4FB0]  }
0x8e: {  	v1 =	vld [tilespmem:$0x5030];
	_ =	sdelay $0x4  }
0x8f: {  	v2 =	vpop (erf)  }
0x90: {  	[tilespmem:$0x51A0] =	vst v2  }
0x91: {  	v0 =	vld.idx.msk [tilespmem:v0+s7+$0x0], $0xffff  }
0x92: {  	v1 =	vld.idx.msk [tilespmem:v1+s7+$0x0], $0xffff;
	_ =	sdelay $0x4  }
0x93: {  	v0 =	vand.u32 $0xFFFF0000, v0;
	v1 =	vshll.u32 v1, $0x10  }
0x94: {  	v0 =	vadd.f32 v1, v0;
	_ =	sdelay $0x1  }
0x95: {  	v1 =	vmul.f32 $9.999999770e-03, v0  }
0x96: {  	vm15 =	vge.f32 v0, $0.0e+00  }
0x97: {  	v0 =	vsel vm15, v0, v1  }
0x98: {  	v0 =	vsub.f32 $0.0e+00, v0;
	_ =	sdelay $0x1  }
0x99: {  	v0 =	vmul.f32 $1.442695020e+00, v0;
	_ =	sdelay $0x1  }
0x9a: {  	(erf) = vpow2.f32 v0;
	_ =	sdelay $0x2  }
0x9b: {  	s8 =	simm.s32 $0x6;
	v0 =	vmov s7  }
0x9c: {  	v1 =	vmov s8;
	v0 =	vand.u32 $0xFFFFFFF8, v0  }
0x9d: {  	v1 =	vand.u32 $0xFFFFFFFE, v1;
	v0 =	vbroadcast v0, $0x0  }
0x9e: {  	v1 =	vbroadcast v1, $0x0;
	_ =	sdelay $0x2  }
0x9f: {  	v2 =	vpop (erf)  }
0xa0: {  	[tilespmem:$0x51B0] =	vst v2  }
0xa1: {  	v0 =	vld.idx.msk [tilespmem:v0+s24+$0x0], $0xffff  }
0xa2: {  	s5 =	simm.s32 $0x5480;
	v1 =	vld.idx.msk [tilespmem:v1+s24+$0x0], $0xffff  }
0xa3: {  	v3 =	vld [tilespmem:s5+$0x170]  }
0xa4: {  	v4 =	vld [tilespmem:s5+$0xFFFFFE00]  }
0xa5: {  	v5 =	vld [tilespmem:s5+$0xFFFFFE10]  }
0xa6: {  	v6 =	vld [tilespmem:s5+$0xFFFFFE20]  }
0xa7: {  	s6 =	simm.s32 $0x1;
	v7 =	vld [tilespmem:s5+$0xFFFFFE30]  }
0xa8: {  	v2 =	vmov s6;
	v8 =	vld [tilespmem:s5+$0xFFFFFE40]  }
0xa9: {  	v2 =	vand.u32 $0xFFFFFFF9, v2;
	v9 =	vld [tilespmem:s5+$0xFFFFFE50]  }
0xaa: {  	v10 =	vld [tilespmem:s5+$0xFFFFFE60];
	v2 =	vbroadcast v2, $0x0  }
0xab: {  	v11 =	vld [tilespmem:s5+$0xFFFFFE70]  }
0xac: {  	v12 =	vld [tilespmem:s5+$0xFFFFFE80]  }
0xad: {  	v13 =	vld [tilespmem:s5+$0xFFFFFE90]  }
0xae: {  	v14 =	vld [tilespmem:s5+$0xFFFFFEA0];
	v4 =	vmul.f32 v4, v0  }
0xaf: {  	v15 =	vld [tilespmem:s5+$0xFFFFFEB0];
	v3 =	vmul.f32 v3, v1  }
0xb0: {  	v7 =	vmul.f32 v7, v0;
	v2 =	vld.idx.msk [tilespmem:v2+s24+$0x0], $0xffff;
	[tilespmem:s5+$0xFFFFFE00] =	vst v4  }
0xb1: {  	s9 =	simm.s32 $0x2;
	v8 =	vmul.f32 v8, v0;
	[tilespmem:s5+$0x170] =	vst v3;
	v3 =	vmul.f32 v6, v0;
	v6 =	vld [tilespmem:s5+$0xFFFFFEC0]  }
0xb2: {  	v5 =	vmul.f32 v5, v0;
	v4 =	vmov s9;
	[tilespmem:s5+$0xFFFFFE30] =	vst v7;
	v7 =	vmul.f32 v9, v0;
	v9 =	vld [tilespmem:s5+$0xFFFFFEF0]  }
0xb3: {  	[tilespmem:s5+$0xFFFFFE40] =	vst v8;
	v8 =	vmul.f32 v10, v0;
	v10 =	vld [tilespmem:s5+$0xFFFFFF00];
	v4 =	vand.u32 $0xFFFFFFFA, v4  }
0xb4: {  	[tilespmem:s5+$0xFFFFFE10] =	vst v5;
	v0 =	vmul.f32 v11, v0;
	v11 =	vld [tilespmem:s5+$0xFFFFFF20];
	v4 =	vbroadcast v4, $0x0  }
0xb5: {  	[tilespmem:s5+$0xFFFFFE20] =	vst v3;
	v3 =	vld [tilespmem:s5+$0xFFFFFEE0]  }
0xb6: {  	[tilespmem:s5+$0xFFFFFE50] =	vst v7;
	v7 =	vld [tilespmem:s5+$0xFFFFFF10]  }
0xb7: {  	[tilespmem:s5+$0xFFFFFE60] =	vst v8;
	v5 =	vmul.f32 v12, v2;
	v12 =	vld [tilespmem:s5+$0xFFFFFED0]  }
0xb8: {  	[tilespmem:s5+$0xFFFFFE70] =	vst v0;
	v8 =	vmul.f32 v13, v2;
	v13 =	vld [tilespmem:s5+$0xFFFFFF30]  }
0xb9: {  	s7 =	simm.s32 $0x3;
	v0 =	vmul.f32 v14, v2;
	v14 =	vld [tilespmem:s5+$0xFFFFFF40];
	v6 =	vmul.f32 v6, v2;
	[tilespmem:s5+$0xFFFFFE80] =	vst v5  }
0xba: {  	v5 =	vmov s7;
	[tilespmem:s5+$0xFFFFFE90] =	vst v8;
	v8 =	vmul.f32 v15, v2;
	v4 =	vld.idx.msk [tilespmem:v4+s24+$0x0], $0xffff  }
0xbb: {  	[tilespmem:s5+$0xFFFFFEC0] =	vst v6;
	v6 =	vld [tilespmem:s5+$0xFFFFFF70];
	v5 =	vand.u32 $0xFFFFFFFB, v5  }
0xbc: {  	v5 =	vbroadcast v5, $0x0;
	[tilespmem:s5+$0xFFFFFEB0] =	vst v8;
	v8 =	vld [tilespmem:s5+$0xFFFFFF60];
	v12 =	vmul.f32 v12, v2  }
0xbd: {  	[tilespmem:s5+$0xFFFFFEA0] =	vst v0;
	v3 =	vmul.f32 v3, v2;
	v2 =	vmul.f32 v9, v2;
	v9 =	vld [tilespmem:s5+$0xFFFFFF80]  }
0xbe: {  	[tilespmem:s5+$0xFFFFFED0] =	vst v12;
	v12 =	vld [tilespmem:s5+$0xFFFFFFB0]  }
0xbf: {  	[tilespmem:s5+$0xFFFFFEE0] =	vst v3;
	v0 =	vmul.f32 v10, v4;
	v10 =	vld [tilespmem:s5+$0xFFFFFF50]  }
0xc0: {  	[tilespmem:s5+$0xFFFFFEF0] =	vst v2;
	v3 =	vmul.f32 v7, v4;
	v7 =	vld [tilespmem:s5+$0xFFFFFF90]  }
0xc1: {  	s8 =	simm.s32 $0x4;
	v2 =	vmul.f32 v11, v4;
	v11 =	vld [tilespmem:s5+$0xFFFFFFA0];
	[tilespmem:s5+$0xFFFFFF00] =	vst v0  }
0xc2: {  	v8 =	vmul.f32 v8, v4;
	v5 =	vld.idx.msk [tilespmem:v5+s24+$0x0], $0xffff;
	v0 =	vmov s8;
	[tilespmem:s5+$0xFFFFFF10] =	vst v3  }
0xc3: {  	v3 =	vmul.f32 v13, v4;
	[tilespmem:s5+$0xFFFFFF20] =	vst v2;
	v2 =	vmul.f32 v14, v4;
	v13 =	vld [tilespmem:s5+$0xFFFFFFC0];
	v0 =	vand.u32 $0xFFFFFFFC, v0  }
0xc4: {  	[tilespmem:s5+$0xFFFFFF60] =	vst v8;
	v8 =	vld [tilespmem:s5+$0x0];
	v0 =	vbroadcast v0, $0x0  }
0xc5: {  	[tilespmem:s5+$0xFFFFFF40] =	vst v2;
	v2 =	vld [tilespmem:s5+$0xFFFFFFE0];
	v10 =	vmul.f32 v10, v4  }
0xc6: {  	[tilespmem:s5+$0xFFFFFF30] =	vst v3;
	v4 =	vmul.f32 v6, v4;
	v6 =	vld [tilespmem:s5+$0xFFFFFFF0]  }
0xc7: {  	v3 =	vmul.f32 v9, v5;
	v9 =	vld [tilespmem:s5+$0xFFFFFFD0];
	[tilespmem:s5+$0xFFFFFF50] =	vst v10  }
0xc8: {  	v7 =	vmul.f32 v7, v5;
	[tilespmem:s5+$0xFFFFFF70] =	vst v4;
	v10 =	vld [tilespmem:s5+$0x10]  }
0xc9: {  	s9 =	simm.s32 $0x5;
	v4 =	vmul.f32 v11, v5;
	v11 =	vld [tilespmem:s5+$0x20];
	[tilespmem:s5+$0xFFFFFF80] =	vst v3  }
0xca: {  	v3 =	vmov s9;
	[tilespmem:s5+$0xFFFFFF90] =	vst v7;
	v7 =	vmul.f32 v12, v5;
	v0 =	vld.idx.msk [tilespmem:v0+s24+$0x0], $0xffff  }
0xcb: {  	[tilespmem:s5+$0xFFFFFFA0] =	vst v4;
	v4 =	vmul.f32 v13, v5;
	v12 =	vld [tilespmem:s5+$0x30];
	v3 =	vand.u32 $0xFFFFFFFD, v3  }
0xcc: {  	v3 =	vbroadcast v3, $0x0;
	[tilespmem:s5+$0xFFFFFFB0] =	vst v7;
	v7 =	vmul.f32 v9, v5;
	v9 =	vld [tilespmem:s5+$0x40]  }
0xcd: {  	v2 =	vmul.f32 v2, v5;
	[tilespmem:s5+$0xFFFFFFC0] =	vst v4;
	v5 =	vmul.f32 v6, v5;
	v6 =	vld [tilespmem:s5+$0x80]  }
0xce: {  	[tilespmem:s5+$0xFFFFFFD0] =	vst v7;
	v7 =	vld [tilespmem:s5+$0x60]  }
0xcf: {  	[tilespmem:s5+$0xFFFFFFE0] =	vst v2;
	v4 =	vmul.f32 v8, v0;
	v8 =	vld [tilespmem:s5+$0x50]  }
0xd0: {  	[tilespmem:s5+$0xFFFFFFF0] =	vst v5;
	v2 =	vmul.f32 v10, v0;
	v5 =	vmul.f32 v11, v0;
	v10 =	vld [tilespmem:s5+$0x90]  }
0xd1: {  	[tilespmem:s5+$0x0] =	vst v4;
	v4 =	vld [tilespmem:s5+$0x70]  }
0xd2: {  	v3 =	vld.idx.msk [tilespmem:v3+s24+$0x0], $0xffff;
	[tilespmem:s5+$0x20] =	vst v5;
	v5 =	vmul.f32 v9, v0  }
0xd3: {  	[tilespmem:s5+$0x10] =	vst v2;
	v2 =	vmul.f32 v12, v0;
	v9 =	vld [tilespmem:s5+$0xA0]  }
0xd4: {  	[tilespmem:s5+$0x40] =	vst v5;
	v5 =	vmul.f32 v7, v0;
	v7 =	vld [tilespmem:s5+$0xC0]  }
0xd5: {  	[tilespmem:s5+$0x30] =	vst v2;
	v2 =	vmul.f32 v8, v0;
	v8 =	vld [tilespmem:s5+$0xB0]  }
0xd6: {  	s7 =	simm.s32 $0x7;
	[tilespmem:s5+$0x60] =	vst v5;
	v5 =	vld [tilespmem:s5+$0xE0];
	v4 =	vmul.f32 v4, v0  }
0xd7: {  	v11 =	vmov s7;
	[tilespmem:s5+$0x50] =	vst v2;
	v2 =	vmul.f32 v6, v3;
	v6 =	vld [tilespmem:s5+$0xD0]  }
0xd8: {  	v10 =	vmul.f32 v10, v3;
	[tilespmem:s5+$0x70] =	vst v4;
	v4 =	vld [tilespmem:s5+$0xF0]  }
0xd9: {  	[tilespmem:s5+$0x80] =	vst v2;
	v2 =	vmul.f32 v9, v3;
	v9 =	vld [tilespmem:s5+$0x100]  }
0xda: {  	[tilespmem:s5+$0x90] =	vst v10;
	v10 =	vld [tilespmem:s5+$0x150];
	v8 =	vmul.f32 v8, v3  }
0xdb: {  	[tilespmem:s5+$0xA0] =	vst v2;
	v2 =	vmul.f32 v7, v3;
	v7 =	vld [tilespmem:s5+$0x110]  }
0xdc: {  	v0 =	vld.idx.msk [tilespmem:v11+s24+$0x0], $0xffff;
	[tilespmem:s5+$0xB0] =	vst v8;
	v6 =	vmul.f32 v6, v3  }
0xdd: {  	v8 =	vld [tilespmem:s5+$0x120];
	[tilespmem:s5+$0xC0] =	vst v2;
	v2 =	vmul.f32 v5, v3  }
0xde: {  	s7 =	simm.s32 $0x9;
	v5 =	vld [tilespmem:s5+$0x130];
	[tilespmem:s5+$0xD0] =	vst v6;
	v3 =	vmul.f32 v4, v3  }
0xdf: {  	s8 =	simm.s32 $0x8;
	v11 =	vmov s7;
	v4 =	vld [tilespmem:s5+$0x140];
	v9 =	vmul.f32 v9, v1;
	[tilespmem:s5+$0xE0] =	vst v2  }
0xe0: {  	s9 =	simm.s32 $0xF;
	v6 =	vmov s8;
	s8 =	simm.s32 $0xA;
	v10 =	vmul.f32 v10, v1;
	[tilespmem:s5+$0xF0] =	vst v3;
	v3 =	vmul.f32 v7, v1;
	v7 =	vld [tilespmem:s5+$0x160]  }
0xe1: {  	v13 =	vld [tilespmem:s5+$0x180];
	s7 =	simm.s32 $0xB;
	v6 =	vand.u32 $0xFFFFFFF8, v6;
	v2 =	vmov s9;
	v12 =	vmov s8;
	s8 =	simm.s32 $0xC;
	[tilespmem:s5+$0x100] =	vst v9  }
0xe2: {  	v16 =	vld [tilespmem:s5+$0x190];
	s9 =	simm.s32 $0xD;
	v9 =	vmov s7;
	v14 =	vmov s8;
	[tilespmem:s5+$0x150] =	vst v10;
	v8 =	vmul.f32 v8, v1  }
0xe3: {  	v17 =	vmov s9;
	[tilespmem:s5+$0x110] =	vst v3;
	v15 =	vmul.f32 v5, v1;
	v3 =	vbroadcast v6, $0x0;
	v5 =	vld [tilespmem:s5+$0x1A0]  }
0xe4: {  	v6 =	vld [tilespmem:s5+$0x1B0];
	[tilespmem:s5+$0x120] =	vst v8;
	v8 =	vmul.f32 v4, v1;
	v4 =	vand.u32 $0xFFFFFFF9, v11;
	v11 =	vand.u32 $0xFFFFFFFA, v12  }
0xe5: {  	v12 =	vand.u32 $0xFFFFFFFB, v9;
	[tilespmem:s5+$0x130] =	vst v15;
	v4 =	vbroadcast v4, $0x0;
	v15 =	vmul.f32 v7, v1;
	v7 =	vld [tilespmem:s5+$0x1C0]  }
0xe6: {  	v9 =	vbroadcast v11, $0x0;
	[tilespmem:s5+$0x140] =	vst v8;
	v1 =	vand.u32 $0xFFFFFFFC, v14;
	v14 =	vmul.f32 v13, v0;
	v8 =	vld [tilespmem:s5+$0x1D0]  }
0xe7: {  	s6 =	simm.s32 $0x10;
	s7 =	simm.s32 $0xE;
	v10 =	vld [tilespmem:s5+$0x1E0];
	v11 =	vbroadcast v12, $0x0;
	v12 =	vmul.f32 v16, v0;
	v13 =	vand.u32 $0xFFFFFFFD, v17;
	[tilespmem:s5+$0x160] =	vst v15  }
.LBB2_3:
0xe8: {  	p0 =	slt.u32 s6, $0x38;
	v1 =	vbroadcast v1, $0x0;
	v15 =	vmov s7;
	[tilespmem:s5+$0x180] =	vst v14;
	v5 =	vmul.f32 v5, v0;
	v14 =	vld [tilespmem:s5+$0x1F0]  }
0xe9: {  	v13 =	vbroadcast v13, $0x0;
	v15 =	vand.u32 $0xFFFFFFFE, v15;
	v16 =	vld.idx.msk [tilespmem:v2+s24+$0x0], $0xffff;
	[tilespmem:s5+$0x190] =	vst v12;
	v2 =	vmul.f32 v6, v0  }
0xea: {  	v6 =	vld.idx.msk [tilespmem:v3+s24+$0x0], $0xffff;
	v12 =	vbroadcast v15, $0x0;
	[tilespmem:s5+$0x1A0] =	vst v5;
	v3 =	vmul.f32 v7, v0  }
0xeb: {  	v5 =	vld.idx.msk [tilespmem:v4+s24+$0x0], $0xffff;
	[tilespmem:s5+$0x1B0] =	vst v2;
	v2 =	vmul.f32 v8, v0  }
0xec: {  	v7 =	vld.idx.msk [tilespmem:v9+s24+$0x0], $0xffff;
	[tilespmem:s5+$0x1C0] =	vst v3;
	v8 =	vmul.f32 v10, v0  }
0xed: {  	v4 =	vld.idx.msk [tilespmem:v11+s24+$0x0], $0xffff;
	[tilespmem:s5+$0x1D0] =	vst v2;
	v9 =	vmul.f32 v14, v0  }
0xee: {  	v3 =	vld.idx.msk [tilespmem:v1+s24+$0x0], $0xffff;
	[tilespmem:s5+$0x1E0] =	vst v8  }
0xef: {  	v0 =	vmov v16;
	v2 =	vld.idx.msk [tilespmem:v13+s24+$0x0], $0xffff;
	[tilespmem:s5+$0x1F0] =	vst v9  }
0xf0: {  	s5 =	sadd.s32 $0x400, s5;
	v1 =	vld.idx.msk [tilespmem:v12+s24+$0x0], $0xffff  }
0xf1: {  	v8 =	vld [tilespmem:s5+$0x170]  }
0xf2: {  	v9 =	vld [tilespmem:s5+$0xFFFFFE00]  }
0xf3: {  	v10 =	vld [tilespmem:s5+$0xFFFFFE10]  }
0xf4: {  	v11 =	vld [tilespmem:s5+$0xFFFFFE20]  }
0xf5: {  	v12 =	vld [tilespmem:s5+$0xFFFFFE30]  }
0xf6: {  	v13 =	vld [tilespmem:s5+$0xFFFFFE40];
	v8 =	vmul.f32 v8, v1  }
0xf7: {  	v9 =	vmul.f32 v9, v6;
	v14 =	vld [tilespmem:s5+$0xFFFFFE50]  }
0xf8: {  	v10 =	vmul.f32 v10, v6;
	v15 =	vld [tilespmem:s5+$0xFFFFFE60];
	[tilespmem:s5+$0x170] =	vst v8  }
0xf9: {  	[tilespmem:s5+$0xFFFFFE00] =	vst v9;
	v8 =	vmul.f32 v11, v6;
	v9 =	vld [tilespmem:s5+$0xFFFFFE70]  }
0xfa: {  	[tilespmem:s5+$0xFFFFFE10] =	vst v10;
	v10 =	vmul.f32 v12, v6;
	v11 =	vld [tilespmem:s5+$0xFFFFFE80]  }
0xfb: {  	[tilespmem:s5+$0xFFFFFE20] =	vst v8;
	v8 =	vmul.f32 v13, v6;
	v12 =	vld [tilespmem:s5+$0xFFFFFE90]  }
0xfc: {  	[tilespmem:s5+$0xFFFFFE30] =	vst v10;
	v10 =	vmul.f32 v14, v6;
	v13 =	vld [tilespmem:s5+$0xFFFFFEA0]  }
0xfd: {  	[tilespmem:s5+$0xFFFFFE40] =	vst v8;
	v8 =	vmul.f32 v15, v6;
	v14 =	vld [tilespmem:s5+$0xFFFFFEB0]  }
0xfe: {  	[tilespmem:s5+$0xFFFFFE50] =	vst v10;
	v6 =	vmul.f32 v9, v6;
	v9 =	vld [tilespmem:s5+$0xFFFFFEC0]  }
0xff: {  	[tilespmem:s5+$0xFFFFFE60] =	vst v8;
	v8 =	vmul.f32 v11, v5;
	v10 =	vld [tilespmem:s5+$0xFFFFFED0]  }
0x100: {  	[tilespmem:s5+$0xFFFFFE70] =	vst v6;
	v6 =	vmul.f32 v12, v5;
	v11 =	vld [tilespmem:s5+$0xFFFFFEE0]  }
0x101: {  	[tilespmem:s5+$0xFFFFFE80] =	vst v8;
	v8 =	vmul.f32 v13, v5;
	v12 =	vld [tilespmem:s5+$0xFFFFFEF0]  }
0x102: {  	[tilespmem:s5+$0xFFFFFE90] =	vst v6;
	v6 =	vmul.f32 v14, v5;
	v13 =	vld [tilespmem:s5+$0xFFFFFF00]  }
0x103: {  	[tilespmem:s5+$0xFFFFFEA0] =	vst v8;
	v8 =	vmul.f32 v9, v5;
	v9 =	vld [tilespmem:s5+$0xFFFFFF10]  }
0x104: {  	[tilespmem:s5+$0xFFFFFEB0] =	vst v6;
	v6 =	vmul.f32 v10, v5;
	v10 =	vld [tilespmem:s5+$0xFFFFFF20]  }
0x105: {  	[tilespmem:s5+$0xFFFFFEC0] =	vst v8;
	v8 =	vmul.f32 v11, v5;
	v11 =	vld [tilespmem:s5+$0xFFFFFF30]  }
0x106: {  	[tilespmem:s5+$0xFFFFFED0] =	vst v6;
	v5 =	vmul.f32 v12, v5;
	v6 =	vld [tilespmem:s5+$0xFFFFFF40]  }
0x107: {  	[tilespmem:s5+$0xFFFFFEE0] =	vst v8;
	v8 =	vmul.f32 v13, v7;
	v12 =	vld [tilespmem:s5+$0xFFFFFF50]  }
0x108: {  	[tilespmem:s5+$0xFFFFFEF0] =	vst v5;
	v5 =	vmul.f32 v9, v7;
	v9 =	vld [tilespmem:s5+$0xFFFFFF60]  }
0x109: {  	[tilespmem:s5+$0xFFFFFF00] =	vst v8;
	v8 =	vmul.f32 v10, v7;
	v10 =	vld [tilespmem:s5+$0xFFFFFF70]  }
0x10a: {  	[tilespmem:s5+$0xFFFFFF10] =	vst v5;
	v5 =	vmul.f32 v11, v7;
	v11 =	vld [tilespmem:s5+$0xFFFFFF80]  }
0x10b: {  	[tilespmem:s5+$0xFFFFFF20] =	vst v8;
	v6 =	vmul.f32 v6, v7;
	v8 =	vld [tilespmem:s5+$0xFFFFFF90]  }
0x10c: {  	[tilespmem:s5+$0xFFFFFF30] =	vst v5;
	v5 =	vmul.f32 v12, v7;
	v12 =	vld [tilespmem:s5+$0xFFFFFFA0]  }
0x10d: {  	[tilespmem:s5+$0xFFFFFF40] =	vst v6;
	v6 =	vmul.f32 v9, v7;
	v9 =	vld [tilespmem:s5+$0xFFFFFFB0]  }
0x10e: {  	[tilespmem:s5+$0xFFFFFF50] =	vst v5;
	v5 =	vmul.f32 v10, v7;
	v7 =	vld [tilespmem:s5+$0xFFFFFFC0]  }
0x10f: {  	[tilespmem:s5+$0xFFFFFF60] =	vst v6;
	v6 =	vmul.f32 v11, v4;
	v10 =	vld [tilespmem:s5+$0xFFFFFFD0]  }
0x110: {  	[tilespmem:s5+$0xFFFFFF70] =	vst v5;
	v5 =	vmul.f32 v8, v4;
	v8 =	vld [tilespmem:s5+$0xFFFFFFE0]  }
0x111: {  	[tilespmem:s5+$0xFFFFFF80] =	vst v6;
	v6 =	vmul.f32 v12, v4;
	v11 =	vld [tilespmem:s5+$0xFFFFFFF0]  }
0x112: {  	[tilespmem:s5+$0xFFFFFF90] =	vst v5;
	v5 =	vmul.f32 v9, v4;
	v9 =	vld [tilespmem:s5+$0x0]  }
0x113: {  	[tilespmem:s5+$0xFFFFFFA0] =	vst v6;
	v6 =	vmul.f32 v7, v4;
	v7 =	vld [tilespmem:s5+$0x10]  }
0x114: {  	[tilespmem:s5+$0xFFFFFFB0] =	vst v5;
	v5 =	vmul.f32 v10, v4;
	v10 =	vld [tilespmem:s5+$0x20]  }
0x115: {  	[tilespmem:s5+$0xFFFFFFC0] =	vst v6;
	v6 =	vmul.f32 v8, v4;
	v8 =	vld [tilespmem:s5+$0x30]  }
0x116: {  	[tilespmem:s5+$0xFFFFFFD0] =	vst v5;
	v4 =	vmul.f32 v11, v4;
	v5 =	vld [tilespmem:s5+$0x40]  }
0x117: {  	[tilespmem:s5+$0xFFFFFFE0] =	vst v6;
	v6 =	vmul.f32 v9, v3;
	v9 =	vld [tilespmem:s5+$0x50]  }
0x118: {  	[tilespmem:s5+$0xFFFFFFF0] =	vst v4;
	v4 =	vmul.f32 v7, v3;
	v7 =	vld [tilespmem:s5+$0x60]  }
0x119: {  	[tilespmem:s5+$0x0] =	vst v6;
	v6 =	vmul.f32 v10, v3;
	v10 =	vld [tilespmem:s5+$0x70]  }
0x11a: {  	[tilespmem:s5+$0x10] =	vst v4;
	v4 =	vmul.f32 v8, v3;
	v8 =	vld [tilespmem:s5+$0x80]  }
0x11b: {  	[tilespmem:s5+$0x20] =	vst v6;
	v5 =	vmul.f32 v5, v3;
	v6 =	vld [tilespmem:s5+$0x90]  }
0x11c: {  	[tilespmem:s5+$0x30] =	vst v4;
	v4 =	vmul.f32 v9, v3;
	v9 =	vld [tilespmem:s5+$0xA0]  }
0x11d: {  	[tilespmem:s5+$0x40] =	vst v5;
	v5 =	vmul.f32 v7, v3;
	v7 =	vld [tilespmem:s5+$0xB0]  }
0x11e: {  	[tilespmem:s5+$0x50] =	vst v4;
	v3 =	vmul.f32 v10, v3;
	v4 =	vld [tilespmem:s5+$0xC0]  }
0x11f: {  	[tilespmem:s5+$0x60] =	vst v5;
	v5 =	vmul.f32 v8, v2;
	v8 =	vld [tilespmem:s5+$0xD0]  }
0x120: {  	[tilespmem:s5+$0x70] =	vst v3;
	v3 =	vmul.f32 v6, v2;
	v6 =	vld [tilespmem:s5+$0xE0]  }
0x121: {  	[tilespmem:s5+$0x80] =	vst v5;
	v5 =	vmul.f32 v9, v2;
	v9 =	vld [tilespmem:s5+$0xF0]  }
0x122: {  	[tilespmem:s5+$0x90] =	vst v3;
	v3 =	vmul.f32 v7, v2;
	v7 =	vld [tilespmem:s5+$0x100]  }
0x123: {  	[tilespmem:s5+$0xA0] =	vst v5;
	v4 =	vmul.f32 v4, v2;
	v5 =	vld [tilespmem:s5+$0x110]  }
0x124: {  	[tilespmem:s5+$0xB0] =	vst v3;
	v3 =	vmul.f32 v8, v2;
	v8 =	vld [tilespmem:s5+$0x120]  }
0x125: {  	[tilespmem:s5+$0xC0] =	vst v4;
	v4 =	vmul.f32 v6, v2;
	v6 =	vld [tilespmem:s5+$0x130]  }
0x126: {  	[tilespmem:s5+$0xD0] =	vst v3;
	v3 =	vmul.f32 v9, v2;
	v9 =	vld [tilespmem:s5+$0x140]  }
0x127: {  	s7 =	sadd.s32 $0x7, s6;
	v2 =	vmov s6;
	[tilespmem:s5+$0xE0] =	vst v4;
	v4 =	vmul.f32 v7, v1;
	v7 =	vld [tilespmem:s5+$0x150]  }
0x128: {  	s8 =	sadd.s32 $0x1, s6;
	s9 =	sadd.s32 $0x2, s6;
	v10 =	vand.u32 $0xFFFFFFF8, v2;
	v2 =	vmov s7;
	[tilespmem:s5+$0xF0] =	vst v3;
	v3 =	vmul.f32 v5, v1;
	v11 =	vld [tilespmem:s5+$0x160]  }
0x129: {  	v13 =	vmov s9;
	v12 =	vmov s8;
	s8 =	sadd.s32 $0x4, s6;
	s7 =	sadd.s32 $0x3, s6;
	[tilespmem:s5+$0x100] =	vst v4;
	v4 =	vmul.f32 v8, v1;
	v8 =	vld [tilespmem:s5+$0x180]  }
0x12a: {  	v15 =	vmov s8;
	v14 =	vmov s7;
	s7 =	sadd.s32 $0x5, s6;
	[tilespmem:s5+$0x110] =	vst v3;
	v6 =	vmul.f32 v6, v1;
	v16 =	vld [tilespmem:s5+$0x190]  }
.Ltmp2:
0x12b: {  	v3 =	vbroadcast v10, $0x0;
	v10 =	vmov s7;
	[tilespmem:s5+$0x120] =	vst v4;
	v9 =	vmul.f32 v9, v1;
	v5 =	vld [tilespmem:s5+$0x1A0];
	(pc) =	sbr.rel @p0 .LBB2_3-.Ltmp2, $4  }
0x12c: {  	v4 =	vand.u32 $0xFFFFFFF9, v12;
	v12 =	vand.u32 $0xFFFFFFFA, v13;
	[tilespmem:s5+$0x130] =	vst v6;
	v13 =	vmul.f32 v7, v1;
	v6 =	vld [tilespmem:s5+$0x1B0]  }
0x12d: {  	v17 =	vand.u32 $0xFFFFFFFB, v14;
	v4 =	vbroadcast v4, $0x0;
	[tilespmem:s5+$0x140] =	vst v9;
	v18 =	vmul.f32 v11, v1;
	v7 =	vld [tilespmem:s5+$0x1C0]  }
0x12e: {  	v9 =	vbroadcast v12, $0x0;
	v1 =	vand.u32 $0xFFFFFFFC, v15;
	[tilespmem:s5+$0x150] =	vst v13;
	v14 =	vmul.f32 v8, v0;
	v8 =	vld [tilespmem:s5+$0x1D0]  }
0x12f: {  	s7 =	sadd.s32 $0x6, s6;
	s6 =	sadd.s32 $0x8, s6;
	v11 =	vbroadcast v17, $0x0;
	v13 =	vand.u32 $0xFFFFFFFD, v10;
	[tilespmem:s5+$0x160] =	vst v18;
	v12 =	vmul.f32 v16, v0;
	v10 =	vld [tilespmem:s5+$0x1E0]  }
0x130: {  	_ =	sdelay $0x2  }
0x131: {  	v15 =	vld [tilespmem:s5+$0x1F0]  }
0x132: {  	v17 =	vld.idx.msk [tilespmem:v3+s24+$0x0], $0xffff  }
0x133: {  	v61 =	vld.idx.msk [tilespmem:v4+s24+$0x0], $0xffff  }
0x134: {  	[tilespmem:s5+$0x180] =	vst v14;
	v14 =	vbroadcast v1, $0x0;
	v1 =	vmov s7;
	v9 =	vld.idx.msk [tilespmem:v9+s24+$0x0], $0xffff  }
0x135: {  	v16 =	vand.u32 $0xFFFFFFFE, v1;
	v1 =	vld.idx.msk [tilespmem:v2+s24+$0x0], $0xffff  }
0x136: {  	v5 =	vmul.f32 v5, v0;
	s6 =	sadd.s32 $0x400, s5;
	v11 =	vld.idx.msk [tilespmem:v11+s24+$0x0], $0xffff  }
0x137: {  	v13 =	vbroadcast v13, $0x0;
	[tilespmem:s5+$0x190] =	vst v12;
	v6 =	vmul.f32 v6, v0;
	v12 =	vld [tilespmem:s6+$0x170]  }
0x138: {  	[tilespmem:s5+$0x1A0] =	vst v5;
	v5 =	vmul.f32 v7, v0;
	v7 =	vld [tilespmem:s6+$0xFFFFFE00]  }
0x139: {  	v2 =	vbroadcast v16, $0x0;
	[tilespmem:s5+$0x1B0] =	vst v6;
	v6 =	vmul.f32 v8, v0;
	v8 =	vld [tilespmem:s6+$0xFFFFFE10]  }
0x13a: {  	[tilespmem:s5+$0x1C0] =	vst v5;
	v5 =	vmul.f32 v10, v0;
	v10 =	vld [tilespmem:s6+$0xFFFFFE20]  }
0x13b: {  	[tilespmem:s5+$0x1D0] =	vst v6;
	v6 =	vld [tilespmem:s6+$0xFFFFFE30]  }
0x13c: {  	v4 =	vld.idx.msk [tilespmem:v14+s24+$0x0], $0xffff  }
0x13d: {  	v0 =	vmul.f32 v15, v0;
	v3 =	vld.idx.msk [tilespmem:v13+s24+$0x0], $0xffff  }
0x13e: {  	[tilespmem:s5+$0x1E0] =	vst v5;
	v5 =	vld [tilespmem:s6+$0xFFFFFE40]  }
0x13f: {  	[tilespmem:s5+$0x1F0] =	vst v0;
	v0 =	vmul.f32 v7, v17;
	v2 =	vld.idx.msk [tilespmem:v2+s24+$0x0], $0xffff  }
0x140: {  	v7 =	vld [tilespmem:s6+$0xFFFFFE50];
	v8 =	vmul.f32 v8, v17  }
0x141: {  	v13 =	vld [tilespmem:s6+$0xFFFFFE60];
	[tilespmem:s6+$0xFFFFFE00] =	vst v0;
	v0 =	vmul.f32 v10, v17  }
0x142: {  	v10 =	vld [tilespmem:s6+$0xFFFFFE70];
	[tilespmem:s6+$0xFFFFFE10] =	vst v8;
	v6 =	vmul.f32 v6, v17  }
0x143: {  	v8 =	vld [tilespmem:s6+$0xFFFFFE80];
	[tilespmem:s6+$0xFFFFFE20] =	vst v0;
	v0 =	vmul.f32 v5, v17  }
0x144: {  	v5 =	vld [tilespmem:s6+$0xFFFFFE90];
	[tilespmem:s6+$0xFFFFFE30] =	vst v6;
	v12 =	vmul.f32 v12, v2  }
0x145: {  	v6 =	vmul.f32 v7, v17;
	v7 =	vld [tilespmem:s6+$0xFFFFFEA0];
	[tilespmem:s6+$0xFFFFFE40] =	vst v0  }
0x146: {  	v0 =	vmul.f32 v13, v17;
	[tilespmem:s6+$0x170] =	vst v12;
	v12 =	vld [tilespmem:s6+$0xFFFFFEB0]  }
0x147: {  	[tilespmem:s6+$0xFFFFFE50] =	vst v6;
	v6 =	vmul.f32 v10, v17;
	v10 =	vld [tilespmem:s6+$0xFFFFFEC0]  }
0x148: {  	[tilespmem:s6+$0xFFFFFE60] =	vst v0;
	v0 =	vmul.f32 v8, v61;
	v8 =	vld [tilespmem:s6+$0xFFFFFED0]  }
0x149: {  	[tilespmem:s6+$0xFFFFFE70] =	vst v6;
	v5 =	vmul.f32 v5, v61;
	v6 =	vld [tilespmem:s6+$0xFFFFFEE0]  }
0x14a: {  	[tilespmem:s6+$0xFFFFFE80] =	vst v0;
	v0 =	vmul.f32 v7, v61;
	v7 =	vld [tilespmem:s6+$0xFFFFFEF0]  }
0x14b: {  	[tilespmem:s6+$0xFFFFFE90] =	vst v5;
	v5 =	vmul.f32 v12, v61;
	v12 =	vld [tilespmem:s6+$0xFFFFFF00]  }
0x14c: {  	[tilespmem:s6+$0xFFFFFEA0] =	vst v0;
	v0 =	vmul.f32 v10, v61;
	v10 =	vld [tilespmem:s6+$0xFFFFFF10]  }
0x14d: {  	[tilespmem:s6+$0xFFFFFEB0] =	vst v5;
	v5 =	vmul.f32 v8, v61;
	v8 =	vld [tilespmem:s6+$0xFFFFFF20]  }
0x14e: {  	[tilespmem:s6+$0xFFFFFEC0] =	vst v0;
	v0 =	vmul.f32 v6, v61;
	v6 =	vld [tilespmem:s6+$0xFFFFFF30]  }
0x14f: {  	[tilespmem:s6+$0xFFFFFED0] =	vst v5;
	v5 =	vmul.f32 v7, v61;
	v7 =	vld [tilespmem:s6+$0xFFFFFF40]  }
0x150: {  	[tilespmem:s6+$0xFFFFFEE0] =	vst v0;
	v0 =	vmul.f32 v12, v9;
	v12 =	vld [tilespmem:s6+$0xFFFFFF50]  }
0x151: {  	[tilespmem:s6+$0xFFFFFEF0] =	vst v5;
	v5 =	vmul.f32 v10, v9;
	v10 =	vld [tilespmem:s6+$0xFFFFFF60]  }
0x152: {  	[tilespmem:s6+$0xFFFFFF00] =	vst v0;
	v0 =	vmul.f32 v8, v9;
	v8 =	vld [tilespmem:s6+$0xFFFFFF70]  }
0x153: {  	[tilespmem:s6+$0xFFFFFF10] =	vst v5;
	v5 =	vmul.f32 v6, v9;
	v6 =	vld [tilespmem:s6+$0xFFFFFF80]  }
0x154: {  	[tilespmem:s6+$0xFFFFFF20] =	vst v0;
	v0 =	vmul.f32 v7, v9;
	v7 =	vld [tilespmem:s6+$0xFFFFFF90]  }
0x155: {  	[tilespmem:s6+$0xFFFFFF30] =	vst v5;
	v5 =	vmul.f32 v12, v9;
	v12 =	vld [tilespmem:s6+$0xFFFFFFA0]  }
0x156: {  	[tilespmem:s6+$0xFFFFFF40] =	vst v0;
	v0 =	vmul.f32 v10, v9;
	v10 =	vld [tilespmem:s6+$0xFFFFFFB0]  }
0x157: {  	[tilespmem:s6+$0xFFFFFF50] =	vst v5;
	v5 =	vmul.f32 v8, v9;
	v8 =	vld [tilespmem:s6+$0xFFFFFFC0]  }
0x158: {  	[tilespmem:s6+$0xFFFFFF60] =	vst v0;
	v0 =	vmul.f32 v6, v11;
	v6 =	vld [tilespmem:s6+$0xFFFFFFD0]  }
0x159: {  	[tilespmem:s6+$0xFFFFFF70] =	vst v5;
	v5 =	vmul.f32 v7, v11;
	v7 =	vld [tilespmem:s6+$0xFFFFFFE0]  }
0x15a: {  	v9 =	vld [tilespmem:s6+$0xFFFFFFF0];
	[tilespmem:s6+$0xFFFFFF80] =	vst v0;
	v0 =	vmul.f32 v12, v11  }
0x15b: {  	[tilespmem:s6+$0xFFFFFF90] =	vst v5;
	v5 =	vmul.f32 v10, v11;
	v10 =	vld [tilespmem:s6+$0x0]  }
0x15c: {  	[tilespmem:s6+$0xFFFFFFA0] =	vst v0;
	v0 =	vmul.f32 v8, v11;
	v8 =	vld [tilespmem:s6+$0x10]  }
0x15d: {  	[tilespmem:s6+$0xFFFFFFB0] =	vst v5;
	v5 =	vmul.f32 v6, v11;
	v6 =	vld [tilespmem:s6+$0x20]  }
0x15e: {  	[tilespmem:s6+$0xFFFFFFC0] =	vst v0;
	v0 =	vmul.f32 v7, v11;
	v7 =	vld [tilespmem:s6+$0x30]  }
0x15f: {  	[tilespmem:s6+$0xFFFFFFD0] =	vst v5;
	v5 =	vmul.f32 v9, v11;
	v9 =	vld [tilespmem:s6+$0x40]  }
0x160: {  	[tilespmem:s6+$0xFFFFFFE0] =	vst v0;
	v0 =	vmul.f32 v10, v4;
	v10 =	vld [tilespmem:s6+$0x50]  }
0x161: {  	[tilespmem:s6+$0xFFFFFFF0] =	vst v5;
	v5 =	vmul.f32 v8, v4;
	v8 =	vld [tilespmem:s6+$0x60]  }
0x162: {  	[tilespmem:s6+$0x0] =	vst v0;
	v0 =	vmul.f32 v6, v4;
	v6 =	vld [tilespmem:s6+$0x70]  }
0x163: {  	[tilespmem:s6+$0x10] =	vst v5;
	v5 =	vmul.f32 v7, v4;
	v7 =	vld [tilespmem:s6+$0x80]  }
0x164: {  	[tilespmem:s6+$0x20] =	vst v0;
	v0 =	vmul.f32 v9, v4;
	v9 =	vld [tilespmem:s6+$0x90]  }
0x165: {  	[tilespmem:s6+$0x30] =	vst v5;
	v5 =	vmul.f32 v10, v4;
	v10 =	vld [tilespmem:s6+$0xA0]  }
0x166: {  	[tilespmem:s6+$0x40] =	vst v0;
	v0 =	vmul.f32 v8, v4;
	v8 =	vld [tilespmem:s6+$0xB0]  }
0x167: {  	[tilespmem:s6+$0x50] =	vst v5;
	v4 =	vmul.f32 v6, v4;
	v5 =	vld [tilespmem:s6+$0xC0]  }
0x168: {  	v6 =	vld [tilespmem:s6+$0xD0];
	[tilespmem:s6+$0x60] =	vst v0;
	v0 =	vmul.f32 v7, v3  }
0x169: {  	v7 =	vld [tilespmem:s6+$0xE0];
	[tilespmem:s6+$0x70] =	vst v4;
	v4 =	vmul.f32 v9, v3  }
0x16a: {  	v9 =	vld [tilespmem:s6+$0xF0];
	[tilespmem:s6+$0x80] =	vst v0;
	v0 =	vmul.f32 v10, v3  }
0x16b: {  	[tilespmem:s6+$0x90] =	vst v4;
	v4 =	vmul.f32 v8, v3;
	v8 =	vld [tilespmem:s6+$0x100]  }
0x16c: {  	[tilespmem:s6+$0xA0] =	vst v0;
	v0 =	vmul.f32 v5, v3;
	v5 =	vld [tilespmem:s6+$0x110]  }
0x16d: {  	[tilespmem:s6+$0xB0] =	vst v4;
	v4 =	vmul.f32 v6, v3;
	v6 =	vld [tilespmem:s6+$0x120]  }
0x16e: {  	[tilespmem:s6+$0xC0] =	vst v0;
	v0 =	vmul.f32 v7, v3;
	v7 =	vld [tilespmem:s6+$0x130]  }
0x16f: {  	v3 =	vmul.f32 v9, v3;
	[tilespmem:s6+$0xD0] =	vst v4;
	v4 =	vld [tilespmem:s6+$0x140]  }
0x170: {  	[tilespmem:s6+$0xE0] =	vst v0;
	v0 =	vmul.f32 v8, v2;
	v8 =	vld [tilespmem:s6+$0x150]  }
0x171: {  	[tilespmem:s6+$0xF0] =	vst v3;
	v3 =	vmul.f32 v5, v2;
	v5 =	vld [tilespmem:s6+$0x160]  }
0x172: {  	[tilespmem:s6+$0x100] =	vst v0;
	v0 =	vmul.f32 v6, v2;
	v6 =	vld [tilespmem:s6+$0x180]  }
0x173: {  	[tilespmem:s6+$0x110] =	vst v3;
	v3 =	vmul.f32 v7, v2;
	v7 =	vld [tilespmem:s6+$0x190]  }
0x174: {  	[tilespmem:s6+$0x120] =	vst v0;
	v0 =	vmul.f32 v4, v2;
	v4 =	vld [tilespmem:s6+$0x1A0]  }
0x175: {  	[tilespmem:s6+$0x130] =	vst v3;
	v3 =	vmul.f32 v8, v2;
	v8 =	vld [tilespmem:s6+$0x1B0]  }
0x176: {  	[tilespmem:s6+$0x140] =	vst v0;
	v0 =	vmul.f32 v5, v2;
	v2 =	vld [tilespmem:s6+$0x1C0]  }
0x177: {  	v5 =	vld [tilespmem:s6+$0x1D0];
	[tilespmem:s6+$0x150] =	vst v3;
	v3 =	vmul.f32 v6, v1  }
0x178: {  	v6 =	vld [tilespmem:s6+$0x1E0];
	[tilespmem:s6+$0x160] =	vst v0;
	v0 =	vmul.f32 v7, v1  }
0x179: {  	[tilespmem:s6+$0x180] =	vst v3;
	v3 =	vmul.f32 v4, v1;
	v4 =	vld [tilespmem:s6+$0x1F0]  }
0x17a: {  	[tilespmem:s6+$0x190] =	vst v0;
	v0 =	vmul.f32 v8, v1  }
0x17b: {  	[tilespmem:s6+$0x1A0] =	vst v3;
	v2 =	vmul.f32 v2, v1  }
0x17c: {  	[tilespmem:s6+$0x1B0] =	vst v0;
	v0 =	vmul.f32 v5, v1  }
0x17d: {  	[tilespmem:s6+$0x1C0] =	vst v2;
	v2 =	vmul.f32 v6, v1  }
0x17e: {  	[tilespmem:s6+$0x1D0] =	vst v0;
	v0 =	vmul.f32 v4, v1  }
0x17f: {  	[tilespmem:s6+$0x1E0] =	vst v2  }
0x180: {  	[tilespmem:s6+$0x1F0] =	vst v0  }
0x181: {  	[spmem:s3] =	stream.indirect.scatter.add.f32 [tilespmem:s20], [sflag:$0x3], $0x80, s25, s18, $0xb8;
	[tilespmem:$0x1D500] =	vst v63  }
0x182: {  	_ = 	snop  }
0x183: {  	[spmem:s4] =	stream.indirect.scatter.add.f32 [tilespmem:s24], [sflag:$0x3], $0x1, s25, s18, $0xb8;
	[tilespmem:$0x1D500] =	vst v63  }
0x184: {  	_ =	swait.ge [sflag:s26], $0x2000  }
0x185: {  	[sflag:s26] =	ssyncset.done $0x0  }
0x186: {  	[sflag:s26] =	ssyncadd.s32 $0xFFFFE000  }
0x187: {  	v0 =	vld [tilespmem:$0x5080]  }
0x188: {  	v1 =	vld [tilespmem:$0x5100];
	_ =	sdelay $0x5  }
0x189: {  	s7 =	simm.s32 $0x0  }
0x18a: {  	v0 =	vld.idx.msk [tilespmem:v0+s7+$0x0], $0xffff  }
0x18b: {  	v1 =	vld.idx.msk [tilespmem:v1+s7+$0x0], $0xffff;
	_ =	sdelay $0x4  }
0x18c: {  	v0 =	vand.u32 $0xFFFF0000, v0;
	v1 =	vshll.u32 v1, $0x10  }
0x18d: {  	v0 =	vadd.f32 v1, v0;
	_ =	sdelay $0x1  }
0x18e: {  	v1 =	vmul.f32 $9.999999770e-03, v0  }
0x18f: {  	vm0 =	vge.f32 v0, $0.0e+00  }
0x190: {  	v0 =	vsel vm0, v0, v1  }
0x191: {  	v0 =	vsub.f32 $0.0e+00, v0;
	_ =	sdelay $0x1  }
0x192: {  	v0 =	vmul.f32 $1.442695020e+00, v0;
	_ =	sdelay $0x1  }
0x193: {  	(erf) = vpow2.f32 v0;
	_ =	sdelay $0x2  }
0x194: {  	v0 =	vld [tilespmem:$0x5090]  }
0x195: {  	v1 =	vld [tilespmem:$0x5110];
	_ =	sdelay $0x4  }
0x196: {  	v2 =	vpop (erf)  }
0x197: {  	[tilespmem:$0x5200] =	vst v2  }
0x198: {  	v0 =	vld.idx.msk [tilespmem:v0+s7+$0x0], $0xffff  }
0x199: {  	v1 =	vld.idx.msk [tilespmem:v1+s7+$0x0], $0xffff;
	_ =	sdelay $0x4  }
0x19a: {  	v0 =	vand.u32 $0xFFFF0000, v0;
	v1 =	vshll.u32 v1, $0x10  }
0x19b: {  	v0 =	vadd.f32 v1, v0;
	_ =	sdelay $0x1  }
0x19c: {  	v1 =	vmul.f32 $9.999999770e-03, v0  }
0x19d: {  	vm13 =	vge.f32 v0, $0.0e+00  }
0x19e: {  	v0 =	vsel vm13, v0, v1  }
0x19f: {  	v0 =	vsub.f32 $0.0e+00, v0;
	_ =	sdelay $0x1  }
0x1a0: {  	v0 =	vmul.f32 $1.442695020e+00, v0;
	_ =	sdelay $0x1  }
0x1a1: {  	(erf) = vpow2.f32 v0;
	_ =	sdelay $0x2  }
0x1a2: {  	v0 =	vld [tilespmem:$0x50A0]  }
0x1a3: {  	v1 =	vld [tilespmem:$0x5120];
	_ =	sdelay $0x4  }
0x1a4: {  	v2 =	vpop (erf)  }
0x1a5: {  	[tilespmem:$0x5210] =	vst v2  }
0x1a6: {  	v0 =	vld.idx.msk [tilespmem:v0+s7+$0x0], $0xffff  }
0x1a7: {  	v1 =	vld.idx.msk [tilespmem:v1+s7+$0x0], $0xffff;
	_ =	sdelay $0x4  }
0x1a8: {  	v0 =	vand.u32 $0xFFFF0000, v0;
	v1 =	vshll.u32 v1, $0x10  }
0x1a9: {  	v0 =	vadd.f32 v1, v0;
	_ =	sdelay $0x1  }
0x1aa: {  	v1 =	vmul.f32 $9.999999770e-03, v0  }
0x1ab: {  	vm14 =	vge.f32 v0, $0.0e+00  }
0x1ac: {  	v0 =	vsel vm14, v0, v1  }
0x1ad: {  	v0 =	vsub.f32 $0.0e+00, v0;
	_ =	sdelay $0x1  }
0x1ae: {  	v0 =	vmul.f32 $1.442695020e+00, v0;
	_ =	sdelay $0x1  }
0x1af: {  	(erf) = vpow2.f32 v0;
	_ =	sdelay $0x2  }
0x1b0: {  	v0 =	vld [tilespmem:$0x50B0]  }
0x1b1: {  	v1 =	vld [tilespmem:$0x5130];
	_ =	sdelay $0x4  }
0x1b2: {  	v2 =	vpop (erf)  }
0x1b3: {  	[tilespmem:$0x5220] =	vst v2  }
0x1b4: {  	v0 =	vld.idx.msk [tilespmem:v0+s7+$0x0], $0xffff  }
0x1b5: {  	v1 =	vld.idx.msk [tilespmem:v1+s7+$0x0], $0xffff;
	_ =	sdelay $0x4  }
0x1b6: {  	v0 =	vand.u32 $0xFFFF0000, v0;
	v1 =	vshll.u32 v1, $0x10  }
0x1b7: {  	v0 =	vadd.f32 v1, v0;
	_ =	sdelay $0x1  }
0x1b8: {  	v1 =	vmul.f32 $9.999999770e-03, v0  }
0x1b9: {  	vm15 =	vge.f32 v0, $0.0e+00  }
0x1ba: {  	v0 =	vsel vm15, v0, v1  }
0x1bb: {  	v0 =	vsub.f32 $0.0e+00, v0;
	_ =	sdelay $0x1  }
0x1bc: {  	v0 =	vmul.f32 $1.442695020e+00, v0;
	_ =	sdelay $0x1  }
0x1bd: {  	(erf) = vpow2.f32 v0;
	_ =	sdelay $0x2  }
0x1be: {  	s8 =	simm.s32 $0x6;
	v0 =	vmov s7  }
0x1bf: {  	v1 =	vmov s8;
	v0 =	vand.u32 $0xFFFFFFF8, v0  }
0x1c0: {  	v1 =	vand.u32 $0xFFFFFFFE, v1;
	v0 =	vbroadcast v0, $0x0  }
0x1c1: {  	v1 =	vbroadcast v1, $0x0;
	_ =	sdelay $0x2  }
0x1c2: {  	v2 =	vpop (erf)  }
0x1c3: {  	[tilespmem:$0x5230] =	vst v2  }
0x1c4: {  	v0 =	vld.idx.msk [tilespmem:v0+s28+$0x0], $0xffff  }
0x1c5: {  	s5 =	simm.s32 $0x7480;
	v1 =	vld.idx.msk [tilespmem:v1+s28+$0x0], $0xffff  }
0x1c6: {  	v3 =	vld [tilespmem:s5+$0x170]  }
0x1c7: {  	v4 =	vld [tilespmem:s5+$0xFFFFFE00]  }
0x1c8: {  	v5 =	vld [tilespmem:s5+$0xFFFFFE10]  }
0x1c9: {  	v6 =	vld [tilespmem:s5+$0xFFFFFE20]  }
0x1ca: {  	s9 =	simm.s32 $0x1;
	v7 =	vld [tilespmem:s5+$0xFFFFFE30]  }
0x1cb: {  	v2 =	vmov s9;
	v8 =	vld [tilespmem:s5+$0xFFFFFE40]  }
0x1cc: {  	v2 =	vand.u32 $0xFFFFFFF9, v2;
	v9 =	vld [tilespmem:s5+$0xFFFFFE50]  }
0x1cd: {  	v10 =	vld [tilespmem:s5+$0xFFFFFE60];
	v2 =	vbroadcast v2, $0x0  }
0x1ce: {  	v11 =	vld [tilespmem:s5+$0xFFFFFE70]  }
0x1cf: {  	v12 =	vld [tilespmem:s5+$0xFFFFFE80]  }
0x1d0: {  	v13 =	vld [tilespmem:s5+$0xFFFFFE90]  }
0x1d1: {  	v14 =	vld [tilespmem:s5+$0xFFFFFEA0];
	v4 =	vmul.f32 v4, v0  }
0x1d2: {  	v15 =	vld [tilespmem:s5+$0xFFFFFEB0];
	v3 =	vmul.f32 v3, v1  }
0x1d3: {  	v7 =	vmul.f32 v7, v0;
	v2 =	vld.idx.msk [tilespmem:v2+s28+$0x0], $0xffff;
	[tilespmem:s5+$0xFFFFFE00] =	vst v4  }
0x1d4: {  	s7 =	simm.s32 $0x2;
	v8 =	vmul.f32 v8, v0;
	[tilespmem:s5+$0x170] =	vst v3;
	v3 =	vmul.f32 v6, v0;
	v6 =	vld [tilespmem:s5+$0xFFFFFEC0]  }
0x1d5: {  	v5 =	vmul.f32 v5, v0;
	v4 =	vmov s7;
	[tilespmem:s5+$0xFFFFFE30] =	vst v7;
	v7 =	vmul.f32 v9, v0;
	v9 =	vld [tilespmem:s5+$0xFFFFFEF0]  }
0x1d6: {  	[tilespmem:s5+$0xFFFFFE40] =	vst v8;
	v8 =	vmul.f32 v10, v0;
	v10 =	vld [tilespmem:s5+$0xFFFFFF00];
	v4 =	vand.u32 $0xFFFFFFFA, v4  }
0x1d7: {  	[tilespmem:s5+$0xFFFFFE10] =	vst v5;
	v0 =	vmul.f32 v11, v0;
	v11 =	vld [tilespmem:s5+$0xFFFFFF20];
	v4 =	vbroadcast v4, $0x0  }
0x1d8: {  	[tilespmem:s5+$0xFFFFFE20] =	vst v3;
	v3 =	vld [tilespmem:s5+$0xFFFFFEE0]  }
0x1d9: {  	[tilespmem:s5+$0xFFFFFE50] =	vst v7;
	v7 =	vld [tilespmem:s5+$0xFFFFFF10]  }
0x1da: {  	[tilespmem:s5+$0xFFFFFE60] =	vst v8;
	v5 =	vmul.f32 v12, v2;
	v12 =	vld [tilespmem:s5+$0xFFFFFED0]  }
0x1db: {  	[tilespmem:s5+$0xFFFFFE70] =	vst v0;
	v8 =	vmul.f32 v13, v2;
	v13 =	vld [tilespmem:s5+$0xFFFFFF30]  }
0x1dc: {  	s8 =	simm.s32 $0x3;
	v0 =	vmul.f32 v14, v2;
	v14 =	vld [tilespmem:s5+$0xFFFFFF40];
	v6 =	vmul.f32 v6, v2;
	[tilespmem:s5+$0xFFFFFE80] =	vst v5  }
0x1dd: {  	v5 =	vmov s8;
	[tilespmem:s5+$0xFFFFFE90] =	vst v8;
	v8 =	vmul.f32 v15, v2;
	v4 =	vld.idx.msk [tilespmem:v4+s28+$0x0], $0xffff  }
0x1de: {  	[tilespmem:s5+$0xFFFFFEC0] =	vst v6;
	v6 =	vld [tilespmem:s5+$0xFFFFFF70];
	v5 =	vand.u32 $0xFFFFFFFB, v5  }
0x1df: {  	v5 =	vbroadcast v5, $0x0;
	[tilespmem:s5+$0xFFFFFEB0] =	vst v8;
	v8 =	vld [tilespmem:s5+$0xFFFFFF60];
	v12 =	vmul.f32 v12, v2  }
0x1e0: {  	[tilespmem:s5+$0xFFFFFEA0] =	vst v0;
	v3 =	vmul.f32 v3, v2;
	v2 =	vmul.f32 v9, v2;
	v9 =	vld [tilespmem:s5+$0xFFFFFF80]  }
0x1e1: {  	[tilespmem:s5+$0xFFFFFED0] =	vst v12;
	v12 =	vld [tilespmem:s5+$0xFFFFFFB0]  }
0x1e2: {  	[tilespmem:s5+$0xFFFFFEE0] =	vst v3;
	v0 =	vmul.f32 v10, v4;
	v10 =	vld [tilespmem:s5+$0xFFFFFF50]  }
0x1e3: {  	[tilespmem:s5+$0xFFFFFEF0] =	vst v2;
	v3 =	vmul.f32 v7, v4;
	v7 =	vld [tilespmem:s5+$0xFFFFFF90]  }
0x1e4: {  	s9 =	simm.s32 $0x4;
	v2 =	vmul.f32 v11, v4;
	v11 =	vld [tilespmem:s5+$0xFFFFFFA0];
	[tilespmem:s5+$0xFFFFFF00] =	vst v0  }
0x1e5: {  	v8 =	vmul.f32 v8, v4;
	v5 =	vld.idx.msk [tilespmem:v5+s28+$0x0], $0xffff;
	v0 =	vmov s9;
	[tilespmem:s5+$0xFFFFFF10] =	vst v3  }
0x1e6: {  	v3 =	vmul.f32 v13, v4;
	[tilespmem:s5+$0xFFFFFF20] =	vst v2;
	v2 =	vmul.f32 v14, v4;
	v13 =	vld [tilespmem:s5+$0xFFFFFFC0];
	v0 =	vand.u32 $0xFFFFFFFC, v0  }
0x1e7: {  	[tilespmem:s5+$0xFFFFFF60] =	vst v8;
	v8 =	vld [tilespmem:s5+$0x0];
	v0 =	vbroadcast v0, $0x0  }
0x1e8: {  	[tilespmem:s5+$0xFFFFFF40] =	vst v2;
	v2 =	vld [tilespmem:s5+$0xFFFFFFE0];
	v10 =	vmul.f32 v10, v4  }
0x1e9: {  	[tilespmem:s5+$0xFFFFFF30] =	vst v3;
	v4 =	vmul.f32 v6, v4;
	v6 =	vld [tilespmem:s5+$0xFFFFFFF0]  }
0x1ea: {  	v3 =	vmul.f32 v9, v5;
	v9 =	vld [tilespmem:s5+$0xFFFFFFD0];
	[tilespmem:s5+$0xFFFFFF50] =	vst v10  }
0x1eb: {  	v7 =	vmul.f32 v7, v5;
	[tilespmem:s5+$0xFFFFFF70] =	vst v4;
	v10 =	vld [tilespmem:s5+$0x10]  }
0x1ec: {  	s7 =	simm.s32 $0x5;
	v4 =	vmul.f32 v11, v5;
	v11 =	vld [tilespmem:s5+$0x20];
	[tilespmem:s5+$0xFFFFFF80] =	vst v3  }
0x1ed: {  	v3 =	vmov s7;
	[tilespmem:s5+$0xFFFFFF90] =	vst v7;
	v7 =	vmul.f32 v12, v5;
	v0 =	vld.idx.msk [tilespmem:v0+s28+$0x0], $0xffff  }
0x1ee: {  	[tilespmem:s5+$0xFFFFFFA0] =	vst v4;
	v4 =	vmul.f32 v13, v5;
	v12 =	vld [tilespmem:s5+$0x30];
	v3 =	vand.u32 $0xFFFFFFFD, v3  }
0x1ef: {  	v3 =	vbroadcast v3, $0x0;
	[tilespmem:s5+$0xFFFFFFB0] =	vst v7;
	v7 =	vmul.f32 v9, v5;
	v9 =	vld [tilespmem:s5+$0x40]  }
0x1f0: {  	v2 =	vmul.f32 v2, v5;
	[tilespmem:s5+$0xFFFFFFC0] =	vst v4;
	v5 =	vmul.f32 v6, v5;
	v6 =	vld [tilespmem:s5+$0x80]  }
0x1f1: {  	[tilespmem:s5+$0xFFFFFFD0] =	vst v7;
	v7 =	vld [tilespmem:s5+$0x60]  }
0x1f2: {  	[tilespmem:s5+$0xFFFFFFE0] =	vst v2;
	v4 =	vmul.f32 v8, v0;
	v8 =	vld [tilespmem:s5+$0x50]  }
0x1f3: {  	[tilespmem:s5+$0xFFFFFFF0] =	vst v5;
	v2 =	vmul.f32 v10, v0;
	v5 =	vmul.f32 v11, v0;
	v10 =	vld [tilespmem:s5+$0x90]  }
0x1f4: {  	[tilespmem:s5+$0x0] =	vst v4;
	v4 =	vld [tilespmem:s5+$0x70]  }
0x1f5: {  	v3 =	vld.idx.msk [tilespmem:v3+s28+$0x0], $0xffff;
	[tilespmem:s5+$0x20] =	vst v5;
	v5 =	vmul.f32 v9, v0  }
0x1f6: {  	[tilespmem:s5+$0x10] =	vst v2;
	v2 =	vmul.f32 v12, v0;
	v9 =	vld [tilespmem:s5+$0xA0]  }
0x1f7: {  	[tilespmem:s5+$0x40] =	vst v5;
	v5 =	vmul.f32 v7, v0;
	v7 =	vld [tilespmem:s5+$0xC0]  }
0x1f8: {  	[tilespmem:s5+$0x30] =	vst v2;
	v2 =	vmul.f32 v8, v0;
	v8 =	vld [tilespmem:s5+$0xB0]  }
0x1f9: {  	[tilespmem:s5+$0x60] =	vst v5;
	v5 =	vld [tilespmem:s5+$0xE0];
	v4 =	vmul.f32 v4, v0  }
0x1fa: {  	[tilespmem:s5+$0x50] =	vst v2;
	v2 =	vmul.f32 v6, v3;
	v6 =	vld [tilespmem:s5+$0xD0]  }
0x1fb: {  	v10 =	vmul.f32 v10, v3;
	[tilespmem:s5+$0x70] =	vst v4;
	v4 =	vld [tilespmem:s5+$0xF0]  }
0x1fc: {  	[tilespmem:s5+$0x80] =	vst v2;
	v2 =	vmul.f32 v9, v3;
	v9 =	vld [tilespmem:s5+$0x100]  }
0x1fd: {  	[tilespmem:s5+$0x90] =	vst v10;
	v10 =	vld [tilespmem:s5+$0x150];
	v8 =	vmul.f32 v8, v3  }
0x1fe: {  	s8 =	simm.s32 $0x7;
	[tilespmem:s5+$0xA0] =	vst v2;
	v2 =	vmul.f32 v7, v3;
	v7 =	vld [tilespmem:s5+$0x110]  }
0x1ff: {  	v13 =	vld [tilespmem:s5+$0x180];
	v11 =	vmov s8;
	[tilespmem:s5+$0xB0] =	vst v8;
	v6 =	vmul.f32 v6, v3  }
0x200: {  	v8 =	vld [tilespmem:s5+$0x120];
	[tilespmem:s5+$0xC0] =	vst v2;
	v2 =	vmul.f32 v5, v3  }
0x201: {  	s8 =	simm.s32 $0xA;
	v5 =	vld [tilespmem:s5+$0x130];
	[tilespmem:s5+$0xD0] =	vst v6;
	v3 =	vmul.f32 v4, v3  }
0x202: {  	s9 =	simm.s32 $0x8;
	v12 =	vmov s8;
	v4 =	vld [tilespmem:s5+$0x140];
	v9 =	vmul.f32 v9, v1;
	[tilespmem:s5+$0xE0] =	vst v2  }
0x203: {  	s7 =	simm.s32 $0xF;
	s8 =	simm.s32 $0xC;
	v6 =	vmov s9;
	v10 =	vmul.f32 v10, v1;
	[tilespmem:s5+$0xF0] =	vst v3;
	v3 =	vmul.f32 v7, v1;
	v7 =	vld [tilespmem:s5+$0x160]  }
0x204: {  	v14 =	vmov s8;
	v0 =	vld.idx.msk [tilespmem:v11+s28+$0x0], $0xffff;
	s9 =	simm.s32 $0x9;
	v6 =	vand.u32 $0xFFFFFFF8, v6;
	v2 =	vmov s7;
	s7 =	simm.s32 $0xB;
	[tilespmem:s5+$0x100] =	vst v9  }
0x205: {  	v62 =	vld [tilespmem:s5+$0x190];
	v11 =	vmov s9;
	s9 =	simm.s32 $0xD;
	v9 =	vmov s7;
	[tilespmem:s5+$0x150] =	vst v10;
	v8 =	vmul.f32 v8, v1  }
0x206: {  	v63 =	vmov s9;
	[tilespmem:s5+$0x110] =	vst v3;
	v15 =	vmul.f32 v5, v1;
	v3 =	vbroadcast v6, $0x0;
	v5 =	vld [tilespmem:s5+$0x1A0]  }
0x207: {  	v6 =	vld [tilespmem:s5+$0x1B0];
	[tilespmem:s5+$0x120] =	vst v8;
	v8 =	vmul.f32 v4, v1;
	v4 =	vand.u32 $0xFFFFFFF9, v11;
	v11 =	vand.u32 $0xFFFFFFFA, v12  }
0x208: {  	v12 =	vand.u32 $0xFFFFFFFB, v9;
	[tilespmem:s5+$0x130] =	vst v15;
	v4 =	vbroadcast v4, $0x0;
	v15 =	vmul.f32 v7, v1;
	v7 =	vld [tilespmem:s5+$0x1C0]  }
0x209: {  	v9 =	vbroadcast v11, $0x0;
	[tilespmem:s5+$0x140] =	vst v8;
	v1 =	vand.u32 $0xFFFFFFFC, v14;
	v14 =	vmul.f32 v13, v0;
	v8 =	vld [tilespmem:s5+$0x1D0]  }
0x20a: {  	s6 =	simm.s32 $0x10;
	s7 =	simm.s32 $0xE;
	v10 =	vld [tilespmem:s5+$0x1E0];
	v11 =	vbroadcast v12, $0x0;
	v12 =	vmul.f32 v62, v0;
	v13 =	vand.u32 $0xFFFFFFFD, v63;
	[tilespmem:s5+$0x160] =	vst v15  }
.LBB2_5:
0x20b: {  	p0 =	slt.u32 s6, $0x38;
	v1 =	vbroadcast v1, $0x0;
	v15 =	vmov s7;
	[tilespmem:s5+$0x180] =	vst v14;
	v5 =	vmul.f32 v5, v0;
	v14 =	vld [tilespmem:s5+$0x1F0]  }
0x20c: {  	v13 =	vbroadcast v13, $0x0;
	v15 =	vand.u32 $0xFFFFFFFE, v15;
	v16 =	vld.idx.msk [tilespmem:v2+s28+$0x0], $0xffff;
	[tilespmem:s5+$0x190] =	vst v12;
	v2 =	vmul.f32 v6, v0  }
0x20d: {  	v6 =	vld.idx.msk [tilespmem:v3+s28+$0x0], $0xffff;
	v12 =	vbroadcast v15, $0x0;
	[tilespmem:s5+$0x1A0] =	vst v5;
	v3 =	vmul.f32 v7, v0  }
0x20e: {  	v5 =	vld.idx.msk [tilespmem:v4+s28+$0x0], $0xffff;
	[tilespmem:s5+$0x1B0] =	vst v2;
	v2 =	vmul.f32 v8, v0  }
0x20f: {  	v7 =	vld.idx.msk [tilespmem:v9+s28+$0x0], $0xffff;
	[tilespmem:s5+$0x1C0] =	vst v3;
	v8 =	vmul.f32 v10, v0  }
0x210: {  	v4 =	vld.idx.msk [tilespmem:v11+s28+$0x0], $0xffff;
	[tilespmem:s5+$0x1D0] =	vst v2;
	v9 =	vmul.f32 v14, v0  }
0x211: {  	v3 =	vld.idx.msk [tilespmem:v1+s28+$0x0], $0xffff;
	[tilespmem:s5+$0x1E0] =	vst v8  }
0x212: {  	v0 =	vmov v16;
	v2 =	vld.idx.msk [tilespmem:v13+s28+$0x0], $0xffff;
	[tilespmem:s5+$0x1F0] =	vst v9  }
0x213: {  	s5 =	sadd.s32 $0x400, s5;
	v1 =	vld.idx.msk [tilespmem:v12+s28+$0x0], $0xffff  }
0x214: {  	v8 =	vld [tilespmem:s5+$0x170]  }
0x215: {  	v9 =	vld [tilespmem:s5+$0xFFFFFE00]  }
0x216: {  	v10 =	vld [tilespmem:s5+$0xFFFFFE10]  }
0x217: {  	v11 =	vld [tilespmem:s5+$0xFFFFFE20]  }
0x218: {  	v12 =	vld [tilespmem:s5+$0xFFFFFE30]  }
0x219: {  	v13 =	vld [tilespmem:s5+$0xFFFFFE40];
	v8 =	vmul.f32 v8, v1  }
0x21a: {  	v9 =	vmul.f32 v9, v6;
	v14 =	vld [tilespmem:s5+$0xFFFFFE50]  }
0x21b: {  	v10 =	vmul.f32 v10, v6;
	v15 =	vld [tilespmem:s5+$0xFFFFFE60];
	[tilespmem:s5+$0x170] =	vst v8  }
0x21c: {  	[tilespmem:s5+$0xFFFFFE00] =	vst v9;
	v8 =	vmul.f32 v11, v6;
	v9 =	vld [tilespmem:s5+$0xFFFFFE70]  }
0x21d: {  	[tilespmem:s5+$0xFFFFFE10] =	vst v10;
	v10 =	vmul.f32 v12, v6;
	v11 =	vld [tilespmem:s5+$0xFFFFFE80]  }
0x21e: {  	[tilespmem:s5+$0xFFFFFE20] =	vst v8;
	v8 =	vmul.f32 v13, v6;
	v12 =	vld [tilespmem:s5+$0xFFFFFE90]  }
0x21f: {  	[tilespmem:s5+$0xFFFFFE30] =	vst v10;
	v10 =	vmul.f32 v14, v6;
	v13 =	vld [tilespmem:s5+$0xFFFFFEA0]  }
0x220: {  	[tilespmem:s5+$0xFFFFFE40] =	vst v8;
	v8 =	vmul.f32 v15, v6;
	v14 =	vld [tilespmem:s5+$0xFFFFFEB0]  }
0x221: {  	[tilespmem:s5+$0xFFFFFE50] =	vst v10;
	v6 =	vmul.f32 v9, v6;
	v9 =	vld [tilespmem:s5+$0xFFFFFEC0]  }
0x222: {  	[tilespmem:s5+$0xFFFFFE60] =	vst v8;
	v8 =	vmul.f32 v11, v5;
	v10 =	vld [tilespmem:s5+$0xFFFFFED0]  }
0x223: {  	[tilespmem:s5+$0xFFFFFE70] =	vst v6;
	v6 =	vmul.f32 v12, v5;
	v11 =	vld [tilespmem:s5+$0xFFFFFEE0]  }
0x224: {  	[tilespmem:s5+$0xFFFFFE80] =	vst v8;
	v8 =	vmul.f32 v13, v5;
	v12 =	vld [tilespmem:s5+$0xFFFFFEF0]  }
0x225: {  	[tilespmem:s5+$0xFFFFFE90] =	vst v6;
	v6 =	vmul.f32 v14, v5;
	v13 =	vld [tilespmem:s5+$0xFFFFFF00]  }
0x226: {  	[tilespmem:s5+$0xFFFFFEA0] =	vst v8;
	v8 =	vmul.f32 v9, v5;
	v9 =	vld [tilespmem:s5+$0xFFFFFF10]  }
0x227: {  	[tilespmem:s5+$0xFFFFFEB0] =	vst v6;
	v6 =	vmul.f32 v10, v5;
	v10 =	vld [tilespmem:s5+$0xFFFFFF20]  }
0x228: {  	[tilespmem:s5+$0xFFFFFEC0] =	vst v8;
	v8 =	vmul.f32 v11, v5;
	v11 =	vld [tilespmem:s5+$0xFFFFFF30]  }
0x229: {  	[tilespmem:s5+$0xFFFFFED0] =	vst v6;
	v5 =	vmul.f32 v12, v5;
	v6 =	vld [tilespmem:s5+$0xFFFFFF40]  }
0x22a: {  	[tilespmem:s5+$0xFFFFFEE0] =	vst v8;
	v8 =	vmul.f32 v13, v7;
	v12 =	vld [tilespmem:s5+$0xFFFFFF50]  }
0x22b: {  	[tilespmem:s5+$0xFFFFFEF0] =	vst v5;
	v5 =	vmul.f32 v9, v7;
	v9 =	vld [tilespmem:s5+$0xFFFFFF60]  }
0x22c: {  	[tilespmem:s5+$0xFFFFFF00] =	vst v8;
	v8 =	vmul.f32 v10, v7;
	v10 =	vld [tilespmem:s5+$0xFFFFFF70]  }
0x22d: {  	[tilespmem:s5+$0xFFFFFF10] =	vst v5;
	v5 =	vmul.f32 v11, v7;
	v11 =	vld [tilespmem:s5+$0xFFFFFF80]  }
0x22e: {  	[tilespmem:s5+$0xFFFFFF20] =	vst v8;
	v6 =	vmul.f32 v6, v7;
	v8 =	vld [tilespmem:s5+$0xFFFFFF90]  }
0x22f: {  	[tilespmem:s5+$0xFFFFFF30] =	vst v5;
	v5 =	vmul.f32 v12, v7;
	v12 =	vld [tilespmem:s5+$0xFFFFFFA0]  }
0x230: {  	[tilespmem:s5+$0xFFFFFF40] =	vst v6;
	v6 =	vmul.f32 v9, v7;
	v9 =	vld [tilespmem:s5+$0xFFFFFFB0]  }
0x231: {  	[tilespmem:s5+$0xFFFFFF50] =	vst v5;
	v5 =	vmul.f32 v10, v7;
	v7 =	vld [tilespmem:s5+$0xFFFFFFC0]  }
0x232: {  	[tilespmem:s5+$0xFFFFFF60] =	vst v6;
	v6 =	vmul.f32 v11, v4;
	v10 =	vld [tilespmem:s5+$0xFFFFFFD0]  }
0x233: {  	[tilespmem:s5+$0xFFFFFF70] =	vst v5;
	v5 =	vmul.f32 v8, v4;
	v8 =	vld [tilespmem:s5+$0xFFFFFFE0]  }
0x234: {  	[tilespmem:s5+$0xFFFFFF80] =	vst v6;
	v6 =	vmul.f32 v12, v4;
	v11 =	vld [tilespmem:s5+$0xFFFFFFF0]  }
0x235: {  	[tilespmem:s5+$0xFFFFFF90] =	vst v5;
	v5 =	vmul.f32 v9, v4;
	v9 =	vld [tilespmem:s5+$0x0]  }
0x236: {  	[tilespmem:s5+$0xFFFFFFA0] =	vst v6;
	v6 =	vmul.f32 v7, v4;
	v7 =	vld [tilespmem:s5+$0x10]  }
0x237: {  	[tilespmem:s5+$0xFFFFFFB0] =	vst v5;
	v5 =	vmul.f32 v10, v4;
	v10 =	vld [tilespmem:s5+$0x20]  }
0x238: {  	[tilespmem:s5+$0xFFFFFFC0] =	vst v6;
	v6 =	vmul.f32 v8, v4;
	v8 =	vld [tilespmem:s5+$0x30]  }
0x239: {  	[tilespmem:s5+$0xFFFFFFD0] =	vst v5;
	v4 =	vmul.f32 v11, v4;
	v5 =	vld [tilespmem:s5+$0x40]  }
0x23a: {  	[tilespmem:s5+$0xFFFFFFE0] =	vst v6;
	v6 =	vmul.f32 v9, v3;
	v9 =	vld [tilespmem:s5+$0x50]  }
0x23b: {  	[tilespmem:s5+$0xFFFFFFF0] =	vst v4;
	v4 =	vmul.f32 v7, v3;
	v7 =	vld [tilespmem:s5+$0x60]  }
0x23c: {  	[tilespmem:s5+$0x0] =	vst v6;
	v6 =	vmul.f32 v10, v3;
	v10 =	vld [tilespmem:s5+$0x70]  }
0x23d: {  	[tilespmem:s5+$0x10] =	vst v4;
	v4 =	vmul.f32 v8, v3;
	v8 =	vld [tilespmem:s5+$0x80]  }
0x23e: {  	[tilespmem:s5+$0x20] =	vst v6;
	v5 =	vmul.f32 v5, v3;
	v6 =	vld [tilespmem:s5+$0x90]  }
0x23f: {  	[tilespmem:s5+$0x30] =	vst v4;
	v4 =	vmul.f32 v9, v3;
	v9 =	vld [tilespmem:s5+$0xA0]  }
0x240: {  	[tilespmem:s5+$0x40] =	vst v5;
	v5 =	vmul.f32 v7, v3;
	v7 =	vld [tilespmem:s5+$0xB0]  }
0x241: {  	[tilespmem:s5+$0x50] =	vst v4;
	v3 =	vmul.f32 v10, v3;
	v4 =	vld [tilespmem:s5+$0xC0]  }
0x242: {  	[tilespmem:s5+$0x60] =	vst v5;
	v5 =	vmul.f32 v8, v2;
	v8 =	vld [tilespmem:s5+$0xD0]  }
0x243: {  	[tilespmem:s5+$0x70] =	vst v3;
	v3 =	vmul.f32 v6, v2;
	v6 =	vld [tilespmem:s5+$0xE0]  }
0x244: {  	[tilespmem:s5+$0x80] =	vst v5;
	v5 =	vmul.f32 v9, v2;
	v9 =	vld [tilespmem:s5+$0xF0]  }
0x245: {  	[tilespmem:s5+$0x90] =	vst v3;
	v3 =	vmul.f32 v7, v2;
	v7 =	vld [tilespmem:s5+$0x100]  }
0x246: {  	[tilespmem:s5+$0xA0] =	vst v5;
	v4 =	vmul.f32 v4, v2;
	v5 =	vld [tilespmem:s5+$0x110]  }
0x247: {  	[tilespmem:s5+$0xB0] =	vst v3;
	v3 =	vmul.f32 v8, v2;
	v8 =	vld [tilespmem:s5+$0x120]  }
0x248: {  	[tilespmem:s5+$0xC0] =	vst v4;
	v4 =	vmul.f32 v6, v2;
	v6 =	vld [tilespmem:s5+$0x130]  }
0x249: {  	[tilespmem:s5+$0xD0] =	vst v3;
	v3 =	vmul.f32 v9, v2;
	v9 =	vld [tilespmem:s5+$0x140]  }
0x24a: {  	s7 =	sadd.s32 $0x7, s6;
	v2 =	vmov s6;
	[tilespmem:s5+$0xE0] =	vst v4;
	v4 =	vmul.f32 v7, v1;
	v7 =	vld [tilespmem:s5+$0x150]  }
0x24b: {  	s8 =	sadd.s32 $0x1, s6;
	s9 =	sadd.s32 $0x2, s6;
	v10 =	vand.u32 $0xFFFFFFF8, v2;
	v2 =	vmov s7;
	[tilespmem:s5+$0xF0] =	vst v3;
	v3 =	vmul.f32 v5, v1;
	v11 =	vld [tilespmem:s5+$0x160]  }
0x24c: {  	v13 =	vmov s9;
	v12 =	vmov s8;
	s8 =	sadd.s32 $0x4, s6;
	s7 =	sadd.s32 $0x3, s6;
	[tilespmem:s5+$0x100] =	vst v4;
	v4 =	vmul.f32 v8, v1;
	v8 =	vld [tilespmem:s5+$0x180]  }
0x24d: {  	v15 =	vmov s8;
	v14 =	vmov s7;
	s7 =	sadd.s32 $0x5, s6;
	[tilespmem:s5+$0x110] =	vst v3;
	v6 =	vmul.f32 v6, v1;
	v16 =	vld [tilespmem:s5+$0x190]  }
.Ltmp3:
0x24e: {  	v3 =	vbroadcast v10, $0x0;
	v10 =	vmov s7;
	[tilespmem:s5+$0x120] =	vst v4;
	v9 =	vmul.f32 v9, v1;
	v5 =	vld [tilespmem:s5+$0x1A0];
	(pc) =	sbr.rel @p0 .LBB2_5-.Ltmp3, $4  }
0x24f: {  	v4 =	vand.u32 $0xFFFFFFF9, v12;
	v12 =	vand.u32 $0xFFFFFFFA, v13;
	[tilespmem:s5+$0x130] =	vst v6;
	v13 =	vmul.f32 v7, v1;
	v6 =	vld [tilespmem:s5+$0x1B0]  }
0x250: {  	v17 =	vand.u32 $0xFFFFFFFB, v14;
	v4 =	vbroadcast v4, $0x0;
	[tilespmem:s5+$0x140] =	vst v9;
	v18 =	vmul.f32 v11, v1;
	v7 =	vld [tilespmem:s5+$0x1C0]  }
0x251: {  	v9 =	vbroadcast v12, $0x0;
	v1 =	vand.u32 $0xFFFFFFFC, v15;
	[tilespmem:s5+$0x150] =	vst v13;
	v14 =	vmul.f32 v8, v0;
	v8 =	vld [tilespmem:s5+$0x1D0]  }
0x252: {  	s7 =	sadd.s32 $0x6, s6;
	s6 =	sadd.s32 $0x8, s6;
	v11 =	vbroadcast v17, $0x0;
	v13 =	vand.u32 $0xFFFFFFFD, v10;
	[tilespmem:s5+$0x160] =	vst v18;
	v12 =	vmul.f32 v16, v0;
	v10 =	vld [tilespmem:s5+$0x1E0]  }
0x253: {  	_ =	sdelay $0x2  }
0x254: {  	v15 =	vld [tilespmem:s5+$0x1F0]  }
0x255: {  	v34 =	vbroadcast v1, $0x0;
	v1 =	vld.idx.msk [tilespmem:v2+s28+$0x0], $0xffff  }
0x256: {  	v17 =	vld.idx.msk [tilespmem:v3+s28+$0x0], $0xffff  }
0x257: {  	v37 =	vld.idx.msk [tilespmem:v4+s28+$0x0], $0xffff  }
0x258: {  	v9 =	vld.idx.msk [tilespmem:v9+s28+$0x0], $0xffff  }
0x259: {  	s6 =	sadd.s32 $0x400, s5;
	v11 =	vld.idx.msk [tilespmem:v11+s28+$0x0], $0xffff  }
0x25a: {  	v40 =	vld [tilespmem:s6+$0xFFFFFE00]  }
0x25b: {  	v42 =	vld [tilespmem:s6+$0xFFFFFE10]  }
0x25c: {  	[tilespmem:s5+$0x180] =	vst v14;
	v5 =	vmul.f32 v5, v0;
	v44 =	vld [tilespmem:s6+$0xFFFFFE20]  }
0x25d: {  	[tilespmem:s5+$0x190] =	vst v12;
	v6 =	vmul.f32 v6, v0;
	v46 =	vld [tilespmem:s6+$0xFFFFFE30]  }
0x25e: {  	v47 =	vld [tilespmem:s6+$0xFFFFFE40];
	[tilespmem:s5+$0x1A0] =	vst v5;
	v39 =	vmul.f32 v7, v0  }
0x25f: {  	v49 =	vld [tilespmem:s6+$0xFFFFFE50];
	[tilespmem:s5+$0x1B0] =	vst v6;
	v41 =	vmul.f32 v8, v0  }
0x260: {  	v50 =	vld [tilespmem:s6+$0xFFFFFE60];
	[tilespmem:s5+$0x1C0] =	vst v39;
	v43 =	vmul.f32 v10, v0  }
0x261: {  	v52 =	vld [tilespmem:s6+$0xFFFFFE70];
	[tilespmem:s5+$0x1D0] =	vst v41;
	v45 =	vmul.f32 v15, v0  }
0x262: {  	v53 =	vld [tilespmem:s6+$0xFFFFFE80];
	[tilespmem:s5+$0x1E0] =	vst v43;
	v48 =	vmul.f32 v40, v17  }
0x263: {  	v55 =	vld [tilespmem:s6+$0xFFFFFE90];
	v8 =	vmul.f32 v42, v17;
	[tilespmem:s5+$0x1F0] =	vst v45  }
0x264: {  	v57 =	vld [tilespmem:s6+$0xFFFFFEA0];
	v51 =	vmul.f32 v44, v17;
	[tilespmem:s6+$0xFFFFFE00] =	vst v48  }
0x265: {  	v59 =	vld [tilespmem:s6+$0xFFFFFEB0];
	v6 =	vmul.f32 v46, v17;
	[tilespmem:s6+$0xFFFFFE10] =	vst v8  }
0x266: {  	v61 =	vld [tilespmem:s6+$0xFFFFFEC0];
	v54 =	vmul.f32 v47, v17;
	[tilespmem:s6+$0xFFFFFE20] =	vst v51  }
0x267: {  	v63 =	vld [tilespmem:s6+$0xFFFFFED0];
	v56 =	vmul.f32 v49, v17;
	[tilespmem:s6+$0xFFFFFE30] =	vst v6  }
0x268: {  	v19 =	vld [tilespmem:s6+$0xFFFFFEF0];
	v58 =	vmul.f32 v50, v17;
	[tilespmem:s6+$0xFFFFFE40] =	vst v54  }
0x269: {  	v21 =	vld [tilespmem:s6+$0xFFFFFF00];
	v60 =	vmul.f32 v52, v17;
	[tilespmem:s6+$0xFFFFFE50] =	vst v56  }
0x26a: {  	v23 =	vld [tilespmem:s6+$0xFFFFFF10];
	v62 =	vmul.f32 v53, v37;
	[tilespmem:s6+$0xFFFFFE60] =	vst v58  }
0x26b: {  	v25 =	vld [tilespmem:s6+$0xFFFFFF20];
	v5 =	vmul.f32 v55, v37;
	[tilespmem:s6+$0xFFFFFE70] =	vst v60  }
0x26c: {  	v27 =	vld [tilespmem:s6+$0xFFFFFF30];
	v18 =	vmul.f32 v57, v37;
	[tilespmem:s6+$0xFFFFFE80] =	vst v62  }
0x26d: {  	v13 =	vbroadcast v13, $0x0;
	v31 =	vld [tilespmem:s6+$0xFFFFFF50];
	v20 =	vmul.f32 v59, v37;
	[tilespmem:s6+$0xFFFFFE90] =	vst v5  }
0x26e: {  	v35 =	vmov s7;
	v33 =	vld [tilespmem:s6+$0xFFFFFF60];
	v22 =	vmul.f32 v61, v37;
	[tilespmem:s6+$0xFFFFFEA0] =	vst v18  }
0x26f: {  	v16 =	vand.u32 $0xFFFFFFFE, v35;
	v35 =	vld [tilespmem:s6+$0xFFFFFF70];
	v24 =	vmul.f32 v63, v37;
	[tilespmem:s6+$0xFFFFFEB0] =	vst v20  }
0x270: {  	v39 =	vld [tilespmem:s6+$0xFFFFFF90];
	v28 =	vmul.f32 v19, v37;
	[tilespmem:s6+$0xFFFFFEC0] =	vst v22  }
0x271: {  	v36 =	vbroadcast v16, $0x0;
	v41 =	vld [tilespmem:s6+$0xFFFFFFA0];
	v30 =	vmul.f32 v21, v9;
	[tilespmem:s6+$0xFFFFFED0] =	vst v24  }
0x272: {  	v4 =	vld.idx.msk [tilespmem:v34+s28+$0x0], $0xffff;
	v32 =	vmul.f32 v23, v9;
	[tilespmem:s6+$0xFFFFFEF0] =	vst v28  }
0x273: {  	v3 =	vld.idx.msk [tilespmem:v13+s28+$0x0], $0xffff;
	v34 =	vmul.f32 v25, v9;
	[tilespmem:s6+$0xFFFFFF00] =	vst v30  }
0x274: {  	v17 =	vld [tilespmem:s6+$0xFFFFFEE0];
	v40 =	vmul.f32 v31, v9;
	[tilespmem:s6+$0xFFFFFF10] =	vst v32  }
0x275: {  	v42 =	vmul.f32 v33, v9;
	v43 =	vld [tilespmem:s6+$0xFFFFFFB0];
	[tilespmem:s6+$0xFFFFFF20] =	vst v34  }
0x276: {  	v44 =	vmul.f32 v35, v9;
	v47 =	vld [tilespmem:s6+$0xFFFFFFD0];
	[tilespmem:s6+$0xFFFFFF50] =	vst v40  }
0x277: {  	v2 =	vld.idx.msk [tilespmem:v36+s28+$0x0], $0xffff;
	v36 =	vmul.f32 v27, v9;
	[tilespmem:s6+$0xFFFFFF60] =	vst v42  }
0x278: {  	v49 =	vld [tilespmem:s6+$0xFFFFFFE0];
	[tilespmem:s6+$0xFFFFFF70] =	vst v44;
	v48 =	vmul.f32 v39, v11  }
0x279: {  	v53 =	vld [tilespmem:s6+$0x0];
	[tilespmem:s6+$0xFFFFFF30] =	vst v36;
	v50 =	vmul.f32 v41, v11  }
0x27a: {  	v57 =	vld [tilespmem:s6+$0x20];
	v26 =	vmul.f32 v17, v37;
	[tilespmem:s6+$0xFFFFFF90] =	vst v48  }
0x27b: {  	v59 =	vld [tilespmem:s6+$0x30];
	v52 =	vmul.f32 v43, v11;
	[tilespmem:s6+$0xFFFFFFA0] =	vst v50  }
0x27c: {  	v61 =	vld [tilespmem:s6+$0x40];
	v56 =	vmul.f32 v47, v11;
	[tilespmem:s6+$0xFFFFFEE0] =	vst v26  }
0x27d: {  	v63 =	vld [tilespmem:s6+$0x50];
	v58 =	vmul.f32 v49, v11;
	[tilespmem:s6+$0xFFFFFFB0] =	vst v52  }
0x27e: {  	v13 =	vld [tilespmem:s6+$0x60];
	v62 =	vmul.f32 v53, v4;
	[tilespmem:s6+$0xFFFFFFD0] =	vst v56  }
0x27f: {  	v19 =	vld [tilespmem:s6+$0x90];
	v14 =	vmul.f32 v57, v4;
	[tilespmem:s6+$0xFFFFFFE0] =	vst v58  }
0x280: {  	v23 =	vld [tilespmem:s6+$0xB0];
	v16 =	vmul.f32 v59, v4;
	[tilespmem:s6+$0x0] =	vst v62  }
0x281: {  	v45 =	vld [tilespmem:s6+$0xFFFFFFC0];
	v18 =	vmul.f32 v61, v4;
	[tilespmem:s6+$0x20] =	vst v14  }
0x282: {  	v38 =	vld [tilespmem:s6+$0x170];
	v20 =	vmul.f32 v63, v4;
	[tilespmem:s6+$0x30] =	vst v16  }
0x283: {  	v29 =	vld [tilespmem:s6+$0xFFFFFF40];
	v22 =	vmul.f32 v13, v4;
	[tilespmem:s6+$0x40] =	vst v18  }
0x284: {  	v51 =	vld [tilespmem:s6+$0xFFFFFFF0];
	v27 =	vmul.f32 v19, v3;
	[tilespmem:s6+$0x50] =	vst v20  }
0x285: {  	v21 =	vld [tilespmem:s6+$0xA0];
	v31 =	vmul.f32 v23, v3;
	[tilespmem:s6+$0x60] =	vst v22  }
0x286: {  	v24 =	vld [tilespmem:s6+$0xC0];
	v54 =	vmul.f32 v45, v11;
	[tilespmem:s6+$0x90] =	vst v27  }
0x287: {  	v32 =	vld [tilespmem:s6+$0x100];
	v12 =	vmul.f32 v38, v2;
	[tilespmem:s6+$0xB0] =	vst v31  }
0x288: {  	v34 =	vld [tilespmem:s6+$0x110];
	v38 =	vmul.f32 v29, v9;
	[tilespmem:s6+$0xFFFFFFC0] =	vst v54  }
0x289: {  	v39 =	vld [tilespmem:s6+$0x140];
	v60 =	vmul.f32 v51, v11;
	[tilespmem:s6+$0x170] =	vst v12  }
0x28a: {  	v55 =	vld [tilespmem:s6+$0x10];
	v29 =	vmul.f32 v21, v3;
	[tilespmem:s6+$0xFFFFFF40] =	vst v38  }
0x28b: {  	v15 =	vld [tilespmem:s6+$0x70];
	v33 =	vmul.f32 v24, v3;
	[tilespmem:s6+$0xFFFFFFF0] =	vst v60  }
0x28c: {  	v36 =	vld [tilespmem:s6+$0x120];
	v40 =	vmul.f32 v32, v2;
	[tilespmem:s6+$0xA0] =	vst v29  }
0x28d: {  	v41 =	vld [tilespmem:s6+$0x150];
	v42 =	vmul.f32 v34, v2;
	[tilespmem:s6+$0xC0] =	vst v33  }
0x28e: {  	v37 =	vld [tilespmem:s6+$0xFFFFFF80];
	v48 =	vmul.f32 v39, v2;
	[tilespmem:s6+$0x100] =	vst v40  }
0x28f: {  	v17 =	vld [tilespmem:s6+$0x80];
	v12 =	vmul.f32 v55, v4;
	[tilespmem:s6+$0x110] =	vst v42  }
0x290: {  	v28 =	vld [tilespmem:s6+$0xE0];
	v4 =	vmul.f32 v15, v4;
	[tilespmem:s6+$0x140] =	vst v48  }
0x291: {  	v43 =	vld [tilespmem:s6+$0x160];
	v44 =	vmul.f32 v36, v2;
	[tilespmem:s6+$0x10] =	vst v12  }
0x292: {  	v47 =	vld [tilespmem:s6+$0x190];
	v50 =	vmul.f32 v41, v2;
	[tilespmem:s6+$0x70] =	vst v4  }
0x293: {  	v49 =	vld [tilespmem:s6+$0x1A0];
	v46 =	vmul.f32 v37, v11;
	[tilespmem:s6+$0x120] =	vst v44  }
0x294: {  	v57 =	vld [tilespmem:s6+$0x1E0];
	v25 =	vmul.f32 v17, v3;
	[tilespmem:s6+$0x150] =	vst v50  }
0x295: {  	v59 =	vld [tilespmem:s6+$0x1F0];
	v37 =	vmul.f32 v28, v3;
	[tilespmem:s6+$0xFFFFFF80] =	vst v46  }
0x296: {  	v45 =	vld [tilespmem:s6+$0x180];
	v52 =	vmul.f32 v43, v2;
	[tilespmem:s6+$0x80] =	vst v25  }
0x297: {  	v26 =	vld [tilespmem:s6+$0xD0];
	v56 =	vmul.f32 v47, v1;
	[tilespmem:s6+$0xE0] =	vst v37  }
0x298: {  	v30 =	vld [tilespmem:s6+$0xF0];
	v58 =	vmul.f32 v49, v1;
	[tilespmem:s6+$0x160] =	vst v52  }
0x299: {  	v51 =	vld [tilespmem:s6+$0x1B0];
	v62 =	vmul.f32 v57, v1;
	[tilespmem:s6+$0x190] =	vst v56  }
0x29a: {  	v38 =	vld [tilespmem:s6+$0x130];
	v63 =	vmul.f32 v59, v1;
	[tilespmem:s6+$0x1A0] =	vst v58  }
0x29b: {  	v53 =	vld [tilespmem:s6+$0x1C0];
	v54 =	vmul.f32 v45, v1;
	[tilespmem:s6+$0x1E0] =	vst v62  }
0x29c: {  	v55 =	vld [tilespmem:s6+$0x1D0];
	v35 =	vmul.f32 v26, v3;
	[tilespmem:s6+$0x1F0] =	vst v63  }
0x29d: {  	v3 =	vmul.f32 v30, v3;
	[tilespmem:s6+$0x180] =	vst v54  }
0x29e: {  	v60 =	vmul.f32 v51, v1;
	[tilespmem:s6+$0xD0] =	vst v35  }
0x29f: {  	[tilespmem:s6+$0xF0] =	vst v3;
	v46 =	vmul.f32 v38, v2  }
0x2a0: {  	v2 =	vmul.f32 v53, v1;
	[tilespmem:s6+$0x1B0] =	vst v60  }
0x2a1: {  	v61 =	vmul.f32 v55, v1;
	[tilespmem:s6+$0x130] =	vst v46  }
0x2a2: {  	[tilespmem:s6+$0x1C0] =	vst v2  }
0x2a3: {  	[tilespmem:s6+$0x1D0] =	vst v61  }
0x2a4: {  	p0 =	seq.s32 s2, $0x4F;
	_ =	swait.ge [sflag:s29], $0x2000  }
.Ltmp4:
0x2a5: {  	[sflag:s29] =	ssyncset.done $0x0;
	(pc) =	sbr.rel @p0 .LBB2_8-.Ltmp4, $4  }
0x2a6: {  	[sflag:s29] =	ssyncadd.s32 $0xFFFFE000  }
0x2a7: {  	_ =	swait.ge [sflag:s29], $0x40  }
0x2a8: {  	[sflag:s29] =	ssyncset.done $0x0  }
0x2a9: {  	[sflag:s29] =	ssyncadd.s32 $0xFFFFFFC0  }
0x2aa: {  	v0 =	vld [tilespmem:s0+$0x2800];
	_ =	sdelay $0x4  }
0x2ab: {  	v1 =	vshra.s32 v0, $0x10  }
0x2ac: {  	v0 =	vand.u32 $0xFFFF, v0;
	[tilespmem:$0x4F80] =	vst v1  }
0x2ad: {  	[tilespmem:$0x5000] =	vst v0  }
0x2ae: {  	v0 =	vld [tilespmem:s0+$0x2810];
	_ =	sdelay $0x4  }
0x2af: {  	v61 =	vshra.s32 v0, $0x10  }
0x2b0: {  	v0 =	vand.u32 $0xFFFF, v0;
	[tilespmem:$0x4F90] =	vst v61  }
0x2b1: {  	[tilespmem:$0x5010] =	vst v0  }
0x2b2: {  	v0 =	vld [tilespmem:s0+$0x2820];
	_ =	sdelay $0x4  }
0x2b3: {  	v62 =	vshra.s32 v0, $0x10  }
0x2b4: {  	v0 =	vand.u32 $0xFFFF, v0;
	[tilespmem:$0x4FA0] =	vst v62  }
0x2b5: {  	[tilespmem:$0x5020] =	vst v0  }
0x2b6: {  	v0 =	vld [tilespmem:s0+$0x2830];
	_ =	sdelay $0x4  }
0x2b7: {  	v63 =	vshra.s32 v0, $0x10  }
0x2b8: {  	v0 =	vand.u32 $0xFFFF, v0;
	[tilespmem:$0x4FB0] =	vst v63  }
0x2b9: {  	[tilespmem:$0x5030] =	vst v0  }
0x2ba: {  	[tilespmem:s20], [sflag:$0x1] =	stream.indirect.gather [hbm4b:s1+s18], $0x80, s19, s18, $0xb8;
	[tilespmem:$0x1D500] =	vst v63  }
.Ltmp5:
0x2bb: {  	_ = 	snop;
	(pc) =	sbr.rel .LBB2_2-.Ltmp5, $4  }
0x2bc: {  	_ = 	snop  }
0x2bd: {  	[spmem:s3] =	stream.indirect.scatter.add.f32 [tilespmem:s22], [sflag:$0x4], $0x80, s30, s18, $0xb8;
	[tilespmem:$0x1D500] =	vst v63  }
0x2be: {  	s2 =	sadd.s32 $0x1, s2  }
0x2bf: {  	[spmem:s4] =	stream.indirect.scatter.add.f32 [tilespmem:s28], [sflag:$0x4], $0x1, s30, s18, $0xb8;
	[tilespmem:$0x1D500] =	vst v63  }
.LBB2_9:
0x2c0: {  	_ =	sfence.sel $0x180000  }
0x2c1: {  	[bflag:$0x0] =	sbarrier.arrive $0xFFFF  }
0x2c2: {  	_ =	strace $0x9000004A  }
0x2c3: {  	s0 =	stileid.u32;
	[bflag:$0x2] =	sbarrier.arrive $0xFFFF  }
0x2c4: {  	p0 =	sne.s32 s0, $0x0;
	s0 =	rddreg [dreg:$0x4]  }
0x2c5: {  	s0 =	sadd.s32 @!p0 $0x100000, s0  }
0x2c6: {  	[sflag:s0] =	ssyncadd.tile.s32 @!p0 $0x1;
	_ =	shalt  }
.Lfunc_end2:
_tile_overlayer_lowered:
.L_overlay_start_2:
0x2c7: {  	(tag) =	ssettag $0x2  }
0x2c8: {  	s0 =	rddreg [dreg:$0x0];
	s2 =	stileid.u32  }
0x2c9: {  	s1 =	rddreg [dreg:$0x1];
	p0 =	sne.s32 s2, $0x0  }
0x2ca: {  	s3 =	rddreg [dreg:$0x2];
	[bflag:$0x3] =	sbarrier.arrive $0xFFFF;
	s2 =	simm.s32 @!p0 $0x1C05  }
0x2cb: {  	[timem:s3], [sflag:s2] =	dma.local @!p0 [hbm:s0], s1  }
0x2cc: {  	s0 =	simm.s32 @!p0 $0x5  }
0x2cd: {  	_ =	swait.ge @!p0 [sflag:s0], s1  }
0x2ce: {  	s1 =	ssub.s32 @!p0 $0x0, s1;
	[sflag:s0] =	ssyncset.done @!p0 $0x0  }
0x2cf: {  	[sflag:s0] =	ssyncadd.s32 @!p0 s1  }
0x2d0: {  	[bflag:$0x3] =	sbarrier.arrive $0xFFFF  }
0x2d1: {  	_ =	shalt  }

// kernel: kernel.7.cloned.1.call-start
scs
__scs_entry_jumppad:
0x0: {  	(pc) =	sbr.rel $0x88, $3  }
0x1: {  	(tag) =	ssettag $0x0;
	lr =	simm.s32 $0x1  }
0x2: {  	[smem:$0x3F9B] =	sst lr;
	_ =	strace $0xD0000000  }
0x3: {  	_ = 	snop  }
0x4: {  	_ = 	snop  }
0x5: {  	_ = 	snop  }
0x6: {  	_ = 	snop  }
0x7: {  	_ = 	snop  }
__scs_overlays_trampoline_lowered:
0x8: {  	[smem:$0x3FAA] =	sst s0  }
0x9: {  	[smem:$0x3FAB] =	sst s1  }
0xa: {  	[smem:$0x3FAC] =	sst s2  }
0xb: {  	[smem:$0x3FAD] =	sst s3  }
0xc: {  	[smem:$0x3FAE] =	sst s4  }
0xd: {  	[smem:$0x3FAF] =	sst s5  }
0xe: {  	[smem:$0x3FB0] =	sst s6  }
0xf: {  	[smem:$0x3FB1] =	sst s7  }
0x10: {  	[smem:$0x3FB2] =	sst s8  }
0x11: {  	[smem:$0x3FB3] =	sst s9;
	s0 =	simm.s32 @!p0 $0x0  }
0x12: {  	s1 =	sld [smem:$0x3F99];
	s0 =	simm.s32 @p0 $0x1  }
0x13: {  	[smem:$0x3FB4] =	sst s0;
	s0 =	simm.s32 @!p1 $0x0  }
0x14: {  	s2 =	sld [smem:$0x3F98];
	s0 =	simm.s32 @p1 $0x1  }
0x15: {  	[smem:$0x3FB5] =	sst s0;
	s0 =	simm.s32 @!p2 $0x0  }
0x16: {  	s3 =	sld [smem:$0x3FDB];
	s0 =	simm.s32 @p2 $0x1  }
0x17: {  	s4 =	simm.s32 $0x1BF5;
	[smem:$0x3FB7] =	sst s0  }
0x18: {  	s0 =	sld [smem:$0x3F9A];
	_ =	swait.ge [sflag:s4], $0x0  }
0x19: {  	s7 =	sld [smem:$0x3F9B]  }
0x1a: {  	s8 =	sadd.s32 $0xFFFFE003, lr  }
0x1b: {  	s9 =	sadd.s32 $0xFFFFFEF7, lr;
	s5 =	simm.s32 $0xFFFFFFFF;
	p2 =	slt.u32 s8, $0xFFFFF086  }
0x1c: {  	p1 =	slt.u32 s9, $0xF7A;
	s5 =	simm.s32 @!p2 $0x0  }
0x1d: {  	s5 =	simm.s32 @p1 $0x1;
	p0 =	seq.s32 s7, s2  }
0x1e: {  	s7 =	smul.u32 @!p0 $0xF7A, s2;
	p2 =	seq.s32 @!p0 s5, $0x0  }
0x1f: {  	s9 =	smul.u32 $0xF7A, s1;
	s8 =	simm.s32 @!p0 $0x1BF5;
	p2 =	por !p2, p0  }
0x20: {  	[sflag:s8] =	ssyncset.s32 @!p0 $0xFFFFF086;
	s6 =	sadd.s32 @!p0 s3, s7;
	s7 =	simm.s32 @!p0 $0x108  }
0x21: {  	s3 =	sadd.s32 s3, s9;
	s6 =	sadd.s32 @!p0 $0x88, s6;
	s7 =	simm.s32 @p2 $0x1082  }
0x22: {  	[simem:s7], [sflag:s8] =	dma.local @!p0 [hbm:s6], $0xF7A  }
0x23: {  	s9 =	sor.u32 $0xD0000000, s2;
	s6 =	simm.s32 $0x108;
	_ =	swait.ge @!p0 [sflag:s8], $0x0  }
0x24: {  	s3 =	sadd.s32 $0x88, s3;
	s6 =	simm.s32 @!p1 $0x1082;
	[sflag:s4] =	ssyncset.s32 $0xFFFFF086  }
0x25: {  	[simem:s6], [sflag:s4] =	dma.local [hbm:s3], $0xF7A  }
0x26: {  	[smem:$0x3F9B] =	sst s1;
	(tag) =	ssettag s2;
	_ =	strace s9  }
0x27: {  	s1 =	sld [smem:$0x3FAB]  }
0x28: {  	s2 =	sld [smem:$0x3FAC]  }
0x29: {  	s4 =	sld [smem:$0x3FAE]  }
0x2a: {  	p0 =	seq.s32 s5, $0x0;
	s5 =	sld [smem:$0x3FAF]  }
0x2b: {  	s6 =	sld [smem:$0x3FB0]  }
0x2c: {  	s7 =	sld [smem:$0x3FB1]  }
0x2d: {  	s3 =	simm.s32 $0x108;
	s8 =	sld [smem:$0x3FB2]  }
0x2e: {  	s3 =	simm.s32 @!p0 $0x1082;
	s9 =	sld [smem:$0x3FB3]  }
0x2f: {  	lr =	sadd.s32 s0, s3;
	s0 =	sld [smem:$0x3FAA]  }
0x30: {  	s3 =	sld [smem:$0x3FAD]  }
0x31: {  	[smem:$0x3FB6] =	sst s10  }
0x32: {  	s10 =	sld [smem:$0x3FB4];
	_ =	sdelay $0x3  }
0x33: {  	p0 =	seq.s32 s10, $0x1;
	s10 =	sld [smem:$0x3FB6];
	_ =	sdelay $0x3  }
0x34: {  	[smem:$0x3FB6] =	sst s10  }
0x35: {  	s10 =	sld [smem:$0x3FB5];
	_ =	sdelay $0x3  }
0x36: {  	p1 =	seq.s32 s10, $0x1;
	s10 =	sld [smem:$0x3FB6];
	_ =	sdelay $0x3  }
0x37: {  	[smem:$0x3FB6] =	sst s10  }
0x38: {  	s10 =	sld [smem:$0x3FB7]  }
0x39: {  	_ = 	snop;
	(pc) =	sbr.ind lr, $3  }
0x3a: {  	_ = 	snop  }
0x3b: {  	_ = 	snop  }
0x3c: {  	p2 =	seq.s32 s10, $0x1;
	s10 =	sld [smem:$0x3FB6]  }
0x3d: {  	_ =	shalt  }
0x3e: {  	_ =	shalt  }
0x3f: {  	_ =	shalt  }
0x40: {  	_ =	shalt  }
0x41: {  	_ =	shalt  }
0x42: {  	_ =	shalt  }
0x43: {  	_ =	shalt  }
0x44: {  	_ =	shalt  }
0x45: {  	_ =	shalt  }
0x46: {  	_ =	shalt  }
0x47: {  	_ =	shalt  }
0x48: {  	_ =	shalt  }
0x49: {  	_ =	shalt  }
0x4a: {  	_ =	shalt  }
0x4b: {  	_ =	shalt  }
0x4c: {  	_ =	shalt  }
0x4d: {  	_ =	shalt  }
0x4e: {  	_ =	shalt  }
0x4f: {  	_ =	shalt  }
0x50: {  	_ =	shalt  }
0x51: {  	_ =	shalt  }
0x52: {  	_ =	shalt  }
0x53: {  	_ =	shalt  }
0x54: {  	_ =	shalt  }
0x55: {  	_ =	shalt  }
0x56: {  	_ =	shalt  }
0x57: {  	_ =	shalt  }
0x58: {  	_ =	shalt  }
0x59: {  	_ =	shalt  }
0x5a: {  	_ =	shalt  }
0x5b: {  	_ =	shalt  }
0x5c: {  	_ =	shalt  }
0x5d: {  	_ =	shalt  }
0x5e: {  	_ =	shalt  }
0x5f: {  	_ =	shalt  }
0x60: {  	_ =	shalt  }
0x61: {  	_ =	shalt  }
0x62: {  	_ =	shalt  }
0x63: {  	_ =	shalt  }
0x64: {  	_ =	shalt  }
0x65: {  	_ =	shalt  }
0x66: {  	_ =	shalt  }
0x67: {  	_ =	shalt  }
0x68: {  	_ =	shalt  }
0x69: {  	_ =	shalt  }
0x6a: {  	_ =	shalt  }
0x6b: {  	_ =	shalt  }
0x6c: {  	_ =	shalt  }
0x6d: {  	_ =	shalt  }
0x6e: {  	_ =	shalt  }
0x6f: {  	_ =	shalt  }
0x70: {  	_ =	shalt  }
0x71: {  	_ =	shalt  }
0x72: {  	_ =	shalt  }
0x73: {  	_ =	shalt  }
0x74: {  	_ =	shalt  }
0x75: {  	_ =	shalt  }
0x76: {  	_ =	shalt  }
0x77: {  	_ =	shalt  }
0x78: {  	_ =	shalt  }
0x79: {  	_ =	shalt  }
0x7a: {  	_ =	shalt  }
0x7b: {  	_ =	shalt  }
0x7c: {  	_ =	shalt  }
0x7d: {  	_ =	shalt  }
0x7e: {  	_ =	shalt  }
0x7f: {  	_ =	shalt  }
0x80: {  	_ =	shalt  }
0x81: {  	_ =	shalt  }
0x82: {  	_ =	shalt  }
0x83: {  	_ =	shalt  }
0x84: {  	_ =	shalt  }
0x85: {  	_ =	shalt  }
0x86: {  	_ =	shalt  }
0x87: {  	_ =	shalt  }
.Lfunc_end0:
.L_simem_size_0:
called_computation_lowered:
.L_overlay_start_0:
0x88: {  	s2 =	sld [smem:$0x3FD9]  }
0x89: {  	s3 =	sld [smem:$0x3FFE];
	_ =	sdelay $0x1  }
0x8a: {  	s1 =	srdreg.scid  }
0x8b: {  	s0 =	sand.u32 $0x1, s1  }
0x8c: {  	s17 =	sshll.u32 s0, $0xA;
	s2 =	sadd.s32 s3, s2  }
0x8d: {  	s2 =	sadd.s32 s2, s17  }
0x8e: {  	[smem:$0x3FC2] =	sst s2  }
0x8f: {  	_ = 	snop  }
0x90: {  	s2 =	sld [smem:$0x3FD0];
	(tm) =	ssettm $0x1  }
0x91: {  	s18 =	sld [smem:$0x3FFB];
	_ =	sdelay $0x3  }
0x92: {  	_ =	strace s18  }
0x93: {  	s3 =	sld [smem:$0x3FFC];
	_ =	sdelay $0x3  }
0x94: {  	_ =	strace s3  }
0x95: {  	s3 =	sld [smem:$0x3FFD];
	_ =	sdelay $0x3  }
0x96: {  	_ =	strace s3  }
0x97: {  	_ =	strace $0x8FFFFFFF  }
0x98: {  	s19 =	sld [smem:$0x3FDB];
	_ =	sdelay $0x1  }
0x99: {  	s4 =	simm.s32 $_scs_section_size  }
0x9a: {  	s5 =	simm.s32 $_size__tile_overlayer_lowered;
	s6 =	simm.s32 $_tile_overlayer_lowered  }
0x9b: {  	s22 =	simm.s32 $0x1BFF;
	s21 =	sshll.u32 s6, $0x1;
	s3 =	sadd.s32 s4, s19  }
0x9c: {  	s7 =	simm.s32 $0x0;
	s20 =	sshll.u32 s5, $0x1;
	s5 =	sadd.s32 s21, s3  }
0x9d: {  	[timem:s7], [sflag:s22] =	dma.local [hbm:s5], s20  }
0x9e: {  	_ =	swait.ge [sflag:s22], s20  }
0x9f: {  	s4 =	ssub.s32 $0x0, s20;
	[sflag:s22] =	ssyncset.done $0x0  }
0xa0: {  	[sflag:s22] =	ssyncadd.s32 s4;
	_ =	sdelay $0x1  }
0xa1: {  	s23 =	simm.s32 $0x1B8B  }
0xa2: {  	_ =	swait.ge [sflag:s23], $0x1  }
0xa3: {  	[sflag:s23] =	ssyncset.done $0x0  }
0xa4: {  	s25 =	simm.s32 $0x1B8E;
	s24 =	sld [smem:$0x3FFE];
	[sflag:s23] =	ssyncadd.s32 $0xFFFFFFFF  }
0xa5: {  	s26 =	simm.s32 $execute0_lowered;
	[smem:$0x3FD2] =	sst s25  }
0xa6: {  	s5 =	sshll.u32 s26, $0x1;
	_ =	strace $0x80000046;
	[dreg:$0x1] =	wrdreg $0xFFFFFFFF  }
0xa7: {  	s28 =	simm.s32 $_size_execute0_lowered;
	s3 =	sadd.s32 s3, s5;
	[dreg:$0x0] =	wrdreg $0x0  }
0xa8: {  	s5 =	sshll.u32 s28, $0x1;
	[dreg:$0x2] =	wrdreg s3  }
0xa9: {  	[dreg:$0x3] =	wrdreg s5  }
0xaa: {  	[dreg:$0x4] =	wrdreg $0xC0  }
0xab: {  	_ =	task [dreg:s7], $0x5FFFF  }
0xac: {  	[dreg:$0x1] =	wrdreg $0xFFFFFFFF  }
0xad: {  	[dreg:$0x0] =	wrdreg $0x60  }
0xae: {  	[dreg:$0x2] =	wrdreg s2  }
0xaf: {  	[dreg:$0x3] =	wrdreg s24  }
0xb0: {  	[dreg:$0x4] =	wrdreg $0x92800  }
0xb1: {  	[dreg:$0x5] =	wrdreg $0x1D2800  }
0xb2: {  	[dreg:$0x6] =	wrdreg $0x9  }
0xb3: {  	_ =	task.clear_ibuf [dreg:s7], $0x7FFFF;
	_ =	strace $0x90000046  }
0xb4: {  	s29 =	simm.s32 $0x9;
	_ =	strace $0x80000048  }
0xb5: {  	_ =	swait.ge [sflag:s29], $0x1  }
0xb6: {  	[sflag:s29] =	ssyncadd.s32 $0xFFFFFFFF  }
0xb7: {  	_ =	strace $0x90000048  }
0xb8: {  	_ =	sfence  }
0xb9: {  	s30 =	sld [smem:$0x0];
	_ =	sdelay $0x2  }
0xba: {  	s31 =	sshll.u32 s1, $0xD;
	s1 =	sshrl.u32 s1, $0x2  }
0xbb: {  	s3 =	sand.u32 $0x4000, s31;
	s1 =	sadd.s32 s1, s30  }
0xbc: {  	s0 =	sor.u32 s3, s0;
	s1 =	sshll.u32 s1, $0x11  }
0xbd: {  	s0 =	sor.u32 s1, s0  }
0xbe: {  	s0 =	sadd.s32 $0x8F2B, s0  }
0xbf: {  	[sflag:s0] =	ssyncadd.remote.s32 $0x1  }
0xc0: {  	_ =	sfence.sel $0xFFFF  }
0xc1: {  	[dreg:$0x0] =	wrdreg $0xFFFFFFFF;
	(pc) =	sbr.abs _section_cstart, $3  }
0xc2: {  	[dreg:$0x1] =	wrdreg $0xFFFFFFFF  }
0xc3: {  	_ =	task.clear_ibuf [dreg:s7], $0x2FFFF;
	_ =	strace $0x9FFFFFFF  }
0xc4: {  	(tm) =	ssettm $0x7FFFFFFF  }
0xc5: {  	_ =	shalt  }
tec
execute0_lowered:
.L_overlay_start_1:
0x0: {  	(tag) =	ssettag $0x1  }
0x1: {  	s0 =	srdreg.scid;
	s1 =	rddreg [dreg:$0x0]  }
0x2: {  	s2 =	rddreg [dreg:$0x1];
	s8 =	stileid.u32  }
0x3: {  	s3 =	rddreg [dreg:$0x2];
	s7 =	simm.s32 $0x0;
	s13 =	simm.s32 $0x5  }
0x4: {  	s28 =	simm.s32 $0x5200;
	s29 =	simm.s32 $0x3;
	s30 =	simm.s32 $0x5080  }
0x5: {  	s31 =	simm.s32 $0x4;
	s14 =	simm.s32 $0x0;
	s18 =	smul.u32 $0x14000, s8  }
0x6: {  	s0 =	sand.u32 $0x1, s0;
	[smem:$0x7FF] =	sst s7;
	s20 =	smul.u32 $0x500, s8  }
0x7: {  	s9 =	sadd.s32 $0x400, s2;
	s19 =	sadd.s32 $0xAC00, s2;
	s10 =	smul.u32 $0x50000, s8  }
0x8: {  	s21 =	sadd.s32 $0xAA00, s2;
	s11 =	smul.u32 $0xA00, s8;
	s4 =	sshll.u32 s0, $0x4  }
0x9: {  	s26 =	sshll.u32 s8, $0x6;
	s5 =	sor.u32 s8, s4;
	s4 =	rddreg [dreg:$0x3]  }
0xa: {  	s6 =	smul.u32 $0x140000, s0;
	_ =	strace $0x80000047;
	[dreg:$0x5] =	wrdreg s9  }
0xb: {  	s22 =	sshll.u32 s0, $0x7;
	s0 =	ssub.s32 $0x2, s0;
	[dreg:$0x6] =	wrdreg s19  }
0xc: {  	s15 =	sor.u32 $0x1C05, s26;
	s26 =	simm.s32 $0x2;
	[dreg:$0x7] =	wrdreg s21  }
0xd: {  	s7 =	sor.u32 s22, s20;
	s23 =	sshrl.u32 s0, $0x1;
	s24 =	sshrl.u32 s10, $0x2  }
0xe: {  	s25 =	sshrl.u32 s11, $0x2;
	s19 =	simm.s32 $0x5000;
	s20 =	simm.s32 $0x5280  }
0xf: {  	s21 =	simm.s32 $0x5100;
	s22 =	simm.s32 $0x7280;
	s5 =	smul.u32 $0x500, s5  }
0x10: {  	s6 =	sadd.s32 s18, s6;
	s7 =	sshrl.u32 s7, $0x3;
	s0 =	ssub.s32 s0, s23  }
0x11: {  	s18 =	simm.s32 $0x40;
	s23 =	simm.s32 $0x1;
	s6 =	sshrl.u32 s6, $0x3  }
.Ltmp0:
0x12: {  	s12 =	smax.u32 s0, $0x1;
	s5 =	sadd.s32 s5, s2;
	(pc) =	sbr.rel .LBB2_1-.Ltmp0, $4  }
0x13: {  	s6 =	sadd.s32 s6, s2;
	s2 =	sadd.s32 s7, s2;
	s7 =	sadd.s32 s25, s4  }
0x14: {  	s25 =	simm.s32 $0x4F80;
	s5 =	sadd.s32 $0xA00, s5;
	s10 =	sadd.s32 $0xDE00, s6  }
0x15: {  	s11 =	sadd.s32 $0xD400, s2;
	[dreg:$0x8] =	wrdreg s5;
	s5 =	sadd.s32 s24, s3  }
0x16: {  	s17 =	sshrl.u32 s7, $0x3;
	s24 =	simm.s32 $0x5180;
	s16 =	sshrl.u32 s5, $0x3  }
.LBB2_8:
0x17: {  	[spmem:s3] =	stream.indirect.scatter.add.f32 [tilespmem:s22], [sflag:$0x4], $0x80, s30, s18, $0xb8;
	[tilespmem:$0x1D500] =	vst v63  }
0x18: {  	_ = 	snop  }
0x19: {  	[spmem:s4] =	stream.indirect.scatter.add.f32 [tilespmem:s28], [sflag:$0x4], $0x1, s30, s18, $0xb8;
	[tilespmem:$0x1D500] =	vst v63  }
0x1a: {  	_ =	swait.ge [sflag:s31], $0x2000  }
0x1b: {  	[sflag:s31] =	ssyncset.done $0x0  }
0x1c: {  	[sflag:s31] =	ssyncadd.s32 $0xFFFFE000  }
0x1d: {  	_ =	swait.ge [sflag:s31], $0x40  }
0x1e: {  	[sflag:s31] =	ssyncset.done $0x0  }
0x1f: {  	[sflag:s31] =	ssyncadd.s32 $0xFFFFFFC0  }
0x20: {  	[bflag:$0x0] =	sbarrier.arrive $0xFFFF  }
0x21: {  	[hbm:s10], [sflag:s15] =	dma.local [spmem:s16], $0x2800  }
0x22: {  	s14 =	sadd.s32 $0x1, s14;
	_ =	swait.ge [sflag:s13], $0x2800  }
0x23: {  	s0 =	simm.s32 $0x20;
	p0 =	sne.s32 s14, s12;
	[sflag:s13] =	ssyncset.done $0x0  }
.Ltmp1:
0x24: {  	s2 =	simm.s32 $0x10;
	[sflag:s13] =	ssyncadd.s32 $0xFFFFD800;
	(pc) =	sbr.rel @!p0 .LBB2_9-.Ltmp1, $4  }
0x25: {  	[hbm:s11@s0], [sflag:s15] =	dma.strided [spmem:s17@s2], $0x50, s23, $0x10   }
0x26: {  	_ =	swait.ge [sflag:s13], $0x50  }
0x27: {  	[sflag:s13] =	ssyncset.done $0x0  }
0x28: {  	[sflag:s13] =	ssyncadd.s32 $0xFFFFFFB0  }
.LBB2_1:
0x29: {  	s0 =	simm.s32 $0x0;
	s2 =	rddreg [dreg:$0x5]  }
0x2a: {  	[tilespmem:s0], [sflag:$0x5] =	stream.linear.gather [hbm4b:s2+s0], $0x2780, $0x38;
	[tilespmem:$0x1D500] =	vst v63  }
0x2b: {  	_ =	swait.ge [sflag:s13], $0x2780  }
0x2c: {  	[sflag:s13] =	ssyncset.done $0x0  }
0x2d: {  	s5 =	simm.s32 $0x2780;
	s7 =	rddreg [dreg:$0x8];
	[sflag:s13] =	ssyncadd.s32 $0xFFFFD880  }
0x2e: {  	[tilespmem:s5], [sflag:$0x5] =	stream.linear.gather [hbm4b:s7+s0], $0x2800, $0x38;
	[tilespmem:$0x1D500] =	vst v63  }
0x2f: {  	_ =	swait.ge [sflag:s13], $0x2800  }
0x30: {  	[sflag:s13] =	ssyncset.done $0x0  }
0x31: {  	s8 =	rddreg [dreg:$0x6];
	[sflag:s13] =	ssyncadd.s32 $0xFFFFD800  }
0x32: {  	[spmem:s16], [sflag:s15] =	dma.local [hbm:s8], $0x2800  }
0x33: {  	_ =	swait.ge [sflag:s13], $0x2800  }
0x34: {  	[sflag:s13] =	ssyncset.done $0x0  }
0x35: {  	s9 =	rddreg [dreg:$0x7];
	[sflag:s13] =	ssyncadd.s32 $0xFFFFD800  }
0x36: {  	[spmem:s17], [sflag:s15] =	dma.local [hbm:s9], $0x50  }
0x37: {  	_ =	swait.ge [sflag:s13], $0x50  }
0x38: {  	[sflag:s13] =	ssyncset.done $0x0  }
0x39: {  	[sflag:s13] =	ssyncadd.s32 $0xFFFFFFB0  }
0x3a: {  	[bflag:$0x0] =	sbarrier.arrive $0xFFFF  }
0x3b: {  	v0 =	vld [tilespmem:$0x2780];
	_ =	sdelay $0x1  }
0x3c: {  	v1 =	vld [tilespmem:$0x2790];
	_ =	sdelay $0x1  }
0x3d: {  	v2 =	vld [tilespmem:$0x27A0]  }
0x3e: {  	v3 =	vshra.s32 v0, $0x10  }
0x3f: {  	v57 =	vld [tilespmem:$0x27B0];
	v0 =	vand.u32 $0xFFFF, v0;
	[tilespmem:$0x4F80] =	vst v3  }
0x40: {  	v58 =	vshra.s32 v1, $0x10;
	[tilespmem:$0x5000] =	vst v0  }
0x41: {  	v59 =	vand.u32 $0xFFFF, v1;
	[tilespmem:$0x4F90] =	vst v58  }
0x42: {  	v60 =	vshra.s32 v2, $0x10;
	[tilespmem:$0x5010] =	vst v59  }
0x43: {  	v61 =	vand.u32 $0xFFFF, v2;
	[tilespmem:$0x4FA0] =	vst v60  }
0x44: {  	v62 =	vshra.s32 v57, $0x10;
	[tilespmem:$0x5020] =	vst v61  }
0x45: {  	v63 =	vand.u32 $0xFFFF, v57;
	[tilespmem:$0x4FB0] =	vst v62  }
0x46: {  	s2 =	simm.s32 $0x0;
	[tilespmem:$0x5030] =	vst v63  }
0x47: {  	[tilespmem:s20], [sflag:$0x1] =	stream.indirect.gather [hbm4b:s1+s18], $0x80, s19, s18, $0xb8;
	[tilespmem:$0x1D500] =	vst v63  }
.LBB2_2:
0x48: {  	p0 =	seq.s32 s2, $0x0  }
0x49: {  	s0 =	simm.s32 @!p0 $0x4  }
0x4a: {  	_ =	swait.ge @!p0 [sflag:s0], $0x2000  }
0x4b: {  	[sflag:s0] =	ssyncset.done @!p0 $0x0  }
0x4c: {  	[sflag:s0] =	ssyncadd.s32 @!p0 $0xFFFFE000  }
0x4d: {  	_ =	swait.ge @!p0 [sflag:s0], $0x40  }
0x4e: {  	s5 =	sshll.u32 s2, $0x7;
	[sflag:s0] =	ssyncset.done @!p0 $0x0  }
0x4f: {  	[sflag:s0] =	ssyncadd.s32 @!p0 $0xFFFFFFC0;
	s0 =	sand.u32 $0x3FFFFF80, s5  }
0x50: {  	v0 =	vld [tilespmem:s0+$0x27C0];
	_ =	sdelay $0x4  }
0x51: {  	v1 =	vshra.s32 v0, $0x10  }
0x52: {  	v0 =	vand.u32 $0xFFFF, v0;
	[tilespmem:$0x5080] =	vst v1  }
0x53: {  	[tilespmem:$0x5100] =	vst v0  }
0x54: {  	v0 =	vld [tilespmem:s0+$0x27D0];
	_ =	sdelay $0x4  }
0x55: {  	v1 =	vshra.s32 v0, $0x10  }
0x56: {  	v0 =	vand.u32 $0xFFFF, v0;
	[tilespmem:$0x5090] =	vst v1  }
0x57: {  	[tilespmem:$0x5110] =	vst v0  }
0x58: {  	v0 =	vld [tilespmem:s0+$0x27E0];
	_ =	sdelay $0x4  }
0x59: {  	v1 =	vshra.s32 v0, $0x10  }
0x5a: {  	v0 =	vand.u32 $0xFFFF, v0;
	[tilespmem:$0x50A0] =	vst v1  }
0x5b: {  	[tilespmem:$0x5120] =	vst v0  }
0x5c: {  	v0 =	vld [tilespmem:s0+$0x27F0];
	_ =	sdelay $0x4  }
0x5d: {  	v1 =	vshra.s32 v0, $0x10  }
0x5e: {  	v0 =	vand.u32 $0xFFFF, v0;
	[tilespmem:$0x50B0] =	vst v1  }
0x5f: {  	[tilespmem:$0x5130] =	vst v0  }
0x60: {  	[tilespmem:s22], [sflag:$0x2] =	stream.indirect.gather [hbm4b:s1+s18], $0x80, s21, s18, $0xb8;
	[tilespmem:$0x1D500] =	vst v63  }
0x61: {  	_ =	swait.ge [sflag:s23], $0x2000  }
0x62: {  	[sflag:s23] =	ssyncset.done $0x0  }
0x63: {  	[sflag:s23] =	ssyncadd.s32 $0xFFFFE000  }
0x64: {  	v0 =	vld [tilespmem:$0x4F80]  }
0x65: {  	v1 =	vld [tilespmem:$0x5000];
	_ =	sdelay $0x5  }
0x66: {  	s7 =	simm.s32 $0x0  }
0x67: {  	v0 =	vld.idx.msk [tilespmem:v0+s7+$0x0], $0xffff  }
0x68: {  	v1 =	vld.idx.msk [tilespmem:v1+s7+$0x0], $0xffff;
	_ =	sdelay $0x4  }
0x69: {  	v0 =	vand.u32 $0xFFFF0000, v0;
	v1 =	vshll.u32 v1, $0x10  }
0x6a: {  	v0 =	vadd.f32 v1, v0;
	_ =	sdelay $0x1  }
0x6b: {  	v1 =	vmul.f32 $9.999999770e-03, v0  }
0x6c: {  	vm0 =	vge.f32 v0, $0.0e+00  }
0x6d: {  	v0 =	vsel vm0, v0, v1  }
0x6e: {  	v0 =	vsub.f32 $0.0e+00, v0;
	_ =	sdelay $0x1  }
0x6f: {  	v0 =	vmul.f32 $1.442695020e+00, v0;
	_ =	sdelay $0x1  }
0x70: {  	(erf) = vpow2.f32 v0;
	_ =	sdelay $0x2  }
0x71: {  	v0 =	vld [tilespmem:$0x4F90]  }
0x72: {  	v1 =	vld [tilespmem:$0x5010];
	_ =	sdelay $0x4  }
0x73: {  	v2 =	vpop (erf)  }
0x74: {  	[tilespmem:$0x5180] =	vst v2  }
0x75: {  	v0 =	vld.idx.msk [tilespmem:v0+s7+$0x0], $0xffff  }
0x76: {  	v1 =	vld.idx.msk [tilespmem:v1+s7+$0x0], $0xffff;
	_ =	sdelay $0x4  }
0x77: {  	v0 =	vand.u32 $0xFFFF0000, v0;
	v1 =	vshll.u32 v1, $0x10  }
0x78: {  	v0 =	vadd.f32 v1, v0;
	_ =	sdelay $0x1  }
0x79: {  	v1 =	vmul.f32 $9.999999770e-03, v0  }
0x7a: {  	vm13 =	vge.f32 v0, $0.0e+00  }
0x7b: {  	v0 =	vsel vm13, v0, v1  }
0x7c: {  	v0 =	vsub.f32 $0.0e+00, v0;
	_ =	sdelay $0x1  }
0x7d: {  	v0 =	vmul.f32 $1.442695020e+00, v0;
	_ =	sdelay $0x1  }
0x7e: {  	(erf) = vpow2.f32 v0;
	_ =	sdelay $0x2  }
0x7f: {  	v0 =	vld [tilespmem:$0x4FA0]  }
0x80: {  	v1 =	vld [tilespmem:$0x5020];
	_ =	sdelay $0x4  }
0x81: {  	v2 =	vpop (erf)  }
0x82: {  	[tilespmem:$0x5190] =	vst v2  }
0x83: {  	v0 =	vld.idx.msk [tilespmem:v0+s7+$0x0], $0xffff  }
0x84: {  	v1 =	vld.idx.msk [tilespmem:v1+s7+$0x0], $0xffff;
	_ =	sdelay $0x4  }
0x85: {  	v0 =	vand.u32 $0xFFFF0000, v0;
	v1 =	vshll.u32 v1, $0x10  }
0x86: {  	v0 =	vadd.f32 v1, v0;
	_ =	sdelay $0x1  }
0x87: {  	v1 =	vmul.f32 $9.999999770e-03, v0  }
0x88: {  	vm14 =	vge.f32 v0, $0.0e+00  }
0x89: {  	v0 =	vsel vm14, v0, v1  }
0x8a: {  	v0 =	vsub.f32 $0.0e+00, v0;
	_ =	sdelay $0x1  }
0x8b: {  	v0 =	vmul.f32 $1.442695020e+00, v0;
	_ =	sdelay $0x1  }
0x8c: {  	(erf) = vpow2.f32 v0;
	_ =	sdelay $0x2  }
0x8d: {  	v0 =	vld [tilespmem:$0x4FB0]  }
0x8e: {  	v1 =	vld [tilespmem:$0x5030];
	_ =	sdelay $0x4  }
0x8f: {  	v2 =	vpop (erf)  }
0x90: {  	[tilespmem:$0x51A0] =	vst v2  }
0x91: {  	v0 =	vld.idx.msk [tilespmem:v0+s7+$0x0], $0xffff  }
0x92: {  	v1 =	vld.idx.msk [tilespmem:v1+s7+$0x0], $0xffff;
	_ =	sdelay $0x4  }
0x93: {  	v0 =	vand.u32 $0xFFFF0000, v0;
	v1 =	vshll.u32 v1, $0x10  }
0x94: {  	v0 =	vadd.f32 v1, v0;
	_ =	sdelay $0x1  }
0x95: {  	v1 =	vmul.f32 $9.999999770e-03, v0  }
0x96: {  	vm15 =	vge.f32 v0, $0.0e+00  }
0x97: {  	v0 =	vsel vm15, v0, v1  }
0x98: {  	v0 =	vsub.f32 $0.0e+00, v0;
	_ =	sdelay $0x1  }
0x99: {  	v0 =	vmul.f32 $1.442695020e+00, v0;
	_ =	sdelay $0x1  }
0x9a: {  	(erf) = vpow2.f32 v0;
	_ =	sdelay $0x2  }
0x9b: {  	s8 =	simm.s32 $0x6;
	v0 =	vmov s7  }
0x9c: {  	v1 =	vmov s8;
	v0 =	vand.u32 $0xFFFFFFF8, v0  }
0x9d: {  	v1 =	vand.u32 $0xFFFFFFFE, v1;
	v0 =	vbroadcast v0, $0x0  }
0x9e: {  	v1 =	vbroadcast v1, $0x0;
	_ =	sdelay $0x2  }
0x9f: {  	v2 =	vpop (erf)  }
0xa0: {  	[tilespmem:$0x51B0] =	vst v2  }
0xa1: {  	v0 =	vld.idx.msk [tilespmem:v0+s24+$0x0], $0xffff  }
0xa2: {  	s5 =	simm.s32 $0x5480;
	v1 =	vld.idx.msk [tilespmem:v1+s24+$0x0], $0xffff  }
0xa3: {  	v3 =	vld [tilespmem:s5+$0x170]  }
0xa4: {  	v4 =	vld [tilespmem:s5+$0xFFFFFE00]  }
0xa5: {  	v5 =	vld [tilespmem:s5+$0xFFFFFE10]  }
0xa6: {  	v6 =	vld [tilespmem:s5+$0xFFFFFE20]  }
0xa7: {  	s6 =	simm.s32 $0x1;
	v7 =	vld [tilespmem:s5+$0xFFFFFE30]  }
0xa8: {  	v2 =	vmov s6;
	v8 =	vld [tilespmem:s5+$0xFFFFFE40]  }
0xa9: {  	v2 =	vand.u32 $0xFFFFFFF9, v2;
	v9 =	vld [tilespmem:s5+$0xFFFFFE50]  }
0xaa: {  	v10 =	vld [tilespmem:s5+$0xFFFFFE60];
	v2 =	vbroadcast v2, $0x0  }
0xab: {  	v11 =	vld [tilespmem:s5+$0xFFFFFE70]  }
0xac: {  	v12 =	vld [tilespmem:s5+$0xFFFFFE80]  }
0xad: {  	v13 =	vld [tilespmem:s5+$0xFFFFFE90]  }
0xae: {  	v14 =	vld [tilespmem:s5+$0xFFFFFEA0];
	v4 =	vmul.f32 v4, v0  }
0xaf: {  	v15 =	vld [tilespmem:s5+$0xFFFFFEB0];
	v3 =	vmul.f32 v3, v1  }
0xb0: {  	v7 =	vmul.f32 v7, v0;
	v2 =	vld.idx.msk [tilespmem:v2+s24+$0x0], $0xffff;
	[tilespmem:s5+$0xFFFFFE00] =	vst v4  }
0xb1: {  	s9 =	simm.s32 $0x2;
	v8 =	vmul.f32 v8, v0;
	[tilespmem:s5+$0x170] =	vst v3;
	v3 =	vmul.f32 v6, v0;
	v6 =	vld [tilespmem:s5+$0xFFFFFEC0]  }
0xb2: {  	v5 =	vmul.f32 v5, v0;
	v4 =	vmov s9;
	[tilespmem:s5+$0xFFFFFE30] =	vst v7;
	v7 =	vmul.f32 v9, v0;
	v9 =	vld [tilespmem:s5+$0xFFFFFEF0]  }
0xb3: {  	[tilespmem:s5+$0xFFFFFE40] =	vst v8;
	v8 =	vmul.f32 v10, v0;
	v10 =	vld [tilespmem:s5+$0xFFFFFF00];
	v4 =	vand.u32 $0xFFFFFFFA, v4  }
0xb4: {  	[tilespmem:s5+$0xFFFFFE10] =	vst v5;
	v0 =	vmul.f32 v11, v0;
	v11 =	vld [tilespmem:s5+$0xFFFFFF20];
	v4 =	vbroadcast v4, $0x0  }
0xb5: {  	[tilespmem:s5+$0xFFFFFE20] =	vst v3;
	v3 =	vld [tilespmem:s5+$0xFFFFFEE0]  }
0xb6: {  	[tilespmem:s5+$0xFFFFFE50] =	vst v7;
	v7 =	vld [tilespmem:s5+$0xFFFFFF10]  }
0xb7: {  	[tilespmem:s5+$0xFFFFFE60] =	vst v8;
	v5 =	vmul.f32 v12, v2;
	v12 =	vld [tilespmem:s5+$0xFFFFFED0]  }
0xb8: {  	[tilespmem:s5+$0xFFFFFE70] =	vst v0;
	v8 =	vmul.f32 v13, v2;
	v13 =	vld [tilespmem:s5+$0xFFFFFF30]  }
0xb9: {  	s7 =	simm.s32 $0x3;
	v0 =	vmul.f32 v14, v2;
	v14 =	vld [tilespmem:s5+$0xFFFFFF40];
	v6 =	vmul.f32 v6, v2;
	[tilespmem:s5+$0xFFFFFE80] =	vst v5  }
0xba: {  	v5 =	vmov s7;
	[tilespmem:s5+$0xFFFFFE90] =	vst v8;
	v8 =	vmul.f32 v15, v2;
	v4 =	vld.idx.msk [tilespmem:v4+s24+$0x0], $0xffff  }
0xbb: {  	[tilespmem:s5+$0xFFFFFEC0] =	vst v6;
	v6 =	vld [tilespmem:s5+$0xFFFFFF70];
	v5 =	vand.u32 $0xFFFFFFFB, v5  }
0xbc: {  	v5 =	vbroadcast v5, $0x0;
	[tilespmem:s5+$0xFFFFFEB0] =	vst v8;
	v8 =	vld [tilespmem:s5+$0xFFFFFF60];
	v12 =	vmul.f32 v12, v2  }
0xbd: {  	[tilespmem:s5+$0xFFFFFEA0] =	vst v0;
	v3 =	vmul.f32 v3, v2;
	v2 =	vmul.f32 v9, v2;
	v9 =	vld [tilespmem:s5+$0xFFFFFF80]  }
0xbe: {  	[tilespmem:s5+$0xFFFFFED0] =	vst v12;
	v12 =	vld [tilespmem:s5+$0xFFFFFFB0]  }
0xbf: {  	[tilespmem:s5+$0xFFFFFEE0] =	vst v3;
	v0 =	vmul.f32 v10, v4;
	v10 =	vld [tilespmem:s5+$0xFFFFFF50]  }
0xc0: {  	[tilespmem:s5+$0xFFFFFEF0] =	vst v2;
	v3 =	vmul.f32 v7, v4;
	v7 =	vld [tilespmem:s5+$0xFFFFFF90]  }
0xc1: {  	s8 =	simm.s32 $0x4;
	v2 =	vmul.f32 v11, v4;
	v11 =	vld [tilespmem:s5+$0xFFFFFFA0];
	[tilespmem:s5+$0xFFFFFF00] =	vst v0  }
0xc2: {  	v8 =	vmul.f32 v8, v4;
	v5 =	vld.idx.msk [tilespmem:v5+s24+$0x0], $0xffff;
	v0 =	vmov s8;
	[tilespmem:s5+$0xFFFFFF10] =	vst v3  }
0xc3: {  	v3 =	vmul.f32 v13, v4;
	[tilespmem:s5+$0xFFFFFF20] =	vst v2;
	v2 =	vmul.f32 v14, v4;
	v13 =	vld [tilespmem:s5+$0xFFFFFFC0];
	v0 =	vand.u32 $0xFFFFFFFC, v0  }
0xc4: {  	[tilespmem:s5+$0xFFFFFF60] =	vst v8;
	v8 =	vld [tilespmem:s5+$0x0];
	v0 =	vbroadcast v0, $0x0  }
0xc5: {  	[tilespmem:s5+$0xFFFFFF40] =	vst v2;
	v2 =	vld [tilespmem:s5+$0xFFFFFFE0];
	v10 =	vmul.f32 v10, v4  }
0xc6: {  	[tilespmem:s5+$0xFFFFFF30] =	vst v3;
	v4 =	vmul.f32 v6, v4;
	v6 =	vld [tilespmem:s5+$0xFFFFFFF0]  }
0xc7: {  	v3 =	vmul.f32 v9, v5;
	v9 =	vld [tilespmem:s5+$0xFFFFFFD0];
	[tilespmem:s5+$0xFFFFFF50] =	vst v10  }
0xc8: {  	v7 =	vmul.f32 v7, v5;
	[tilespmem:s5+$0xFFFFFF70] =	vst v4;
	v10 =	vld [tilespmem:s5+$0x10]  }
0xc9: {  	s9 =	simm.s32 $0x5;
	v4 =	vmul.f32 v11, v5;
	v11 =	vld [tilespmem:s5+$0x20];
	[tilespmem:s5+$0xFFFFFF80] =	vst v3  }
0xca: {  	v3 =	vmov s9;
	[tilespmem:s5+$0xFFFFFF90] =	vst v7;
	v7 =	vmul.f32 v12, v5;
	v0 =	vld.idx.msk [tilespmem:v0+s24+$0x0], $0xffff  }
0xcb: {  	[tilespmem:s5+$0xFFFFFFA0] =	vst v4;
	v4 =	vmul.f32 v13, v5;
	v12 =	vld [tilespmem:s5+$0x30];
	v3 =	vand.u32 $0xFFFFFFFD, v3  }
0xcc: {  	v3 =	vbroadcast v3, $0x0;
	[tilespmem:s5+$0xFFFFFFB0] =	vst v7;
	v7 =	vmul.f32 v9, v5;
	v9 =	vld [tilespmem:s5+$0x40]  }
0xcd: {  	v2 =	vmul.f32 v2, v5;
	[tilespmem:s5+$0xFFFFFFC0] =	vst v4;
	v5 =	vmul.f32 v6, v5;
	v6 =	vld [tilespmem:s5+$0x80]  }
0xce: {  	[tilespmem:s5+$0xFFFFFFD0] =	vst v7;
	v7 =	vld [tilespmem:s5+$0x60]  }
0xcf: {  	[tilespmem:s5+$0xFFFFFFE0] =	vst v2;
	v4 =	vmul.f32 v8, v0;
	v8 =	vld [tilespmem:s5+$0x50]  }
0xd0: {  	[tilespmem:s5+$0xFFFFFFF0] =	vst v5;
	v2 =	vmul.f32 v10, v0;
	v5 =	vmul.f32 v11, v0;
	v10 =	vld [tilespmem:s5+$0x90]  }
0xd1: {  	[tilespmem:s5+$0x0] =	vst v4;
	v4 =	vld [tilespmem:s5+$0x70]  }
0xd2: {  	v3 =	vld.idx.msk [tilespmem:v3+s24+$0x0], $0xffff;
	[tilespmem:s5+$0x20] =	vst v5;
	v5 =	vmul.f32 v9, v0  }
0xd3: {  	[tilespmem:s5+$0x10] =	vst v2;
	v2 =	vmul.f32 v12, v0;
	v9 =	vld [tilespmem:s5+$0xA0]  }
0xd4: {  	[tilespmem:s5+$0x40] =	vst v5;
	v5 =	vmul.f32 v7, v0;
	v7 =	vld [tilespmem:s5+$0xC0]  }
0xd5: {  	[tilespmem:s5+$0x30] =	vst v2;
	v2 =	vmul.f32 v8, v0;
	v8 =	vld [tilespmem:s5+$0xB0]  }
0xd6: {  	s7 =	simm.s32 $0x7;
	[tilespmem:s5+$0x60] =	vst v5;
	v5 =	vld [tilespmem:s5+$0xE0];
	v4 =	vmul.f32 v4, v0  }
0xd7: {  	v11 =	vmov s7;
	[tilespmem:s5+$0x50] =	vst v2;
	v2 =	vmul.f32 v6, v3;
	v6 =	vld [tilespmem:s5+$0xD0]  }
0xd8: {  	v10 =	vmul.f32 v10, v3;
	[tilespmem:s5+$0x70] =	vst v4;
	v4 =	vld [tilespmem:s5+$0xF0]  }
0xd9: {  	[tilespmem:s5+$0x80] =	vst v2;
	v2 =	vmul.f32 v9, v3;
	v9 =	vld [tilespmem:s5+$0x100]  }
0xda: {  	[tilespmem:s5+$0x90] =	vst v10;
	v10 =	vld [tilespmem:s5+$0x150];
	v8 =	vmul.f32 v8, v3  }
0xdb: {  	[tilespmem:s5+$0xA0] =	vst v2;
	v2 =	vmul.f32 v7, v3;
	v7 =	vld [tilespmem:s5+$0x110]  }
0xdc: {  	v0 =	vld.idx.msk [tilespmem:v11+s24+$0x0], $0xffff;
	[tilespmem:s5+$0xB0] =	vst v8;
	v6 =	vmul.f32 v6, v3  }
0xdd: {  	v8 =	vld [tilespmem:s5+$0x120];
	[tilespmem:s5+$0xC0] =	vst v2;
	v2 =	vmul.f32 v5, v3  }
0xde: {  	s7 =	simm.s32 $0x9;
	v5 =	vld [tilespmem:s5+$0x130];
	[tilespmem:s5+$0xD0] =	vst v6;
	v3 =	vmul.f32 v4, v3  }
0xdf: {  	s8 =	simm.s32 $0x8;
	v11 =	vmov s7;
	v4 =	vld [tilespmem:s5+$0x140];
	v9 =	vmul.f32 v9, v1;
	[tilespmem:s5+$0xE0] =	vst v2  }
0xe0: {  	s9 =	simm.s32 $0xF;
	v6 =	vmov s8;
	s8 =	simm.s32 $0xA;
	v10 =	vmul.f32 v10, v1;
	[tilespmem:s5+$0xF0] =	vst v3;
	v3 =	vmul.f32 v7, v1;
	v7 =	vld [tilespmem:s5+$0x160]  }
0xe1: {  	v13 =	vld [tilespmem:s5+$0x180];
	s7 =	simm.s32 $0xB;
	v6 =	vand.u32 $0xFFFFFFF8, v6;
	v2 =	vmov s9;
	v12 =	vmov s8;
	s8 =	simm.s32 $0xC;
	[tilespmem:s5+$0x100] =	vst v9  }
0xe2: {  	v16 =	vld [tilespmem:s5+$0x190];
	s9 =	simm.s32 $0xD;
	v9 =	vmov s7;
	v14 =	vmov s8;
	[tilespmem:s5+$0x150] =	vst v10;
	v8 =	vmul.f32 v8, v1  }
0xe3: {  	v17 =	vmov s9;
	[tilespmem:s5+$0x110] =	vst v3;
	v15 =	vmul.f32 v5, v1;
	v3 =	vbroadcast v6, $0x0;
	v5 =	vld [tilespmem:s5+$0x1A0]  }
0xe4: {  	v6 =	vld [tilespmem:s5+$0x1B0];
	[tilespmem:s5+$0x120] =	vst v8;
	v8 =	vmul.f32 v4, v1;
	v4 =	vand.u32 $0xFFFFFFF9, v11;
	v11 =	vand.u32 $0xFFFFFFFA, v12  }
0xe5: {  	v12 =	vand.u32 $0xFFFFFFFB, v9;
	[tilespmem:s5+$0x130] =	vst v15;
	v4 =	vbroadcast v4, $0x0;
	v15 =	vmul.f32 v7, v1;
	v7 =	vld [tilespmem:s5+$0x1C0]  }
0xe6: {  	v9 =	vbroadcast v11, $0x0;
	[tilespmem:s5+$0x140] =	vst v8;
	v1 =	vand.u32 $0xFFFFFFFC, v14;
	v14 =	vmul.f32 v13, v0;
	v8 =	vld [tilespmem:s5+$0x1D0]  }
0xe7: {  	s6 =	simm.s32 $0x10;
	s7 =	simm.s32 $0xE;
	v10 =	vld [tilespmem:s5+$0x1E0];
	v11 =	vbroadcast v12, $0x0;
	v12 =	vmul.f32 v16, v0;
	v13 =	vand.u32 $0xFFFFFFFD, v17;
	[tilespmem:s5+$0x160] =	vst v15  }
.LBB2_3:
0xe8: {  	p0 =	slt.u32 s6, $0x38;
	v1 =	vbroadcast v1, $0x0;
	v15 =	vmov s7;
	[tilespmem:s5+$0x180] =	vst v14;
	v5 =	vmul.f32 v5, v0;
	v14 =	vld [tilespmem:s5+$0x1F0]  }
0xe9: {  	v13 =	vbroadcast v13, $0x0;
	v15 =	vand.u32 $0xFFFFFFFE, v15;
	v16 =	vld.idx.msk [tilespmem:v2+s24+$0x0], $0xffff;
	[tilespmem:s5+$0x190] =	vst v12;
	v2 =	vmul.f32 v6, v0  }
0xea: {  	v6 =	vld.idx.msk [tilespmem:v3+s24+$0x0], $0xffff;
	v12 =	vbroadcast v15, $0x0;
	[tilespmem:s5+$0x1A0] =	vst v5;
	v3 =	vmul.f32 v7, v0  }
0xeb: {  	v5 =	vld.idx.msk [tilespmem:v4+s24+$0x0], $0xffff;
	[tilespmem:s5+$0x1B0] =	vst v2;
	v2 =	vmul.f32 v8, v0  }
0xec: {  	v7 =	vld.idx.msk [tilespmem:v9+s24+$0x0], $0xffff;
	[tilespmem:s5+$0x1C0] =	vst v3;
	v8 =	vmul.f32 v10, v0  }
0xed: {  	v4 =	vld.idx.msk [tilespmem:v11+s24+$0x0], $0xffff;
	[tilespmem:s5+$0x1D0] =	vst v2;
	v9 =	vmul.f32 v14, v0  }
0xee: {  	v3 =	vld.idx.msk [tilespmem:v1+s24+$0x0], $0xffff;
	[tilespmem:s5+$0x1E0] =	vst v8  }
0xef: {  	v0 =	vmov v16;
	v2 =	vld.idx.msk [tilespmem:v13+s24+$0x0], $0xffff;
	[tilespmem:s5+$0x1F0] =	vst v9  }
0xf0: {  	s5 =	sadd.s32 $0x400, s5;
	v1 =	vld.idx.msk [tilespmem:v12+s24+$0x0], $0xffff  }
0xf1: {  	v8 =	vld [tilespmem:s5+$0x170]  }
0xf2: {  	v9 =	vld [tilespmem:s5+$0xFFFFFE00]  }
0xf3: {  	v10 =	vld [tilespmem:s5+$0xFFFFFE10]  }
0xf4: {  	v11 =	vld [tilespmem:s5+$0xFFFFFE20]  }
0xf5: {  	v12 =	vld [tilespmem:s5+$0xFFFFFE30]  }
0xf6: {  	v13 =	vld [tilespmem:s5+$0xFFFFFE40];
	v8 =	vmul.f32 v8, v1  }
0xf7: {  	v9 =	vmul.f32 v9, v6;
	v14 =	vld [tilespmem:s5+$0xFFFFFE50]  }
0xf8: {  	v10 =	vmul.f32 v10, v6;
	v15 =	vld [tilespmem:s5+$0xFFFFFE60];
	[tilespmem:s5+$0x170] =	vst v8  }
0xf9: {  	[tilespmem:s5+$0xFFFFFE00] =	vst v9;
	v8 =	vmul.f32 v11, v6;
	v9 =	vld [tilespmem:s5+$0xFFFFFE70]  }
0xfa: {  	[tilespmem:s5+$0xFFFFFE10] =	vst v10;
	v10 =	vmul.f32 v12, v6;
	v11 =	vld [tilespmem:s5+$0xFFFFFE80]  }
0xfb: {  	[tilespmem:s5+$0xFFFFFE20] =	vst v8;
	v8 =	vmul.f32 v13, v6;
	v12 =	vld [tilespmem:s5+$0xFFFFFE90]  }
0xfc: {  	[tilespmem:s5+$0xFFFFFE30] =	vst v10;
	v10 =	vmul.f32 v14, v6;
	v13 =	vld [tilespmem:s5+$0xFFFFFEA0]  }
0xfd: {  	[tilespmem:s5+$0xFFFFFE40] =	vst v8;
	v8 =	vmul.f32 v15, v6;
	v14 =	vld [tilespmem:s5+$0xFFFFFEB0]  }
0xfe: {  	[tilespmem:s5+$0xFFFFFE50] =	vst v10;
	v6 =	vmul.f32 v9, v6;
	v9 =	vld [tilespmem:s5+$0xFFFFFEC0]  }
0xff: {  	[tilespmem:s5+$0xFFFFFE60] =	vst v8;
	v8 =	vmul.f32 v11, v5;
	v10 =	vld [tilespmem:s5+$0xFFFFFED0]  }
0x100: {  	[tilespmem:s5+$0xFFFFFE70] =	vst v6;
	v6 =	vmul.f32 v12, v5;
	v11 =	vld [tilespmem:s5+$0xFFFFFEE0]  }
0x101: {  	[tilespmem:s5+$0xFFFFFE80] =	vst v8;
	v8 =	vmul.f32 v13, v5;
	v12 =	vld [tilespmem:s5+$0xFFFFFEF0]  }
0x102: {  	[tilespmem:s5+$0xFFFFFE90] =	vst v6;
	v6 =	vmul.f32 v14, v5;
	v13 =	vld [tilespmem:s5+$0xFFFFFF00]  }
0x103: {  	[tilespmem:s5+$0xFFFFFEA0] =	vst v8;
	v8 =	vmul.f32 v9, v5;
	v9 =	vld [tilespmem:s5+$0xFFFFFF10]  }
0x104: {  	[tilespmem:s5+$0xFFFFFEB0] =	vst v6;
	v6 =	vmul.f32 v10, v5;
	v10 =	vld [tilespmem:s5+$0xFFFFFF20]  }
0x105: {  	[tilespmem:s5+$0xFFFFFEC0] =	vst v8;
	v8 =	vmul.f32 v11, v5;
	v11 =	vld [tilespmem:s5+$0xFFFFFF30]  }
0x106: {  	[tilespmem:s5+$0xFFFFFED0] =	vst v6;
	v5 =	vmul.f32 v12, v5;
	v6 =	vld [tilespmem:s5+$0xFFFFFF40]  }
0x107: {  	[tilespmem:s5+$0xFFFFFEE0] =	vst v8;
	v8 =	vmul.f32 v13, v7;
	v12 =	vld [tilespmem:s5+$0xFFFFFF50]  }
0x108: {  	[tilespmem:s5+$0xFFFFFEF0] =	vst v5;
	v5 =	vmul.f32 v9, v7;
	v9 =	vld [tilespmem:s5+$0xFFFFFF60]  }
0x109: {  	[tilespmem:s5+$0xFFFFFF00] =	vst v8;
	v8 =	vmul.f32 v10, v7;
	v10 =	vld [tilespmem:s5+$0xFFFFFF70]  }
0x10a: {  	[tilespmem:s5+$0xFFFFFF10] =	vst v5;
	v5 =	vmul.f32 v11, v7;
	v11 =	vld [tilespmem:s5+$0xFFFFFF80]  }
0x10b: {  	[tilespmem:s5+$0xFFFFFF20] =	vst v8;
	v6 =	vmul.f32 v6, v7;
	v8 =	vld [tilespmem:s5+$0xFFFFFF90]  }
0x10c: {  	[tilespmem:s5+$0xFFFFFF30] =	vst v5;
	v5 =	vmul.f32 v12, v7;
	v12 =	vld [tilespmem:s5+$0xFFFFFFA0]  }
0x10d: {  	[tilespmem:s5+$0xFFFFFF40] =	vst v6;
	v6 =	vmul.f32 v9, v7;
	v9 =	vld [tilespmem:s5+$0xFFFFFFB0]  }
0x10e: {  	[tilespmem:s5+$0xFFFFFF50] =	vst v5;
	v5 =	vmul.f32 v10, v7;
	v7 =	vld [tilespmem:s5+$0xFFFFFFC0]  }
0x10f: {  	[tilespmem:s5+$0xFFFFFF60] =	vst v6;
	v6 =	vmul.f32 v11, v4;
	v10 =	vld [tilespmem:s5+$0xFFFFFFD0]  }
0x110: {  	[tilespmem:s5+$0xFFFFFF70] =	vst v5;
	v5 =	vmul.f32 v8, v4;
	v8 =	vld [tilespmem:s5+$0xFFFFFFE0]  }
0x111: {  	[tilespmem:s5+$0xFFFFFF80] =	vst v6;
	v6 =	vmul.f32 v12, v4;
	v11 =	vld [tilespmem:s5+$0xFFFFFFF0]  }
0x112: {  	[tilespmem:s5+$0xFFFFFF90] =	vst v5;
	v5 =	vmul.f32 v9, v4;
	v9 =	vld [tilespmem:s5+$0x0]  }
0x113: {  	[tilespmem:s5+$0xFFFFFFA0] =	vst v6;
	v6 =	vmul.f32 v7, v4;
	v7 =	vld [tilespmem:s5+$0x10]  }
0x114: {  	[tilespmem:s5+$0xFFFFFFB0] =	vst v5;
	v5 =	vmul.f32 v10, v4;
	v10 =	vld [tilespmem:s5+$0x20]  }
0x115: {  	[tilespmem:s5+$0xFFFFFFC0] =	vst v6;
	v6 =	vmul.f32 v8, v4;
	v8 =	vld [tilespmem:s5+$0x30]  }
0x116: {  	[tilespmem:s5+$0xFFFFFFD0] =	vst v5;
	v4 =	vmul.f32 v11, v4;
	v5 =	vld [tilespmem:s5+$0x40]  }
0x117: {  	[tilespmem:s5+$0xFFFFFFE0] =	vst v6;
	v6 =	vmul.f32 v9, v3;
	v9 =	vld [tilespmem:s5+$0x50]  }
0x118: {  	[tilespmem:s5+$0xFFFFFFF0] =	vst v4;
	v4 =	vmul.f32 v7, v3;
	v7 =	vld [tilespmem:s5+$0x60]  }
0x119: {  	[tilespmem:s5+$0x0] =	vst v6;
	v6 =	vmul.f32 v10, v3;
	v10 =	vld [tilespmem:s5+$0x70]  }
0x11a: {  	[tilespmem:s5+$0x10] =	vst v4;
	v4 =	vmul.f32 v8, v3;
	v8 =	vld [tilespmem:s5+$0x80]  }
0x11b: {  	[tilespmem:s5+$0x20] =	vst v6;
	v5 =	vmul.f32 v5, v3;
	v6 =	vld [tilespmem:s5+$0x90]  }
0x11c: {  	[tilespmem:s5+$0x30] =	vst v4;
	v4 =	vmul.f32 v9, v3;
	v9 =	vld [tilespmem:s5+$0xA0]  }
0x11d: {  	[tilespmem:s5+$0x40] =	vst v5;
	v5 =	vmul.f32 v7, v3;
	v7 =	vld [tilespmem:s5+$0xB0]  }
0x11e: {  	[tilespmem:s5+$0x50] =	vst v4;
	v3 =	vmul.f32 v10, v3;
	v4 =	vld [tilespmem:s5+$0xC0]  }
0x11f: {  	[tilespmem:s5+$0x60] =	vst v5;
	v5 =	vmul.f32 v8, v2;
	v8 =	vld [tilespmem:s5+$0xD0]  }
0x120: {  	[tilespmem:s5+$0x70] =	vst v3;
	v3 =	vmul.f32 v6, v2;
	v6 =	vld [tilespmem:s5+$0xE0]  }
0x121: {  	[tilespmem:s5+$0x80] =	vst v5;
	v5 =	vmul.f32 v9, v2;
	v9 =	vld [tilespmem:s5+$0xF0]  }
0x122: {  	[tilespmem:s5+$0x90] =	vst v3;
	v3 =	vmul.f32 v7, v2;
	v7 =	vld [tilespmem:s5+$0x100]  }
0x123: {  	[tilespmem:s5+$0xA0] =	vst v5;
	v4 =	vmul.f32 v4, v2;
	v5 =	vld [tilespmem:s5+$0x110]  }
0x124: {  	[tilespmem:s5+$0xB0] =	vst v3;
	v3 =	vmul.f32 v8, v2;
	v8 =	vld [tilespmem:s5+$0x120]  }
0x125: {  	[tilespmem:s5+$0xC0] =	vst v4;
	v4 =	vmul.f32 v6, v2;
	v6 =	vld [tilespmem:s5+$0x130]  }
0x126: {  	[tilespmem:s5+$0xD0] =	vst v3;
	v3 =	vmul.f32 v9, v2;
	v9 =	vld [tilespmem:s5+$0x140]  }
0x127: {  	s7 =	sadd.s32 $0x7, s6;
	v2 =	vmov s6;
	[tilespmem:s5+$0xE0] =	vst v4;
	v4 =	vmul.f32 v7, v1;
	v7 =	vld [tilespmem:s5+$0x150]  }
0x128: {  	s8 =	sadd.s32 $0x1, s6;
	s9 =	sadd.s32 $0x2, s6;
	v10 =	vand.u32 $0xFFFFFFF8, v2;
	v2 =	vmov s7;
	[tilespmem:s5+$0xF0] =	vst v3;
	v3 =	vmul.f32 v5, v1;
	v11 =	vld [tilespmem:s5+$0x160]  }
0x129: {  	v13 =	vmov s9;
	v12 =	vmov s8;
	s8 =	sadd.s32 $0x4, s6;
	s7 =	sadd.s32 $0x3, s6;
	[tilespmem:s5+$0x100] =	vst v4;
	v4 =	vmul.f32 v8, v1;
	v8 =	vld [tilespmem:s5+$0x180]  }
0x12a: {  	v15 =	vmov s8;
	v14 =	vmov s7;
	s7 =	sadd.s32 $0x5, s6;
	[tilespmem:s5+$0x110] =	vst v3;
	v6 =	vmul.f32 v6, v1;
	v16 =	vld [tilespmem:s5+$0x190]  }
.Ltmp2:
0x12b: {  	v3 =	vbroadcast v10, $0x0;
	v10 =	vmov s7;
	[tilespmem:s5+$0x120] =	vst v4;
	v9 =	vmul.f32 v9, v1;
	v5 =	vld [tilespmem:s5+$0x1A0];
	(pc) =	sbr.rel @p0 .LBB2_3-.Ltmp2, $4  }
0x12c: {  	v4 =	vand.u32 $0xFFFFFFF9, v12;
	v12 =	vand.u32 $0xFFFFFFFA, v13;
	[tilespmem:s5+$0x130] =	vst v6;
	v13 =	vmul.f32 v7, v1;
	v6 =	vld [tilespmem:s5+$0x1B0]  }
0x12d: {  	v17 =	vand.u32 $0xFFFFFFFB, v14;
	v4 =	vbroadcast v4, $0x0;
	[tilespmem:s5+$0x140] =	vst v9;
	v18 =	vmul.f32 v11, v1;
	v7 =	vld [tilespmem:s5+$0x1C0]  }
0x12e: {  	v9 =	vbroadcast v12, $0x0;
	v1 =	vand.u32 $0xFFFFFFFC, v15;
	[tilespmem:s5+$0x150] =	vst v13;
	v14 =	vmul.f32 v8, v0;
	v8 =	vld [tilespmem:s5+$0x1D0]  }
0x12f: {  	s7 =	sadd.s32 $0x6, s6;
	s6 =	sadd.s32 $0x8, s6;
	v11 =	vbroadcast v17, $0x0;
	v13 =	vand.u32 $0xFFFFFFFD, v10;
	[tilespmem:s5+$0x160] =	vst v18;
	v12 =	vmul.f32 v16, v0;
	v10 =	vld [tilespmem:s5+$0x1E0]  }
0x130: {  	_ =	sdelay $0x2  }
0x131: {  	v15 =	vld [tilespmem:s5+$0x1F0]  }
0x132: {  	v17 =	vld.idx.msk [tilespmem:v3+s24+$0x0], $0xffff  }
0x133: {  	v61 =	vld.idx.msk [tilespmem:v4+s24+$0x0], $0xffff  }
0x134: {  	[tilespmem:s5+$0x180] =	vst v14;
	v14 =	vbroadcast v1, $0x0;
	v1 =	vmov s7;
	v9 =	vld.idx.msk [tilespmem:v9+s24+$0x0], $0xffff  }
0x135: {  	v16 =	vand.u32 $0xFFFFFFFE, v1;
	v1 =	vld.idx.msk [tilespmem:v2+s24+$0x0], $0xffff  }
0x136: {  	v5 =	vmul.f32 v5, v0;
	s6 =	sadd.s32 $0x400, s5;
	v11 =	vld.idx.msk [tilespmem:v11+s24+$0x0], $0xffff  }
0x137: {  	v13 =	vbroadcast v13, $0x0;
	[tilespmem:s5+$0x190] =	vst v12;
	v6 =	vmul.f32 v6, v0;
	v12 =	vld [tilespmem:s6+$0x170]  }
0x138: {  	[tilespmem:s5+$0x1A0] =	vst v5;
	v5 =	vmul.f32 v7, v0;
	v7 =	vld [tilespmem:s6+$0xFFFFFE00]  }
0x139: {  	v2 =	vbroadcast v16, $0x0;
	[tilespmem:s5+$0x1B0] =	vst v6;
	v6 =	vmul.f32 v8, v0;
	v8 =	vld [tilespmem:s6+$0xFFFFFE10]  }
0x13a: {  	[tilespmem:s5+$0x1C0] =	vst v5;
	v5 =	vmul.f32 v10, v0;
	v10 =	vld [tilespmem:s6+$0xFFFFFE20]  }
0x13b: {  	[tilespmem:s5+$0x1D0] =	vst v6;
	v6 =	vld [tilespmem:s6+$0xFFFFFE30]  }
0x13c: {  	v4 =	vld.idx.msk [tilespmem:v14+s24+$0x0], $0xffff  }
0x13d: {  	v0 =	vmul.f32 v15, v0;
	v3 =	vld.idx.msk [tilespmem:v13+s24+$0x0], $0xffff  }
0x13e: {  	[tilespmem:s5+$0x1E0] =	vst v5;
	v5 =	vld [tilespmem:s6+$0xFFFFFE40]  }
0x13f: {  	[tilespmem:s5+$0x1F0] =	vst v0;
	v0 =	vmul.f32 v7, v17;
	v2 =	vld.idx.msk [tilespmem:v2+s24+$0x0], $0xffff  }
0x140: {  	v7 =	vld [tilespmem:s6+$0xFFFFFE50];
	v8 =	vmul.f32 v8, v17  }
0x141: {  	v13 =	vld [tilespmem:s6+$0xFFFFFE60];
	[tilespmem:s6+$0xFFFFFE00] =	vst v0;
	v0 =	vmul.f32 v10, v17  }
0x142: {  	v10 =	vld [tilespmem:s6+$0xFFFFFE70];
	[tilespmem:s6+$0xFFFFFE10] =	vst v8;
	v6 =	vmul.f32 v6, v17  }
0x143: {  	v8 =	vld [tilespmem:s6+$0xFFFFFE80];
	[tilespmem:s6+$0xFFFFFE20] =	vst v0;
	v0 =	vmul.f32 v5, v17  }
0x144: {  	v5 =	vld [tilespmem:s6+$0xFFFFFE90];
	[tilespmem:s6+$0xFFFFFE30] =	vst v6;
	v12 =	vmul.f32 v12, v2  }
0x145: {  	v6 =	vmul.f32 v7, v17;
	v7 =	vld [tilespmem:s6+$0xFFFFFEA0];
	[tilespmem:s6+$0xFFFFFE40] =	vst v0  }
0x146: {  	v0 =	vmul.f32 v13, v17;
	[tilespmem:s6+$0x170] =	vst v12;
	v12 =	vld [tilespmem:s6+$0xFFFFFEB0]  }
0x147: {  	[tilespmem:s6+$0xFFFFFE50] =	vst v6;
	v6 =	vmul.f32 v10, v17;
	v10 =	vld [tilespmem:s6+$0xFFFFFEC0]  }
0x148: {  	[tilespmem:s6+$0xFFFFFE60] =	vst v0;
	v0 =	vmul.f32 v8, v61;
	v8 =	vld [tilespmem:s6+$0xFFFFFED0]  }
0x149: {  	[tilespmem:s6+$0xFFFFFE70] =	vst v6;
	v5 =	vmul.f32 v5, v61;
	v6 =	vld [tilespmem:s6+$0xFFFFFEE0]  }
0x14a: {  	[tilespmem:s6+$0xFFFFFE80] =	vst v0;
	v0 =	vmul.f32 v7, v61;
	v7 =	vld [tilespmem:s6+$0xFFFFFEF0]  }
0x14b: {  	[tilespmem:s6+$0xFFFFFE90] =	vst v5;
	v5 =	vmul.f32 v12, v61;
	v12 =	vld [tilespmem:s6+$0xFFFFFF00]  }
0x14c: {  	[tilespmem:s6+$0xFFFFFEA0] =	vst v0;
	v0 =	vmul.f32 v10, v61;
	v10 =	vld [tilespmem:s6+$0xFFFFFF10]  }
0x14d: {  	[tilespmem:s6+$0xFFFFFEB0] =	vst v5;
	v5 =	vmul.f32 v8, v61;
	v8 =	vld [tilespmem:s6+$0xFFFFFF20]  }
0x14e: {  	[tilespmem:s6+$0xFFFFFEC0] =	vst v0;
	v0 =	vmul.f32 v6, v61;
	v6 =	vld [tilespmem:s6+$0xFFFFFF30]  }
0x14f: {  	[tilespmem:s6+$0xFFFFFED0] =	vst v5;
	v5 =	vmul.f32 v7, v61;
	v7 =	vld [tilespmem:s6+$0xFFFFFF40]  }
0x150: {  	[tilespmem:s6+$0xFFFFFEE0] =	vst v0;
	v0 =	vmul.f32 v12, v9;
	v12 =	vld [tilespmem:s6+$0xFFFFFF50]  }
0x151: {  	[tilespmem:s6+$0xFFFFFEF0] =	vst v5;
	v5 =	vmul.f32 v10, v9;
	v10 =	vld [tilespmem:s6+$0xFFFFFF60]  }
0x152: {  	[tilespmem:s6+$0xFFFFFF00] =	vst v0;
	v0 =	vmul.f32 v8, v9;
	v8 =	vld [tilespmem:s6+$0xFFFFFF70]  }
0x153: {  	[tilespmem:s6+$0xFFFFFF10] =	vst v5;
	v5 =	vmul.f32 v6, v9;
	v6 =	vld [tilespmem:s6+$0xFFFFFF80]  }
0x154: {  	[tilespmem:s6+$0xFFFFFF20] =	vst v0;
	v0 =	vmul.f32 v7, v9;
	v7 =	vld [tilespmem:s6+$0xFFFFFF90]  }
0x155: {  	[tilespmem:s6+$0xFFFFFF30] =	vst v5;
	v5 =	vmul.f32 v12, v9;
	v12 =	vld [tilespmem:s6+$0xFFFFFFA0]  }
0x156: {  	[tilespmem:s6+$0xFFFFFF40] =	vst v0;
	v0 =	vmul.f32 v10, v9;
	v10 =	vld [tilespmem:s6+$0xFFFFFFB0]  }
0x157: {  	[tilespmem:s6+$0xFFFFFF50] =	vst v5;
	v5 =	vmul.f32 v8, v9;
	v8 =	vld [tilespmem:s6+$0xFFFFFFC0]  }
0x158: {  	[tilespmem:s6+$0xFFFFFF60] =	vst v0;
	v0 =	vmul.f32 v6, v11;
	v6 =	vld [tilespmem:s6+$0xFFFFFFD0]  }
0x159: {  	[tilespmem:s6+$0xFFFFFF70] =	vst v5;
	v5 =	vmul.f32 v7, v11;
	v7 =	vld [tilespmem:s6+$0xFFFFFFE0]  }
0x15a: {  	v9 =	vld [tilespmem:s6+$0xFFFFFFF0];
	[tilespmem:s6+$0xFFFFFF80] =	vst v0;
	v0 =	vmul.f32 v12, v11  }
0x15b: {  	[tilespmem:s6+$0xFFFFFF90] =	vst v5;
	v5 =	vmul.f32 v10, v11;
	v10 =	vld [tilespmem:s6+$0x0]  }
0x15c: {  	[tilespmem:s6+$0xFFFFFFA0] =	vst v0;
	v0 =	vmul.f32 v8, v11;
	v8 =	vld [tilespmem:s6+$0x10]  }
0x15d: {  	[tilespmem:s6+$0xFFFFFFB0] =	vst v5;
	v5 =	vmul.f32 v6, v11;
	v6 =	vld [tilespmem:s6+$0x20]  }
0x15e: {  	[tilespmem:s6+$0xFFFFFFC0] =	vst v0;
	v0 =	vmul.f32 v7, v11;
	v7 =	vld [tilespmem:s6+$0x30]  }
0x15f: {  	[tilespmem:s6+$0xFFFFFFD0] =	vst v5;
	v5 =	vmul.f32 v9, v11;
	v9 =	vld [tilespmem:s6+$0x40]  }
0x160: {  	[tilespmem:s6+$0xFFFFFFE0] =	vst v0;
	v0 =	vmul.f32 v10, v4;
	v10 =	vld [tilespmem:s6+$0x50]  }
0x161: {  	[tilespmem:s6+$0xFFFFFFF0] =	vst v5;
	v5 =	vmul.f32 v8, v4;
	v8 =	vld [tilespmem:s6+$0x60]  }
0x162: {  	[tilespmem:s6+$0x0] =	vst v0;
	v0 =	vmul.f32 v6, v4;
	v6 =	vld [tilespmem:s6+$0x70]  }
0x163: {  	[tilespmem:s6+$0x10] =	vst v5;
	v5 =	vmul.f32 v7, v4;
	v7 =	vld [tilespmem:s6+$0x80]  }
0x164: {  	[tilespmem:s6+$0x20] =	vst v0;
	v0 =	vmul.f32 v9, v4;
	v9 =	vld [tilespmem:s6+$0x90]  }
0x165: {  	[tilespmem:s6+$0x30] =	vst v5;
	v5 =	vmul.f32 v10, v4;
	v10 =	vld [tilespmem:s6+$0xA0]  }
0x166: {  	[tilespmem:s6+$0x40] =	vst v0;
	v0 =	vmul.f32 v8, v4;
	v8 =	vld [tilespmem:s6+$0xB0]  }
0x167: {  	[tilespmem:s6+$0x50] =	vst v5;
	v4 =	vmul.f32 v6, v4;
	v5 =	vld [tilespmem:s6+$0xC0]  }
0x168: {  	v6 =	vld [tilespmem:s6+$0xD0];
	[tilespmem:s6+$0x60] =	vst v0;
	v0 =	vmul.f32 v7, v3  }
0x169: {  	v7 =	vld [tilespmem:s6+$0xE0];
	[tilespmem:s6+$0x70] =	vst v4;
	v4 =	vmul.f32 v9, v3  }
0x16a: {  	v9 =	vld [tilespmem:s6+$0xF0];
	[tilespmem:s6+$0x80] =	vst v0;
	v0 =	vmul.f32 v10, v3  }
0x16b: {  	[tilespmem:s6+$0x90] =	vst v4;
	v4 =	vmul.f32 v8, v3;
	v8 =	vld [tilespmem:s6+$0x100]  }
0x16c: {  	[tilespmem:s6+$0xA0] =	vst v0;
	v0 =	vmul.f32 v5, v3;
	v5 =	vld [tilespmem:s6+$0x110]  }
0x16d: {  	[tilespmem:s6+$0xB0] =	vst v4;
	v4 =	vmul.f32 v6, v3;
	v6 =	vld [tilespmem:s6+$0x120]  }
0x16e: {  	[tilespmem:s6+$0xC0] =	vst v0;
	v0 =	vmul.f32 v7, v3;
	v7 =	vld [tilespmem:s6+$0x130]  }
0x16f: {  	v3 =	vmul.f32 v9, v3;
	[tilespmem:s6+$0xD0] =	vst v4;
	v4 =	vld [tilespmem:s6+$0x140]  }
0x170: {  	[tilespmem:s6+$0xE0] =	vst v0;
	v0 =	vmul.f32 v8, v2;
	v8 =	vld [tilespmem:s6+$0x150]  }
0x171: {  	[tilespmem:s6+$0xF0] =	vst v3;
	v3 =	vmul.f32 v5, v2;
	v5 =	vld [tilespmem:s6+$0x160]  }
0x172: {  	[tilespmem:s6+$0x100] =	vst v0;
	v0 =	vmul.f32 v6, v2;
	v6 =	vld [tilespmem:s6+$0x180]  }
0x173: {  	[tilespmem:s6+$0x110] =	vst v3;
	v3 =	vmul.f32 v7, v2;
	v7 =	vld [tilespmem:s6+$0x190]  }
0x174: {  	[tilespmem:s6+$0x120] =	vst v0;
	v0 =	vmul.f32 v4, v2;
	v4 =	vld [tilespmem:s6+$0x1A0]  }
0x175: {  	[tilespmem:s6+$0x130] =	vst v3;
	v3 =	vmul.f32 v8, v2;
	v8 =	vld [tilespmem:s6+$0x1B0]  }
0x176: {  	[tilespmem:s6+$0x140] =	vst v0;
	v0 =	vmul.f32 v5, v2;
	v2 =	vld [tilespmem:s6+$0x1C0]  }
0x177: {  	v5 =	vld [tilespmem:s6+$0x1D0];
	[tilespmem:s6+$0x150] =	vst v3;
	v3 =	vmul.f32 v6, v1  }
0x178: {  	v6 =	vld [tilespmem:s6+$0x1E0];
	[tilespmem:s6+$0x160] =	vst v0;
	v0 =	vmul.f32 v7, v1  }
0x179: {  	[tilespmem:s6+$0x180] =	vst v3;
	v3 =	vmul.f32 v4, v1;
	v4 =	vld [tilespmem:s6+$0x1F0]  }
0x17a: {  	[tilespmem:s6+$0x190] =	vst v0;
	v0 =	vmul.f32 v8, v1  }
0x17b: {  	[tilespmem:s6+$0x1A0] =	vst v3;
	v2 =	vmul.f32 v2, v1  }
0x17c: {  	[tilespmem:s6+$0x1B0] =	vst v0;
	v0 =	vmul.f32 v5, v1  }
0x17d: {  	[tilespmem:s6+$0x1C0] =	vst v2;
	v2 =	vmul.f32 v6, v1  }
0x17e: {  	[tilespmem:s6+$0x1D0] =	vst v0;
	v0 =	vmul.f32 v4, v1  }
0x17f: {  	[tilespmem:s6+$0x1E0] =	vst v2  }
0x180: {  	[tilespmem:s6+$0x1F0] =	vst v0  }
0x181: {  	[spmem:s3] =	stream.indirect.scatter.add.f32 [tilespmem:s20], [sflag:$0x3], $0x80, s25, s18, $0xb8;
	[tilespmem:$0x1D500] =	vst v63  }
0x182: {  	_ = 	snop  }
0x183: {  	[spmem:s4] =	stream.indirect.scatter.add.f32 [tilespmem:s24], [sflag:$0x3], $0x1, s25, s18, $0xb8;
	[tilespmem:$0x1D500] =	vst v63  }
0x184: {  	_ =	swait.ge [sflag:s26], $0x2000  }
0x185: {  	[sflag:s26] =	ssyncset.done $0x0  }
0x186: {  	[sflag:s26] =	ssyncadd.s32 $0xFFFFE000  }
0x187: {  	v0 =	vld [tilespmem:$0x5080]  }
0x188: {  	v1 =	vld [tilespmem:$0x5100];
	_ =	sdelay $0x5  }
0x189: {  	s7 =	simm.s32 $0x0  }
0x18a: {  	v0 =	vld.idx.msk [tilespmem:v0+s7+$0x0], $0xffff  }
0x18b: {  	v1 =	vld.idx.msk [tilespmem:v1+s7+$0x0], $0xffff;
	_ =	sdelay $0x4  }
0x18c: {  	v0 =	vand.u32 $0xFFFF0000, v0;
	v1 =	vshll.u32 v1, $0x10  }
0x18d: {  	v0 =	vadd.f32 v1, v0;
	_ =	sdelay $0x1  }
0x18e: {  	v1 =	vmul.f32 $9.999999770e-03, v0  }
0x18f: {  	vm0 =	vge.f32 v0, $0.0e+00  }
0x190: {  	v0 =	vsel vm0, v0, v1  }
0x191: {  	v0 =	vsub.f32 $0.0e+00, v0;
	_ =	sdelay $0x1  }
0x192: {  	v0 =	vmul.f32 $1.442695020e+00, v0;
	_ =	sdelay $0x1  }
0x193: {  	(erf) = vpow2.f32 v0;
	_ =	sdelay $0x2  }
0x194: {  	v0 =	vld [tilespmem:$0x5090]  }
0x195: {  	v1 =	vld [tilespmem:$0x5110];
	_ =	sdelay $0x4  }
0x196: {  	v2 =	vpop (erf)  }
0x197: {  	[tilespmem:$0x5200] =	vst v2  }
0x198: {  	v0 =	vld.idx.msk [tilespmem:v0+s7+$0x0], $0xffff  }
0x199: {  	v1 =	vld.idx.msk [tilespmem:v1+s7+$0x0], $0xffff;
	_ =	sdelay $0x4  }
0x19a: {  	v0 =	vand.u32 $0xFFFF0000, v0;
	v1 =	vshll.u32 v1, $0x10  }
0x19b: {  	v0 =	vadd.f32 v1, v0;
	_ =	sdelay $0x1  }
0x19c: {  	v1 =	vmul.f32 $9.999999770e-03, v0  }
0x19d: {  	vm13 =	vge.f32 v0, $0.0e+00  }
0x19e: {  	v0 =	vsel vm13, v0, v1  }
0x19f: {  	v0 =	vsub.f32 $0.0e+00, v0;
	_ =	sdelay $0x1  }
0x1a0: {  	v0 =	vmul.f32 $1.442695020e+00, v0;
	_ =	sdelay $0x1  }
0x1a1: {  	(erf) = vpow2.f32 v0;
	_ =	sdelay $0x2  }
0x1a2: {  	v0 =	vld [tilespmem:$0x50A0]  }
0x1a3: {  	v1 =	vld [tilespmem:$0x5120];
	_ =	sdelay $0x4  }
0x1a4: {  	v2 =	vpop (erf)  }
0x1a5: {  	[tilespmem:$0x5210] =	vst v2  }
0x1a6: {  	v0 =	vld.idx.msk [tilespmem:v0+s7+$0x0], $0xffff  }
0x1a7: {  	v1 =	vld.idx.msk [tilespmem:v1+s7+$0x0], $0xffff;
	_ =	sdelay $0x4  }
0x1a8: {  	v0 =	vand.u32 $0xFFFF0000, v0;
	v1 =	vshll.u32 v1, $0x10  }
0x1a9: {  	v0 =	vadd.f32 v1, v0;
	_ =	sdelay $0x1  }
0x1aa: {  	v1 =	vmul.f32 $9.999999770e-03, v0  }
0x1ab: {  	vm14 =	vge.f32 v0, $0.0e+00  }
0x1ac: {  	v0 =	vsel vm14, v0, v1  }
0x1ad: {  	v0 =	vsub.f32 $0.0e+00, v0;
	_ =	sdelay $0x1  }
0x1ae: {  	v0 =	vmul.f32 $1.442695020e+00, v0;
	_ =	sdelay $0x1  }
0x1af: {  	(erf) = vpow2.f32 v0;
	_ =	sdelay $0x2  }
0x1b0: {  	v0 =	vld [tilespmem:$0x50B0]  }
0x1b1: {  	v1 =	vld [tilespmem:$0x5130];
	_ =	sdelay $0x4  }
0x1b2: {  	v2 =	vpop (erf)  }
0x1b3: {  	[tilespmem:$0x5220] =	vst v2  }
0x1b4: {  	v0 =	vld.idx.msk [tilespmem:v0+s7+$0x0], $0xffff  }
0x1b5: {  	v1 =	vld.idx.msk [tilespmem:v1+s7+$0x0], $0xffff;
	_ =	sdelay $0x4  }
0x1b6: {  	v0 =	vand.u32 $0xFFFF0000, v0;
	v1 =	vshll.u32 v1, $0x10  }
0x1b7: {  	v0 =	vadd.f32 v1, v0;
	_ =	sdelay $0x1  }
0x1b8: {  	v1 =	vmul.f32 $9.999999770e-03, v0  }
0x1b9: {  	vm15 =	vge.f32 v0, $0.0e+00  }
0x1ba: {  	v0 =	vsel vm15, v0, v1  }
0x1bb: {  	v0 =	vsub.f32 $0.0e+00, v0;
	_ =	sdelay $0x1  }
0x1bc: {  	v0 =	vmul.f32 $1.442695020e+00, v0;
	_ =	sdelay $0x1  }
0x1bd: {  	(erf) = vpow2.f32 v0;
	_ =	sdelay $0x2  }
0x1be: {  	s8 =	simm.s32 $0x6;
	v0 =	vmov s7  }
0x1bf: {  	v1 =	vmov s8;
	v0 =	vand.u32 $0xFFFFFFF8, v0  }
0x1c0: {  	v1 =	vand.u32 $0xFFFFFFFE, v1;
	v0 =	vbroadcast v0, $0x0  }
0x1c1: {  	v1 =	vbroadcast v1, $0x0;
	_ =	sdelay $0x2  }
0x1c2: {  	v2 =	vpop (erf)  }
0x1c3: {  	[tilespmem:$0x5230] =	vst v2  }
0x1c4: {  	v0 =	vld.idx.msk [tilespmem:v0+s28+$0x0], $0xffff  }
0x1c5: {  	s5 =	simm.s32 $0x7480;
	v1 =	vld.idx.msk [tilespmem:v1+s28+$0x0], $0xffff  }
0x1c6: {  	v3 =	vld [tilespmem:s5+$0x170]  }
0x1c7: {  	v4 =	vld [tilespmem:s5+$0xFFFFFE00]  }
0x1c8: {  	v5 =	vld [tilespmem:s5+$0xFFFFFE10]  }
0x1c9: {  	v6 =	vld [tilespmem:s5+$0xFFFFFE20]  }
0x1ca: {  	s9 =	simm.s32 $0x1;
	v7 =	vld [tilespmem:s5+$0xFFFFFE30]  }
0x1cb: {  	v2 =	vmov s9;
	v8 =	vld [tilespmem:s5+$0xFFFFFE40]  }
0x1cc: {  	v2 =	vand.u32 $0xFFFFFFF9, v2;
	v9 =	vld [tilespmem:s5+$0xFFFFFE50]  }
0x1cd: {  	v10 =	vld [tilespmem:s5+$0xFFFFFE60];
	v2 =	vbroadcast v2, $0x0  }
0x1ce: {  	v11 =	vld [tilespmem:s5+$0xFFFFFE70]  }
0x1cf: {  	v12 =	vld [tilespmem:s5+$0xFFFFFE80]  }
0x1d0: {  	v13 =	vld [tilespmem:s5+$0xFFFFFE90]  }
0x1d1: {  	v14 =	vld [tilespmem:s5+$0xFFFFFEA0];
	v4 =	vmul.f32 v4, v0  }
0x1d2: {  	v15 =	vld [tilespmem:s5+$0xFFFFFEB0];
	v3 =	vmul.f32 v3, v1  }
0x1d3: {  	v7 =	vmul.f32 v7, v0;
	v2 =	vld.idx.msk [tilespmem:v2+s28+$0x0], $0xffff;
	[tilespmem:s5+$0xFFFFFE00] =	vst v4  }
0x1d4: {  	s7 =	simm.s32 $0x2;
	v8 =	vmul.f32 v8, v0;
	[tilespmem:s5+$0x170] =	vst v3;
	v3 =	vmul.f32 v6, v0;
	v6 =	vld [tilespmem:s5+$0xFFFFFEC0]  }
0x1d5: {  	v5 =	vmul.f32 v5, v0;
	v4 =	vmov s7;
	[tilespmem:s5+$0xFFFFFE30] =	vst v7;
	v7 =	vmul.f32 v9, v0;
	v9 =	vld [tilespmem:s5+$0xFFFFFEF0]  }
0x1d6: {  	[tilespmem:s5+$0xFFFFFE40] =	vst v8;
	v8 =	vmul.f32 v10, v0;
	v10 =	vld [tilespmem:s5+$0xFFFFFF00];
	v4 =	vand.u32 $0xFFFFFFFA, v4  }
0x1d7: {  	[tilespmem:s5+$0xFFFFFE10] =	vst v5;
	v0 =	vmul.f32 v11, v0;
	v11 =	vld [tilespmem:s5+$0xFFFFFF20];
	v4 =	vbroadcast v4, $0x0  }
0x1d8: {  	[tilespmem:s5+$0xFFFFFE20] =	vst v3;
	v3 =	vld [tilespmem:s5+$0xFFFFFEE0]  }
0x1d9: {  	[tilespmem:s5+$0xFFFFFE50] =	vst v7;
	v7 =	vld [tilespmem:s5+$0xFFFFFF10]  }
0x1da: {  	[tilespmem:s5+$0xFFFFFE60] =	vst v8;
	v5 =	vmul.f32 v12, v2;
	v12 =	vld [tilespmem:s5+$0xFFFFFED0]  }
0x1db: {  	[tilespmem:s5+$0xFFFFFE70] =	vst v0;
	v8 =	vmul.f32 v13, v2;
	v13 =	vld [tilespmem:s5+$0xFFFFFF30]  }
0x1dc: {  	s8 =	simm.s32 $0x3;
	v0 =	vmul.f32 v14, v2;
	v14 =	vld [tilespmem:s5+$0xFFFFFF40];
	v6 =	vmul.f32 v6, v2;
	[tilespmem:s5+$0xFFFFFE80] =	vst v5  }
0x1dd: {  	v5 =	vmov s8;
	[tilespmem:s5+$0xFFFFFE90] =	vst v8;
	v8 =	vmul.f32 v15, v2;
	v4 =	vld.idx.msk [tilespmem:v4+s28+$0x0], $0xffff  }
0x1de: {  	[tilespmem:s5+$0xFFFFFEC0] =	vst v6;
	v6 =	vld [tilespmem:s5+$0xFFFFFF70];
	v5 =	vand.u32 $0xFFFFFFFB, v5  }
0x1df: {  	v5 =	vbroadcast v5, $0x0;
	[tilespmem:s5+$0xFFFFFEB0] =	vst v8;
	v8 =	vld [tilespmem:s5+$0xFFFFFF60];
	v12 =	vmul.f32 v12, v2  }
0x1e0: {  	[tilespmem:s5+$0xFFFFFEA0] =	vst v0;
	v3 =	vmul.f32 v3, v2;
	v2 =	vmul.f32 v9, v2;
	v9 =	vld [tilespmem:s5+$0xFFFFFF80]  }
0x1e1: {  	[tilespmem:s5+$0xFFFFFED0] =	vst v12;
	v12 =	vld [tilespmem:s5+$0xFFFFFFB0]  }
0x1e2: {  	[tilespmem:s5+$0xFFFFFEE0] =	vst v3;
	v0 =	vmul.f32 v10, v4;
	v10 =	vld [tilespmem:s5+$0xFFFFFF50]  }
0x1e3: {  	[tilespmem:s5+$0xFFFFFEF0] =	vst v2;
	v3 =	vmul.f32 v7, v4;
	v7 =	vld [tilespmem:s5+$0xFFFFFF90]  }
0x1e4: {  	s9 =	simm.s32 $0x4;
	v2 =	vmul.f32 v11, v4;
	v11 =	vld [tilespmem:s5+$0xFFFFFFA0];
	[tilespmem:s5+$0xFFFFFF00] =	vst v0  }
0x1e5: {  	v8 =	vmul.f32 v8, v4;
	v5 =	vld.idx.msk [tilespmem:v5+s28+$0x0], $0xffff;
	v0 =	vmov s9;
	[tilespmem:s5+$0xFFFFFF10] =	vst v3  }
0x1e6: {  	v3 =	vmul.f32 v13, v4;
	[tilespmem:s5+$0xFFFFFF20] =	vst v2;
	v2 =	vmul.f32 v14, v4;
	v13 =	vld [tilespmem:s5+$0xFFFFFFC0];
	v0 =	vand.u32 $0xFFFFFFFC, v0  }
0x1e7: {  	[tilespmem:s5+$0xFFFFFF60] =	vst v8;
	v8 =	vld [tilespmem:s5+$0x0];
	v0 =	vbroadcast v0, $0x0  }
0x1e8: {  	[tilespmem:s5+$0xFFFFFF40] =	vst v2;
	v2 =	vld [tilespmem:s5+$0xFFFFFFE0];
	v10 =	vmul.f32 v10, v4  }
0x1e9: {  	[tilespmem:s5+$0xFFFFFF30] =	vst v3;
	v4 =	vmul.f32 v6, v4;
	v6 =	vld [tilespmem:s5+$0xFFFFFFF0]  }
0x1ea: {  	v3 =	vmul.f32 v9, v5;
	v9 =	vld [tilespmem:s5+$0xFFFFFFD0];
	[tilespmem:s5+$0xFFFFFF50] =	vst v10  }
0x1eb: {  	v7 =	vmul.f32 v7, v5;
	[tilespmem:s5+$0xFFFFFF70] =	vst v4;
	v10 =	vld [tilespmem:s5+$0x10]  }
0x1ec: {  	s7 =	simm.s32 $0x5;
	v4 =	vmul.f32 v11, v5;
	v11 =	vld [tilespmem:s5+$0x20];
	[tilespmem:s5+$0xFFFFFF80] =	vst v3  }
0x1ed: {  	v3 =	vmov s7;
	[tilespmem:s5+$0xFFFFFF90] =	vst v7;
	v7 =	vmul.f32 v12, v5;
	v0 =	vld.idx.msk [tilespmem:v0+s28+$0x0], $0xffff  }
0x1ee: {  	[tilespmem:s5+$0xFFFFFFA0] =	vst v4;
	v4 =	vmul.f32 v13, v5;
	v12 =	vld [tilespmem:s5+$0x30];
	v3 =	vand.u32 $0xFFFFFFFD, v3  }
0x1ef: {  	v3 =	vbroadcast v3, $0x0;
	[tilespmem:s5+$0xFFFFFFB0] =	vst v7;
	v7 =	vmul.f32 v9, v5;
	v9 =	vld [tilespmem:s5+$0x40]  }
0x1f0: {  	v2 =	vmul.f32 v2, v5;
	[tilespmem:s5+$0xFFFFFFC0] =	vst v4;
	v5 =	vmul.f32 v6, v5;
	v6 =	vld [tilespmem:s5+$0x80]  }
0x1f1: {  	[tilespmem:s5+$0xFFFFFFD0] =	vst v7;
	v7 =	vld [tilespmem:s5+$0x60]  }
0x1f2: {  	[tilespmem:s5+$0xFFFFFFE0] =	vst v2;
	v4 =	vmul.f32 v8, v0;
	v8 =	vld [tilespmem:s5+$0x50]  }
0x1f3: {  	[tilespmem:s5+$0xFFFFFFF0] =	vst v5;
	v2 =	vmul.f32 v10, v0;
	v5 =	vmul.f32 v11, v0;
	v10 =	vld [tilespmem:s5+$0x90]  }
0x1f4: {  	[tilespmem:s5+$0x0] =	vst v4;
	v4 =	vld [tilespmem:s5+$0x70]  }
0x1f5: {  	v3 =	vld.idx.msk [tilespmem:v3+s28+$0x0], $0xffff;
	[tilespmem:s5+$0x20] =	vst v5;
	v5 =	vmul.f32 v9, v0  }
0x1f6: {  	[tilespmem:s5+$0x10] =	vst v2;
	v2 =	vmul.f32 v12, v0;
	v9 =	vld [tilespmem:s5+$0xA0]  }
0x1f7: {  	[tilespmem:s5+$0x40] =	vst v5;
	v5 =	vmul.f32 v7, v0;
	v7 =	vld [tilespmem:s5+$0xC0]  }
0x1f8: {  	[tilespmem:s5+$0x30] =	vst v2;
	v2 =	vmul.f32 v8, v0;
	v8 =	vld [tilespmem:s5+$0xB0]  }
0x1f9: {  	[tilespmem:s5+$0x60] =	vst v5;
	v5 =	vld [tilespmem:s5+$0xE0];
	v4 =	vmul.f32 v4, v0  }
0x1fa: {  	[tilespmem:s5+$0x50] =	vst v2;
	v2 =	vmul.f32 v6, v3;
	v6 =	vld [tilespmem:s5+$0xD0]  }
0x1fb: {  	v10 =	vmul.f32 v10, v3;
	[tilespmem:s5+$0x70] =	vst v4;
	v4 =	vld [tilespmem:s5+$0xF0]  }
0x1fc: {  	[tilespmem:s5+$0x80] =	vst v2;
	v2 =	vmul.f32 v9, v3;
	v9 =	vld [tilespmem:s5+$0x100]  }
0x1fd: {  	[tilespmem:s5+$0x90] =	vst v10;
	v10 =	vld [tilespmem:s5+$0x150];
	v8 =	vmul.f32 v8, v3  }
0x1fe: {  	s8 =	simm.s32 $0x7;
	[tilespmem:s5+$0xA0] =	vst v2;
	v2 =	vmul.f32 v7, v3;
	v7 =	vld [tilespmem:s5+$0x110]  }
0x1ff: {  	v13 =	vld [tilespmem:s5+$0x180];
	v11 =	vmov s8;
	[tilespmem:s5+$0xB0] =	vst v8;
	v6 =	vmul.f32 v6, v3  }
0x200: {  	v8 =	vld [tilespmem:s5+$0x120];
	[tilespmem:s5+$0xC0] =	vst v2;
	v2 =	vmul.f32 v5, v3  }
0x201: {  	s8 =	simm.s32 $0xA;
	v5 =	vld [tilespmem:s5+$0x130];
	[tilespmem:s5+$0xD0] =	vst v6;
	v3 =	vmul.f32 v4, v3  }
0x202: {  	s9 =	simm.s32 $0x8;
	v12 =	vmov s8;
	v4 =	vld [tilespmem:s5+$0x140];
	v9 =	vmul.f32 v9, v1;
	[tilespmem:s5+$0xE0] =	vst v2  }
0x203: {  	s7 =	simm.s32 $0xF;
	s8 =	simm.s32 $0xC;
	v6 =	vmov s9;
	v10 =	vmul.f32 v10, v1;
	[tilespmem:s5+$0xF0] =	vst v3;
	v3 =	vmul.f32 v7, v1;
	v7 =	vld [tilespmem:s5+$0x160]  }
0x204: {  	v14 =	vmov s8;
	v0 =	vld.idx.msk [tilespmem:v11+s28+$0x0], $0xffff;
	s9 =	simm.s32 $0x9;
	v6 =	vand.u32 $0xFFFFFFF8, v6;
	v2 =	vmov s7;
	s7 =	simm.s32 $0xB;
	[tilespmem:s5+$0x100] =	vst v9  }
0x205: {  	v62 =	vld [tilespmem:s5+$0x190];
	v11 =	vmov s9;
	s9 =	simm.s32 $0xD;
	v9 =	vmov s7;
	[tilespmem:s5+$0x150] =	vst v10;
	v8 =	vmul.f32 v8, v1  }
0x206: {  	v63 =	vmov s9;
	[tilespmem:s5+$0x110] =	vst v3;
	v15 =	vmul.f32 v5, v1;
	v3 =	vbroadcast v6, $0x0;
	v5 =	vld [tilespmem:s5+$0x1A0]  }
0x207: {  	v6 =	vld [tilespmem:s5+$0x1B0];
	[tilespmem:s5+$0x120] =	vst v8;
	v8 =	vmul.f32 v4, v1;
	v4 =	vand.u32 $0xFFFFFFF9, v11;
	v11 =	vand.u32 $0xFFFFFFFA, v12  }
0x208: {  	v12 =	vand.u32 $0xFFFFFFFB, v9;
	[tilespmem:s5+$0x130] =	vst v15;
	v4 =	vbroadcast v4, $0x0;
	v15 =	vmul.f32 v7, v1;
	v7 =	vld [tilespmem:s5+$0x1C0]  }
0x209: {  	v9 =	vbroadcast v11, $0x0;
	[tilespmem:s5+$0x140] =	vst v8;
	v1 =	vand.u32 $0xFFFFFFFC, v14;
	v14 =	vmul.f32 v13, v0;
	v8 =	vld [tilespmem:s5+$0x1D0]  }
0x20a: {  	s6 =	simm.s32 $0x10;
	s7 =	simm.s32 $0xE;
	v10 =	vld [tilespmem:s5+$0x1E0];
	v11 =	vbroadcast v12, $0x0;
	v12 =	vmul.f32 v62, v0;
	v13 =	vand.u32 $0xFFFFFFFD, v63;
	[tilespmem:s5+$0x160] =	vst v15  }
.LBB2_5:
0x20b: {  	p0 =	slt.u32 s6, $0x38;
	v1 =	vbroadcast v1, $0x0;
	v15 =	vmov s7;
	[tilespmem:s5+$0x180] =	vst v14;
	v5 =	vmul.f32 v5, v0;
	v14 =	vld [tilespmem:s5+$0x1F0]  }
0x20c: {  	v13 =	vbroadcast v13, $0x0;
	v15 =	vand.u32 $0xFFFFFFFE, v15;
	v16 =	vld.idx.msk [tilespmem:v2+s28+$0x0], $0xffff;
	[tilespmem:s5+$0x190] =	vst v12;
	v2 =	vmul.f32 v6, v0  }
0x20d: {  	v6 =	vld.idx.msk [tilespmem:v3+s28+$0x0], $0xffff;
	v12 =	vbroadcast v15, $0x0;
	[tilespmem:s5+$0x1A0] =	vst v5;
	v3 =	vmul.f32 v7, v0  }
0x20e: {  	v5 =	vld.idx.msk [tilespmem:v4+s28+$0x0], $0xffff;
	[tilespmem:s5+$0x1B0] =	vst v2;
	v2 =	vmul.f32 v8, v0  }
0x20f: {  	v7 =	vld.idx.msk [tilespmem:v9+s28+$0x0], $0xffff;
	[tilespmem:s5+$0x1C0] =	vst v3;
	v8 =	vmul.f32 v10, v0  }
0x210: {  	v4 =	vld.idx.msk [tilespmem:v11+s28+$0x0], $0xffff;
	[tilespmem:s5+$0x1D0] =	vst v2;
	v9 =	vmul.f32 v14, v0  }
0x211: {  	v3 =	vld.idx.msk [tilespmem:v1+s28+$0x0], $0xffff;
	[tilespmem:s5+$0x1E0] =	vst v8  }
0x212: {  	v0 =	vmov v16;
	v2 =	vld.idx.msk [tilespmem:v13+s28+$0x0], $0xffff;
	[tilespmem:s5+$0x1F0] =	vst v9  }
0x213: {  	s5 =	sadd.s32 $0x400, s5;
	v1 =	vld.idx.msk [tilespmem:v12+s28+$0x0], $0xffff  }
0x214: {  	v8 =	vld [tilespmem:s5+$0x170]  }
0x215: {  	v9 =	vld [tilespmem:s5+$0xFFFFFE00]  }
0x216: {  	v10 =	vld [tilespmem:s5+$0xFFFFFE10]  }
0x217: {  	v11 =	vld [tilespmem:s5+$0xFFFFFE20]  }
0x218: {  	v12 =	vld [tilespmem:s5+$0xFFFFFE30]  }
0x219: {  	v13 =	vld [tilespmem:s5+$0xFFFFFE40];
	v8 =	vmul.f32 v8, v1  }
0x21a: {  	v9 =	vmul.f32 v9, v6;
	v14 =	vld [tilespmem:s5+$0xFFFFFE50]  }
0x21b: {  	v10 =	vmul.f32 v10, v6;
	v15 =	vld [tilespmem:s5+$0xFFFFFE60];
	[tilespmem:s5+$0x170] =	vst v8  }
0x21c: {  	[tilespmem:s5+$0xFFFFFE00] =	vst v9;
	v8 =	vmul.f32 v11, v6;
	v9 =	vld [tilespmem:s5+$0xFFFFFE70]  }
0x21d: {  	[tilespmem:s5+$0xFFFFFE10] =	vst v10;
	v10 =	vmul.f32 v12, v6;
	v11 =	vld [tilespmem:s5+$0xFFFFFE80]  }
0x21e: {  	[tilespmem:s5+$0xFFFFFE20] =	vst v8;
	v8 =	vmul.f32 v13, v6;
	v12 =	vld [tilespmem:s5+$0xFFFFFE90]  }
0x21f: {  	[tilespmem:s5+$0xFFFFFE30] =	vst v10;
	v10 =	vmul.f32 v14, v6;
	v13 =	vld [tilespmem:s5+$0xFFFFFEA0]  }
0x220: {  	[tilespmem:s5+$0xFFFFFE40] =	vst v8;
	v8 =	vmul.f32 v15, v6;
	v14 =	vld [tilespmem:s5+$0xFFFFFEB0]  }
0x221: {  	[tilespmem:s5+$0xFFFFFE50] =	vst v10;
	v6 =	vmul.f32 v9, v6;
	v9 =	vld [tilespmem:s5+$0xFFFFFEC0]  }
0x222: {  	[tilespmem:s5+$0xFFFFFE60] =	vst v8;
	v8 =	vmul.f32 v11, v5;
	v10 =	vld [tilespmem:s5+$0xFFFFFED0]  }
0x223: {  	[tilespmem:s5+$0xFFFFFE70] =	vst v6;
	v6 =	vmul.f32 v12, v5;
	v11 =	vld [tilespmem:s5+$0xFFFFFEE0]  }
0x224: {  	[tilespmem:s5+$0xFFFFFE80] =	vst v8;
	v8 =	vmul.f32 v13, v5;
	v12 =	vld [tilespmem:s5+$0xFFFFFEF0]  }
0x225: {  	[tilespmem:s5+$0xFFFFFE90] =	vst v6;
	v6 =	vmul.f32 v14, v5;
	v13 =	vld [tilespmem:s5+$0xFFFFFF00]  }
0x226: {  	[tilespmem:s5+$0xFFFFFEA0] =	vst v8;
	v8 =	vmul.f32 v9, v5;
	v9 =	vld [tilespmem:s5+$0xFFFFFF10]  }
0x227: {  	[tilespmem:s5+$0xFFFFFEB0] =	vst v6;
	v6 =	vmul.f32 v10, v5;
	v10 =	vld [tilespmem:s5+$0xFFFFFF20]  }
0x228: {  	[tilespmem:s5+$0xFFFFFEC0] =	vst v8;
	v8 =	vmul.f32 v11, v5;
	v11 =	vld [tilespmem:s5+$0xFFFFFF30]  }
0x229: {  	[tilespmem:s5+$0xFFFFFED0] =	vst v6;
	v5 =	vmul.f32 v12, v5;
	v6 =	vld [tilespmem:s5+$0xFFFFFF40]  }
0x22a: {  	[tilespmem:s5+$0xFFFFFEE0] =	vst v8;
	v8 =	vmul.f32 v13, v7;
	v12 =	vld [tilespmem:s5+$0xFFFFFF50]  }
0x22b: {  	[tilespmem:s5+$0xFFFFFEF0] =	vst v5;
	v5 =	vmul.f32 v9, v7;
	v9 =	vld [tilespmem:s5+$0xFFFFFF60]  }
0x22c: {  	[tilespmem:s5+$0xFFFFFF00] =	vst v8;
	v8 =	vmul.f32 v10, v7;
	v10 =	vld [tilespmem:s5+$0xFFFFFF70]  }
0x22d: {  	[tilespmem:s5+$0xFFFFFF10] =	vst v5;
	v5 =	vmul.f32 v11, v7;
	v11 =	vld [tilespmem:s5+$0xFFFFFF80]  }
0x22e: {  	[tilespmem:s5+$0xFFFFFF20] =	vst v8;
	v6 =	vmul.f32 v6, v7;
	v8 =	vld [tilespmem:s5+$0xFFFFFF90]  }
0x22f: {  	[tilespmem:s5+$0xFFFFFF30] =	vst v5;
	v5 =	vmul.f32 v12, v7;
	v12 =	vld [tilespmem:s5+$0xFFFFFFA0]  }
0x230: {  	[tilespmem:s5+$0xFFFFFF40] =	vst v6;
	v6 =	vmul.f32 v9, v7;
	v9 =	vld [tilespmem:s5+$0xFFFFFFB0]  }
0x231: {  	[tilespmem:s5+$0xFFFFFF50] =	vst v5;
	v5 =	vmul.f32 v10, v7;
	v7 =	vld [tilespmem:s5+$0xFFFFFFC0]  }
0x232: {  	[tilespmem:s5+$0xFFFFFF60] =	vst v6;
	v6 =	vmul.f32 v11, v4;
	v10 =	vld [tilespmem:s5+$0xFFFFFFD0]  }
0x233: {  	[tilespmem:s5+$0xFFFFFF70] =	vst v5;
	v5 =	vmul.f32 v8, v4;
	v8 =	vld [tilespmem:s5+$0xFFFFFFE0]  }
0x234: {  	[tilespmem:s5+$0xFFFFFF80] =	vst v6;
	v6 =	vmul.f32 v12, v4;
	v11 =	vld [tilespmem:s5+$0xFFFFFFF0]  }
0x235: {  	[tilespmem:s5+$0xFFFFFF90] =	vst v5;
	v5 =	vmul.f32 v9, v4;
	v9 =	vld [tilespmem:s5+$0x0]  }
0x236: {  	[tilespmem:s5+$0xFFFFFFA0] =	vst v6;
	v6 =	vmul.f32 v7, v4;
	v7 =	vld [tilespmem:s5+$0x10]  }
0x237: {  	[tilespmem:s5+$0xFFFFFFB0] =	vst v5;
	v5 =	vmul.f32 v10, v4;
	v10 =	vld [tilespmem:s5+$0x20]  }
0x238: {  	[tilespmem:s5+$0xFFFFFFC0] =	vst v6;
	v6 =	vmul.f32 v8, v4;
	v8 =	vld [tilespmem:s5+$0x30]  }
0x239: {  	[tilespmem:s5+$0xFFFFFFD0] =	vst v5;
	v4 =	vmul.f32 v11, v4;
	v5 =	vld [tilespmem:s5+$0x40]  }
0x23a: {  	[tilespmem:s5+$0xFFFFFFE0] =	vst v6;
	v6 =	vmul.f32 v9, v3;
	v9 =	vld [tilespmem:s5+$0x50]  }
0x23b: {  	[tilespmem:s5+$0xFFFFFFF0] =	vst v4;
	v4 =	vmul.f32 v7, v3;
	v7 =	vld [tilespmem:s5+$0x60]  }
0x23c: {  	[tilespmem:s5+$0x0] =	vst v6;
	v6 =	vmul.f32 v10, v3;
	v10 =	vld [tilespmem:s5+$0x70]  }
0x23d: {  	[tilespmem:s5+$0x10] =	vst v4;
	v4 =	vmul.f32 v8, v3;
	v8 =	vld [tilespmem:s5+$0x80]  }
0x23e: {  	[tilespmem:s5+$0x20] =	vst v6;
	v5 =	vmul.f32 v5, v3;
	v6 =	vld [tilespmem:s5+$0x90]  }
0x23f: {  	[tilespmem:s5+$0x30] =	vst v4;
	v4 =	vmul.f32 v9, v3;
	v9 =	vld [tilespmem:s5+$0xA0]  }
0x240: {  	[tilespmem:s5+$0x40] =	vst v5;
	v5 =	vmul.f32 v7, v3;
	v7 =	vld [tilespmem:s5+$0xB0]  }
0x241: {  	[tilespmem:s5+$0x50] =	vst v4;
	v3 =	vmul.f32 v10, v3;
	v4 =	vld [tilespmem:s5+$0xC0]  }
0x242: {  	[tilespmem:s5+$0x60] =	vst v5;
	v5 =	vmul.f32 v8, v2;
	v8 =	vld [tilespmem:s5+$0xD0]  }
0x243: {  	[tilespmem:s5+$0x70] =	vst v3;
	v3 =	vmul.f32 v6, v2;
	v6 =	vld [tilespmem:s5+$0xE0]  }
0x244: {  	[tilespmem:s5+$0x80] =	vst v5;
	v5 =	vmul.f32 v9, v2;
	v9 =	vld [tilespmem:s5+$0xF0]  }
0x245: {  	[tilespmem:s5+$0x90] =	vst v3;
	v3 =	vmul.f32 v7, v2;
	v7 =	vld [tilespmem:s5+$0x100]  }
0x246: {  	[tilespmem:s5+$0xA0] =	vst v5;
	v4 =	vmul.f32 v4, v2;
	v5 =	vld [tilespmem:s5+$0x110]  }
0x247: {  	[tilespmem:s5+$0xB0] =	vst v3;
	v3 =	vmul.f32 v8, v2;
	v8 =	vld [tilespmem:s5+$0x120]  }
0x248: {  	[tilespmem:s5+$0xC0] =	vst v4;
	v4 =	vmul.f32 v6, v2;
	v6 =	vld [tilespmem:s5+$0x130]  }
0x249: {  	[tilespmem:s5+$0xD0] =	vst v3;
	v3 =	vmul.f32 v9, v2;
	v9 =	vld [tilespmem:s5+$0x140]  }
0x24a: {  	s7 =	sadd.s32 $0x7, s6;
	v2 =	vmov s6;
	[tilespmem:s5+$0xE0] =	vst v4;
	v4 =	vmul.f32 v7, v1;
	v7 =	vld [tilespmem:s5+$0x150]  }
0x24b: {  	s8 =	sadd.s32 $0x1, s6;
	s9 =	sadd.s32 $0x2, s6;
	v10 =	vand.u32 $0xFFFFFFF8, v2;
	v2 =	vmov s7;
	[tilespmem:s5+$0xF0] =	vst v3;
	v3 =	vmul.f32 v5, v1;
	v11 =	vld [tilespmem:s5+$0x160]  }
0x24c: {  	v13 =	vmov s9;
	v12 =	vmov s8;
	s8 =	sadd.s32 $0x4, s6;
	s7 =	sadd.s32 $0x3, s6;
	[tilespmem:s5+$0x100] =	vst v4;
	v4 =	vmul.f32 v8, v1;
	v8 =	vld [tilespmem:s5+$0x180]  }
0x24d: {  	v15 =	vmov s8;
	v14 =	vmov s7;
	s7 =	sadd.s32 $0x5, s6;
	[tilespmem:s5+$0x110] =	vst v3;
	v6 =	vmul.f32 v6, v1;
	v16 =	vld [tilespmem:s5+$0x190]  }
.Ltmp3:
0x24e: {  	v3 =	vbroadcast v10, $0x0;
	v10 =	vmov s7;
	[tilespmem:s5+$0x120] =	vst v4;
	v9 =	vmul.f32 v9, v1;
	v5 =	vld [tilespmem:s5+$0x1A0];
	(pc) =	sbr.rel @p0 .LBB2_5-.Ltmp3, $4  }
0x24f: {  	v4 =	vand.u32 $0xFFFFFFF9, v12;
	v12 =	vand.u32 $0xFFFFFFFA, v13;
	[tilespmem:s5+$0x130] =	vst v6;
	v13 =	vmul.f32 v7, v1;
	v6 =	vld [tilespmem:s5+$0x1B0]  }
0x250: {  	v17 =	vand.u32 $0xFFFFFFFB, v14;
	v4 =	vbroadcast v4, $0x0;
	[tilespmem:s5+$0x140] =	vst v9;
	v18 =	vmul.f32 v11, v1;
	v7 =	vld [tilespmem:s5+$0x1C0]  }
0x251: {  	v9 =	vbroadcast v12, $0x0;
	v1 =	vand.u32 $0xFFFFFFFC, v15;
	[tilespmem:s5+$0x150] =	vst v13;
	v14 =	vmul.f32 v8, v0;
	v8 =	vld [tilespmem:s5+$0x1D0]  }
0x252: {  	s7 =	sadd.s32 $0x6, s6;
	s6 =	sadd.s32 $0x8, s6;
	v11 =	vbroadcast v17, $0x0;
	v13 =	vand.u32 $0xFFFFFFFD, v10;
	[tilespmem:s5+$0x160] =	vst v18;
	v12 =	vmul.f32 v16, v0;
	v10 =	vld [tilespmem:s5+$0x1E0]  }
0x253: {  	_ =	sdelay $0x2  }
0x254: {  	v15 =	vld [tilespmem:s5+$0x1F0]  }
0x255: {  	v34 =	vbroadcast v1, $0x0;
	v1 =	vld.idx.msk [tilespmem:v2+s28+$0x0], $0xffff  }
0x256: {  	v17 =	vld.idx.msk [tilespmem:v3+s28+$0x0], $0xffff  }
0x257: {  	v37 =	vld.idx.msk [tilespmem:v4+s28+$0x0], $0xffff  }
0x258: {  	v9 =	vld.idx.msk [tilespmem:v9+s28+$0x0], $0xffff  }
0x259: {  	s6 =	sadd.s32 $0x400, s5;
	v11 =	vld.idx.msk [tilespmem:v11+s28+$0x0], $0xffff  }
0x25a: {  	v40 =	vld [tilespmem:s6+$0xFFFFFE00]  }
0x25b: {  	v42 =	vld [tilespmem:s6+$0xFFFFFE10]  }
0x25c: {  	[tilespmem:s5+$0x180] =	vst v14;
	v5 =	vmul.f32 v5, v0;
	v44 =	vld [tilespmem:s6+$0xFFFFFE20]  }
0x25d: {  	[tilespmem:s5+$0x190] =	vst v12;
	v6 =	vmul.f32 v6, v0;
	v46 =	vld [tilespmem:s6+$0xFFFFFE30]  }
0x25e: {  	v47 =	vld [tilespmem:s6+$0xFFFFFE40];
	[tilespmem:s5+$0x1A0] =	vst v5;
	v39 =	vmul.f32 v7, v0  }
0x25f: {  	v49 =	vld [tilespmem:s6+$0xFFFFFE50];
	[tilespmem:s5+$0x1B0] =	vst v6;
	v41 =	vmul.f32 v8, v0  }
0x260: {  	v50 =	vld [tilespmem:s6+$0xFFFFFE60];
	[tilespmem:s5+$0x1C0] =	vst v39;
	v43 =	vmul.f32 v10, v0  }
0x261: {  	v52 =	vld [tilespmem:s6+$0xFFFFFE70];
	[tilespmem:s5+$0x1D0] =	vst v41;
	v45 =	vmul.f32 v15, v0  }
0x262: {  	v53 =	vld [tilespmem:s6+$0xFFFFFE80];
	[tilespmem:s5+$0x1E0] =	vst v43;
	v48 =	vmul.f32 v40, v17  }
0x263: {  	v55 =	vld [tilespmem:s6+$0xFFFFFE90];
	v8 =	vmul.f32 v42, v17;
	[tilespmem:s5+$0x1F0] =	vst v45  }
0x264: {  	v57 =	vld [tilespmem:s6+$0xFFFFFEA0];
	v51 =	vmul.f32 v44, v17;
	[tilespmem:s6+$0xFFFFFE00] =	vst v48  }
0x265: {  	v59 =	vld [tilespmem:s6+$0xFFFFFEB0];
	v6 =	vmul.f32 v46, v17;
	[tilespmem:s6+$0xFFFFFE10] =	vst v8  }
0x266: {  	v61 =	vld [tilespmem:s6+$0xFFFFFEC0];
	v54 =	vmul.f32 v47, v17;
	[tilespmem:s6+$0xFFFFFE20] =	vst v51  }
0x267: {  	v63 =	vld [tilespmem:s6+$0xFFFFFED0];
	v56 =	vmul.f32 v49, v17;
	[tilespmem:s6+$0xFFFFFE30] =	vst v6  }
0x268: {  	v19 =	vld [tilespmem:s6+$0xFFFFFEF0];
	v58 =	vmul.f32 v50, v17;
	[tilespmem:s6+$0xFFFFFE40] =	vst v54  }
0x269: {  	v21 =	vld [tilespmem:s6+$0xFFFFFF00];
	v60 =	vmul.f32 v52, v17;
	[tilespmem:s6+$0xFFFFFE50] =	vst v56  }
0x26a: {  	v23 =	vld [tilespmem:s6+$0xFFFFFF10];
	v62 =	vmul.f32 v53, v37;
	[tilespmem:s6+$0xFFFFFE60] =	vst v58  }
0x26b: {  	v25 =	vld [tilespmem:s6+$0xFFFFFF20];
	v5 =	vmul.f32 v55, v37;
	[tilespmem:s6+$0xFFFFFE70] =	vst v60  }
0x26c: {  	v27 =	vld [tilespmem:s6+$0xFFFFFF30];
	v18 =	vmul.f32 v57, v37;
	[tilespmem:s6+$0xFFFFFE80] =	vst v62  }
0x26d: {  	v13 =	vbroadcast v13, $0x0;
	v31 =	vld [tilespmem:s6+$0xFFFFFF50];
	v20 =	vmul.f32 v59, v37;
	[tilespmem:s6+$0xFFFFFE90] =	vst v5  }
0x26e: {  	v35 =	vmov s7;
	v33 =	vld [tilespmem:s6+$0xFFFFFF60];
	v22 =	vmul.f32 v61, v37;
	[tilespmem:s6+$0xFFFFFEA0] =	vst v18  }
0x26f: {  	v16 =	vand.u32 $0xFFFFFFFE, v35;
	v35 =	vld [tilespmem:s6+$0xFFFFFF70];
	v24 =	vmul.f32 v63, v37;
	[tilespmem:s6+$0xFFFFFEB0] =	vst v20  }
0x270: {  	v39 =	vld [tilespmem:s6+$0xFFFFFF90];
	v28 =	vmul.f32 v19, v37;
	[tilespmem:s6+$0xFFFFFEC0] =	vst v22  }
0x271: {  	v36 =	vbroadcast v16, $0x0;
	v41 =	vld [tilespmem:s6+$0xFFFFFFA0];
	v30 =	vmul.f32 v21, v9;
	[tilespmem:s6+$0xFFFFFED0] =	vst v24  }
0x272: {  	v4 =	vld.idx.msk [tilespmem:v34+s28+$0x0], $0xffff;
	v32 =	vmul.f32 v23, v9;
	[tilespmem:s6+$0xFFFFFEF0] =	vst v28  }
0x273: {  	v3 =	vld.idx.msk [tilespmem:v13+s28+$0x0], $0xffff;
	v34 =	vmul.f32 v25, v9;
	[tilespmem:s6+$0xFFFFFF00] =	vst v30  }
0x274: {  	v17 =	vld [tilespmem:s6+$0xFFFFFEE0];
	v40 =	vmul.f32 v31, v9;
	[tilespmem:s6+$0xFFFFFF10] =	vst v32  }
0x275: {  	v42 =	vmul.f32 v33, v9;
	v43 =	vld [tilespmem:s6+$0xFFFFFFB0];
	[tilespmem:s6+$0xFFFFFF20] =	vst v34  }
0x276: {  	v44 =	vmul.f32 v35, v9;
	v47 =	vld [tilespmem:s6+$0xFFFFFFD0];
	[tilespmem:s6+$0xFFFFFF50] =	vst v40  }
0x277: {  	v2 =	vld.idx.msk [tilespmem:v36+s28+$0x0], $0xffff;
	v36 =	vmul.f32 v27, v9;
	[tilespmem:s6+$0xFFFFFF60] =	vst v42  }
0x278: {  	v49 =	vld [tilespmem:s6+$0xFFFFFFE0];
	[tilespmem:s6+$0xFFFFFF70] =	vst v44;
	v48 =	vmul.f32 v39, v11  }
0x279: {  	v53 =	vld [tilespmem:s6+$0x0];
	[tilespmem:s6+$0xFFFFFF30] =	vst v36;
	v50 =	vmul.f32 v41, v11  }
0x27a: {  	v57 =	vld [tilespmem:s6+$0x20];
	v26 =	vmul.f32 v17, v37;
	[tilespmem:s6+$0xFFFFFF90] =	vst v48  }
0x27b: {  	v59 =	vld [tilespmem:s6+$0x30];
	v52 =	vmul.f32 v43, v11;
	[tilespmem:s6+$0xFFFFFFA0] =	vst v50  }
0x27c: {  	v61 =	vld [tilespmem:s6+$0x40];
	v56 =	vmul.f32 v47, v11;
	[tilespmem:s6+$0xFFFFFEE0] =	vst v26  }
0x27d: {  	v63 =	vld [tilespmem:s6+$0x50];
	v58 =	vmul.f32 v49, v11;
	[tilespmem:s6+$0xFFFFFFB0] =	vst v52  }
0x27e: {  	v13 =	vld [tilespmem:s6+$0x60];
	v62 =	vmul.f32 v53, v4;
	[tilespmem:s6+$0xFFFFFFD0] =	vst v56  }
0x27f: {  	v19 =	vld [tilespmem:s6+$0x90];
	v14 =	vmul.f32 v57, v4;
	[tilespmem:s6+$0xFFFFFFE0] =	vst v58  }
0x280: {  	v23 =	vld [tilespmem:s6+$0xB0];
	v16 =	vmul.f32 v59, v4;
	[tilespmem:s6+$0x0] =	vst v62  }
0x281: {  	v45 =	vld [tilespmem:s6+$0xFFFFFFC0];
	v18 =	vmul.f32 v61, v4;
	[tilespmem:s6+$0x20] =	vst v14  }
0x282: {  	v38 =	vld [tilespmem:s6+$0x170];
	v20 =	vmul.f32 v63, v4;
	[tilespmem:s6+$0x30] =	vst v16  }
0x283: {  	v29 =	vld [tilespmem:s6+$0xFFFFFF40];
	v22 =	vmul.f32 v13, v4;
	[tilespmem:s6+$0x40] =	vst v18  }
0x284: {  	v51 =	vld [tilespmem:s6+$0xFFFFFFF0];
	v27 =	vmul.f32 v19, v3;
	[tilespmem:s6+$0x50] =	vst v20  }
0x285: {  	v21 =	vld [tilespmem:s6+$0xA0];
	v31 =	vmul.f32 v23, v3;
	[tilespmem:s6+$0x60] =	vst v22  }
0x286: {  	v24 =	vld [tilespmem:s6+$0xC0];
	v54 =	vmul.f32 v45, v11;
	[tilespmem:s6+$0x90] =	vst v27  }
0x287: {  	v32 =	vld [tilespmem:s6+$0x100];
	v12 =	vmul.f32 v38, v2;
	[tilespmem:s6+$0xB0] =	vst v31  }
0x288: {  	v34 =	vld [tilespmem:s6+$0x110];
	v38 =	vmul.f32 v29, v9;
	[tilespmem:s6+$0xFFFFFFC0] =	vst v54  }
0x289: {  	v39 =	vld [tilespmem:s6+$0x140];
	v60 =	vmul.f32 v51, v11;
	[tilespmem:s6+$0x170] =	vst v12  }
0x28a: {  	v55 =	vld [tilespmem:s6+$0x10];
	v29 =	vmul.f32 v21, v3;
	[tilespmem:s6+$0xFFFFFF40] =	vst v38  }
0x28b: {  	v15 =	vld [tilespmem:s6+$0x70];
	v33 =	vmul.f32 v24, v3;
	[tilespmem:s6+$0xFFFFFFF0] =	vst v60  }
0x28c: {  	v36 =	vld [tilespmem:s6+$0x120];
	v40 =	vmul.f32 v32, v2;
	[tilespmem:s6+$0xA0] =	vst v29  }
0x28d: {  	v41 =	vld [tilespmem:s6+$0x150];
	v42 =	vmul.f32 v34, v2;
	[tilespmem:s6+$0xC0] =	vst v33  }
0x28e: {  	v37 =	vld [tilespmem:s6+$0xFFFFFF80];
	v48 =	vmul.f32 v39, v2;
	[tilespmem:s6+$0x100] =	vst v40  }
0x28f: {  	v17 =	vld [tilespmem:s6+$0x80];
	v12 =	vmul.f32 v55, v4;
	[tilespmem:s6+$0x110] =	vst v42  }
0x290: {  	v28 =	vld [tilespmem:s6+$0xE0];
	v4 =	vmul.f32 v15, v4;
	[tilespmem:s6+$0x140] =	vst v48  }
0x291: {  	v43 =	vld [tilespmem:s6+$0x160];
	v44 =	vmul.f32 v36, v2;
	[tilespmem:s6+$0x10] =	vst v12  }
0x292: {  	v47 =	vld [tilespmem:s6+$0x190];
	v50 =	vmul.f32 v41, v2;
	[tilespmem:s6+$0x70] =	vst v4  }
0x293: {  	v49 =	vld [tilespmem:s6+$0x1A0];
	v46 =	vmul.f32 v37, v11;
	[tilespmem:s6+$0x120] =	vst v44  }
0x294: {  	v57 =	vld [tilespmem:s6+$0x1E0];
	v25 =	vmul.f32 v17, v3;
	[tilespmem:s6+$0x150] =	vst v50  }
0x295: {  	v59 =	vld [tilespmem:s6+$0x1F0];
	v37 =	vmul.f32 v28, v3;
	[tilespmem:s6+$0xFFFFFF80] =	vst v46  }
0x296: {  	v45 =	vld [tilespmem:s6+$0x180];
	v52 =	vmul.f32 v43, v2;
	[tilespmem:s6+$0x80] =	vst v25  }
0x297: {  	v26 =	vld [tilespmem:s6+$0xD0];
	v56 =	vmul.f32 v47, v1;
	[tilespmem:s6+$0xE0] =	vst v37  }
0x298: {  	v30 =	vld [tilespmem:s6+$0xF0];
	v58 =	vmul.f32 v49, v1;
	[tilespmem:s6+$0x160] =	vst v52  }
0x299: {  	v51 =	vld [tilespmem:s6+$0x1B0];
	v62 =	vmul.f32 v57, v1;
	[tilespmem:s6+$0x190] =	vst v56  }
0x29a: {  	v38 =	vld [tilespmem:s6+$0x130];
	v63 =	vmul.f32 v59, v1;
	[tilespmem:s6+$0x1A0] =	vst v58  }
0x29b: {  	v53 =	vld [tilespmem:s6+$0x1C0];
	v54 =	vmul.f32 v45, v1;
	[tilespmem:s6+$0x1E0] =	vst v62  }
0x29c: {  	v55 =	vld [tilespmem:s6+$0x1D0];
	v35 =	vmul.f32 v26, v3;
	[tilespmem:s6+$0x1F0] =	vst v63  }
0x29d: {  	v3 =	vmul.f32 v30, v3;
	[tilespmem:s6+$0x180] =	vst v54  }
0x29e: {  	v60 =	vmul.f32 v51, v1;
	[tilespmem:s6+$0xD0] =	vst v35  }
0x29f: {  	[tilespmem:s6+$0xF0] =	vst v3;
	v46 =	vmul.f32 v38, v2  }
0x2a0: {  	v2 =	vmul.f32 v53, v1;
	[tilespmem:s6+$0x1B0] =	vst v60  }
0x2a1: {  	v61 =	vmul.f32 v55, v1;
	[tilespmem:s6+$0x130] =	vst v46  }
0x2a2: {  	[tilespmem:s6+$0x1C0] =	vst v2  }
0x2a3: {  	[tilespmem:s6+$0x1D0] =	vst v61  }
0x2a4: {  	p0 =	seq.s32 s2, $0x4F;
	_ =	swait.ge [sflag:s29], $0x2000  }
.Ltmp4:
0x2a5: {  	[sflag:s29] =	ssyncset.done $0x0;
	(pc) =	sbr.rel @p0 .LBB2_8-.Ltmp4, $4  }
0x2a6: {  	[sflag:s29] =	ssyncadd.s32 $0xFFFFE000  }
0x2a7: {  	_ =	swait.ge [sflag:s29], $0x40  }
0x2a8: {  	[sflag:s29] =	ssyncset.done $0x0  }
0x2a9: {  	[sflag:s29] =	ssyncadd.s32 $0xFFFFFFC0  }
0x2aa: {  	v0 =	vld [tilespmem:s0+$0x2800];
	_ =	sdelay $0x4  }
0x2ab: {  	v1 =	vshra.s32 v0, $0x10  }
0x2ac: {  	v0 =	vand.u32 $0xFFFF, v0;
	[tilespmem:$0x4F80] =	vst v1  }
0x2ad: {  	[tilespmem:$0x5000] =	vst v0  }
0x2ae: {  	v0 =	vld [tilespmem:s0+$0x2810];
	_ =	sdelay $0x4  }
0x2af: {  	v61 =	vshra.s32 v0, $0x10  }
0x2b0: {  	v0 =	vand.u32 $0xFFFF, v0;
	[tilespmem:$0x4F90] =	vst v61  }
0x2b1: {  	[tilespmem:$0x5010] =	vst v0  }
0x2b2: {  	v0 =	vld [tilespmem:s0+$0x2820];
	_ =	sdelay $0x4  }
0x2b3: {  	v62 =	vshra.s32 v0, $0x10  }
0x2b4: {  	v0 =	vand.u32 $0xFFFF, v0;
	[tilespmem:$0x4FA0] =	vst v62  }
0x2b5: {  	[tilespmem:$0x5020] =	vst v0  }
0x2b6: {  	v0 =	vld [tilespmem:s0+$0x2830];
	_ =	sdelay $0x4  }
0x2b7: {  	v63 =	vshra.s32 v0, $0x10  }
0x2b8: {  	v0 =	vand.u32 $0xFFFF, v0;
	[tilespmem:$0x4FB0] =	vst v63  }
0x2b9: {  	[tilespmem:$0x5030] =	vst v0  }
0x2ba: {  	[tilespmem:s20], [sflag:$0x1] =	stream.indirect.gather [hbm4b:s1+s18], $0x80, s19, s18, $0xb8;
	[tilespmem:$0x1D500] =	vst v63  }
.Ltmp5:
0x2bb: {  	_ = 	snop;
	(pc) =	sbr.rel .LBB2_2-.Ltmp5, $4  }
0x2bc: {  	_ = 	snop  }
0x2bd: {  	[spmem:s3] =	stream.indirect.scatter.add.f32 [tilespmem:s22], [sflag:$0x4], $0x80, s30, s18, $0xb8;
	[tilespmem:$0x1D500] =	vst v63  }
0x2be: {  	s2 =	sadd.s32 $0x1, s2  }
0x2bf: {  	[spmem:s4] =	stream.indirect.scatter.add.f32 [tilespmem:s28], [sflag:$0x4], $0x1, s30, s18, $0xb8;
	[tilespmem:$0x1D500] =	vst v63  }
.LBB2_9:
0x2c0: {  	_ =	sfence.sel $0x180000  }
0x2c1: {  	[bflag:$0x0] =	sbarrier.arrive $0xFFFF  }
0x2c2: {  	_ =	strace $0x90000047  }
0x2c3: {  	s0 =	stileid.u32;
	[bflag:$0x2] =	sbarrier.arrive $0xFFFF  }
0x2c4: {  	p0 =	sne.s32 s0, $0x0;
	s0 =	rddreg [dreg:$0x4]  }
0x2c5: {  	s0 =	sadd.s32 @!p0 $0x100000, s0  }
0x2c6: {  	[sflag:s0] =	ssyncadd.tile.s32 @!p0 $0x1;
	_ =	shalt  }
.Lfunc_end2:
_tile_overlayer_lowered:
.L_overlay_start_2:
0x2c7: {  	(tag) =	ssettag $0x2  }
0x2c8: {  	s0 =	rddreg [dreg:$0x0];
	s2 =	stileid.u32  }
0x2c9: {  	s1 =	rddreg [dreg:$0x1];
	p0 =	sne.s32 s2, $0x0  }
0x2ca: {  	s3 =	rddreg [dreg:$0x2];
	[bflag:$0x3] =	sbarrier.arrive $0xFFFF;
	s2 =	simm.s32 @!p0 $0x1C05  }
0x2cb: {  	[timem:s3], [sflag:s2] =	dma.local @!p0 [hbm:s0], s1  }
0x2cc: {  	s0 =	simm.s32 @!p0 $0x5  }
0x2cd: {  	_ =	swait.ge @!p0 [sflag:s0], s1  }
0x2ce: {  	s1 =	ssub.s32 @!p0 $0x0, s1;
	[sflag:s0] =	ssyncset.done @!p0 $0x0  }
0x2cf: {  	[sflag:s0] =	ssyncadd.s32 @!p0 s1  }
0x2d0: {  	[bflag:$0x3] =	sbarrier.arrive $0xFFFF  }
0x2d1: {  	_ =	shalt  }

</sc_bundles>
